<compile_context>
chip_gen: v7x
topology: tpu7x:2x2x1
jax: 0.10.2.dev20260603
libtpu: 0.0.44.dev20260713+nightly
codegen_flags: <defaults>
</compile_context>

<pallas_src>
import functools

import jax
import jax.numpy as jnp
from jax import lax
from jax.experimental import pallas as pl
from jax.experimental.pallas import tpu as pltpu
from jax.experimental.pallas import tpu_sc as plsc

_T = 4096
_D = 768
_K = 512
_C = 20
_CD = _C + 1
_BLK = 512
_NBLK = _T // _BLK
_KS = 9
_PAD = _KS // 2
_MOM = 0.95
_CONF_TH = 0.7

_NC = 2
_NS = 16
_NW = _NC * _NS
_RW = _T // _NW


def _stage1_body(feat_ref, w_ref, avg_ref, proj_ref, preds_ref):
    x = feat_ref[...]
    f = x / jnp.maximum(jnp.sqrt(jnp.sum(x * x, axis=1, keepdims=True)), 1e-12)
    p = lax.dot_general(f, w_ref[...], (((1,), (1,)), ((), ())),
                        preferred_element_type=jnp.float32)
    pn = p / jnp.maximum(jnp.sqrt(jnp.sum(p * p, axis=1, keepdims=True)), 1e-12)
    proj_ref[...] = pn

    sims = lax.dot_general(pn, avg_ref[...], (((1,), (1,)), ((), ())),
                           preferred_element_type=jnp.float32)
    m = jnp.max(sims, axis=1, keepdims=True)
    e = jnp.exp((sims - m) / 0.1)
    s = jnp.sum(e, axis=1, keepdims=True)
    conf = e / s
    max_conf = jnp.max(conf, axis=1)
    preds = jnp.argmax(conf, axis=1).astype(jnp.int32)
    mask = max_conf > _CONF_TH
    preds_ref[...] = jnp.where(mask, preds, _C).reshape(1, 1, _BLK)


def _cov_body(feat_ref, cov_ref):
    i = pl.program_id(0)
    x = feat_ref[...]
    f = x / jnp.maximum(jnp.sqrt(jnp.sum(x * x, axis=1, keepdims=True)), 1e-12)

    @pl.when(i == 0)
    def _init():
        cov_ref[...] = jnp.zeros_like(cov_ref)

    cov_ref[...] += lax.dot_general(f[:, :_K], f, (((0,), (0,)), ((), ())),
                                    preferred_element_type=jnp.float32)


@functools.partial(
    pl.kernel,
    mesh=plsc.VectorSubcoreMesh(core_axis_name="c", subcore_axis_name="s"),
    out_type=jax.ShapeDtypeStruct((_NW, _CD * _K), jnp.float32),
    scratch_types=[
        pltpu.VMEM((_RW, _K), jnp.float32),
        pltpu.VMEM((_RW,), jnp.int32),
        pltpu.VMEM((_CD * _K,), jnp.float32),
    ],
    compiler_params=pltpu.CompilerParams(needs_layout_passes=False),
)
def _sc_segsum(proj_hbm, preds_hbm, zsum_hbm, sums_hbm, rows_v, idx_v, acc_v):
    cid = lax.axis_index("c")
    sid = lax.axis_index("s")
    wid = cid * _NS + sid
    base = wid * _RW

    pltpu.sync_copy(preds_hbm.at[pl.ds(base, _RW)], idx_v)
    pltpu.sync_copy(proj_hbm.at[pl.ds(base, _RW)], rows_v)
    pltpu.sync_copy(zsum_hbm, acc_v)

    lanes = lax.iota(jnp.int32, 16)
    coffs = [lanes + (j * 16) for j in range(_K // 16)]
    _UNR = 16

    def body(step, carry):
        r0 = step * _UNR
        for u in range(_UNR):
            r = r0 + u
            pv = plsc.load_gather(idx_v, [jnp.full((16,), r, jnp.int32)])
            pbase = pv * _K
            for j in range(_K // 16):
                vals = rows_v[r, pl.ds(j * 16, 16)]
                plsc.addupdate_scatter(acc_v, [pbase + coffs[j]], vals)
        return carry

    lax.fori_loop(0, _RW // _UNR, body, 0)

    pltpu.sync_copy(acc_v, sums_hbm.at[wid])


def _stage2_body(proj_ref, sums_ref, preds_ref, avg_ref, w_ref, cov_ref,
                 sm_ref, ids_ref, newproj_ref, pad_ref):
    sums = sums_ref[0, :_C, :]
    for w in range(1, _NW):
        sums = sums + sums_ref[w, :_C, :]
    cls = lax.broadcasted_iota(jnp.int32, (_C, 1), 0)
    counts_col = jnp.sum((preds_ref[...] == cls).astype(jnp.float32),
                         axis=1, keepdims=True)
    avg = avg_ref[...]

    means = sums / jnp.maximum(counts_col, 1.0)
    upd = _MOM * avg + (1.0 - _MOM) * means
    updn = upd / jnp.maximum(jnp.sqrt(jnp.sum(upd * upd, axis=1, keepdims=True)), 1e-12)
    new_avg = jnp.where(counts_col > 0.0, updn, avg)

    simil = lax.dot_general(proj_ref[...], new_avg, (((1,), (1,)), ((), ())),
                            preferred_element_type=jnp.float32)
    class_sims = jnp.max(simil, axis=1)
    ids_ref[...] = jnp.argmax(simil, axis=1).astype(jnp.int32).reshape(1, _T)

    pad_ref[0, pl.ds(_PAD, _T)] = class_sims
    for k in range(_PAD):
        pad_ref[0, k:k + 1] = pad_ref[0, 2 * _PAD - k:2 * _PAD - k + 1]
        pad_ref[0, _PAD + _T + k:_PAD + _T + k + 1] = \
            pad_ref[0, _PAD + _T - 2 - k:_PAD + _T - 1 - k]
    acc = pad_ref[0, pl.ds(0, _T)]
    for j in range(1, _KS):
        acc = acc + pad_ref[0, pl.ds(j, _T)]
    sm_ref[...] = (acc * (1.0 / _KS)).reshape(1, _T)

    any_mask = jnp.sum(counts_col) > 0.0
    newproj_ref[...] = jnp.where(any_mask,
                                 _MOM * w_ref[...] + (1.0 - _MOM) * cov_ref[...],
                                 w_ref[...])


@jax.jit
def kernel(features, proj_w, avg_features):
    proj, preds3d = pl.pallas_call(
        _stage1_body,
        grid=(_NBLK,),
        in_specs=[
            pl.BlockSpec((_BLK, _D), lambda i: (i, 0)),
            pl.BlockSpec((_K, _D), lambda i: (0, 0)),
            pl.BlockSpec((_C, _K), lambda i: (0, 0)),
        ],
        out_specs=[
            pl.BlockSpec((_BLK, _K), lambda i: (i, 0)),
            pl.BlockSpec((1, 1, _BLK), lambda i: (i, 0, 0)),
        ],
        out_shape=[
            jax.ShapeDtypeStruct((_T, _K), jnp.float32),
            jax.ShapeDtypeStruct((_NBLK, 1, _BLK), jnp.int32),
        ],
    )(features, proj_w, avg_features)

    preds = preds3d.reshape(_T)
    zsum = jnp.zeros((_CD * _K,), jnp.float32)
    sums = _sc_segsum(proj, preds, zsum).reshape(_NW, _CD, _K)

    cov = pl.pallas_call(
        _cov_body,
        grid=(_NBLK,),
        in_specs=[pl.BlockSpec((_BLK, _D), lambda i: (i, 0))],
        out_specs=pl.BlockSpec((_K, _D), lambda i: (0, 0)),
        out_shape=jax.ShapeDtypeStruct((_K, _D), jnp.float32),
    )(features)

    smoothed, class_ids, new_proj = pl.pallas_call(
        _stage2_body,
        out_shape=[
            jax.ShapeDtypeStruct((1, _T), jnp.float32),
            jax.ShapeDtypeStruct((1, _T), jnp.int32),
            jax.ShapeDtypeStruct((_K, _D), jnp.float32),
        ],
        scratch_shapes=[pltpu.VMEM((1, _T + 2 * _PAD), jnp.float32)],
    )(proj, sums, preds.reshape(1, _T), avg_features, proj_w, cov)

    return smoothed.reshape(_T), class_ids.reshape(_T), new_proj

# --- scband reference (transcript-rebuilt; emitter-appended) ---
"""Pipeline reference for scband-t3-al0-net-85091892068429 (READ-ONLY COPY).

The authoritative reference and input builder live on the scoring server;
editing this copy changes nothing except your own understanding.
"""

import jax, jax.numpy as jnp
import numpy as np


def _normalize(x, axis=-1, eps=1e-12):
    n = jnp.linalg.norm(x, axis=axis, keepdims=True)
    return x / jnp.maximum(n, eps)


def setup_inputs(seed: int = 0) -> dict:
    key = jax.random.key(seed)
    k1, k2 = jax.random.split(key)
    features = jax.random.normal(k1, (4096, 768), dtype=jnp.float32)
    # proj: nn.Linear(768, 512, bias=False) initialized with nn.init.eye_
    proj_w = jnp.eye(512, 768, dtype=jnp.float32)
    # precomputed per-class prototype features (num_classes=20, dim=512)
    avg_features = _normalize(jax.random.normal(k2, (20, 512), dtype=jnp.float32))
    return {"features": features, "proj_w": proj_w, "avg_features": avg_features}


def reference(features, proj_w, avg_features):
    kernel_size = 9
    momentum = 0.95
    conf_th = 0.7
    C = avg_features.shape[0]

    # adapt_features: normalize -> project -> normalize
    f = _normalize(features)
    projected = _normalize(f @ proj_w.T)

    sims = projected @ avg_features.T
    conf = jax.nn.softmax(sims / 0.1, axis=-1)
    max_conf = jnp.max(conf, axis=-1)
    preds = jnp.argmax(conf, axis=-1)
    mask = max_conf > conf_th
    maskf = mask.astype(projected.dtype)

    # per-class confident-feature means (TTA prototype update)
    sums = jax.ops.segment_sum(projected * maskf[:, None], preds, num_segments=C)
    counts = jax.ops.segment_sum(maskf, preds, num_segments=C)
    means = sums / jnp.maximum(counts, 1.0)[:, None]
    has = (counts > 0)[:, None]
    updated = _normalize(momentum * avg_features + (1.0 - momentum) * means)
    new_avg = jnp.where(has, updated, avg_features)

    # projection TTA update (computed in torch code; restored at end of forward,
    # does not affect this forward's similarities, but the cov compute happens)
    any_mask = jnp.any(mask)
    cov = f.T @ f
    new_proj = jnp.where(any_mask, momentum * proj_w + (1.0 - momentum) * cov[:512], proj_w)

    # class similarities with adapted prototypes
    similarities = projected @ new_avg.T
    class_sims = jnp.max(similarities, axis=-1)
    class_ids = jnp.argmax(similarities, axis=-1)

    # moving_average (thumos branch): reflect pad + uniform conv1d
    pad = kernel_size // 2
    padded = jnp.pad(class_sims, (pad, pad), mode='reflect')
    kernel = jnp.ones((kernel_size,), dtype=class_sims.dtype) / kernel_size
    smoothed = jnp.convolve(padded, kernel, mode='valid')

    return smoothed, class_ids, new_proj

if __name__ == "__main__":
    import jax
    _d = setup_inputs()
    print(jax.jit(kernel)(*tuple(_d.values())))

</pallas_src>

<mosaic_0001>
#map = affine_map<(d0, d1) -> (0, 0)>
#map1 = affine_map<(d0, d1) -> (0)>
module attributes {stable_mosaic.version = 14 : i64} {
  func.func @_sc_segsum(%arg0: i32, %arg1: i32, %arg2: memref<4096x512xf32, #tpu.memory_space<hbm>>, %arg3: memref<4096xi32, #tpu.memory_space<hbm>>, %arg4: memref<10752xf32, #tpu.memory_space<hbm>>, %arg5: memref<32x10752xf32, #tpu.memory_space<hbm>>, %arg6: memref<128x512xf32, #tpu.memory_space<vmem>>, %arg7: memref<128xi32, #tpu.memory_space<vmem>>, %arg8: memref<10752xf32, #tpu.memory_space<vmem>>) attributes {dimension_semantics = [#tpu.dimension_semantics<core_parallel>, #tpu.dimension_semantics<subcore_parallel>], iteration_bounds = array<i64: 2, 16>, scalar_prefetch = 0 : i64, scratch_operands = 3 : i64, tpu.core_type = #tpu.core_type<sc_vector_subcore>, window_params = [{transform_indices = #map}, {transform_indices = #map1}, {transform_indices = #map1}, {transform_indices = #map}]} {
    %mul3A = arith.constant 16 : i32
    %mul3A_0 = arith.muli %arg0, %mul3A : i32
    %add3A = arith.addi %mul3A_0, %arg1 : i32
    %mul3A_1 = arith.constant 128 : i32
    %mul3A_2 = arith.muli %add3A, %mul3A_1 : i32
    "tpu.region"() ({
      %run_scoped3A = tpu.sem_alloc : memref<!tpu.dma_semaphore, #tpu.memory_space<semaphore_mem>>
      %dma_start3A = tpu.memref_slice %arg3[%mul3A_2] : memref<4096xi32, #tpu.memory_space<hbm>> -> memref<128xi32, #tpu.memory_space<hbm>>
      %dma_start3A_104 = tpu.memref_slice %arg3[%mul3A_2] : memref<4096xi32, #tpu.memory_space<hbm>> -> memref<128xi32, #tpu.memory_space<hbm>>
      tpu.enqueue_dma source(%dma_start3A_104 : memref<128xi32, #tpu.memory_space<hbm>>) target(%arg7 : memref<128xi32, #tpu.memory_space<vmem>>) target_semaphore(%run_scoped3A : memref<!tpu.dma_semaphore, #tpu.memory_space<semaphore_mem>>)
      %dma_wait3A = tpu.memref_slice %arg3[%mul3A_2] : memref<4096xi32, #tpu.memory_space<hbm>> -> memref<128xi32, #tpu.memory_space<hbm>>
      %dma_wait3A_105 = tpu.memref_slice %arg3[%mul3A_2] : memref<4096xi32, #tpu.memory_space<hbm>> -> memref<128xi32, #tpu.memory_space<hbm>>
      tpu.wait_dma2 semaphore(%run_scoped3A : memref<!tpu.dma_semaphore, #tpu.memory_space<semaphore_mem>>) src(%dma_wait3A_105 : memref<128xi32, #tpu.memory_space<hbm>>) dst(%arg7 : memref<128xi32, #tpu.memory_space<vmem>>)
      tpu.yield
    }) : () -> ()
    "tpu.region"() ({
      %run_scoped3A = tpu.sem_alloc : memref<!tpu.dma_semaphore, #tpu.memory_space<semaphore_mem>>
      %dma_start3A = arith.constant 0 : i32
      %dma_start3A_104 = tpu.memref_slice %arg2[%mul3A_2, %dma_start3A] : memref<4096x512xf32, #tpu.memory_space<hbm>> -> memref<128x512xf32, #tpu.memory_space<hbm>>
      %dma_start3A_105 = arith.constant 0 : i32
      %dma_start3A_106 = tpu.memref_slice %arg2[%mul3A_2, %dma_start3A_105] : memref<4096x512xf32, #tpu.memory_space<hbm>> -> memref<128x512xf32, #tpu.memory_space<hbm>>
      tpu.enqueue_dma source(%dma_start3A_106 : memref<128x512xf32, #tpu.memory_space<hbm>>) target(%arg6 : memref<128x512xf32, #tpu.memory_space<vmem>>) target_semaphore(%run_scoped3A : memref<!tpu.dma_semaphore, #tpu.memory_space<semaphore_mem>>)
      %dma_wait3A = arith.constant 0 : i32
      %dma_wait3A_107 = tpu.memref_slice %arg2[%mul3A_2, %dma_wait3A] : memref<4096x512xf32, #tpu.memory_space<hbm>> -> memref<128x512xf32, #tpu.memory_space<hbm>>
      %dma_wait3A_108 = arith.constant 0 : i32
      %dma_wait3A_109 = tpu.memref_slice %arg2[%mul3A_2, %dma_wait3A_108] : memref<4096x512xf32, #tpu.memory_space<hbm>> -> memref<128x512xf32, #tpu.memory_space<hbm>>
      tpu.wait_dma2 semaphore(%run_scoped3A : memref<!tpu.dma_semaphore, #tpu.memory_space<semaphore_mem>>) src(%dma_wait3A_109 : memref<128x512xf32, #tpu.memory_space<hbm>>) dst(%arg6 : memref<128x512xf32, #tpu.memory_space<vmem>>)
      tpu.yield
    }) : () -> ()
    "tpu.region"() ({
      %run_scoped3A = tpu.sem_alloc : memref<!tpu.dma_semaphore, #tpu.memory_space<semaphore_mem>>
      tpu.enqueue_dma source(%arg4 : memref<10752xf32, #tpu.memory_space<hbm>>) target(%arg8 : memref<10752xf32, #tpu.memory_space<vmem>>) target_semaphore(%run_scoped3A : memref<!tpu.dma_semaphore, #tpu.memory_space<semaphore_mem>>)
      tpu.wait_dma2 semaphore(%run_scoped3A : memref<!tpu.dma_semaphore, #tpu.memory_space<semaphore_mem>>) src(%arg4 : memref<10752xf32, #tpu.memory_space<hbm>>) dst(%arg8 : memref<10752xf32, #tpu.memory_space<vmem>>)
      tpu.yield
    }) : () -> ()
    %iota3A = tpu.iota {dimensions = array<i32: 0>} : vector<16xi32>
    %add3A_3 = arith.constant 0 : i32
    %add3A_4 = vector.broadcast %add3A_3 : i32 to vector<16xi32>
    %add3A_5 = arith.addi %iota3A, %add3A_4 : vector<16xi32>
    %add3A_6 = arith.constant 16 : i32
    %add3A_7 = vector.broadcast %add3A_6 : i32 to vector<16xi32>
    %add3A_8 = arith.addi %iota3A, %add3A_7 : vector<16xi32>
    %add3A_9 = arith.constant 32 : i32
    %add3A_10 = vector.broadcast %add3A_9 : i32 to vector<16xi32>
    %add3A_11 = arith.addi %iota3A, %add3A_10 : vector<16xi32>
    %add3A_12 = arith.constant 48 : i32
    %add3A_13 = vector.broadcast %add3A_12 : i32 to vector<16xi32>
    %add3A_14 = arith.addi %iota3A, %add3A_13 : vector<16xi32>
    %add3A_15 = arith.constant 64 : i32
    %add3A_16 = vector.broadcast %add3A_15 : i32 to vector<16xi32>
    %add3A_17 = arith.addi %iota3A, %add3A_16 : vector<16xi32>
    %add3A_18 = arith.constant 80 : i32
    %add3A_19 = vector.broadcast %add3A_18 : i32 to vector<16xi32>
    %add3A_20 = arith.addi %iota3A, %add3A_19 : vector<16xi32>
    %add3A_21 = arith.constant 96 : i32
    %add3A_22 = vector.broadcast %add3A_21 : i32 to vector<16xi32>
    %add3A_23 = arith.addi %iota3A, %add3A_22 : vector<16xi32>
    %add3A_24 = arith.constant 112 : i32
    %add3A_25 = vector.broadcast %add3A_24 : i32 to vector<16xi32>
    %add3A_26 = arith.addi %iota3A, %add3A_25 : vector<16xi32>
    %add3A_27 = arith.constant 128 : i32
    %add3A_28 = vector.broadcast %add3A_27 : i32 to vector<16xi32>
    %add3A_29 = arith.addi %iota3A, %add3A_28 : vector<16xi32>
    %add3A_30 = arith.constant 144 : i32
    %add3A_31 = vector.broadcast %add3A_30 : i32 to vector<16xi32>
    %add3A_32 = arith.addi %iota3A, %add3A_31 : vector<16xi32>
    %add3A_33 = arith.constant 160 : i32
    %add3A_34 = vector.broadcast %add3A_33 : i32 to vector<16xi32>
    %add3A_35 = arith.addi %iota3A, %add3A_34 : vector<16xi32>
    %add3A_36 = arith.constant 176 : i32
    %add3A_37 = vector.broadcast %add3A_36 : i32 to vector<16xi32>
    %add3A_38 = arith.addi %iota3A, %add3A_37 : vector<16xi32>
    %add3A_39 = arith.constant 192 : i32
    %add3A_40 = vector.broadcast %add3A_39 : i32 to vector<16xi32>
    %add3A_41 = arith.addi %iota3A, %add3A_40 : vector<16xi32>
    %add3A_42 = arith.constant 208 : i32
    %add3A_43 = vector.broadcast %add3A_42 : i32 to vector<16xi32>
    %add3A_44 = arith.addi %iota3A, %add3A_43 : vector<16xi32>
    %add3A_45 = arith.constant 224 : i32
    %add3A_46 = vector.broadcast %add3A_45 : i32 to vector<16xi32>
    %add3A_47 = arith.addi %iota3A, %add3A_46 : vector<16xi32>
    %add3A_48 = arith.constant 240 : i32
    %add3A_49 = vector.broadcast %add3A_48 : i32 to vector<16xi32>
    %add3A_50 = arith.addi %iota3A, %add3A_49 : vector<16xi32>
    %add3A_51 = arith.constant 256 : i32
    %add3A_52 = vector.broadcast %add3A_51 : i32 to vector<16xi32>
    %add3A_53 = arith.addi %iota3A, %add3A_52 : vector<16xi32>
    %add3A_54 = arith.constant 272 : i32
    %add3A_55 = vector.broadcast %add3A_54 : i32 to vector<16xi32>
    %add3A_56 = arith.addi %iota3A, %add3A_55 : vector<16xi32>
    %add3A_57 = arith.constant 288 : i32
    %add3A_58 = vector.broadcast %add3A_57 : i32 to vector<16xi32>
    %add3A_59 = arith.addi %iota3A, %add3A_58 : vector<16xi32>
    %add3A_60 = arith.constant 304 : i32
    %add3A_61 = vector.broadcast %add3A_60 : i32 to vector<16xi32>
    %add3A_62 = arith.addi %iota3A, %add3A_61 : vector<16xi32>
    %add3A_63 = arith.constant 320 : i32
    %add3A_64 = vector.broadcast %add3A_63 : i32 to vector<16xi32>
    %add3A_65 = arith.addi %iota3A, %add3A_64 : vector<16xi32>
    %add3A_66 = arith.constant 336 : i32
    %add3A_67 = vector.broadcast %add3A_66 : i32 to vector<16xi32>
    %add3A_68 = arith.addi %iota3A, %add3A_67 : vector<16xi32>
    %add3A_69 = arith.constant 352 : i32
    %add3A_70 = vector.broadcast %add3A_69 : i32 to vector<16xi32>
    %add3A_71 = arith.addi %iota3A, %add3A_70 : vector<16xi32>
    %add3A_72 = arith.constant 368 : i32
    %add3A_73 = vector.broadcast %add3A_72 : i32 to vector<16xi32>
    %add3A_74 = arith.addi %iota3A, %add3A_73 : vector<16xi32>
    %add3A_75 = arith.constant 384 : i32
    %add3A_76 = vector.broadcast %add3A_75 : i32 to vector<16xi32>
    %add3A_77 = arith.addi %iota3A, %add3A_76 : vector<16xi32>
    %add3A_78 = arith.constant 400 : i32
    %add3A_79 = vector.broadcast %add3A_78 : i32 to vector<16xi32>
    %add3A_80 = arith.addi %iota3A, %add3A_79 : vector<16xi32>
    %add3A_81 = arith.constant 416 : i32
    %add3A_82 = vector.broadcast %add3A_81 : i32 to vector<16xi32>
    %add3A_83 = arith.addi %iota3A, %add3A_82 : vector<16xi32>
    %add3A_84 = arith.constant 432 : i32
    %add3A_85 = vector.broadcast %add3A_84 : i32 to vector<16xi32>
    %add3A_86 = arith.addi %iota3A, %add3A_85 : vector<16xi32>
    %add3A_87 = arith.constant 448 : i32
    %add3A_88 = vector.broadcast %add3A_87 : i32 to vector<16xi32>
    %add3A_89 = arith.addi %iota3A, %add3A_88 : vector<16xi32>
    %add3A_90 = arith.constant 464 : i32
    %add3A_91 = vector.broadcast %add3A_90 : i32 to vector<16xi32>
    %add3A_92 = arith.addi %iota3A, %add3A_91 : vector<16xi32>
    %add3A_93 = arith.constant 480 : i32
    %add3A_94 = vector.broadcast %add3A_93 : i32 to vector<16xi32>
    %add3A_95 = arith.addi %iota3A, %add3A_94 : vector<16xi32>
    %add3A_96 = arith.constant 496 : i32
    %add3A_97 = vector.broadcast %add3A_96 : i32 to vector<16xi32>
    %add3A_98 = arith.addi %iota3A, %add3A_97 : vector<16xi32>
    %scan3A = arith.constant 0 : i32
    %scan3A_99 = arith.constant 0 : i32
    %scan3A_100 = arith.constant 8 : i32
    %scan3A_101 = arith.addi %scan3A_99, %scan3A_100 : i32
    %scan3A_102 = arith.constant 1 : i32
    scf.for %scan3A_104 = %scan3A_99 to %scan3A_101 step %scan3A_102  : i32 {
      %mul3A_105 = arith.constant 16 : i32
      %mul3A_106 = arith.muli %scan3A_104, %mul3A_105 : i32
      %add3A_107 = arith.constant 0 : i32
      %add3A_108 = arith.addi %mul3A_106, %add3A_107 : i32
      %broadcast_in_dim3A = vector.broadcast %add3A_108 : i32 to vector<16xi32>
      %gather3A = tpu.vector_load_idx %arg7[%broadcast_in_dim3A] : memref<128xi32, #tpu.memory_space<vmem>>[vector<16xi32>], vector<16xi32>,
      %mul3A_109 = arith.constant 512 : i32
      %mul3A_110 = vector.broadcast %mul3A_109 : i32 to vector<16xi32>
      %mul3A_111 = arith.muli %gather3A, %mul3A_110 : vector<16xi32>
      %get3A = arith.index_cast %add3A_108 : i32 to index
      %get3A_112 = arith.constant 0 : index
      %get3A_113 = tpu.vector_load %arg6[%get3A, %get3A_112] {strides = array<i32>} : memref<128x512xf32, #tpu.memory_space<vmem>>, vector<16xf32>,
      %add3A_114 = arith.addi %mul3A_111, %add3A_5 : vector<16xi32>
      tpu.vector_store_idx %arg8[%add3A_114], %get3A_113 {add = true} : memref<10752xf32, #tpu.memory_space<vmem>>[vector<16xi32>], vector<16xf32>,
      %get3A_115 = arith.index_cast %add3A_108 : i32 to index
      %get3A_116 = arith.constant 16 : index
      %get3A_117 = tpu.vector_load %arg6[%get3A_115, %get3A_116] {strides = array<i32>} : memref<128x512xf32, #tpu.memory_space<vmem>>, vector<16xf32>,
      %add3A_118 = arith.addi %mul3A_111, %add3A_8 : vector<16xi32>
      tpu.vector_store_idx %arg8[%add3A_118], %get3A_117 {add = true} : memref<10752xf32, #tpu.memory_space<vmem>>[vector<16xi32>], vector<16xf32>,
      %get3A_119 = arith.index_cast %add3A_108 : i32 to index
      %get3A_120 = arith.constant 32 : index
      %get3A_121 = tpu.vector_load %arg6[%get3A_119, %get3A_120] {strides = array<i32>} : memref<128x512xf32, #tpu.memory_space<vmem>>, vector<16xf32>,
      %add3A_122 = arith.addi %mul3A_111, %add3A_11 : vector<16xi32>
      tpu.vector_store_idx %arg8[%add3A_122], %get3A_121 {add = true} : memref<10752xf32, #tpu.memory_space<vmem>>[vector<16xi32>], vector<16xf32>,
      %get3A_123 = arith.index_cast %add3A_108 : i32 to index
      %get3A_124 = arith.constant 48 : index
      %get3A_125 = tpu.vector_load %arg6[%get3A_123, %get3A_124] {strides = array<i32>} : memref<128x512xf32, #tpu.memory_space<vmem>>, vector<16xf32>,
      %add3A_126 = arith.addi %mul3A_111, %add3A_14 : vector<16xi32>
      tpu.vector_store_idx %arg8[%add3A_126], %get3A_125 {add = true} : memref<10752xf32, #tpu.memory_space<vmem>>[vector<16xi32>], vector<16xf32>,
      %get3A_127 = arith.index_cast %add3A_108 : i32 to index
      %get3A_128 = arith.constant 64 : index
      %get3A_129 = tpu.vector_load %arg6[%get3A_127, %get3A_128] {strides = array<i32>} : memref<128x512xf32, #tpu.memory_space<vmem>>, vector<16xf32>,
      %add3A_130 = arith.addi %mul3A_111, %add3A_17 : vector<16xi32>
      tpu.vector_store_idx %arg8[%add3A_130], %get3A_129 {add = true} : memref<10752xf32, #tpu.memory_space<vmem>>[vector<16xi32>], vector<16xf32>,
      %get3A_131 = arith.index_cast %add3A_108 : i32 to index
      %get3A_132 = arith.constant 80 : index
      %get3A_133 = tpu.vector_load %arg6[%get3A_131, %get3A_132] {strides = array<i32>} : memref<128x512xf32, #tpu.memory_space<vmem>>, vector<16xf32>,
      %add3A_134 = arith.addi %mul3A_111, %add3A_20 : vector<16xi32>
      tpu.vector_store_idx %arg8[%add3A_134], %get3A_133 {add = true} : memref<10752xf32, #tpu.memory_space<vmem>>[vector<16xi32>], vector<16xf32>,
      %get3A_135 = arith.index_cast %add3A_108 : i32 to index
      %get3A_136 = arith.constant 96 : index
      %get3A_137 = tpu.vector_load %arg6[%get3A_135, %get3A_136] {strides = array<i32>} : memref<128x512xf32, #tpu.memory_space<vmem>>, vector<16xf32>,
      %add3A_138 = arith.addi %mul3A_111, %add3A_23 : vector<16xi32>
      tpu.vector_store_idx %arg8[%add3A_138], %get3A_137 {add = true} : memref<10752xf32, #tpu.memory_space<vmem>>[vector<16xi32>], vector<16xf32>,
      %get3A_139 = arith.index_cast %add3A_108 : i32 to index
      %get3A_140 = arith.constant 112 : index
      %get3A_141 = tpu.vector_load %arg6[%get3A_139, %get3A_140] {strides = array<i32>} : memref<128x512xf32, #tpu.memory_space<vmem>>, vector<16xf32>,
      %add3A_142 = arith.addi %mul3A_111, %add3A_26 : vector<16xi32>
      tpu.vector_store_idx %arg8[%add3A_142], %get3A_141 {add = true} : memref<10752xf32, #tpu.memory_space<vmem>>[vector<16xi32>], vector<16xf32>,
      %get3A_143 = arith.index_cast %add3A_108 : i32 to index
      %get3A_144 = arith.constant 128 : index
      %get3A_145 = tpu.vector_load %arg6[%get3A_143, %get3A_144] {strides = array<i32>} : memref<128x512xf32, #tpu.memory_space<vmem>>, vector<16xf32>,
      %add3A_146 = arith.addi %mul3A_111, %add3A_29 : vector<16xi32>
      tpu.vector_store_idx %arg8[%add3A_146], %get3A_145 {add = true} : memref<10752xf32, #tpu.memory_space<vmem>>[vector<16xi32>], vector<16xf32>,
      %get3A_147 = arith.index_cast %add3A_108 : i32 to index
      %get3A_148 = arith.constant 144 : index
      %get3A_149 = tpu.vector_load %arg6[%get3A_147, %get3A_148] {strides = array<i32>} : memref<128x512xf32, #tpu.memory_space<vmem>>, vector<16xf32>,
      %add3A_150 = arith.addi %mul3A_111, %add3A_32 : vector<16xi32>
      tpu.vector_store_idx %arg8[%add3A_150], %get3A_149 {add = true} : memref<10752xf32, #tpu.memory_space<vmem>>[vector<16xi32>], vector<16xf32>,
      %get3A_151 = arith.index_cast %add3A_108 : i32 to index
      %get3A_152 = arith.constant 160 : index
      %get3A_153 = tpu.vector_load %arg6[%get3A_151, %get3A_152] {strides = array<i32>} : memref<128x512xf32, #tpu.memory_space<vmem>>, vector<16xf32>,
      %add3A_154 = arith.addi %mul3A_111, %add3A_35 : vector<16xi32>
      tpu.vector_store_idx %arg8[%add3A_154], %get3A_153 {add = true} : memref<10752xf32, #tpu.memory_space<vmem>>[vector<16xi32>], vector<16xf32>,
      %get3A_155 = arith.index_cast %add3A_108 : i32 to index
      %get3A_156 = arith.constant 176 : index
      %get3A_157 = tpu.vector_load %arg6[%get3A_155, %get3A_156] {strides = array<i32>} : memref<128x512xf32, #tpu.memory_space<vmem>>, vector<16xf32>,
      %add3A_158 = arith.addi %mul3A_111, %add3A_38 : vector<16xi32>
      tpu.vector_store_idx %arg8[%add3A_158], %get3A_157 {add = true} : memref<10752xf32, #tpu.memory_space<vmem>>[vector<16xi32>], vector<16xf32>,
      %get3A_159 = arith.index_cast %add3A_108 : i32 to index
      %get3A_160 = arith.constant 192 : index
      %get3A_161 = tpu.vector_load %arg6[%get3A_159, %get3A_160] {strides = array<i32>} : memref<128x512xf32, #tpu.memory_space<vmem>>, vector<16xf32>,
      %add3A_162 = arith.addi %mul3A_111, %add3A_41 : vector<16xi32>
      tpu.vector_store_idx %arg8[%add3A_162], %get3A_161 {add = true} : memref<10752xf32, #tpu.memory_space<vmem>>[vector<16xi32>], vector<16xf32>,
      %get3A_163 = arith.index_cast %add3A_108 : i32 to index
      %get3A_164 = arith.constant 208 : index
      %get3A_165 = tpu.vector_load %arg6[%get3A_163, %get3A_164] {strides = array<i32>} : memref<128x512xf32, #tpu.memory_space<vmem>>, vector<16xf32>,
      %add3A_166 = arith.addi %mul3A_111, %add3A_44 : vector<16xi32>
      tpu.vector_store_idx %arg8[%add3A_166], %get3A_165 {add = true} : memref<10752xf32, #tpu.memory_space<vmem>>[vector<16xi32>], vector<16xf32>,
      %get3A_167 = arith.index_cast %add3A_108 : i32 to index
      %get3A_168 = arith.constant 224 : index
      %get3A_169 = tpu.vector_load %arg6[%get3A_167, %get3A_168] {strides = array<i32>} : memref<128x512xf32, #tpu.memory_space<vmem>>, vector<16xf32>,
      %add3A_170 = arith.addi %mul3A_111, %add3A_47 : vector<16xi32>
      tpu.vector_store_idx %arg8[%add3A_170], %get3A_169 {add = true} : memref<10752xf32, #tpu.memory_space<vmem>>[vector<16xi32>], vector<16xf32>,
      %get3A_171 = arith.index_cast %add3A_108 : i32 to index
      %get3A_172 = arith.constant 240 : index
      %get3A_173 = tpu.vector_load %arg6[%get3A_171, %get3A_172] {strides = array<i32>} : memref<128x512xf32, #tpu.memory_space<vmem>>, vector<16xf32>,
      %add3A_174 = arith.addi %mul3A_111, %add3A_50 : vector<16xi32>
      tpu.vector_store_idx %arg8[%add3A_174], %get3A_173 {add = true} : memref<10752xf32, #tpu.memory_space<vmem>>[vector<16xi32>], vector<16xf32>,
      %get3A_175 = arith.index_cast %add3A_108 : i32 to index
      %get3A_176 = arith.constant 256 : index
      %get3A_177 = tpu.vector_load %arg6[%get3A_175, %get3A_176] {strides = array<i32>} : memref<128x512xf32, #tpu.memory_space<vmem>>, vector<16xf32>,
      %add3A_178 = arith.addi %mul3A_111, %add3A_53 : vector<16xi32>
      tpu.vector_store_idx %arg8[%add3A_178], %get3A_177 {add = true} : memref<10752xf32, #tpu.memory_space<vmem>>[vector<16xi32>], vector<16xf32>,
      %get3A_179 = arith.index_cast %add3A_108 : i32 to index
      %get3A_180 = arith.constant 272 : index
      %get3A_181 = tpu.vector_load %arg6[%get3A_179, %get3A_180] {strides = array<i32>} : memref<128x512xf32, #tpu.memory_space<vmem>>, vector<16xf32>,
      %add3A_182 = arith.addi %mul3A_111, %add3A_56 : vector<16xi32>
      tpu.vector_store_idx %arg8[%add3A_182], %get3A_181 {add = true} : memref<10752xf32, #tpu.memory_space<vmem>>[vector<16xi32>], vector<16xf32>,
      %get3A_183 = arith.index_cast %add3A_108 : i32 to index
      %get3A_184 = arith.constant 288 : index
      %get3A_185 = tpu.vector_load %arg6[%get3A_183, %get3A_184] {strides = array<i32>} : memref<128x512xf32, #tpu.memory_space<vmem>>, vector<16xf32>,
      %add3A_186 = arith.addi %mul3A_111, %add3A_59 : vector<16xi32>
      tpu.vector_store_idx %arg8[%add3A_186], %get3A_185 {add = true} : memref<10752xf32, #tpu.memory_space<vmem>>[vector<16xi32>], vector<16xf32>,
      %get3A_187 = arith.index_cast %add3A_108 : i32 to index
      %get3A_188 = arith.constant 304 : index
      %get3A_189 = tpu.vector_load %arg6[%get3A_187, %get3A_188] {strides = array<i32>} : memref<128x512xf32, #tpu.memory_space<vmem>>, vector<16xf32>,
      %add3A_190 = arith.addi %mul3A_111, %add3A_62 : vector<16xi32>
      tpu.vector_store_idx %arg8[%add3A_190], %get3A_189 {add = true} : memref<10752xf32, #tpu.memory_space<vmem>>[vector<16xi32>], vector<16xf32>,
      %get3A_191 = arith.index_cast %add3A_108 : i32 to index
      %get3A_192 = arith.constant 320 : index
      %get3A_193 = tpu.vector_load %arg6[%get3A_191, %get3A_192] {strides = array<i32>} : memref<128x512xf32, #tpu.memory_space<vmem>>, vector<16xf32>,
      %add3A_194 = arith.addi %mul3A_111, %add3A_65 : vector<16xi32>
      tpu.vector_store_idx %arg8[%add3A_194], %get3A_193 {add = true} : memref<10752xf32, #tpu.memory_space<vmem>>[vector<16xi32>], vector<16xf32>,
      %get3A_195 = arith.index_cast %add3A_108 : i32 to index
      %get3A_196 = arith.constant 336 : index
      %get3A_197 = tpu.vector_load %arg6[%get3A_195, %get3A_196] {strides = array<i32>} : memref<128x512xf32, #tpu.memory_space<vmem>>, vector<16xf32>,
      %add3A_198 = arith.addi %mul3A_111, %add3A_68 : vector<16xi32>
      tpu.vector_store_idx %arg8[%add3A_198], %get3A_197 {add = true} : memref<10752xf32, #tpu.memory_space<vmem>>[vector<16xi32>], vector<16xf32>,
      %get3A_199 = arith.index_cast %add3A_108 : i32 to index
      %get3A_200 = arith.constant 352 : index
      %get3A_201 = tpu.vector_load %arg6[%get3A_199, %get3A_200] {strides = array<i32>} : memref<128x512xf32, #tpu.memory_space<vmem>>, vector<16xf32>,
      %add3A_202 = arith.addi %mul3A_111, %add3A_71 : vector<16xi32>
      tpu.vector_store_idx %arg8[%add3A_202], %get3A_201 {add = true} : memref<10752xf32, #tpu.memory_space<vmem>>[vector<16xi32>], vector<16xf32>,
      %get3A_203 = arith.index_cast %add3A_108 : i32 to index
      %get3A_204 = arith.constant 368 : index
      %get3A_205 = tpu.vector_load %arg6[%get3A_203, %get3A_204] {strides = array<i32>} : memref<128x512xf32, #tpu.memory_space<vmem>>, vector<16xf32>,
      %add3A_206 = arith.addi %mul3A_111, %add3A_74 : vector<16xi32>
      tpu.vector_store_idx %arg8[%add3A_206], %get3A_205 {add = true} : memref<10752xf32, #tpu.memory_space<vmem>>[vector<16xi32>], vector<16xf32>,
      %get3A_207 = arith.index_cast %add3A_108 : i32 to index
      %get3A_208 = arith.constant 384 : index
      %get3A_209 = tpu.vector_load %arg6[%get3A_207, %get3A_208] {strides = array<i32>} : memref<128x512xf32, #tpu.memory_space<vmem>>, vector<16xf32>,
      %add3A_210 = arith.addi %mul3A_111, %add3A_77 : vector<16xi32>
      tpu.vector_store_idx %arg8[%add3A_210], %get3A_209 {add = true} : memref<10752xf32, #tpu.memory_space<vmem>>[vector<16xi32>], vector<16xf32>,
      %get3A_211 = arith.index_cast %add3A_108 : i32 to index
      %get3A_212 = arith.constant 400 : index
      %get3A_213 = tpu.vector_load %arg6[%get3A_211, %get3A_212] {strides = array<i32>} : memref<128x512xf32, #tpu.memory_space<vmem>>, vector<16xf32>,
      %add3A_214 = arith.addi %mul3A_111, %add3A_80 : vector<16xi32>
      tpu.vector_store_idx %arg8[%add3A_214], %get3A_213 {add = true} : memref<10752xf32, #tpu.memory_space<vmem>>[vector<16xi32>], vector<16xf32>,
      %get3A_215 = arith.index_cast %add3A_108 : i32 to index
      %get3A_216 = arith.constant 416 : index
      %get3A_217 = tpu.vector_load %arg6[%get3A_215, %get3A_216] {strides = array<i32>} : memref<128x512xf32, #tpu.memory_space<vmem>>, vector<16xf32>,
      %add3A_218 = arith.addi %mul3A_111, %add3A_83 : vector<16xi32>
      tpu.vector_store_idx %arg8[%add3A_218], %get3A_217 {add = true} : memref<10752xf32, #tpu.memory_space<vmem>>[vector<16xi32>], vector<16xf32>,
      %get3A_219 = arith.index_cast %add3A_108 : i32 to index
      %get3A_220 = arith.constant 432 : index
      %get3A_221 = tpu.vector_load %arg6[%get3A_219, %get3A_220] {strides = array<i32>} : memref<128x512xf32, #tpu.memory_space<vmem>>, vector<16xf32>,
      %add3A_222 = arith.addi %mul3A_111, %add3A_86 : vector<16xi32>
      tpu.vector_store_idx %arg8[%add3A_222], %get3A_221 {add = true} : memref<10752xf32, #tpu.memory_space<vmem>>[vector<16xi32>], vector<16xf32>,
      %get3A_223 = arith.index_cast %add3A_108 : i32 to index
      %get3A_224 = arith.constant 448 : index
      %get3A_225 = tpu.vector_load %arg6[%get3A_223, %get3A_224] {strides = array<i32>} : memref<128x512xf32, #tpu.memory_space<vmem>>, vector<16xf32>,
      %add3A_226 = arith.addi %mul3A_111, %add3A_89 : vector<16xi32>
      tpu.vector_store_idx %arg8[%add3A_226], %get3A_225 {add = true} : memref<10752xf32, #tpu.memory_space<vmem>>[vector<16xi32>], vector<16xf32>,
      %get3A_227 = arith.index_cast %add3A_108 : i32 to index
      %get3A_228 = arith.constant 464 : index
      %get3A_229 = tpu.vector_load %arg6[%get3A_227, %get3A_228] {strides = array<i32>} : memref<128x512xf32, #tpu.memory_space<vmem>>, vector<16xf32>,
      %add3A_230 = arith.addi %mul3A_111, %add3A_92 : vector<16xi32>
      tpu.vector_store_idx %arg8[%add3A_230], %get3A_229 {add = true} : memref<10752xf32, #tpu.memory_space<vmem>>[vector<16xi32>], vector<16xf32>,
      %get3A_231 = arith.index_cast %add3A_108 : i32 to index
      %get3A_232 = arith.constant 480 : index
      %get3A_233 = tpu.vector_load %arg6[%get3A_231, %get3A_232] {strides = array<i32>} : memref<128x512xf32, #tpu.memory_space<vmem>>, vector<16xf32>,
      %add3A_234 = arith.addi %mul3A_111, %add3A_95 : vector<16xi32>
      tpu.vector_store_idx %arg8[%add3A_234], %get3A_233 {add = true} : memref<10752xf32, #tpu.memory_space<vmem>>[vector<16xi32>], vector<16xf32>,
      %get3A_235 = arith.index_cast %add3A_108 : i32 to index
      %get3A_236 = arith.constant 496 : index
      %get3A_237 = tpu.vector_load %arg6[%get3A_235, %get3A_236] {strides = array<i32>} : memref<128x512xf32, #tpu.memory_space<vmem>>, vector<16xf32>,
      %add3A_238 = arith.addi %mul3A_111, %add3A_98 : vector<16xi32>
      tpu.vector_store_idx %arg8[%add3A_238], %get3A_237 {add = true} : memref<10752xf32, #tpu.memory_space<vmem>>[vector<16xi32>], vector<16xf32>,
      %add3A_239 = arith.constant 1 : i32
      %add3A_240 = arith.addi %mul3A_106, %add3A_239 : i32
      %broadcast_in_dim3A_241 = vector.broadcast %add3A_240 : i32 to vector<16xi32>
      %gather3A_242 = tpu.vector_load_idx %arg7[%broadcast_in_dim3A_241] : memref<128xi32, #tpu.memory_space<vmem>>[vector<16xi32>], vector<16xi32>,
      %mul3A_243 = arith.constant 512 : i32
      %mul3A_244 = vector.broadcast %mul3A_243 : i32 to vector<16xi32>
      %mul3A_245 = arith.muli %gather3A_242, %mul3A_244 : vector<16xi32>
      %get3A_246 = arith.index_cast %add3A_240 : i32 to index
      %get3A_247 = arith.constant 0 : index
      %get3A_248 = tpu.vector_load %arg6[%get3A_246, %get3A_247] {strides = array<i32>} : memref<128x512xf32, #tpu.memory_space<vmem>>, vector<16xf32>,
      %add3A_249 = arith.addi %mul3A_245, %add3A_5 : vector<16xi32>
      tpu.vector_store_idx %arg8[%add3A_249], %get3A_248 {add = true} : memref<10752xf32, #tpu.memory_space<vmem>>[vector<16xi32>], vector<16xf32>,
      %get3A_250 = arith.index_cast %add3A_240 : i32 to index
      %get3A_251 = arith.constant 16 : index
      %get3A_252 = tpu.vector_load %arg6[%get3A_250, %get3A_251] {strides = array<i32>} : memref<128x512xf32, #tpu.memory_space<vmem>>, vector<16xf32>,
      %add3A_253 = arith.addi %mul3A_245, %add3A_8 : vector<16xi32>
      tpu.vector_store_idx %arg8[%add3A_253], %get3A_252 {add = true} : memref<10752xf32, #tpu.memory_space<vmem>>[vector<16xi32>], vector<16xf32>,
      %get3A_254 = arith.index_cast %add3A_240 : i32 to index
      %get3A_255 = arith.constant 32 : index
      %get3A_256 = tpu.vector_load %arg6[%get3A_254, %get3A_255] {strides = array<i32>} : memref<128x512xf32, #tpu.memory_space<vmem>>, vector<16xf32>,
      %add3A_257 = arith.addi %mul3A_245, %add3A_11 : vector<16xi32>
      tpu.vector_store_idx %arg8[%add3A_257], %get3A_256 {add = true} : memref<10752xf32, #tpu.memory_space<vmem>>[vector<16xi32>], vector<16xf32>,
      %get3A_258 = arith.index_cast %add3A_240 : i32 to index
      %get3A_259 = arith.constant 48 : index
      %get3A_260 = tpu.vector_load %arg6[%get3A_258, %get3A_259] {strides = array<i32>} : memref<128x512xf32, #tpu.memory_space<vmem>>, vector<16xf32>,
      %add3A_261 = arith.addi %mul3A_245, %add3A_14 : vector<16xi32>
      tpu.vector_store_idx %arg8[%add3A_261], %get3A_260 {add = true} : memref<10752xf32, #tpu.memory_space<vmem>>[vector<16xi32>], vector<16xf32>,
      %get3A_262 = arith.index_cast %add3A_240 : i32 to index
      %get3A_263 = arith.constant 64 : index
      %get3A_264 = tpu.vector_load %arg6[%get3A_262, %get3A_263] {strides = array<i32>} : memref<128x512xf32, #tpu.memory_space<vmem>>, vector<16xf32>,
      %add3A_265 = arith.addi %mul3A_245, %add3A_17 : vector<16xi32>
      tpu.vector_store_idx %arg8[%add3A_265], %get3A_264 {add = true} : memref<10752xf32, #tpu.memory_space<vmem>>[vector<16xi32>], vector<16xf32>,
      %get3A_266 = arith.index_cast %add3A_240 : i32 to index
      %get3A_267 = arith.constant 80 : index
      %get3A_268 = tpu.vector_load %arg6[%get3A_266, %get3A_267] {strides = array<i32>} : memref<128x512xf32, #tpu.memory_space<vmem>>, vector<16xf32>,
      %add3A_269 = arith.addi %mul3A_245, %add3A_20 : vector<16xi32>
      tpu.vector_store_idx %arg8[%add3A_269], %get3A_268 {add = true} : memref<10752xf32, #tpu.memory_space<vmem>>[vector<16xi32>], vector<16xf32>,
      %get3A_270 = arith.index_cast %add3A_240 : i32 to index
      %get3A_271 = arith.constant 96 : index
      %get3A_272 = tpu.vector_load %arg6[%get3A_270, %get3A_271] {strides = array<i32>} : memref<128x512xf32, #tpu.memory_space<vmem>>, vector<16xf32>,
      %add3A_273 = arith.addi %mul3A_245, %add3A_23 : vector<16xi32>
      tpu.vector_store_idx %arg8[%add3A_273], %get3A_272 {add = true} : memref<10752xf32, #tpu.memory_space<vmem>>[vector<16xi32>], vector<16xf32>,
      %get3A_274 = arith.index_cast %add3A_240 : i32 to index
      %get3A_275 = arith.constant 112 : index
      %get3A_276 = tpu.vector_load %arg6[%get3A_274, %get3A_275] {strides = array<i32>} : memref<128x512xf32, #tpu.memory_space<vmem>>, vector<16xf32>,
      %add3A_277 = arith.addi %mul3A_245, %add3A_26 : vector<16xi32>
      tpu.vector_store_idx %arg8[%add3A_277], %get3A_276 {add = true} : memref<10752xf32, #tpu.memory_space<vmem>>[vector<16xi32>], vector<16xf32>,
      %get3A_278 = arith.index_cast %add3A_240 : i32 to index
      %get3A_279 = arith.constant 128 : index
      %get3A_280 = tpu.vector_load %arg6[%get3A_278, %get3A_279] {strides = array<i32>} : memref<128x512xf32, #tpu.memory_space<vmem>>, vector<16xf32>,
      %add3A_281 = arith.addi %mul3A_245, %add3A_29 : vector<16xi32>
      tpu.vector_store_idx %arg8[%add3A_281], %get3A_280 {add = true} : memref<10752xf32, #tpu.memory_space<vmem>>[vector<16xi32>], vector<16xf32>,
      %get3A_282 = arith.index_cast %add3A_240 : i32 to index
      %get3A_283 = arith.constant 144 : index
      %get3A_284 = tpu.vector_load %arg6[%get3A_282, %get3A_283] {strides = array<i32>} : memref<128x512xf32, #tpu.memory_space<vmem>>, vector<16xf32>,
      %add3A_285 = arith.addi %mul3A_245, %add3A_32 : vector<16xi32>
      tpu.vector_store_idx %arg8[%add3A_285], %get3A_284 {add = true} : memref<10752xf32, #tpu.memory_space<vmem>>[vector<16xi32>], vector<16xf32>,
      %get3A_286 = arith.index_cast %add3A_240 : i32 to index
      %get3A_287 = arith.constant 160 : index
      %get3A_288 = tpu.vector_load %arg6[%get3A_286, %get3A_287] {strides = array<i32>} : memref<128x512xf32, #tpu.memory_space<vmem>>, vector<16xf32>,
      %add3A_289 = arith.addi %mul3A_245, %add3A_35 : vector<16xi32>
      tpu.vector_store_idx %arg8[%add3A_289], %get3A_288 {add = true} : memref<10752xf32, #tpu.memory_space<vmem>>[vector<16xi32>], vector<16xf32>,
      %get3A_290 = arith.index_cast %add3A_240 : i32 to index
      %get3A_291 = arith.constant 176 : index
      %get3A_292 = tpu.vector_load %arg6[%get3A_290, %get3A_291] {strides = array<i32>} : memref<128x512xf32, #tpu.memory_space<vmem>>, vector<16xf32>,
      %add3A_293 = arith.addi %mul3A_245, %add3A_38 : vector<16xi32>
      tpu.vector_store_idx %arg8[%add3A_293], %get3A_292 {add = true} : memref<10752xf32, #tpu.memory_space<vmem>>[vector<16xi32>], vector<16xf32>,
      %get3A_294 = arith.index_cast %add3A_240 : i32 to index
      %get3A_295 = arith.constant 192 : index
      %get3A_296 = tpu.vector_load %arg6[%get3A_294, %get3A_295] {strides = array<i32>} : memref<128x512xf32, #tpu.memory_space<vmem>>, vector<16xf32>,
      %add3A_297 = arith.addi %mul3A_245, %add3A_41 : vector<16xi32>
      tpu.vector_store_idx %arg8[%add3A_297], %get3A_296 {add = true} : memref<10752xf32, #tpu.memory_space<vmem>>[vector<16xi32>], vector<16xf32>,
      %get3A_298 = arith.index_cast %add3A_240 : i32 to index
      %get3A_299 = arith.constant 208 : index
      %get3A_300 = tpu.vector_load %arg6[%get3A_298, %get3A_299] {strides = array<i32>} : memref<128x512xf32, #tpu.memory_space<vmem>>, vector<16xf32>,
      %add3A_301 = arith.addi %mul3A_245, %add3A_44 : vector<16xi32>
      tpu.vector_store_idx %arg8[%add3A_301], %get3A_300 {add = true} : memref<10752xf32, #tpu.memory_space<vmem>>[vector<16xi32>], vector<16xf32>,
      %get3A_302 = arith.index_cast %add3A_240 : i32 to index
      %get3A_303 = arith.constant 224 : index
      %get3A_304 = tpu.vector_load %arg6[%get3A_302, %get3A_303] {strides = array<i32>} : memref<128x512xf32, #tpu.memory_space<vmem>>, vector<16xf32>,
      %add3A_305 = arith.addi %mul3A_245, %add3A_47 : vector<16xi32>
      tpu.vector_store_idx %arg8[%add3A_305], %get3A_304 {add = true} : memref<10752xf32, #tpu.memory_space<vmem>>[vector<16xi32>], vector<16xf32>,
      %get3A_306 = arith.index_cast %add3A_240 : i32 to index
      %get3A_307 = arith.constant 240 : index
      %get3A_308 = tpu.vector_load %arg6[%get3A_306, %get3A_307] {strides = array<i32>} : memref<128x512xf32, #tpu.memory_space<vmem>>, vector<16xf32>,
      %add3A_309 = arith.addi %mul3A_245, %add3A_50 : vector<16xi32>
      tpu.vector_store_idx %arg8[%add3A_309], %get3A_308 {add = true} : memref<10752xf32, #tpu.memory_space<vmem>>[vector<16xi32>], vector<16xf32>,
      %get3A_310 = arith.index_cast %add3A_240 : i32 to index
      %get3A_311 = arith.constant 256 : index
      %get3A_312 = tpu.vector_load %arg6[%get3A_310, %get3A_311] {strides = array<i32>} : memref<128x512xf32, #tpu.memory_space<vmem>>, vector<16xf32>,
      %add3A_313 = arith.addi %mul3A_245, %add3A_53 : vector<16xi32>
      tpu.vector_store_idx %arg8[%add3A_313], %get3A_312 {add = true} : memref<10752xf32, #tpu.memory_space<vmem>>[vector<16xi32>], vector<16xf32>,
      %get3A_314 = arith.index_cast %add3A_240 : i32 to index
      %get3A_315 = arith.constant 272 : index
      %get3A_316 = tpu.vector_load %arg6[%get3A_314, %get3A_315] {strides = array<i32>} : memref<128x512xf32, #tpu.memory_space<vmem>>, vector<16xf32>,
      %add3A_317 = arith.addi %mul3A_245, %add3A_56 : vector<16xi32>
      tpu.vector_store_idx %arg8[%add3A_317], %get3A_316 {add = true} : memref<10752xf32, #tpu.memory_space<vmem>>[vector<16xi32>], vector<16xf32>,
      %get3A_318 = arith.index_cast %add3A_240 : i32 to index
      %get3A_319 = arith.constant 288 : index
      %get3A_320 = tpu.vector_load %arg6[%get3A_318, %get3A_319] {strides = array<i32>} : memref<128x512xf32, #tpu.memory_space<vmem>>, vector<16xf32>,
      %add3A_321 = arith.addi %mul3A_245, %add3A_59 : vector<16xi32>
      tpu.vector_store_idx %arg8[%add3A_321], %get3A_320 {add = true} : memref<10752xf32, #tpu.memory_space<vmem>>[vector<16xi32>], vector<16xf32>,
      %get3A_322 = arith.index_cast %add3A_240 : i32 to index
      %get3A_323 = arith.constant 304 : index
      %get3A_324 = tpu.vector_load %arg6[%get3A_322, %get3A_323] {strides = array<i32>} : memref<128x512xf32, #tpu.memory_space<vmem>>, vector<16xf32>,
      %add3A_325 = arith.addi %mul3A_245, %add3A_62 : vector<16xi32>
      tpu.vector_store_idx %arg8[%add3A_325], %get3A_324 {add = true} : memref<10752xf32, #tpu.memory_space<vmem>>[vector<16xi32>], vector<16xf32>,
      %get3A_326 = arith.index_cast %add3A_240 : i32 to index
      %get3A_327 = arith.constant 320 : index
      %get3A_328 = tpu.vector_load %arg6[%get3A_326, %get3A_327] {strides = array<i32>} : memref<128x512xf32, #tpu.memory_space<vmem>>, vector<16xf32>,
      %add3A_329 = arith.addi %mul3A_245, %add3A_65 : vector<16xi32>
      tpu.vector_store_idx %arg8[%add3A_329], %get3A_328 {add = true} : memref<10752xf32, #tpu.memory_space<vmem>>[vector<16xi32>], vector<16xf32>,
      %get3A_330 = arith.index_cast %add3A_240 : i32 to index
      %get3A_331 = arith.constant 336 : index
      %get3A_332 = tpu.vector_load %arg6[%get3A_330, %get3A_331] {strides = array<i32>} : memref<128x512xf32, #tpu.memory_space<vmem>>, vector<16xf32>,
      %add3A_333 = arith.addi %mul3A_245, %add3A_68 : vector<16xi32>
      tpu.vector_store_idx %arg8[%add3A_333], %get3A_332 {add = true} : memref<10752xf32, #tpu.memory_space<vmem>>[vector<16xi32>], vector<16xf32>,
      %get3A_334 = arith.index_cast %add3A_240 : i32 to index
      %get3A_335 = arith.constant 352 : index
      %get3A_336 = tpu.vector_load %arg6[%get3A_334, %get3A_335] {strides = array<i32>} : memref<128x512xf32, #tpu.memory_space<vmem>>, vector<16xf32>,
      %add3A_337 = arith.addi %mul3A_245, %add3A_71 : vector<16xi32>
      tpu.vector_store_idx %arg8[%add3A_337], %get3A_336 {add = true} : memref<10752xf32, #tpu.memory_space<vmem>>[vector<16xi32>], vector<16xf32>,
      %get3A_338 = arith.index_cast %add3A_240 : i32 to index
      %get3A_339 = arith.constant 368 : index
      %get3A_340 = tpu.vector_load %arg6[%get3A_338, %get3A_339] {strides = array<i32>} : memref<128x512xf32, #tpu.memory_space<vmem>>, vector<16xf32>,
      %add3A_341 = arith.addi %mul3A_245, %add3A_74 : vector<16xi32>
      tpu.vector_store_idx %arg8[%add3A_341], %get3A_340 {add = true} : memref<10752xf32, #tpu.memory_space<vmem>>[vector<16xi32>], vector<16xf32>,
      %get3A_342 = arith.index_cast %add3A_240 : i32 to index
      %get3A_343 = arith.constant 384 : index
      %get3A_344 = tpu.vector_load %arg6[%get3A_342, %get3A_343] {strides = array<i32>} : memref<128x512xf32, #tpu.memory_space<vmem>>, vector<16xf32>,
      %add3A_345 = arith.addi %mul3A_245, %add3A_77 : vector<16xi32>
      tpu.vector_store_idx %arg8[%add3A_345], %get3A_344 {add = true} : memref<10752xf32, #tpu.memory_space<vmem>>[vector<16xi32>], vector<16xf32>,
      %get3A_346 = arith.index_cast %add3A_240 : i32 to index
      %get3A_347 = arith.constant 400 : index
      %get3A_348 = tpu.vector_load %arg6[%get3A_346, %get3A_347] {strides = array<i32>} : memref<128x512xf32, #tpu.memory_space<vmem>>, vector<16xf32>,
      %add3A_349 = arith.addi %mul3A_245, %add3A_80 : vector<16xi32>
      tpu.vector_store_idx %arg8[%add3A_349], %get3A_348 {add = true} : memref<10752xf32, #tpu.memory_space<vmem>>[vector<16xi32>], vector<16xf32>,
      %get3A_350 = arith.index_cast %add3A_240 : i32 to index
      %get3A_351 = arith.constant 416 : index
      %get3A_352 = tpu.vector_load %arg6[%get3A_350, %get3A_351] {strides = array<i32>} : memref<128x512xf32, #tpu.memory_space<vmem>>, vector<16xf32>,
      %add3A_353 = arith.addi %mul3A_245, %add3A_83 : vector<16xi32>
      tpu.vector_store_idx %arg8[%add3A_353], %get3A_352 {add = true} : memref<10752xf32, #tpu.memory_space<vmem>>[vector<16xi32>], vector<16xf32>,
      %get3A_354 = arith.index_cast %add3A_240 : i32 to index
      %get3A_355 = arith.constant 432 : index
      %get3A_356 = tpu.vector_load %arg6[%get3A_354, %get3A_355] {strides = array<i32>} : memref<128x512xf32, #tpu.memory_space<vmem>>, vector<16xf32>,
      %add3A_357 = arith.addi %mul3A_245, %add3A_86 : vector<16xi32>
      tpu.vector_store_idx %arg8[%add3A_357], %get3A_356 {add = true} : memref<10752xf32, #tpu.memory_space<vmem>>[vector<16xi32>], vector<16xf32>,
      %get3A_358 = arith.index_cast %add3A_240 : i32 to index
      %get3A_359 = arith.constant 448 : index
      %get3A_360 = tpu.vector_load %arg6[%get3A_358, %get3A_359] {strides = array<i32>} : memref<128x512xf32, #tpu.memory_space<vmem>>, vector<16xf32>,
      %add3A_361 = arith.addi %mul3A_245, %add3A_89 : vector<16xi32>
      tpu.vector_store_idx %arg8[%add3A_361], %get3A_360 {add = true} : memref<10752xf32, #tpu.memory_space<vmem>>[vector<16xi32>], vector<16xf32>,
      %get3A_362 = arith.index_cast %add3A_240 : i32 to index
      %get3A_363 = arith.constant 464 : index
      %get3A_364 = tpu.vector_load %arg6[%get3A_362, %get3A_363] {strides = array<i32>} : memref<128x512xf32, #tpu.memory_space<vmem>>, vector<16xf32>,
      %add3A_365 = arith.addi %mul3A_245, %add3A_92 : vector<16xi32>
      tpu.vector_store_idx %arg8[%add3A_365], %get3A_364 {add = true} : memref<10752xf32, #tpu.memory_space<vmem>>[vector<16xi32>], vector<16xf32>,
      %get3A_366 = arith.index_cast %add3A_240 : i32 to index
      %get3A_367 = arith.constant 480 : index
      %get3A_368 = tpu.vector_load %arg6[%get3A_366, %get3A_367] {strides = array<i32>} : memref<128x512xf32, #tpu.memory_space<vmem>>, vector<16xf32>,
      %add3A_369 = arith.addi %mul3A_245, %add3A_95 : vector<16xi32>
      tpu.vector_store_idx %arg8[%add3A_369], %get3A_368 {add = true} : memref<10752xf32, #tpu.memory_space<vmem>>[vector<16xi32>], vector<16xf32>,
      %get3A_370 = arith.index_cast %add3A_240 : i32 to index
      %get3A_371 = arith.constant 496 : index
      %get3A_372 = tpu.vector_load %arg6[%get3A_370, %get3A_371] {strides = array<i32>} : memref<128x512xf32, #tpu.memory_space<vmem>>, vector<16xf32>,
      %add3A_373 = arith.addi %mul3A_245, %add3A_98 : vector<16xi32>
      tpu.vector_store_idx %arg8[%add3A_373], %get3A_372 {add = true} : memref<10752xf32, #tpu.memory_space<vmem>>[vector<16xi32>], vector<16xf32>,
      %add3A_374 = arith.constant 2 : i32
      %add3A_375 = arith.addi %mul3A_106, %add3A_374 : i32
      %broadcast_in_dim3A_376 = vector.broadcast %add3A_375 : i32 to vector<16xi32>
      %gather3A_377 = tpu.vector_load_idx %arg7[%broadcast_in_dim3A_376] : memref<128xi32, #tpu.memory_space<vmem>>[vector<16xi32>], vector<16xi32>,
      %mul3A_378 = arith.constant 512 : i32
      %mul3A_379 = vector.broadcast %mul3A_378 : i32 to vector<16xi32>
      %mul3A_380 = arith.muli %gather3A_377, %mul3A_379 : vector<16xi32>
      %get3A_381 = arith.index_cast %add3A_375 : i32 to index
      %get3A_382 = arith.constant 0 : index
      %get3A_383 = tpu.vector_load %arg6[%get3A_381, %get3A_382] {strides = array<i32>} : memref<128x512xf32, #tpu.memory_space<vmem>>, vector<16xf32>,
      %add3A_384 = arith.addi %mul3A_380, %add3A_5 : vector<16xi32>
      tpu.vector_store_idx %arg8[%add3A_384], %get3A_383 {add = true} : memref<10752xf32, #tpu.memory_space<vmem>>[vector<16xi32>], vector<16xf32>,
      %get3A_385 = arith.index_cast %add3A_375 : i32 to index
      %get3A_386 = arith.constant 16 : index
      %get3A_387 = tpu.vector_load %arg6[%get3A_385, %get3A_386] {strides = array<i32>} : memref<128x512xf32, #tpu.memory_space<vmem>>, vector<16xf32>,
      %add3A_388 = arith.addi %mul3A_380, %add3A_8 : vector<16xi32>
      tpu.vector_store_idx %arg8[%add3A_388], %get3A_387 {add = true} : memref<10752xf32, #tpu.memory_space<vmem>>[vector<16xi32>], vector<16xf32>,
      %get3A_389 = arith.index_cast %add3A_375 : i32 to index
      %get3A_390 = arith.constant 32 : index
      %get3A_391 = tpu.vector_load %arg6[%get3A_389, %get3A_390] {strides = array<i32>} : memref<128x512xf32, #tpu.memory_space<vmem>>, vector<16xf32>,
      %add3A_392 = arith.addi %mul3A_380, %add3A_11 : vector<16xi32>
      tpu.vector_store_idx %arg8[%add3A_392], %get3A_391 {add = true} : memref<10752xf32, #tpu.memory_space<vmem>>[vector<16xi32>], vector<16xf32>,
      %get3A_393 = arith.index_cast %add3A_375 : i32 to index
      %get3A_394 = arith.constant 48 : index
      %get3A_395 = tpu.vector_load %arg6[%get3A_393, %get3A_394] {strides = array<i32>} : memref<128x512xf32, #tpu.memory_space<vmem>>, vector<16xf32>,
      %add3A_396 = arith.addi %mul3A_380, %add3A_14 : vector<16xi32>
      tpu.vector_store_idx %arg8[%add3A_396], %get3A_395 {add = true} : memref<10752xf32, #tpu.memory_space<vmem>>[vector<16xi32>], vector<16xf32>,
      %get3A_397 = arith.index_cast %add3A_375 : i32 to index
      %get3A_398 = arith.constant 64 : index
      %get3A_399 = tpu.vector_load %arg6[%get3A_397, %get3A_398] {strides = array<i32>} : memref<128x512xf32, #tpu.memory_space<vmem>>, vector<16xf32>,
      %add3A_400 = arith.addi %mul3A_380, %add3A_17 : vector<16xi32>
      tpu.vector_store_idx %arg8[%add3A_400], %get3A_399 {add = true} : memref<10752xf32, #tpu.memory_space<vmem>>[vector<16xi32>], vector<16xf32>,
      %get3A_401 = arith.index_cast %add3A_375 : i32 to index
      %get3A_402 = arith.constant 80 : index
      %get3A_403 = tpu.vector_load %arg6[%get3A_401, %get3A_402] {strides = array<i32>} : memref<128x512xf32, #tpu.memory_space<vmem>>, vector<16xf32>,
      %add3A_404 = arith.addi %mul3A_380, %add3A_20 : vector<16xi32>
      tpu.vector_store_idx %arg8[%add3A_404], %get3A_403 {add = true} : memref<10752xf32, #tpu.memory_space<vmem>>[vector<16xi32>], vector<16xf32>,
      %get3A_405 = arith.index_cast %add3A_375 : i32 to index
      %get3A_406 = arith.constant 96 : index
      %get3A_407 = tpu.vector_load %arg6[%get3A_405, %get3A_406] {strides = array<i32>} : memref<128x512xf32, #tpu.memory_space<vmem>>, vector<16xf32>,
      %add3A_408 = arith.addi %mul3A_380, %add3A_23 : vector<16xi32>
      tpu.vector_store_idx %arg8[%add3A_408], %get3A_407 {add = true} : memref<10752xf32, #tpu.memory_space<vmem>>[vector<16xi32>], vector<16xf32>,
      %get3A_409 = arith.index_cast %add3A_375 : i32 to index
      %get3A_410 = arith.constant 112 : index
      %get3A_411 = tpu.vector_load %arg6[%get3A_409, %get3A_410] {strides = array<i32>} : memref<128x512xf32, #tpu.memory_space<vmem>>, vector<16xf32>,
      %add3A_412 = arith.addi %mul3A_380, %add3A_26 : vector<16xi32>
      tpu.vector_store_idx %arg8[%add3A_412], %get3A_411 {add = true} : memref<10752xf32, #tpu.memory_space<vmem>>[vector<16xi32>], vector<16xf32>,
      %get3A_413 = arith.index_cast %add3A_375 : i32 to index
      %get3A_414 = arith.constant 128 : index
      %get3A_415 = tpu.vector_load %arg6[%get3A_413, %get3A_414] {strides = array<i32>} : memref<128x512xf32, #tpu.memory_space<vmem>>, vector<16xf32>,
      %add3A_416 = arith.addi %mul3A_380, %add3A_29 : vector<16xi32>
      tpu.vector_store_idx %arg8[%add3A_416], %get3A_415 {add = true} : memref<10752xf32, #tpu.memory_space<vmem>>[vector<16xi32>], vector<16xf32>,
      %get3A_417 = arith.index_cast %add3A_375 : i32 to index
      %get3A_418 = arith.constant 144 : index
      %get3A_419 = tpu.vector_load %arg6[%get3A_417, %get3A_418] {strides = array<i32>} : memref<128x512xf32, #tpu.memory_space<vmem>>, vector<16xf32>,
      %add3A_420 = arith.addi %mul3A_380, %add3A_32 : vector<16xi32>
      tpu.vector_store_idx %arg8[%add3A_420], %get3A_419 {add = true} : memref<10752xf32, #tpu.memory_space<vmem>>[vector<16xi32>], vector<16xf32>,
      %get3A_421 = arith.index_cast %add3A_375 : i32 to index
      %get3A_422 = arith.constant 160 : index
      %get3A_423 = tpu.vector_load %arg6[%get3A_421, %get3A_422] {strides = array<i32>} : memref<128x512xf32, #tpu.memory_space<vmem>>, vector<16xf32>,
      %add3A_424 = arith.addi %mul3A_380, %add3A_35 : vector<16xi32>
      tpu.vector_store_idx %arg8[%add3A_424], %get3A_423 {add = true} : memref<10752xf32, #tpu.memory_space<vmem>>[vector<16xi32>], vector<16xf32>,
      %get3A_425 = arith.index_cast %add3A_375 : i32 to index
      %get3A_426 = arith.constant 176 : index
      %get3A_427 = tpu.vector_load %arg6[%get3A_425, %get3A_426] {strides = array<i32>} : memref<128x512xf32, #tpu.memory_space<vmem>>, vector<16xf32>,
      %add3A_428 = arith.addi %mul3A_380, %add3A_38 : vector<16xi32>
      tpu.vector_store_idx %arg8[%add3A_428], %get3A_427 {add = true} : memref<10752xf32, #tpu.memory_space<vmem>>[vector<16xi32>], vector<16xf32>,
      %get3A_429 = arith.index_cast %add3A_375 : i32 to index
      %get3A_430 = arith.constant 192 : index
      %get3A_431 = tpu.vector_load %arg6[%get3A_429, %get3A_430] {strides = array<i32>} : memref<128x512xf32, #tpu.memory_space<vmem>>, vector<16xf32>,
      %add3A_432 = arith.addi %mul3A_380, %add3A_41 : vector<16xi32>
      tpu.vector_store_idx %arg8[%add3A_432], %get3A_431 {add = true} : memref<10752xf32, #tpu.memory_space<vmem>>[vector<16xi32>], vector<16xf32>,
      %get3A_433 = arith.index_cast %add3A_375 : i32 to index
      %get3A_434 = arith.constant 208 : index
      %get3A_435 = tpu.vector_load %arg6[%get3A_433, %get3A_434] {strides = array<i32>} : memref<128x512xf32, #tpu.memory_space<vmem>>, vector<16xf32>,
      %add3A_436 = arith.addi %mul3A_380, %add3A_44 : vector<16xi32>
      tpu.vector_store_idx %arg8[%add3A_436], %get3A_435 {add = true} : memref<10752xf32, #tpu.memory_space<vmem>>[vector<16xi32>], vector<16xf32>,
      %get3A_437 = arith.index_cast %add3A_375 : i32 to index
      %get3A_438 = arith.constant 224 : index
      %get3A_439 = tpu.vector_load %arg6[%get3A_437, %get3A_438] {strides = array<i32>} : memref<128x512xf32, #tpu.memory_space<vmem>>, vector<16xf32>,
      %add3A_440 = arith.addi %mul3A_380, %add3A_47 : vector<16xi32>
      tpu.vector_store_idx %arg8[%add3A_440], %get3A_439 {add = true} : memref<10752xf32, #tpu.memory_space<vmem>>[vector<16xi32>], vector<16xf32>,
      %get3A_441 = arith.index_cast %add3A_375 : i32 to index
      %get3A_442 = arith.constant 240 : index
      %get3A_443 = tpu.vector_load %arg6[%get3A_441, %get3A_442] {strides = array<i32>} : memref<128x512xf32, #tpu.memory_space<vmem>>, vector<16xf32>,
      %add3A_444 = arith.addi %mul3A_380, %add3A_50 : vector<16xi32>
      tpu.vector_store_idx %arg8[%add3A_444], %get3A_443 {add = true} : memref<10752xf32, #tpu.memory_space<vmem>>[vector<16xi32>], vector<16xf32>,
      %get3A_445 = arith.index_cast %add3A_375 : i32 to index
      %get3A_446 = arith.constant 256 : index
      %get3A_447 = tpu.vector_load %arg6[%get3A_445, %get3A_446] {strides = array<i32>} : memref<128x512xf32, #tpu.memory_space<vmem>>, vector<16xf32>,
      %add3A_448 = arith.addi %mul3A_380, %add3A_53 : vector<16xi32>
      tpu.vector_store_idx %arg8[%add3A_448], %get3A_447 {add = true} : memref<10752xf32, #tpu.memory_space<vmem>>[vector<16xi32>], vector<16xf32>,
      %get3A_449 = arith.index_cast %add3A_375 : i32 to index
      %get3A_450 = arith.constant 272 : index
      %get3A_451 = tpu.vector_load %arg6[%get3A_449, %get3A_450] {strides = array<i32>} : memref<128x512xf32, #tpu.memory_space<vmem>>, vector<16xf32>,
      %add3A_452 = arith.addi %mul3A_380, %add3A_56 : vector<16xi32>
      tpu.vector_store_idx %arg8[%add3A_452], %get3A_451 {add = true} : memref<10752xf32, #tpu.memory_space<vmem>>[vector<16xi32>], vector<16xf32>,
      %get3A_453 = arith.index_cast %add3A_375 : i32 to index
      %get3A_454 = arith.constant 288 : index
      %get3A_455 = tpu.vector_load %arg6[%get3A_453, %get3A_454] {strides = array<i32>} : memref<128x512xf32, #tpu.memory_space<vmem>>, vector<16xf32>,
      %add3A_456 = arith.addi %mul3A_380, %add3A_59 : vector<16xi32>
      tpu.vector_store_idx %arg8[%add3A_456], %get3A_455 {add = true} : memref<10752xf32, #tpu.memory_space<vmem>>[vector<16xi32>], vector<16xf32>,
      %get3A_457 = arith.index_cast %add3A_375 : i32 to index
      %get3A_458 = arith.constant 304 : index
      %get3A_459 = tpu.vector_load %arg6[%get3A_457, %get3A_458] {strides = array<i32>} : memref<128x512xf32, #tpu.memory_space<vmem>>, vector<16xf32>,
      %add3A_460 = arith.addi %mul3A_380, %add3A_62 : vector<16xi32>
      tpu.vector_store_idx %arg8[%add3A_460], %get3A_459 {add = true} : memref<10752xf32, #tpu.memory_space<vmem>>[vector<16xi32>], vector<16xf32>,
      %get3A_461 = arith.index_cast %add3A_375 : i32 to index
      %get3A_462 = arith.constant 320 : index
      %get3A_463 = tpu.vector_load %arg6[%get3A_461, %get3A_462] {strides = array<i32>} : memref<128x512xf32, #tpu.memory_space<vmem>>, vector<16xf32>,
      %add3A_464 = arith.addi %mul3A_380, %add3A_65 : vector<16xi32>
      tpu.vector_store_idx %arg8[%add3A_464], %get3A_463 {add = true} : memref<10752xf32, #tpu.memory_space<vmem>>[vector<16xi32>], vector<16xf32>,
      %get3A_465 = arith.index_cast %add3A_375 : i32 to index
      %get3A_466 = arith.constant 336 : index
      %get3A_467 = tpu.vector_load %arg6[%get3A_465, %get3A_466] {strides = array<i32>} : memref<128x512xf32, #tpu.memory_space<vmem>>, vector<16xf32>,
      %add3A_468 = arith.addi %mul3A_380, %add3A_68 : vector<16xi32>
      tpu.vector_store_idx %arg8[%add3A_468], %get3A_467 {add = true} : memref<10752xf32, #tpu.memory_space<vmem>>[vector<16xi32>], vector<16xf32>,
      %get3A_469 = arith.index_cast %add3A_375 : i32 to index
      %get3A_470 = arith.constant 352 : index
      %get3A_471 = tpu.vector_load %arg6[%get3A_469, %get3A_470] {strides = array<i32>} : memref<128x512xf32, #tpu.memory_space<vmem>>, vector<16xf32>,
      %add3A_472 = arith.addi %mul3A_380, %add3A_71 : vector<16xi32>
      tpu.vector_store_idx %arg8[%add3A_472], %get3A_471 {add = true} : memref<10752xf32, #tpu.memory_space<vmem>>[vector<16xi32>], vector<16xf32>,
      %get3A_473 = arith.index_cast %add3A_375 : i32 to index
      %get3A_474 = arith.constant 368 : index
      %get3A_475 = tpu.vector_load %arg6[%get3A_473, %get3A_474] {strides = array<i32>} : memref<128x512xf32, #tpu.memory_space<vmem>>, vector<16xf32>,
      %add3A_476 = arith.addi %mul3A_380, %add3A_74 : vector<16xi32>
      tpu.vector_store_idx %arg8[%add3A_476], %get3A_475 {add = true} : memref<10752xf32, #tpu.memory_space<vmem>>[vector<16xi32>], vector<16xf32>,
      %get3A_477 = arith.index_cast %add3A_375 : i32 to index
      %get3A_478 = arith.constant 384 : index
      %get3A_479 = tpu.vector_load %arg6[%get3A_477, %get3A_478] {strides = array<i32>} : memref<128x512xf32, #tpu.memory_space<vmem>>, vector<16xf32>,
      %add3A_480 = arith.addi %mul3A_380, %add3A_77 : vector<16xi32>
      tpu.vector_store_idx %arg8[%add3A_480], %get3A_479 {add = true} : memref<10752xf32, #tpu.memory_space<vmem>>[vector<16xi32>], vector<16xf32>,
      %get3A_481 = arith.index_cast %add3A_375 : i32 to index
      %get3A_482 = arith.constant 400 : index
      %get3A_483 = tpu.vector_load %arg6[%get3A_481, %get3A_482] {strides = array<i32>} : memref<128x512xf32, #tpu.memory_space<vmem>>, vector<16xf32>,
      %add3A_484 = arith.addi %mul3A_380, %add3A_80 : vector<16xi32>
      tpu.vector_store_idx %arg8[%add3A_484], %get3A_483 {add = true} : memref<10752xf32, #tpu.memory_space<vmem>>[vector<16xi32>], vector<16xf32>,
      %get3A_485 = arith.index_cast %add3A_375 : i32 to index
      %get3A_486 = arith.constant 416 : index
      %get3A_487 = tpu.vector_load %arg6[%get3A_485, %get3A_486] {strides = array<i32>} : memref<128x512xf32, #tpu.memory_space<vmem>>, vector<16xf32>,
      %add3A_488 = arith.addi %mul3A_380, %add3A_83 : vector<16xi32>
      tpu.vector_store_idx %arg8[%add3A_488], %get3A_487 {add = true} : memref<10752xf32, #tpu.memory_space<vmem>>[vector<16xi32>], vector<16xf32>,
      %get3A_489 = arith.index_cast %add3A_375 : i32 to index
      %get3A_490 = arith.constant 432 : index
      %get3A_491 = tpu.vector_load %arg6[%get3A_489, %get3A_490] {strides = array<i32>} : memref<128x512xf32, #tpu.memory_space<vmem>>, vector<16xf32>,
      %add3A_492 = arith.addi %mul3A_380, %add3A_86 : vector<16xi32>
      tpu.vector_store_idx %arg8[%add3A_492], %get3A_491 {add = true} : memref<10752xf32, #tpu.memory_space<vmem>>[vector<16xi32>], vector<16xf32>,
      %get3A_493 = arith.index_cast %add3A_375 : i32 to index
      %get3A_494 = arith.constant 448 : index
      %get3A_495 = tpu.vector_load %arg6[%get3A_493, %get3A_494] {strides = array<i32>} : memref<128x512xf32, #tpu.memory_space<vmem>>, vector<16xf32>,
      %add3A_496 = arith.addi %mul3A_380, %add3A_89 : vector<16xi32>
      tpu.vector_store_idx %arg8[%add3A_496], %get3A_495 {add = true} : memref<10752xf32, #tpu.memory_space<vmem>>[vector<16xi32>], vector<16xf32>,
      %get3A_497 = arith.index_cast %add3A_375 : i32 to index
      %get3A_498 = arith.constant 464 : index
      %get3A_499 = tpu.vector_load %arg6[%get3A_497, %get3A_498] {strides = array<i32>} : memref<128x512xf32, #tpu.memory_space<vmem>>, vector<16xf32>,
      %add3A_500 = arith.addi %mul3A_380, %add3A_92 : vector<16xi32>
      tpu.vector_store_idx %arg8[%add3A_500], %get3A_499 {add = true} : memref<10752xf32, #tpu.memory_space<vmem>>[vector<16xi32>], vector<16xf32>,
      %get3A_501 = arith.index_cast %add3A_375 : i32 to index
      %get3A_502 = arith.constant 480 : index
      %get3A_503 = tpu.vector_load %arg6[%get3A_501, %get3A_502] {strides = array<i32>} : memref<128x512xf32, #tpu.memory_space<vmem>>, vector<16xf32>,
      %add3A_504 = arith.addi %mul3A_380, %add3A_95 : vector<16xi32>
      tpu.vector_store_idx %arg8[%add3A_504], %get3A_503 {add = true} : memref<10752xf32, #tpu.memory_space<vmem>>[vector<16xi32>], vector<16xf32>,
      %get3A_505 = arith.index_cast %add3A_375 : i32 to index
      %get3A_506 = arith.constant 496 : index
      %get3A_507 = tpu.vector_load %arg6[%get3A_505, %get3A_506] {strides = array<i32>} : memref<128x512xf32, #tpu.memory_space<vmem>>, vector<16xf32>,
      %add3A_508 = arith.addi %mul3A_380, %add3A_98 : vector<16xi32>
      tpu.vector_store_idx %arg8[%add3A_508], %get3A_507 {add = true} : memref<10752xf32, #tpu.memory_space<vmem>>[vector<16xi32>], vector<16xf32>,
      %add3A_509 = arith.constant 3 : i32
      %add3A_510 = arith.addi %mul3A_106, %add3A_509 : i32
      %broadcast_in_dim3A_511 = vector.broadcast %add3A_510 : i32 to vector<16xi32>
      %gather3A_512 = tpu.vector_load_idx %arg7[%broadcast_in_dim3A_511] : memref<128xi32, #tpu.memory_space<vmem>>[vector<16xi32>], vector<16xi32>,
      %mul3A_513 = arith.constant 512 : i32
      %mul3A_514 = vector.broadcast %mul3A_513 : i32 to vector<16xi32>
      %mul3A_515 = arith.muli %gather3A_512, %mul3A_514 : vector<16xi32>
      %get3A_516 = arith.index_cast %add3A_510 : i32 to index
      %get3A_517 = arith.constant 0 : index
      %get3A_518 = tpu.vector_load %arg6[%get3A_516, %get3A_517] {strides = array<i32>} : memref<128x512xf32, #tpu.memory_space<vmem>>, vector<16xf32>,
      %add3A_519 = arith.addi %mul3A_515, %add3A_5 : vector<16xi32>
      tpu.vector_store_idx %arg8[%add3A_519], %get3A_518 {add = true} : memref<10752xf32, #tpu.memory_space<vmem>>[vector<16xi32>], vector<16xf32>,
      %get3A_520 = arith.index_cast %add3A_510 : i32 to index
      %get3A_521 = arith.constant 16 : index
      %get3A_522 = tpu.vector_load %arg6[%get3A_520, %get3A_521] {strides = array<i32>} : memref<128x512xf32, #tpu.memory_space<vmem>>, vector<16xf32>,
      %add3A_523 = arith.addi %mul3A_515, %add3A_8 : vector<16xi32>
      tpu.vector_store_idx %arg8[%add3A_523], %get3A_522 {add = true} : memref<10752xf32, #tpu.memory_space<vmem>>[vector<16xi32>], vector<16xf32>,
      %get3A_524 = arith.index_cast %add3A_510 : i32 to index
      %get3A_525 = arith.constant 32 : index
      %get3A_526 = tpu.vector_load %arg6[%get3A_524, %get3A_525] {strides = array<i32>} : memref<128x512xf32, #tpu.memory_space<vmem>>, vector<16xf32>,
      %add3A_527 = arith.addi %mul3A_515, %add3A_11 : vector<16xi32>
      tpu.vector_store_idx %arg8[%add3A_527], %get3A_526 {add = true} : memref<10752xf32, #tpu.memory_space<vmem>>[vector<16xi32>], vector<16xf32>,
      %get3A_528 = arith.index_cast %add3A_510 : i32 to index
      %get3A_529 = arith.constant 48 : index
      %get3A_530 = tpu.vector_load %arg6[%get3A_528, %get3A_529] {strides = array<i32>} : memref<128x512xf32, #tpu.memory_space<vmem>>, vector<16xf32>,
      %add3A_531 = arith.addi %mul3A_515, %add3A_14 : vector<16xi32>
      tpu.vector_store_idx %arg8[%add3A_531], %get3A_530 {add = true} : memref<10752xf32, #tpu.memory_space<vmem>>[vector<16xi32>], vector<16xf32>,
      %get3A_532 = arith.index_cast %add3A_510 : i32 to index
      %get3A_533 = arith.constant 64 : index
      %get3A_534 = tpu.vector_load %arg6[%get3A_532, %get3A_533] {strides = array<i32>} : memref<128x512xf32, #tpu.memory_space<vmem>>, vector<16xf32>,
      %add3A_535 = arith.addi %mul3A_515, %add3A_17 : vector<16xi32>
      tpu.vector_store_idx %arg8[%add3A_535], %get3A_534 {add = true} : memref<10752xf32, #tpu.memory_space<vmem>>[vector<16xi32>], vector<16xf32>,
      %get3A_536 = arith.index_cast %add3A_510 : i32 to index
      %get3A_537 = arith.constant 80 : index
      %get3A_538 = tpu.vector_load %arg6[%get3A_536, %get3A_537] {strides = array<i32>} : memref<128x512xf32, #tpu.memory_space<vmem>>, vector<16xf32>,
      %add3A_539 = arith.addi %mul3A_515, %add3A_20 : vector<16xi32>
      tpu.vector_store_idx %arg8[%add3A_539], %get3A_538 {add = true} : memref<10752xf32, #tpu.memory_space<vmem>>[vector<16xi32>], vector<16xf32>,
      %get3A_540 = arith.index_cast %add3A_510 : i32 to index
      %get3A_541 = arith.constant 96 : index
      %get3A_542 = tpu.vector_load %arg6[%get3A_540, %get3A_541] {strides = array<i32>} : memref<128x512xf32, #tpu.memory_space<vmem>>, vector<16xf32>,
      %add3A_543 = arith.addi %mul3A_515, %add3A_23 : vector<16xi32>
      tpu.vector_store_idx %arg8[%add3A_543], %get3A_542 {add = true} : memref<10752xf32, #tpu.memory_space<vmem>>[vector<16xi32>], vector<16xf32>,
      %get3A_544 = arith.index_cast %add3A_510 : i32 to index
      %get3A_545 = arith.constant 112 : index
      %get3A_546 = tpu.vector_load %arg6[%get3A_544, %get3A_545] {strides = array<i32>} : memref<128x512xf32, #tpu.memory_space<vmem>>, vector<16xf32>,
      %add3A_547 = arith.addi %mul3A_515, %add3A_26 : vector<16xi32>
      tpu.vector_store_idx %arg8[%add3A_547], %get3A_546 {add = true} : memref<10752xf32, #tpu.memory_space<vmem>>[vector<16xi32>], vector<16xf32>,
      %get3A_548 = arith.index_cast %add3A_510 : i32 to index
      %get3A_549 = arith.constant 128 : index
      %get3A_550 = tpu.vector_load %arg6[%get3A_548, %get3A_549] {strides = array<i32>} : memref<128x512xf32, #tpu.memory_space<vmem>>, vector<16xf32>,
      %add3A_551 = arith.addi %mul3A_515, %add3A_29 : vector<16xi32>
      tpu.vector_store_idx %arg8[%add3A_551], %get3A_550 {add = true} : memref<10752xf32, #tpu.memory_space<vmem>>[vector<16xi32>], vector<16xf32>,
      %get3A_552 = arith.index_cast %add3A_510 : i32 to index
      %get3A_553 = arith.constant 144 : index
      %get3A_554 = tpu.vector_load %arg6[%get3A_552, %get3A_553] {strides = array<i32>} : memref<128x512xf32, #tpu.memory_space<vmem>>, vector<16xf32>,
      %add3A_555 = arith.addi %mul3A_515, %add3A_32 : vector<16xi32>
      tpu.vector_store_idx %arg8[%add3A_555], %get3A_554 {add = true} : memref<10752xf32, #tpu.memory_space<vmem>>[vector<16xi32>], vector<16xf32>,
      %get3A_556 = arith.index_cast %add3A_510 : i32 to index
      %get3A_557 = arith.constant 160 : index
      %get3A_558 = tpu.vector_load %arg6[%get3A_556, %get3A_557] {strides = array<i32>} : memref<128x512xf32, #tpu.memory_space<vmem>>, vector<16xf32>,
      %add3A_559 = arith.addi %mul3A_515, %add3A_35 : vector<16xi32>
      tpu.vector_store_idx %arg8[%add3A_559], %get3A_558 {add = true} : memref<10752xf32, #tpu.memory_space<vmem>>[vector<16xi32>], vector<16xf32>,
      %get3A_560 = arith.index_cast %add3A_510 : i32 to index
      %get3A_561 = arith.constant 176 : index
      %get3A_562 = tpu.vector_load %arg6[%get3A_560, %get3A_561] {strides = array<i32>} : memref<128x512xf32, #tpu.memory_space<vmem>>, vector<16xf32>,
      %add3A_563 = arith.addi %mul3A_515, %add3A_38 : vector<16xi32>
      tpu.vector_store_idx %arg8[%add3A_563], %get3A_562 {add = true} : memref<10752xf32, #tpu.memory_space<vmem>>[vector<16xi32>], vector<16xf32>,
      %get3A_564 = arith.index_cast %add3A_510 : i32 to index
      %get3A_565 = arith.constant 192 : index
      %get3A_566 = tpu.vector_load %arg6[%get3A_564, %get3A_565] {strides = array<i32>} : memref<128x512xf32, #tpu.memory_space<vmem>>, vector<16xf32>,
      %add3A_567 = arith.addi %mul3A_515, %add3A_41 : vector<16xi32>
      tpu.vector_store_idx %arg8[%add3A_567], %get3A_566 {add = true} : memref<10752xf32, #tpu.memory_space<vmem>>[vector<16xi32>], vector<16xf32>,
      %get3A_568 = arith.index_cast %add3A_510 : i32 to index
      %get3A_569 = arith.constant 208 : index
      %get3A_570 = tpu.vector_load %arg6[%get3A_568, %get3A_569] {strides = array<i32>} : memref<128x512xf32, #tpu.memory_space<vmem>>, vector<16xf32>,
      %add3A_571 = arith.addi %mul3A_515, %add3A_44 : vector<16xi32>
      tpu.vector_store_idx %arg8[%add3A_571], %get3A_570 {add = true} : memref<10752xf32, #tpu.memory_space<vmem>>[vector<16xi32>], vector<16xf32>,
      %get3A_572 = arith.index_cast %add3A_510 : i32 to index
      %get3A_573 = arith.constant 224 : index
      %get3A_574 = tpu.vector_load %arg6[%get3A_572, %get3A_573] {strides = array<i32>} : memref<128x512xf32, #tpu.memory_space<vmem>>, vector<16xf32>,
      %add3A_575 = arith.addi %mul3A_515, %add3A_47 : vector<16xi32>
      tpu.vector_store_idx %arg8[%add3A_575], %get3A_574 {add = true} : memref<10752xf32, #tpu.memory_space<vmem>>[vector<16xi32>], vector<16xf32>,
      %get3A_576 = arith.index_cast %add3A_510 : i32 to index
      %get3A_577 = arith.constant 240 : index
      %get3A_578 = tpu.vector_load %arg6[%get3A_576, %get3A_577] {strides = array<i32>} : memref<128x512xf32, #tpu.memory_space<vmem>>, vector<16xf32>,
      %add3A_579 = arith.addi %mul3A_515, %add3A_50 : vector<16xi32>
      tpu.vector_store_idx %arg8[%add3A_579], %get3A_578 {add = true} : memref<10752xf32, #tpu.memory_space<vmem>>[vector<16xi32>], vector<16xf32>,
      %get3A_580 = arith.index_cast %add3A_510 : i32 to index
      %get3A_581 = arith.constant 256 : index
      %get3A_582 = tpu.vector_load %arg6[%get3A_580, %get3A_581] {strides = array<i32>} : memref<128x512xf32, #tpu.memory_space<vmem>>, vector<16xf32>,
      %add3A_583 = arith.addi %mul3A_515, %add3A_53 : vector<16xi32>
      tpu.vector_store_idx %arg8[%add3A_583], %get3A_582 {add = true} : memref<10752xf32, #tpu.memory_space<vmem>>[vector<16xi32>], vector<16xf32>,
      %get3A_584 = arith.index_cast %add3A_510 : i32 to index
      %get3A_585 = arith.constant 272 : index
      %get3A_586 = tpu.vector_load %arg6[%get3A_584, %get3A_585] {strides = array<i32>} : memref<128x512xf32, #tpu.memory_space<vmem>>, vector<16xf32>,
      %add3A_587 = arith.addi %mul3A_515, %add3A_56 : vector<16xi32>
      tpu.vector_store_idx %arg8[%add3A_587], %get3A_586 {add = true} : memref<10752xf32, #tpu.memory_space<vmem>>[vector<16xi32>], vector<16xf32>,
      %get3A_588 = arith.index_cast %add3A_510 : i32 to index
      %get3A_589 = arith.constant 288 : index
      %get3A_590 = tpu.vector_load %arg6[%get3A_588, %get3A_589] {strides = array<i32>} : memref<128x512xf32, #tpu.memory_space<vmem>>, vector<16xf32>,
      %add3A_591 = arith.addi %mul3A_515, %add3A_59 : vector<16xi32>
      tpu.vector_store_idx %arg8[%add3A_591], %get3A_590 {add = true} : memref<10752xf32, #tpu.memory_space<vmem>>[vector<16xi32>], vector<16xf32>,
      %get3A_592 = arith.index_cast %add3A_510 : i32 to index
      %get3A_593 = arith.constant 304 : index
      %get3A_594 = tpu.vector_load %arg6[%get3A_592, %get3A_593] {strides = array<i32>} : memref<128x512xf32, #tpu.memory_space<vmem>>, vector<16xf32>,
      %add3A_595 = arith.addi %mul3A_515, %add3A_62 : vector<16xi32>
      tpu.vector_store_idx %arg8[%add3A_595], %get3A_594 {add = true} : memref<10752xf32, #tpu.memory_space<vmem>>[vector<16xi32>], vector<16xf32>,
      %get3A_596 = arith.index_cast %add3A_510 : i32 to index
      %get3A_597 = arith.constant 320 : index
      %get3A_598 = tpu.vector_load %arg6[%get3A_596, %get3A_597] {strides = array<i32>} : memref<128x512xf32, #tpu.memory_space<vmem>>, vector<16xf32>,
      %add3A_599 = arith.addi %mul3A_515, %add3A_65 : vector<16xi32>
      tpu.vector_store_idx %arg8[%add3A_599], %get3A_598 {add = true} : memref<10752xf32, #tpu.memory_space<vmem>>[vector<16xi32>], vector<16xf32>,
      %get3A_600 = arith.index_cast %add3A_510 : i32 to index
      %get3A_601 = arith.constant 336 : index
      %get3A_602 = tpu.vector_load %arg6[%get3A_600, %get3A_601] {strides = array<i32>} : memref<128x512xf32, #tpu.memory_space<vmem>>, vector<16xf32>,
      %add3A_603 = arith.addi %mul3A_515, %add3A_68 : vector<16xi32>
      tpu.vector_store_idx %arg8[%add3A_603], %get3A_602 {add = true} : memref<10752xf32, #tpu.memory_space<vmem>>[vector<16xi32>], vector<16xf32>,
      %get3A_604 = arith.index_cast %add3A_510 : i32 to index
      %get3A_605 = arith.constant 352 : index
      %get3A_606 = tpu.vector_load %arg6[%get3A_604, %get3A_605] {strides = array<i32>} : memref<128x512xf32, #tpu.memory_space<vmem>>, vector<16xf32>,
      %add3A_607 = arith.addi %mul3A_515, %add3A_71 : vector<16xi32>
      tpu.vector_store_idx %arg8[%add3A_607], %get3A_606 {add = true} : memref<10752xf32, #tpu.memory_space<vmem>>[vector<16xi32>], vector<16xf32>,
      %get3A_608 = arith.index_cast %add3A_510 : i32 to index
      %get3A_609 = arith.constant 368 : index
      %get3A_610 = tpu.vector_load %arg6[%get3A_608, %get3A_609] {strides = array<i32>} : memref<128x512xf32, #tpu.memory_space<vmem>>, vector<16xf32>,
      %add3A_611 = arith.addi %mul3A_515, %add3A_74 : vector<16xi32>
      tpu.vector_store_idx %arg8[%add3A_611], %get3A_610 {add = true} : memref<10752xf32, #tpu.memory_space<vmem>>[vector<16xi32>], vector<16xf32>,
      %get3A_612 = arith.index_cast %add3A_510 : i32 to index
      %get3A_613 = arith.constant 384 : index
      %get3A_614 = tpu.vector_load %arg6[%get3A_612, %get3A_613] {strides = array<i32>} : memref<128x512xf32, #tpu.memory_space<vmem>>, vector<16xf32>,
      %add3A_615 = arith.addi %mul3A_515, %add3A_77 : vector<16xi32>
      tpu.vector_store_idx %arg8[%add3A_615], %get3A_614 {add = true} : memref<10752xf32, #tpu.memory_space<vmem>>[vector<16xi32>], vector<16xf32>,
      %get3A_616 = arith.index_cast %add3A_510 : i32 to index
      %get3A_617 = arith.constant 400 : index
      %get3A_618 = tpu.vector_load %arg6[%get3A_616, %get3A_617] {strides = array<i32>} : memref<128x512xf32, #tpu.memory_space<vmem>>, vector<16xf32>,
      %add3A_619 = arith.addi %mul3A_515, %add3A_80 : vector<16xi32>
      tpu.vector_store_idx %arg8[%add3A_619], %get3A_618 {add = true} : memref<10752xf32, #tpu.memory_space<vmem>>[vector<16xi32>], vector<16xf32>,
      %get3A_620 = arith.index_cast %add3A_510 : i32 to index
      %get3A_621 = arith.constant 416 : index
      %get3A_622 = tpu.vector_load %arg6[%get3A_620, %get3A_621] {strides = array<i32>} : memref<128x512xf32, #tpu.memory_space<vmem>>, vector<16xf32>,
      %add3A_623 = arith.addi %mul3A_515, %add3A_83 : vector<16xi32>
      tpu.vector_store_idx %arg8[%add3A_623], %get3A_622 {add = true} : memref<10752xf32, #tpu.memory_space<vmem>>[vector<16xi32>], vector<16xf32>,
      %get3A_624 = arith.index_cast %add3A_510 : i32 to index
      %get3A_625 = arith.constant 432 : index
      %get3A_626 = tpu.vector_load %arg6[%get3A_624, %get3A_625] {strides = array<i32>} : memref<128x512xf32, #tpu.memory_space<vmem>>, vector<16xf32>,
      %add3A_627 = arith.addi %mul3A_515, %add3A_86 : vector<16xi32>
      tpu.vector_store_idx %arg8[%add3A_627], %get3A_626 {add = true} : memref<10752xf32, #tpu.memory_space<vmem>>[vector<16xi32>], vector<16xf32>,
      %get3A_628 = arith.index_cast %add3A_510 : i32 to index
      %get3A_629 = arith.constant 448 : index
      %get3A_630 = tpu.vector_load %arg6[%get3A_628, %get3A_629] {strides = array<i32>} : memref<128x512xf32, #tpu.memory_space<vmem>>, vector<16xf32>,
      %add3A_631 = arith.addi %mul3A_515, %add3A_89 : vector<16xi32>
      tpu.vector_store_idx %arg8[%add3A_631], %get3A_630 {add = true} : memref<10752xf32, #tpu.memory_space<vmem>>[vector<16xi32>], vector<16xf32>,
      %get3A_632 = arith.index_cast %add3A_510 : i32 to index
      %get3A_633 = arith.constant 464 : index
      %get3A_634 = tpu.vector_load %arg6[%get3A_632, %get3A_633] {strides = array<i32>} : memref<128x512xf32, #tpu.memory_space<vmem>>, vector<16xf32>,
      %add3A_635 = arith.addi %mul3A_515, %add3A_92 : vector<16xi32>
      tpu.vector_store_idx %arg8[%add3A_635], %get3A_634 {add = true} : memref<10752xf32, #tpu.memory_space<vmem>>[vector<16xi32>], vector<16xf32>,
      %get3A_636 = arith.index_cast %add3A_510 : i32 to index
      %get3A_637 = arith.constant 480 : index
      %get3A_638 = tpu.vector_load %arg6[%get3A_636, %get3A_637] {strides = array<i32>} : memref<128x512xf32, #tpu.memory_space<vmem>>, vector<16xf32>,
      %add3A_639 = arith.addi %mul3A_515, %add3A_95 : vector<16xi32>
      tpu.vector_store_idx %arg8[%add3A_639], %get3A_638 {add = true} : memref<10752xf32, #tpu.memory_space<vmem>>[vector<16xi32>], vector<16xf32>,
      %get3A_640 = arith.index_cast %add3A_510 : i32 to index
      %get3A_641 = arith.constant 496 : index
      %get3A_642 = tpu.vector_load %arg6[%get3A_640, %get3A_641] {strides = array<i32>} : memref<128x512xf32, #tpu.memory_space<vmem>>, vector<16xf32>,
      %add3A_643 = arith.addi %mul3A_515, %add3A_98 : vector<16xi32>
      tpu.vector_store_idx %arg8[%add3A_643], %get3A_642 {add = true} : memref<10752xf32, #tpu.memory_space<vmem>>[vector<16xi32>], vector<16xf32>,
      %add3A_644 = arith.constant 4 : i32
      %add3A_645 = arith.addi %mul3A_106, %add3A_644 : i32
      %broadcast_in_dim3A_646 = vector.broadcast %add3A_645 : i32 to vector<16xi32>
      %gather3A_647 = tpu.vector_load_idx %arg7[%broadcast_in_dim3A_646] : memref<128xi32, #tpu.memory_space<vmem>>[vector<16xi32>], vector<16xi32>,
      %mul3A_648 = arith.constant 512 : i32
      %mul3A_649 = vector.broadcast %mul3A_648 : i32 to vector<16xi32>
      %mul3A_650 = arith.muli %gather3A_647, %mul3A_649 : vector<16xi32>
      %get3A_651 = arith.index_cast %add3A_645 : i32 to index
      %get3A_652 = arith.constant 0 : index
      %get3A_653 = tpu.vector_load %arg6[%get3A_651, %get3A_652] {strides = array<i32>} : memref<128x512xf32, #tpu.memory_space<vmem>>, vector<16xf32>,
      %add3A_654 = arith.addi %mul3A_650, %add3A_5 : vector<16xi32>
      tpu.vector_store_idx %arg8[%add3A_654], %get3A_653 {add = true} : memref<10752xf32, #tpu.memory_space<vmem>>[vector<16xi32>], vector<16xf32>,
      %get3A_655 = arith.index_cast %add3A_645 : i32 to index
      %get3A_656 = arith.constant 16 : index
      %get3A_657 = tpu.vector_load %arg6[%get3A_655, %get3A_656] {strides = array<i32>} : memref<128x512xf32, #tpu.memory_space<vmem>>, vector<16xf32>,
      %add3A_658 = arith.addi %mul3A_650, %add3A_8 : vector<16xi32>
      tpu.vector_store_idx %arg8[%add3A_658], %get3A_657 {add = true} : memref<10752xf32, #tpu.memory_space<vmem>>[vector<16xi32>], vector<16xf32>,
      %get3A_659 = arith.index_cast %add3A_645 : i32 to index
      %get3A_660 = arith.constant 32 : index
      %get3A_661 = tpu.vector_load %arg6[%get3A_659, %get3A_660] {strides = array<i32>} : memref<128x512xf32, #tpu.memory_space<vmem>>, vector<16xf32>,
      %add3A_662 = arith.addi %mul3A_650, %add3A_11 : vector<16xi32>
      tpu.vector_store_idx %arg8[%add3A_662], %get3A_661 {add = true} : memref<10752xf32, #tpu.memory_space<vmem>>[vector<16xi32>], vector<16xf32>,
      %get3A_663 = arith.index_cast %add3A_645 : i32 to index
      %get3A_664 = arith.constant 48 : index
      %get3A_665 = tpu.vector_load %arg6[%get3A_663, %get3A_664] {strides = array<i32>} : memref<128x512xf32, #tpu.memory_space<vmem>>, vector<16xf32>,
      %add3A_666 = arith.addi %mul3A_650, %add3A_14 : vector<16xi32>
      tpu.vector_store_idx %arg8[%add3A_666], %get3A_665 {add = true} : memref<10752xf32, #tpu.memory_space<vmem>>[vector<16xi32>], vector<16xf32>,
      %get3A_667 = arith.index_cast %add3A_645 : i32 to index
      %get3A_668 = arith.constant 64 : index
      %get3A_669 = tpu.vector_load %arg6[%get3A_667, %get3A_668] {strides = array<i32>} : memref<128x512xf32, #tpu.memory_space<vmem>>, vector<16xf32>,
      %add3A_670 = arith.addi %mul3A_650, %add3A_17 : vector<16xi32>
      tpu.vector_store_idx %arg8[%add3A_670], %get3A_669 {add = true} : memref<10752xf32, #tpu.memory_space<vmem>>[vector<16xi32>], vector<16xf32>,
      %get3A_671 = arith.index_cast %add3A_645 : i32 to index
      %get3A_672 = arith.constant 80 : index
      %get3A_673 = tpu.vector_load %arg6[%get3A_671, %get3A_672] {strides = array<i32>} : memref<128x512xf32, #tpu.memory_space<vmem>>, vector<16xf32>,
      %add3A_674 = arith.addi %mul3A_650, %add3A_20 : vector<16xi32>
      tpu.vector_store_idx %arg8[%add3A_674], %get3A_673 {add = true} : memref<10752xf32, #tpu.memory_space<vmem>>[vector<16xi32>], vector<16xf32>,
      %get3A_675 = arith.index_cast %add3A_645 : i32 to index
      %get3A_676 = arith.constant 96 : index
      %get3A_677 = tpu.vector_load %arg6[%get3A_675, %get3A_676] {strides = array<i32>} : memref<128x512xf32, #tpu.memory_space<vmem>>, vector<16xf32>,
      %add3A_678 = arith.addi %mul3A_650, %add3A_23 : vector<16xi32>
      tpu.vector_store_idx %arg8[%add3A_678], %get3A_677 {add = true} : memref<10752xf32, #tpu.memory_space<vmem>>[vector<16xi32>], vector<16xf32>,
      %get3A_679 = arith.index_cast %add3A_645 : i32 to index
      %get3A_680 = arith.constant 112 : index
      %get3A_681 = tpu.vector_load %arg6[%get3A_679, %get3A_680] {strides = array<i32>} : memref<128x512xf32, #tpu.memory_space<vmem>>, vector<16xf32>,
      %add3A_682 = arith.addi %mul3A_650, %add3A_26 : vector<16xi32>
      tpu.vector_store_idx %arg8[%add3A_682], %get3A_681 {add = true} : memref<10752xf32, #tpu.memory_space<vmem>>[vector<16xi32>], vector<16xf32>,
      %get3A_683 = arith.index_cast %add3A_645 : i32 to index
      %get3A_684 = arith.constant 128 : index
      %get3A_685 = tpu.vector_load %arg6[%get3A_683, %get3A_684] {strides = array<i32>} : memref<128x512xf32, #tpu.memory_space<vmem>>, vector<16xf32>,
      %add3A_686 = arith.addi %mul3A_650, %add3A_29 : vector<16xi32>
      tpu.vector_store_idx %arg8[%add3A_686], %get3A_685 {add = true} : memref<10752xf32, #tpu.memory_space<vmem>>[vector<16xi32>], vector<16xf32>,
      %get3A_687 = arith.index_cast %add3A_645 : i32 to index
      %get3A_688 = arith.constant 144 : index
      %get3A_689 = tpu.vector_load %arg6[%get3A_687, %get3A_688] {strides = array<i32>} : memref<128x512xf32, #tpu.memory_space<vmem>>, vector<16xf32>,
      %add3A_690 = arith.addi %mul3A_650, %add3A_32 : vector<16xi32>
      tpu.vector_store_idx %arg8[%add3A_690], %get3A_689 {add = true} : memref<10752xf32, #tpu.memory_space<vmem>>[vector<16xi32>], vector<16xf32>,
      %get3A_691 = arith.index_cast %add3A_645 : i32 to index
      %get3A_692 = arith.constant 160 : index
      %get3A_693 = tpu.vector_load %arg6[%get3A_691, %get3A_692] {strides = array<i32>} : memref<128x512xf32, #tpu.memory_space<vmem>>, vector<16xf32>,
      %add3A_694 = arith.addi %mul3A_650, %add3A_35 : vector<16xi32>
      tpu.vector_store_idx %arg8[%add3A_694], %get3A_693 {add = true} : memref<10752xf32, #tpu.memory_space<vmem>>[vector<16xi32>], vector<16xf32>,
      %get3A_695 = arith.index_cast %add3A_645 : i32 to index
      %get3A_696 = arith.constant 176 : index
      %get3A_697 = tpu.vector_load %arg6[%get3A_695, %get3A_696] {strides = array<i32>} : memref<128x512xf32, #tpu.memory_space<vmem>>, vector<16xf32>,
      %add3A_698 = arith.addi %mul3A_650, %add3A_38 : vector<16xi32>
      tpu.vector_store_idx %arg8[%add3A_698], %get3A_697 {add = true} : memref<10752xf32, #tpu.memory_space<vmem>>[vector<16xi32>], vector<16xf32>,
      %get3A_699 = arith.index_cast %add3A_645 : i32 to index
      %get3A_700 = arith.constant 192 : index
      %get3A_701 = tpu.vector_load %arg6[%get3A_699, %get3A_700] {strides = array<i32>} : memref<128x512xf32, #tpu.memory_space<vmem>>, vector<16xf32>,
      %add3A_702 = arith.addi %mul3A_650, %add3A_41 : vector<16xi32>
      tpu.vector_store_idx %arg8[%add3A_702], %get3A_701 {add = true} : memref<10752xf32, #tpu.memory_space<vmem>>[vector<16xi32>], vector<16xf32>,
      %get3A_703 = arith.index_cast %add3A_645 : i32 to index
      %get3A_704 = arith.constant 208 : index
      %get3A_705 = tpu.vector_load %arg6[%get3A_703, %get3A_704] {strides = array<i32>} : memref<128x512xf32, #tpu.memory_space<vmem>>, vector<16xf32>,
      %add3A_706 = arith.addi %mul3A_650, %add3A_44 : vector<16xi32>
      tpu.vector_store_idx %arg8[%add3A_706], %get3A_705 {add = true} : memref<10752xf32, #tpu.memory_space<vmem>>[vector<16xi32>], vector<16xf32>,
      %get3A_707 = arith.index_cast %add3A_645 : i32 to index
      %get3A_708 = arith.constant 224 : index
      %get3A_709 = tpu.vector_load %arg6[%get3A_707, %get3A_708] {strides = array<i32>} : memref<128x512xf32, #tpu.memory_space<vmem>>, vector<16xf32>,
      %add3A_710 = arith.addi %mul3A_650, %add3A_47 : vector<16xi32>
      tpu.vector_store_idx %arg8[%add3A_710], %get3A_709 {add = true} : memref<10752xf32, #tpu.memory_space<vmem>>[vector<16xi32>], vector<16xf32>,
      %get3A_711 = arith.index_cast %add3A_645 : i32 to index
      %get3A_712 = arith.constant 240 : index
      %get3A_713 = tpu.vector_load %arg6[%get3A_711, %get3A_712] {strides = array<i32>} : memref<128x512xf32, #tpu.memory_space<vmem>>, vector<16xf32>,
      %add3A_714 = arith.addi %mul3A_650, %add3A_50 : vector<16xi32>
      tpu.vector_store_idx %arg8[%add3A_714], %get3A_713 {add = true} : memref<10752xf32, #tpu.memory_space<vmem>>[vector<16xi32>], vector<16xf32>,
      %get3A_715 = arith.index_cast %add3A_645 : i32 to index
      %get3A_716 = arith.constant 256 : index
      %get3A_717 = tpu.vector_load %arg6[%get3A_715, %get3A_716] {strides = array<i32>} : memref<128x512xf32, #tpu.memory_space<vmem>>, vector<16xf32>,
      %add3A_718 = arith.addi %mul3A_650, %add3A_53 : vector<16xi32>
      tpu.vector_store_idx %arg8[%add3A_718], %get3A_717 {add = true} : memref<10752xf32, #tpu.memory_space<vmem>>[vector<16xi32>], vector<16xf32>,
      %get3A_719 = arith.index_cast %add3A_645 : i32 to index
      %get3A_720 = arith.constant 272 : index
      %get3A_721 = tpu.vector_load %arg6[%get3A_719, %get3A_720] {strides = array<i32>} : memref<128x512xf32, #tpu.memory_space<vmem>>, vector<16xf32>,
      %add3A_722 = arith.addi %mul3A_650, %add3A_56 : vector<16xi32>
      tpu.vector_store_idx %arg8[%add3A_722], %get3A_721 {add = true} : memref<10752xf32, #tpu.memory_space<vmem>>[vector<16xi32>], vector<16xf32>,
      %get3A_723 = arith.index_cast %add3A_645 : i32 to index
      %get3A_724 = arith.constant 288 : index
      %get3A_725 = tpu.vector_load %arg6[%get3A_723, %get3A_724] {strides = array<i32>} : memref<128x512xf32, #tpu.memory_space<vmem>>, vector<16xf32>,
      %add3A_726 = arith.addi %mul3A_650, %add3A_59 : vector<16xi32>
      tpu.vector_store_idx %arg8[%add3A_726], %get3A_725 {add = true} : memref<10752xf32, #tpu.memory_space<vmem>>[vector<16xi32>], vector<16xf32>,
      %get3A_727 = arith.index_cast %add3A_645 : i32 to index
      %get3A_728 = arith.constant 304 : index
      %get3A_729 = tpu.vector_load %arg6[%get3A_727, %get3A_728] {strides = array<i32>} : memref<128x512xf32, #tpu.memory_space<vmem>>, vector<16xf32>,
      %add3A_730 = arith.addi %mul3A_650, %add3A_62 : vector<16xi32>
      tpu.vector_store_idx %arg8[%add3A_730], %get3A_729 {add = true} : memref<10752xf32, #tpu.memory_space<vmem>>[vector<16xi32>], vector<16xf32>,
      %get3A_731 = arith.index_cast %add3A_645 : i32 to index
      %get3A_732 = arith.constant 320 : index
      %get3A_733 = tpu.vector_load %arg6[%get3A_731, %get3A_732] {strides = array<i32>} : memref<128x512xf32, #tpu.memory_space<vmem>>, vector<16xf32>,
      %add3A_734 = arith.addi %mul3A_650, %add3A_65 : vector<16xi32>
      tpu.vector_store_idx %arg8[%add3A_734], %get3A_733 {add = true} : memref<10752xf32, #tpu.memory_space<vmem>>[vector<16xi32>], vector<16xf32>,
      %get3A_735 = arith.index_cast %add3A_645 : i32 to index
      %get3A_736 = arith.constant 336 : index
      %get3A_737 = tpu.vector_load %arg6[%get3A_735, %get3A_736] {strides = array<i32>} : memref<128x512xf32, #tpu.memory_space<vmem>>, vector<16xf32>,
      %add3A_738 = arith.addi %mul3A_650, %add3A_68 : vector<16xi32>
      tpu.vector_store_idx %arg8[%add3A_738], %get3A_737 {add = true} : memref<10752xf32, #tpu.memory_space<vmem>>[vector<16xi32>], vector<16xf32>,
      %get3A_739 = arith.index_cast %add3A_645 : i32 to index
      %get3A_740 = arith.constant 352 : index
      %get3A_741 = tpu.vector_load %arg6[%get3A_739, %get3A_740] {strides = array<i32>} : memref<128x512xf32, #tpu.memory_space<vmem>>, vector<16xf32>,
      %add3A_742 = arith.addi %mul3A_650, %add3A_71 : vector<16xi32>
      tpu.vector_store_idx %arg8[%add3A_742], %get3A_741 {add = true} : memref<10752xf32, #tpu.memory_space<vmem>>[vector<16xi32>], vector<16xf32>,
      %get3A_743 = arith.index_cast %add3A_645 : i32 to index
      %get3A_744 = arith.constant 368 : index
      %get3A_745 = tpu.vector_load %arg6[%get3A_743, %get3A_744] {strides = array<i32>} : memref<128x512xf32, #tpu.memory_space<vmem>>, vector<16xf32>,
      %add3A_746 = arith.addi %mul3A_650, %add3A_74 : vector<16xi32>
      tpu.vector_store_idx %arg8[%add3A_746], %get3A_745 {add = true} : memref<10752xf32, #tpu.memory_space<vmem>>[vector<16xi32>], vector<16xf32>,
      %get3A_747 = arith.index_cast %add3A_645 : i32 to index
      %get3A_748 = arith.constant 384 : index
      %get3A_749 = tpu.vector_load %arg6[%get3A_747, %get3A_748] {strides = array<i32>} : memref<128x512xf32, #tpu.memory_space<vmem>>, vector<16xf32>,
      %add3A_750 = arith.addi %mul3A_650, %add3A_77 : vector<16xi32>
      tpu.vector_store_idx %arg8[%add3A_750], %get3A_749 {add = true} : memref<10752xf32, #tpu.memory_space<vmem>>[vector<16xi32>], vector<16xf32>,
      %get3A_751 = arith.index_cast %add3A_645 : i32 to index
      %get3A_752 = arith.constant 400 : index
      %get3A_753 = tpu.vector_load %arg6[%get3A_751, %get3A_752] {strides = array<i32>} : memref<128x512xf32, #tpu.memory_space<vmem>>, vector<16xf32>,
      %add3A_754 = arith.addi %mul3A_650, %add3A_80 : vector<16xi32>
      tpu.vector_store_idx %arg8[%add3A_754], %get3A_753 {add = true} : memref<10752xf32, #tpu.memory_space<vmem>>[vector<16xi32>], vector<16xf32>,
      %get3A_755 = arith.index_cast %add3A_645 : i32 to index
      %get3A_756 = arith.constant 416 : index
      %get3A_757 = tpu.vector_load %arg6[%get3A_755, %get3A_756] {strides = array<i32>} : memref<128x512xf32, #tpu.memory_space<vmem>>, vector<16xf32>,
      %add3A_758 = arith.addi %mul3A_650, %add3A_83 : vector<16xi32>
      tpu.vector_store_idx %arg8[%add3A_758], %get3A_757 {add = true} : memref<10752xf32, #tpu.memory_space<vmem>>[vector<16xi32>], vector<16xf32>,
      %get3A_759 = arith.index_cast %add3A_645 : i32 to index
      %get3A_760 = arith.constant 432 : index
      %get3A_761 = tpu.vector_load %arg6[%get3A_759, %get3A_760] {strides = array<i32>} : memref<128x512xf32, #tpu.memory_space<vmem>>, vector<16xf32>,
      %add3A_762 = arith.addi %mul3A_650, %add3A_86 : vector<16xi32>
      tpu.vector_store_idx %arg8[%add3A_762], %get3A_761 {add = true} : memref<10752xf32, #tpu.memory_space<vmem>>[vector<16xi32>], vector<16xf32>,
      %get3A_763 = arith.index_cast %add3A_645 : i32 to index
      %get3A_764 = arith.constant 448 : index
      %get3A_765 = tpu.vector_load %arg6[%get3A_763, %get3A_764] {strides = array<i32>} : memref<128x512xf32, #tpu.memory_space<vmem>>, vector<16xf32>,
      %add3A_766 = arith.addi %mul3A_650, %add3A_89 : vector<16xi32>
      tpu.vector_store_idx %arg8[%add3A_766], %get3A_765 {add = true} : memref<10752xf32, #tpu.memory_space<vmem>>[vector<16xi32>], vector<16xf32>,
      %get3A_767 = arith.index_cast %add3A_645 : i32 to index
      %get3A_768 = arith.constant 464 : index
      %get3A_769 = tpu.vector_load %arg6[%get3A_767, %get3A_768] {strides = array<i32>} : memref<128x512xf32, #tpu.memory_space<vmem>>, vector<16xf32>,
      %add3A_770 = arith.addi %mul3A_650, %add3A_92 : vector<16xi32>
      tpu.vector_store_idx %arg8[%add3A_770], %get3A_769 {add = true} : memref<10752xf32, #tpu.memory_space<vmem>>[vector<16xi32>], vector<16xf32>,
      %get3A_771 = arith.index_cast %add3A_645 : i32 to index
      %get3A_772 = arith.constant 480 : index
      %get3A_773 = tpu.vector_load %arg6[%get3A_771, %get3A_772] {strides = array<i32>} : memref<128x512xf32, #tpu.memory_space<vmem>>, vector<16xf32>,
      %add3A_774 = arith.addi %mul3A_650, %add3A_95 : vector<16xi32>
      tpu.vector_store_idx %arg8[%add3A_774], %get3A_773 {add = true} : memref<10752xf32, #tpu.memory_space<vmem>>[vector<16xi32>], vector<16xf32>,
      %get3A_775 = arith.index_cast %add3A_645 : i32 to index
      %get3A_776 = arith.constant 496 : index
      %get3A_777 = tpu.vector_load %arg6[%get3A_775, %get3A_776] {strides = array<i32>} : memref<128x512xf32, #tpu.memory_space<vmem>>, vector<16xf32>,
      %add3A_778 = arith.addi %mul3A_650, %add3A_98 : vector<16xi32>
      tpu.vector_store_idx %arg8[%add3A_778], %get3A_777 {add = true} : memref<10752xf32, #tpu.memory_space<vmem>>[vector<16xi32>], vector<16xf32>,
      %add3A_779 = arith.constant 5 : i32
      %add3A_780 = arith.addi %mul3A_106, %add3A_779 : i32
      %broadcast_in_dim3A_781 = vector.broadcast %add3A_780 : i32 to vector<16xi32>
      %gather3A_782 = tpu.vector_load_idx %arg7[%broadcast_in_dim3A_781] : memref<128xi32, #tpu.memory_space<vmem>>[vector<16xi32>], vector<16xi32>,
      %mul3A_783 = arith.constant 512 : i32
      %mul3A_784 = vector.broadcast %mul3A_783 : i32 to vector<16xi32>
      %mul3A_785 = arith.muli %gather3A_782, %mul3A_784 : vector<16xi32>
      %get3A_786 = arith.index_cast %add3A_780 : i32 to index
      %get3A_787 = arith.constant 0 : index
      %get3A_788 = tpu.vector_load %arg6[%get3A_786, %get3A_787] {strides = array<i32>} : memref<128x512xf32, #tpu.memory_space<vmem>>, vector<16xf32>,
      %add3A_789 = arith.addi %mul3A_785, %add3A_5 : vector<16xi32>
      tpu.vector_store_idx %arg8[%add3A_789], %get3A_788 {add = true} : memref<10752xf32, #tpu.memory_space<vmem>>[vector<16xi32>], vector<16xf32>,
      %get3A_790 = arith.index_cast %add3A_780 : i32 to index
      %get3A_791 = arith.constant 16 : index
      %get3A_792 = tpu.vector_load %arg6[%get3A_790, %get3A_791] {strides = array<i32>} : memref<128x512xf32, #tpu.memory_space<vmem>>, vector<16xf32>,
      %add3A_793 = arith.addi %mul3A_785, %add3A_8 : vector<16xi32>
      tpu.vector_store_idx %arg8[%add3A_793], %get3A_792 {add = true} : memref<10752xf32, #tpu.memory_space<vmem>>[vector<16xi32>], vector<16xf32>,
      %get3A_794 = arith.index_cast %add3A_780 : i32 to index
      %get3A_795 = arith.constant 32 : index
      %get3A_796 = tpu.vector_load %arg6[%get3A_794, %get3A_795] {strides = array<i32>} : memref<128x512xf32, #tpu.memory_space<vmem>>, vector<16xf32>,
      %add3A_797 = arith.addi %mul3A_785, %add3A_11 : vector<16xi32>
      tpu.vector_store_idx %arg8[%add3A_797], %get3A_796 {add = true} : memref<10752xf32, #tpu.memory_space<vmem>>[vector<16xi32>], vector<16xf32>,
      %get3A_798 = arith.index_cast %add3A_780 : i32 to index
      %get3A_799 = arith.constant 48 : index
      %get3A_800 = tpu.vector_load %arg6[%get3A_798, %get3A_799] {strides = array<i32>} : memref<128x512xf32, #tpu.memory_space<vmem>>, vector<16xf32>,
      %add3A_801 = arith.addi %mul3A_785, %add3A_14 : vector<16xi32>
      tpu.vector_store_idx %arg8[%add3A_801], %get3A_800 {add = true} : memref<10752xf32, #tpu.memory_space<vmem>>[vector<16xi32>], vector<16xf32>,
      %get3A_802 = arith.index_cast %add3A_780 : i32 to index
      %get3A_803 = arith.constant 64 : index
      %get3A_804 = tpu.vector_load %arg6[%get3A_802, %get3A_803] {strides = array<i32>} : memref<128x512xf32, #tpu.memory_space<vmem>>, vector<16xf32>,
      %add3A_805 = arith.addi %mul3A_785, %add3A_17 : vector<16xi32>
      tpu.vector_store_idx %arg8[%add3A_805], %get3A_804 {add = true} : memref<10752xf32, #tpu.memory_space<vmem>>[vector<16xi32>], vector<16xf32>,
      %get3A_806 = arith.index_cast %add3A_780 : i32 to index
      %get3A_807 = arith.constant 80 : index
      %get3A_808 = tpu.vector_load %arg6[%get3A_806, %get3A_807] {strides = array<i32>} : memref<128x512xf32, #tpu.memory_space<vmem>>, vector<16xf32>,
      %add3A_809 = arith.addi %mul3A_785, %add3A_20 : vector<16xi32>
      tpu.vector_store_idx %arg8[%add3A_809], %get3A_808 {add = true} : memref<10752xf32, #tpu.memory_space<vmem>>[vector<16xi32>], vector<16xf32>,
      %get3A_810 = arith.index_cast %add3A_780 : i32 to index
      %get3A_811 = arith.constant 96 : index
      %get3A_812 = tpu.vector_load %arg6[%get3A_810, %get3A_811] {strides = array<i32>} : memref<128x512xf32, #tpu.memory_space<vmem>>, vector<16xf32>,
      %add3A_813 = arith.addi %mul3A_785, %add3A_23 : vector<16xi32>
      tpu.vector_store_idx %arg8[%add3A_813], %get3A_812 {add = true} : memref<10752xf32, #tpu.memory_space<vmem>>[vector<16xi32>], vector<16xf32>,
      %get3A_814 = arith.index_cast %add3A_780 : i32 to index
      %get3A_815 = arith.constant 112 : index
      %get3A_816 = tpu.vector_load %arg6[%get3A_814, %get3A_815] {strides = array<i32>} : memref<128x512xf32, #tpu.memory_space<vmem>>, vector<16xf32>,
      %add3A_817 = arith.addi %mul3A_785, %add3A_26 : vector<16xi32>
      tpu.vector_store_idx %arg8[%add3A_817], %get3A_816 {add = true} : memref<10752xf32, #tpu.memory_space<vmem>>[vector<16xi32>], vector<16xf32>,
      %get3A_818 = arith.index_cast %add3A_780 : i32 to index
      %get3A_819 = arith.constant 128 : index
      %get3A_820 = tpu.vector_load %arg6[%get3A_818, %get3A_819] {strides = array<i32>} : memref<128x512xf32, #tpu.memory_space<vmem>>, vector<16xf32>,
      %add3A_821 = arith.addi %mul3A_785, %add3A_29 : vector<16xi32>
      tpu.vector_store_idx %arg8[%add3A_821], %get3A_820 {add = true} : memref<10752xf32, #tpu.memory_space<vmem>>[vector<16xi32>], vector<16xf32>,
      %get3A_822 = arith.index_cast %add3A_780 : i32 to index
      %get3A_823 = arith.constant 144 : index
      %get3A_824 = tpu.vector_load %arg6[%get3A_822, %get3A_823] {strides = array<i32>} : memref<128x512xf32, #tpu.memory_space<vmem>>, vector<16xf32>,
      %add3A_825 = arith.addi %mul3A_785, %add3A_32 : vector<16xi32>
      tpu.vector_store_idx %arg8[%add3A_825], %get3A_824 {add = true} : memref<10752xf32, #tpu.memory_space<vmem>>[vector<16xi32>], vector<16xf32>,
      %get3A_826 = arith.index_cast %add3A_780 : i32 to index
      %get3A_827 = arith.constant 160 : index
      %get3A_828 = tpu.vector_load %arg6[%get3A_826, %get3A_827] {strides = array<i32>} : memref<128x512xf32, #tpu.memory_space<vmem>>, vector<16xf32>,
      %add3A_829 = arith.addi %mul3A_785, %add3A_35 : vector<16xi32>
      tpu.vector_store_idx %arg8[%add3A_829], %get3A_828 {add = true} : memref<10752xf32, #tpu.memory_space<vmem>>[vector<16xi32>], vector<16xf32>,
      %get3A_830 = arith.index_cast %add3A_780 : i32 to index
      %get3A_831 = arith.constant 176 : index
      %get3A_832 = tpu.vector_load %arg6[%get3A_830, %get3A_831] {strides = array<i32>} : memref<128x512xf32, #tpu.memory_space<vmem>>, vector<16xf32>,
      %add3A_833 = arith.addi %mul3A_785, %add3A_38 : vector<16xi32>
      tpu.vector_store_idx %arg8[%add3A_833], %get3A_832 {add = true} : memref<10752xf32, #tpu.memory_space<vmem>>[vector<16xi32>], vector<16xf32>,
      %get3A_834 = arith.index_cast %add3A_780 : i32 to index
      %get3A_835 = arith.constant 192 : index
      %get3A_836 = tpu.vector_load %arg6[%get3A_834, %get3A_835] {strides = array<i32>} : memref<128x512xf32, #tpu.memory_space<vmem>>, vector<16xf32>,
      %add3A_837 = arith.addi %mul3A_785, %add3A_41 : vector<16xi32>
      tpu.vector_store_idx %arg8[%add3A_837], %get3A_836 {add = true} : memref<10752xf32, #tpu.memory_space<vmem>>[vector<16xi32>], vector<16xf32>,
      %get3A_838 = arith.index_cast %add3A_780 : i32 to index
      %get3A_839 = arith.constant 208 : index
      %get3A_840 = tpu.vector_load %arg6[%get3A_838, %get3A_839] {strides = array<i32>} : memref<128x512xf32, #tpu.memory_space<vmem>>, vector<16xf32>,
      %add3A_841 = arith.addi %mul3A_785, %add3A_44 : vector<16xi32>
      tpu.vector_store_idx %arg8[%add3A_841], %get3A_840 {add = true} : memref<10752xf32, #tpu.memory_space<vmem>>[vector<16xi32>], vector<16xf32>,
      %get3A_842 = arith.index_cast %add3A_780 : i32 to index
      %get3A_843 = arith.constant 224 : index
      %get3A_844 = tpu.vector_load %arg6[%get3A_842, %get3A_843] {strides = array<i32>} : memref<128x512xf32, #tpu.memory_space<vmem>>, vector<16xf32>,
      %add3A_845 = arith.addi %mul3A_785, %add3A_47 : vector<16xi32>
      tpu.vector_store_idx %arg8[%add3A_845], %get3A_844 {add = true} : memref<10752xf32, #tpu.memory_space<vmem>>[vector<16xi32>], vector<16xf32>,
      %get3A_846 = arith.index_cast %add3A_780 : i32 to index
      %get3A_847 = arith.constant 240 : index
      %get3A_848 = tpu.vector_load %arg6[%get3A_846, %get3A_847] {strides = array<i32>} : memref<128x512xf32, #tpu.memory_space<vmem>>, vector<16xf32>,
      %add3A_849 = arith.addi %mul3A_785, %add3A_50 : vector<16xi32>
      tpu.vector_store_idx %arg8[%add3A_849], %get3A_848 {add = true} : memref<10752xf32, #tpu.memory_space<vmem>>[vector<16xi32>], vector<16xf32>,
      %get3A_850 = arith.index_cast %add3A_780 : i32 to index
      %get3A_851 = arith.constant 256 : index
      %get3A_852 = tpu.vector_load %arg6[%get3A_850, %get3A_851] {strides = array<i32>} : memref<128x512xf32, #tpu.memory_space<vmem>>, vector<16xf32>,
      %add3A_853 = arith.addi %mul3A_785, %add3A_53 : vector<16xi32>
      tpu.vector_store_idx %arg8[%add3A_853], %get3A_852 {add = true} : memref<10752xf32, #tpu.memory_space<vmem>>[vector<16xi32>], vector<16xf32>,
      %get3A_854 = arith.index_cast %add3A_780 : i32 to index
      %get3A_855 = arith.constant 272 : index
      %get3A_856 = tpu.vector_load %arg6[%get3A_854, %get3A_855] {strides = array<i32>} : memref<128x512xf32, #tpu.memory_space<vmem>>, vector<16xf32>,
      %add3A_857 = arith.addi %mul3A_785, %add3A_56 : vector<16xi32>
      tpu.vector_store_idx %arg8[%add3A_857], %get3A_856 {add = true} : memref<10752xf32, #tpu.memory_space<vmem>>[vector<16xi32>], vector<16xf32>,
      %get3A_858 = arith.index_cast %add3A_780 : i32 to index
      %get3A_859 = arith.constant 288 : index
      %get3A_860 = tpu.vector_load %arg6[%get3A_858, %get3A_859] {strides = array<i32>} : memref<128x512xf32, #tpu.memory_space<vmem>>, vector<16xf32>,
      %add3A_861 = arith.addi %mul3A_785, %add3A_59 : vector<16xi32>
      tpu.vector_store_idx %arg8[%add3A_861], %get3A_860 {add = true} : memref<10752xf32, #tpu.memory_space<vmem>>[vector<16xi32>], vector<16xf32>,
      %get3A_862 = arith.index_cast %add3A_780 : i32 to index
      %get3A_863 = arith.constant 304 : index
      %get3A_864 = tpu.vector_load %arg6[%get3A_862, %get3A_863] {strides = array<i32>} : memref<128x512xf32, #tpu.memory_space<vmem>>, vector<16xf32>,
      %add3A_865 = arith.addi %mul3A_785, %add3A_62 : vector<16xi32>
      tpu.vector_store_idx %arg8[%add3A_865], %get3A_864 {add = true} : memref<10752xf32, #tpu.memory_space<vmem>>[vector<16xi32>], vector<16xf32>,
      %get3A_866 = arith.index_cast %add3A_780 : i32 to index
      %get3A_867 = arith.constant 320 : index
      %get3A_868 = tpu.vector_load %arg6[%get3A_866, %get3A_867] {strides = array<i32>} : memref<128x512xf32, #tpu.memory_space<vmem>>, vector<16xf32>,
      %add3A_869 = arith.addi %mul3A_785, %add3A_65 : vector<16xi32>
      tpu.vector_store_idx %arg8[%add3A_869], %get3A_868 {add = true} : memref<10752xf32, #tpu.memory_space<vmem>>[vector<16xi32>], vector<16xf32>,
      %get3A_870 = arith.index_cast %add3A_780 : i32 to index
      %get3A_871 = arith.constant 336 : index
      %get3A_872 = tpu.vector_load %arg6[%get3A_870, %get3A_871] {strides = array<i32>} : memref<128x512xf32, #tpu.memory_space<vmem>>, vector<16xf32>,
      %add3A_873 = arith.addi %mul3A_785, %add3A_68 : vector<16xi32>
      tpu.vector_store_idx %arg8[%add3A_873], %get3A_872 {add = true} : memref<10752xf32, #tpu.memory_space<vmem>>[vector<16xi32>], vector<16xf32>,
      %get3A_874 = arith.index_cast %add3A_780 : i32 to index
      %get3A_875 = arith.constant 352 : index
      %get3A_876 = tpu.vector_load %arg6[%get3A_874, %get3A_875] {strides = array<i32>} : memref<128x512xf32, #tpu.memory_space<vmem>>, vector<16xf32>,
      %add3A_877 = arith.addi %mul3A_785, %add3A_71 : vector<16xi32>
      tpu.vector_store_idx %arg8[%add3A_877], %get3A_876 {add = true} : memref<10752xf32, #tpu.memory_space<vmem>>[vector<16xi32>], vector<16xf32>,
      %get3A_878 = arith.index_cast %add3A_780 : i32 to index
      %get3A_879 = arith.constant 368 : index
      %get3A_880 = tpu.vector_load %arg6[%get3A_878, %get3A_879] {strides = array<i32>} : memref<128x512xf32, #tpu.memory_space<vmem>>, vector<16xf32>,
      %add3A_881 = arith.addi %mul3A_785, %add3A_74 : vector<16xi32>
      tpu.vector_store_idx %arg8[%add3A_881], %get3A_880 {add = true} : memref<10752xf32, #tpu.memory_space<vmem>>[vector<16xi32>], vector<16xf32>,
      %get3A_882 = arith.index_cast %add3A_780 : i32 to index
      %get3A_883 = arith.constant 384 : index
      %get3A_884 = tpu.vector_load %arg6[%get3A_882, %get3A_883] {strides = array<i32>} : memref<128x512xf32, #tpu.memory_space<vmem>>, vector<16xf32>,
      %add3A_885 = arith.addi %mul3A_785, %add3A_77 : vector<16xi32>
      tpu.vector_store_idx %arg8[%add3A_885], %get3A_884 {add = true} : memref<10752xf32, #tpu.memory_space<vmem>>[vector<16xi32>], vector<16xf32>,
      %get3A_886 = arith.index_cast %add3A_780 : i32 to index
      %get3A_887 = arith.constant 400 : index
      %get3A_888 = tpu.vector_load %arg6[%get3A_886, %get3A_887] {strides = array<i32>} : memref<128x512xf32, #tpu.memory_space<vmem>>, vector<16xf32>,
      %add3A_889 = arith.addi %mul3A_785, %add3A_80 : vector<16xi32>
      tpu.vector_store_idx %arg8[%add3A_889], %get3A_888 {add = true} : memref<10752xf32, #tpu.memory_space<vmem>>[vector<16xi32>], vector<16xf32>,
      %get3A_890 = arith.index_cast %add3A_780 : i32 to index
      %get3A_891 = arith.constant 416 : index
      %get3A_892 = tpu.vector_load %arg6[%get3A_890, %get3A_891] {strides = array<i32>} : memref<128x512xf32, #tpu.memory_space<vmem>>, vector<16xf32>,
      %add3A_893 = arith.addi %mul3A_785, %add3A_83 : vector<16xi32>
      tpu.vector_store_idx %arg8[%add3A_893], %get3A_892 {add = true} : memref<10752xf32, #tpu.memory_space<vmem>>[vector<16xi32>], vector<16xf32>,
      %get3A_894 = arith.index_cast %add3A_780 : i32 to index
      %get3A_895 = arith.constant 432 : index
      %get3A_896 = tpu.vector_load %arg6[%get3A_894, %get3A_895] {strides = array<i32>} : memref<128x512xf32, #tpu.memory_space<vmem>>, vector<16xf32>,
      %add3A_897 = arith.addi %mul3A_785, %add3A_86 : vector<16xi32>
      tpu.vector_store_idx %arg8[%add3A_897], %get3A_896 {add = true} : memref<10752xf32, #tpu.memory_space<vmem>>[vector<16xi32>], vector<16xf32>,
      %get3A_898 = arith.index_cast %add3A_780 : i32 to index
      %get3A_899 = arith.constant 448 : index
      %get3A_900 = tpu.vector_load %arg6[%get3A_898, %get3A_899] {strides = array<i32>} : memref<128x512xf32, #tpu.memory_space<vmem>>, vector<16xf32>,
      %add3A_901 = arith.addi %mul3A_785, %add3A_89 : vector<16xi32>
      tpu.vector_store_idx %arg8[%add3A_901], %get3A_900 {add = true} : memref<10752xf32, #tpu.memory_space<vmem>>[vector<16xi32>], vector<16xf32>,
      %get3A_902 = arith.index_cast %add3A_780 : i32 to index
      %get3A_903 = arith.constant 464 : index
      %get3A_904 = tpu.vector_load %arg6[%get3A_902, %get3A_903] {strides = array<i32>} : memref<128x512xf32, #tpu.memory_space<vmem>>, vector<16xf32>,
      %add3A_905 = arith.addi %mul3A_785, %add3A_92 : vector<16xi32>
      tpu.vector_store_idx %arg8[%add3A_905], %get3A_904 {add = true} : memref<10752xf32, #tpu.memory_space<vmem>>[vector<16xi32>], vector<16xf32>,
      %get3A_906 = arith.index_cast %add3A_780 : i32 to index
      %get3A_907 = arith.constant 480 : index
      %get3A_908 = tpu.vector_load %arg6[%get3A_906, %get3A_907] {strides = array<i32>} : memref<128x512xf32, #tpu.memory_space<vmem>>, vector<16xf32>,
      %add3A_909 = arith.addi %mul3A_785, %add3A_95 : vector<16xi32>
      tpu.vector_store_idx %arg8[%add3A_909], %get3A_908 {add = true} : memref<10752xf32, #tpu.memory_space<vmem>>[vector<16xi32>], vector<16xf32>,
      %get3A_910 = arith.index_cast %add3A_780 : i32 to index
      %get3A_911 = arith.constant 496 : index
      %get3A_912 = tpu.vector_load %arg6[%get3A_910, %get3A_911] {strides = array<i32>} : memref<128x512xf32, #tpu.memory_space<vmem>>, vector<16xf32>,
      %add3A_913 = arith.addi %mul3A_785, %add3A_98 : vector<16xi32>
      tpu.vector_store_idx %arg8[%add3A_913], %get3A_912 {add = true} : memref<10752xf32, #tpu.memory_space<vmem>>[vector<16xi32>], vector<16xf32>,
      %add3A_914 = arith.constant 6 : i32
      %add3A_915 = arith.addi %mul3A_106, %add3A_914 : i32
      %broadcast_in_dim3A_916 = vector.broadcast %add3A_915 : i32 to vector<16xi32>
      %gather3A_917 = tpu.vector_load_idx %arg7[%broadcast_in_dim3A_916] : memref<128xi32, #tpu.memory_space<vmem>>[vector<16xi32>], vector<16xi32>,
      %mul3A_918 = arith.constant 512 : i32
      %mul3A_919 = vector.broadcast %mul3A_918 : i32 to vector<16xi32>
      %mul3A_920 = arith.muli %gather3A_917, %mul3A_919 : vector<16xi32>
      %get3A_921 = arith.index_cast %add3A_915 : i32 to index
      %get3A_922 = arith.constant 0 : index
      %get3A_923 = tpu.vector_load %arg6[%get3A_921, %get3A_922] {strides = array<i32>} : memref<128x512xf32, #tpu.memory_space<vmem>>, vector<16xf32>,
      %add3A_924 = arith.addi %mul3A_920, %add3A_5 : vector<16xi32>
      tpu.vector_store_idx %arg8[%add3A_924], %get3A_923 {add = true} : memref<10752xf32, #tpu.memory_space<vmem>>[vector<16xi32>], vector<16xf32>,
      %get3A_925 = arith.index_cast %add3A_915 : i32 to index
      %get3A_926 = arith.constant 16 : index
      %get3A_927 = tpu.vector_load %arg6[%get3A_925, %get3A_926] {strides = array<i32>} : memref<128x512xf32, #tpu.memory_space<vmem>>, vector<16xf32>,
      %add3A_928 = arith.addi %mul3A_920, %add3A_8 : vector<16xi32>
      tpu.vector_store_idx %arg8[%add3A_928], %get3A_927 {add = true} : memref<10752xf32, #tpu.memory_space<vmem>>[vector<16xi32>], vector<16xf32>,
      %get3A_929 = arith.index_cast %add3A_915 : i32 to index
      %get3A_930 = arith.constant 32 : index
      %get3A_931 = tpu.vector_load %arg6[%get3A_929, %get3A_930] {strides = array<i32>} : memref<128x512xf32, #tpu.memory_space<vmem>>, vector<16xf32>,
      %add3A_932 = arith.addi %mul3A_920, %add3A_11 : vector<16xi32>
      tpu.vector_store_idx %arg8[%add3A_932], %get3A_931 {add = true} : memref<10752xf32, #tpu.memory_space<vmem>>[vector<16xi32>], vector<16xf32>,
      %get3A_933 = arith.index_cast %add3A_915 : i32 to index
      %get3A_934 = arith.constant 48 : index
      %get3A_935 = tpu.vector_load %arg6[%get3A_933, %get3A_934] {strides = array<i32>} : memref<128x512xf32, #tpu.memory_space<vmem>>, vector<16xf32>,
      %add3A_936 = arith.addi %mul3A_920, %add3A_14 : vector<16xi32>
      tpu.vector_store_idx %arg8[%add3A_936], %get3A_935 {add = true} : memref<10752xf32, #tpu.memory_space<vmem>>[vector<16xi32>], vector<16xf32>,
      %get3A_937 = arith.index_cast %add3A_915 : i32 to index
      %get3A_938 = arith.constant 64 : index
      %get3A_939 = tpu.vector_load %arg6[%get3A_937, %get3A_938] {strides = array<i32>} : memref<128x512xf32, #tpu.memory_space<vmem>>, vector<16xf32>,
      %add3A_940 = arith.addi %mul3A_920, %add3A_17 : vector<16xi32>
      tpu.vector_store_idx %arg8[%add3A_940], %get3A_939 {add = true} : memref<10752xf32, #tpu.memory_space<vmem>>[vector<16xi32>], vector<16xf32>,
      %get3A_941 = arith.index_cast %add3A_915 : i32 to index
      %get3A_942 = arith.constant 80 : index
      %get3A_943 = tpu.vector_load %arg6[%get3A_941, %get3A_942] {strides = array<i32>} : memref<128x512xf32, #tpu.memory_space<vmem>>, vector<16xf32>,
      %add3A_944 = arith.addi %mul3A_920, %add3A_20 : vector<16xi32>
      tpu.vector_store_idx %arg8[%add3A_944], %get3A_943 {add = true} : memref<10752xf32, #tpu.memory_space<vmem>>[vector<16xi32>], vector<16xf32>,
      %get3A_945 = arith.index_cast %add3A_915 : i32 to index
      %get3A_946 = arith.constant 96 : index
      %get3A_947 = tpu.vector_load %arg6[%get3A_945, %get3A_946] {strides = array<i32>} : memref<128x512xf32, #tpu.memory_space<vmem>>, vector<16xf32>,
      %add3A_948 = arith.addi %mul3A_920, %add3A_23 : vector<16xi32>
      tpu.vector_store_idx %arg8[%add3A_948], %get3A_947 {add = true} : memref<10752xf32, #tpu.memory_space<vmem>>[vector<16xi32>], vector<16xf32>,
      %get3A_949 = arith.index_cast %add3A_915 : i32 to index
      %get3A_950 = arith.constant 112 : index
      %get3A_951 = tpu.vector_load %arg6[%get3A_949, %get3A_950] {strides = array<i32>} : memref<128x512xf32, #tpu.memory_space<vmem>>, vector<16xf32>,
      %add3A_952 = arith.addi %mul3A_920, %add3A_26 : vector<16xi32>
      tpu.vector_store_idx %arg8[%add3A_952], %get3A_951 {add = true} : memref<10752xf32, #tpu.memory_space<vmem>>[vector<16xi32>], vector<16xf32>,
      %get3A_953 = arith.index_cast %add3A_915 : i32 to index
      %get3A_954 = arith.constant 128 : index
      %get3A_955 = tpu.vector_load %arg6[%get3A_953, %get3A_954] {strides = array<i32>} : memref<128x512xf32, #tpu.memory_space<vmem>>, vector<16xf32>,
      %add3A_956 = arith.addi %mul3A_920, %add3A_29 : vector<16xi32>
      tpu.vector_store_idx %arg8[%add3A_956], %get3A_955 {add = true} : memref<10752xf32, #tpu.memory_space<vmem>>[vector<16xi32>], vector<16xf32>,
      %get3A_957 = arith.index_cast %add3A_915 : i32 to index
      %get3A_958 = arith.constant 144 : index
      %get3A_959 = tpu.vector_load %arg6[%get3A_957, %get3A_958] {strides = array<i32>} : memref<128x512xf32, #tpu.memory_space<vmem>>, vector<16xf32>,
      %add3A_960 = arith.addi %mul3A_920, %add3A_32 : vector<16xi32>
      tpu.vector_store_idx %arg8[%add3A_960], %get3A_959 {add = true} : memref<10752xf32, #tpu.memory_space<vmem>>[vector<16xi32>], vector<16xf32>,
      %get3A_961 = arith.index_cast %add3A_915 : i32 to index
      %get3A_962 = arith.constant 160 : index
      %get3A_963 = tpu.vector_load %arg6[%get3A_961, %get3A_962] {strides = array<i32>} : memref<128x512xf32, #tpu.memory_space<vmem>>, vector<16xf32>,
      %add3A_964 = arith.addi %mul3A_920, %add3A_35 : vector<16xi32>
      tpu.vector_store_idx %arg8[%add3A_964], %get3A_963 {add = true} : memref<10752xf32, #tpu.memory_space<vmem>>[vector<16xi32>], vector<16xf32>,
      %get3A_965 = arith.index_cast %add3A_915 : i32 to index
      %get3A_966 = arith.constant 176 : index
      %get3A_967 = tpu.vector_load %arg6[%get3A_965, %get3A_966] {strides = array<i32>} : memref<128x512xf32, #tpu.memory_space<vmem>>, vector<16xf32>,
      %add3A_968 = arith.addi %mul3A_920, %add3A_38 : vector<16xi32>
      tpu.vector_store_idx %arg8[%add3A_968], %get3A_967 {add = true} : memref<10752xf32, #tpu.memory_space<vmem>>[vector<16xi32>], vector<16xf32>,
      %get3A_969 = arith.index_cast %add3A_915 : i32 to index
      %get3A_970 = arith.constant 192 : index
      %get3A_971 = tpu.vector_load %arg6[%get3A_969, %get3A_970] {strides = array<i32>} : memref<128x512xf32, #tpu.memory_space<vmem>>, vector<16xf32>,
      %add3A_972 = arith.addi %mul3A_920, %add3A_41 : vector<16xi32>
      tpu.vector_store_idx %arg8[%add3A_972], %get3A_971 {add = true} : memref<10752xf32, #tpu.memory_space<vmem>>[vector<16xi32>], vector<16xf32>,
      %get3A_973 = arith.index_cast %add3A_915 : i32 to index
      %get3A_974 = arith.constant 208 : index
      %get3A_975 = tpu.vector_load %arg6[%get3A_973, %get3A_974] {strides = array<i32>} : memref<128x512xf32, #tpu.memory_space<vmem>>, vector<16xf32>,
      %add3A_976 = arith.addi %mul3A_920, %add3A_44 : vector<16xi32>
      tpu.vector_store_idx %arg8[%add3A_976], %get3A_975 {add = true} : memref<10752xf32, #tpu.memory_space<vmem>>[vector<16xi32>], vector<16xf32>,
      %get3A_977 = arith.index_cast %add3A_915 : i32 to index
      %get3A_978 = arith.constant 224 : index
      %get3A_979 = tpu.vector_load %arg6[%get3A_977, %get3A_978] {strides = array<i32>} : memref<128x512xf32, #tpu.memory_space<vmem>>, vector<16xf32>,
      %add3A_980 = arith.addi %mul3A_920, %add3A_47 : vector<16xi32>
      tpu.vector_store_idx %arg8[%add3A_980], %get3A_979 {add = true} : memref<10752xf32, #tpu.memory_space<vmem>>[vector<16xi32>], vector<16xf32>,
      %get3A_981 = arith.index_cast %add3A_915 : i32 to index
      %get3A_982 = arith.constant 240 : index
      %get3A_983 = tpu.vector_load %arg6[%get3A_981, %get3A_982] {strides = array<i32>} : memref<128x512xf32, #tpu.memory_space<vmem>>, vector<16xf32>,
      %add3A_984 = arith.addi %mul3A_920, %add3A_50 : vector<16xi32>
      tpu.vector_store_idx %arg8[%add3A_984], %get3A_983 {add = true} : memref<10752xf32, #tpu.memory_space<vmem>>[vector<16xi32>], vector<16xf32>,
      %get3A_985 = arith.index_cast %add3A_915 : i32 to index
      %get3A_986 = arith.constant 256 : index
      %get3A_987 = tpu.vector_load %arg6[%get3A_985, %get3A_986] {strides = array<i32>} : memref<128x512xf32, #tpu.memory_space<vmem>>, vector<16xf32>,
      %add3A_988 = arith.addi %mul3A_920, %add3A_53 : vector<16xi32>
      tpu.vector_store_idx %arg8[%add3A_988], %get3A_987 {add = true} : memref<10752xf32, #tpu.memory_space<vmem>>[vector<16xi32>], vector<16xf32>,
      %get3A_989 = arith.index_cast %add3A_915 : i32 to index
      %get3A_990 = arith.constant 272 : index
      %get3A_991 = tpu.vector_load %arg6[%get3A_989, %get3A_990] {strides = array<i32>} : memref<128x512xf32, #tpu.memory_space<vmem>>, vector<16xf32>,
      %add3A_992 = arith.addi %mul3A_920, %add3A_56 : vector<16xi32>
      tpu.vector_store_idx %arg8[%add3A_992], %get3A_991 {add = true} : memref<10752xf32, #tpu.memory_space<vmem>>[vector<16xi32>], vector<16xf32>,
      %get3A_993 = arith.index_cast %add3A_915 : i32 to index
      %get3A_994 = arith.constant 288 : index
      %get3A_995 = tpu.vector_load %arg6[%get3A_993, %get3A_994] {strides = array<i32>} : memref<128x512xf32, #tpu.memory_space<vmem>>, vector<16xf32>,
      %add3A_996 = arith.addi %mul3A_920, %add3A_59 : vector<16xi32>
      tpu.vector_store_idx %arg8[%add3A_996], %get3A_995 {add = true} : memref<10752xf32, #tpu.memory_space<vmem>>[vector<16xi32>], vector<16xf32>,
      %get3A_997 = arith.index_cast %add3A_915 : i32 to index
      %get3A_998 = arith.constant 304 : index
      %get3A_999 = tpu.vector_load %arg6[%get3A_997, %get3A_998] {strides = array<i32>} : memref<128x512xf32, #tpu.memory_space<vmem>>, vector<16xf32>,
      %add3A_1000 = arith.addi %mul3A_920, %add3A_62 : vector<16xi32>
      tpu.vector_store_idx %arg8[%add3A_1000], %get3A_999 {add = true} : memref<10752xf32, #tpu.memory_space<vmem>>[vector<16xi32>], vector<16xf32>,
      %get3A_1001 = arith.index_cast %add3A_915 : i32 to index
      %get3A_1002 = arith.constant 320 : index
      %get3A_1003 = tpu.vector_load %arg6[%get3A_1001, %get3A_1002] {strides = array<i32>} : memref<128x512xf32, #tpu.memory_space<vmem>>, vector<16xf32>,
      %add3A_1004 = arith.addi %mul3A_920, %add3A_65 : vector<16xi32>
      tpu.vector_store_idx %arg8[%add3A_1004], %get3A_1003 {add = true} : memref<10752xf32, #tpu.memory_space<vmem>>[vector<16xi32>], vector<16xf32>,
      %get3A_1005 = arith.index_cast %add3A_915 : i32 to index
      %get3A_1006 = arith.constant 336 : index
      %get3A_1007 = tpu.vector_load %arg6[%get3A_1005, %get3A_1006] {strides = array<i32>} : memref<128x512xf32, #tpu.memory_space<vmem>>, vector<16xf32>,
      %add3A_1008 = arith.addi %mul3A_920, %add3A_68 : vector<16xi32>
      tpu.vector_store_idx %arg8[%add3A_1008], %get3A_1007 {add = true} : memref<10752xf32, #tpu.memory_space<vmem>>[vector<16xi32>], vector<16xf32>,
      %get3A_1009 = arith.index_cast %add3A_915 : i32 to index
      %get3A_1010 = arith.constant 352 : index
      %get3A_1011 = tpu.vector_load %arg6[%get3A_1009, %get3A_1010] {strides = array<i32>} : memref<128x512xf32, #tpu.memory_space<vmem>>, vector<16xf32>,
      %add3A_1012 = arith.addi %mul3A_920, %add3A_71 : vector<16xi32>
      tpu.vector_store_idx %arg8[%add3A_1012], %get3A_1011 {add = true} : memref<10752xf32, #tpu.memory_space<vmem>>[vector<16xi32>], vector<16xf32>,
      %get3A_1013 = arith.index_cast %add3A_915 : i32 to index
      %get3A_1014 = arith.constant 368 : index
      %get3A_1015 = tpu.vector_load %arg6[%get3A_1013, %get3A_1014] {strides = array<i32>} : memref<128x512xf32, #tpu.memory_space<vmem>>, vector<16xf32>,
      %add3A_1016 = arith.addi %mul3A_920, %add3A_74 : vector<16xi32>
      tpu.vector_store_idx %arg8[%add3A_1016], %get3A_1015 {add = true} : memref<10752xf32, #tpu.memory_space<vmem>>[vector<16xi32>], vector<16xf32>,
      %get3A_1017 = arith.index_cast %add3A_915 : i32 to index
      %get3A_1018 = arith.constant 384 : index
      %get3A_1019 = tpu.vector_load %arg6[%get3A_1017, %get3A_1018] {strides = array<i32>} : memref<128x512xf32, #tpu.memory_space<vmem>>, vector<16xf32>,
      %add3A_1020 = arith.addi %mul3A_920, %add3A_77 : vector<16xi32>
      tpu.vector_store_idx %arg8[%add3A_1020], %get3A_1019 {add = true} : memref<10752xf32, #tpu.memory_space<vmem>>[vector<16xi32>], vector<16xf32>,
      %get3A_1021 = arith.index_cast %add3A_915 : i32 to index
      %get3A_1022 = arith.constant 400 : index
      %get3A_1023 = tpu.vector_load %arg6[%get3A_1021, %get3A_1022] {strides = array<i32>} : memref<128x512xf32, #tpu.memory_space<vmem>>, vector<16xf32>,
      %add3A_1024 = arith.addi %mul3A_920, %add3A_80 : vector<16xi32>
      tpu.vector_store_idx %arg8[%add3A_1024], %get3A_1023 {add = true} : memref<10752xf32, #tpu.memory_space<vmem>>[vector<16xi32>], vector<16xf32>,
      %get3A_1025 = arith.index_cast %add3A_915 : i32 to index
      %get3A_1026 = arith.constant 416 : index
      %get3A_1027 = tpu.vector_load %arg6[%get3A_1025, %get3A_1026] {strides = array<i32>} : memref<128x512xf32, #tpu.memory_space<vmem>>, vector<16xf32>,
      %add3A_1028 = arith.addi %mul3A_920, %add3A_83 : vector<16xi32>
      tpu.vector_store_idx %arg8[%add3A_1028], %get3A_1027 {add = true} : memref<10752xf32, #tpu.memory_space<vmem>>[vector<16xi32>], vector<16xf32>,
      %get3A_1029 = arith.index_cast %add3A_915 : i32 to index
      %get3A_1030 = arith.constant 432 : index
      %get3A_1031 = tpu.vector_load %arg6[%get3A_1029, %get3A_1030] {strides = array<i32>} : memref<128x512xf32, #tpu.memory_space<vmem>>, vector<16xf32>,
      %add3A_1032 = arith.addi %mul3A_920, %add3A_86 : vector<16xi32>
      tpu.vector_store_idx %arg8[%add3A_1032], %get3A_1031 {add = true} : memref<10752xf32, #tpu.memory_space<vmem>>[vector<16xi32>], vector<16xf32>,
      %get3A_1033 = arith.index_cast %add3A_915 : i32 to index
      %get3A_1034 = arith.constant 448 : index
      %get3A_1035 = tpu.vector_load %arg6[%get3A_1033, %get3A_1034] {strides = array<i32>} : memref<128x512xf32, #tpu.memory_space<vmem>>, vector<16xf32>,
      %add3A_1036 = arith.addi %mul3A_920, %add3A_89 : vector<16xi32>
      tpu.vector_store_idx %arg8[%add3A_1036], %get3A_1035 {add = true} : memref<10752xf32, #tpu.memory_space<vmem>>[vector<16xi32>], vector<16xf32>,
      %get3A_1037 = arith.index_cast %add3A_915 : i32 to index
      %get3A_1038 = arith.constant 464 : index
      %get3A_1039 = tpu.vector_load %arg6[%get3A_1037, %get3A_1038] {strides = array<i32>} : memref<128x512xf32, #tpu.memory_space<vmem>>, vector<16xf32>,
      %add3A_1040 = arith.addi %mul3A_920, %add3A_92 : vector<16xi32>
      tpu.vector_store_idx %arg8[%add3A_1040], %get3A_1039 {add = true} : memref<10752xf32, #tpu.memory_space<vmem>>[vector<16xi32>], vector<16xf32>,
      %get3A_1041 = arith.index_cast %add3A_915 : i32 to index
      %get3A_1042 = arith.constant 480 : index
      %get3A_1043 = tpu.vector_load %arg6[%get3A_1041, %get3A_1042] {strides = array<i32>} : memref<128x512xf32, #tpu.memory_space<vmem>>, vector<16xf32>,
      %add3A_1044 = arith.addi %mul3A_920, %add3A_95 : vector<16xi32>
      tpu.vector_store_idx %arg8[%add3A_1044], %get3A_1043 {add = true} : memref<10752xf32, #tpu.memory_space<vmem>>[vector<16xi32>], vector<16xf32>,
      %get3A_1045 = arith.index_cast %add3A_915 : i32 to index
      %get3A_1046 = arith.constant 496 : index
      %get3A_1047 = tpu.vector_load %arg6[%get3A_1045, %get3A_1046] {strides = array<i32>} : memref<128x512xf32, #tpu.memory_space<vmem>>, vector<16xf32>,
      %add3A_1048 = arith.addi %mul3A_920, %add3A_98 : vector<16xi32>
      tpu.vector_store_idx %arg8[%add3A_1048], %get3A_1047 {add = true} : memref<10752xf32, #tpu.memory_space<vmem>>[vector<16xi32>], vector<16xf32>,
      %add3A_1049 = arith.constant 7 : i32
      %add3A_1050 = arith.addi %mul3A_106, %add3A_1049 : i32
      %broadcast_in_dim3A_1051 = vector.broadcast %add3A_1050 : i32 to vector<16xi32>
      %gather3A_1052 = tpu.vector_load_idx %arg7[%broadcast_in_dim3A_1051] : memref<128xi32, #tpu.memory_space<vmem>>[vector<16xi32>], vector<16xi32>,
      %mul3A_1053 = arith.constant 512 : i32
      %mul3A_1054 = vector.broadcast %mul3A_1053 : i32 to vector<16xi32>
      %mul3A_1055 = arith.muli %gather3A_1052, %mul3A_1054 : vector<16xi32>
      %get3A_1056 = arith.index_cast %add3A_1050 : i32 to index
      %get3A_1057 = arith.constant 0 : index
      %get3A_1058 = tpu.vector_load %arg6[%get3A_1056, %get3A_1057] {strides = array<i32>} : memref<128x512xf32, #tpu.memory_space<vmem>>, vector<16xf32>,
      %add3A_1059 = arith.addi %mul3A_1055, %add3A_5 : vector<16xi32>
      tpu.vector_store_idx %arg8[%add3A_1059], %get3A_1058 {add = true} : memref<10752xf32, #tpu.memory_space<vmem>>[vector<16xi32>], vector<16xf32>,
      %get3A_1060 = arith.index_cast %add3A_1050 : i32 to index
      %get3A_1061 = arith.constant 16 : index
      %get3A_1062 = tpu.vector_load %arg6[%get3A_1060, %get3A_1061] {strides = array<i32>} : memref<128x512xf32, #tpu.memory_space<vmem>>, vector<16xf32>,
      %add3A_1063 = arith.addi %mul3A_1055, %add3A_8 : vector<16xi32>
      tpu.vector_store_idx %arg8[%add3A_1063], %get3A_1062 {add = true} : memref<10752xf32, #tpu.memory_space<vmem>>[vector<16xi32>], vector<16xf32>,
      %get3A_1064 = arith.index_cast %add3A_1050 : i32 to index
      %get3A_1065 = arith.constant 32 : index
      %get3A_1066 = tpu.vector_load %arg6[%get3A_1064, %get3A_1065] {strides = array<i32>} : memref<128x512xf32, #tpu.memory_space<vmem>>, vector<16xf32>,
      %add3A_1067 = arith.addi %mul3A_1055, %add3A_11 : vector<16xi32>
      tpu.vector_store_idx %arg8[%add3A_1067], %get3A_1066 {add = true} : memref<10752xf32, #tpu.memory_space<vmem>>[vector<16xi32>], vector<16xf32>,
      %get3A_1068 = arith.index_cast %add3A_1050 : i32 to index
      %get3A_1069 = arith.constant 48 : index
      %get3A_1070 = tpu.vector_load %arg6[%get3A_1068, %get3A_1069] {strides = array<i32>} : memref<128x512xf32, #tpu.memory_space<vmem>>, vector<16xf32>,
      %add3A_1071 = arith.addi %mul3A_1055, %add3A_14 : vector<16xi32>
      tpu.vector_store_idx %arg8[%add3A_1071], %get3A_1070 {add = true} : memref<10752xf32, #tpu.memory_space<vmem>>[vector<16xi32>], vector<16xf32>,
      %get3A_1072 = arith.index_cast %add3A_1050 : i32 to index
      %get3A_1073 = arith.constant 64 : index
      %get3A_1074 = tpu.vector_load %arg6[%get3A_1072, %get3A_1073] {strides = array<i32>} : memref<128x512xf32, #tpu.memory_space<vmem>>, vector<16xf32>,
      %add3A_1075 = arith.addi %mul3A_1055, %add3A_17 : vector<16xi32>
      tpu.vector_store_idx %arg8[%add3A_1075], %get3A_1074 {add = true} : memref<10752xf32, #tpu.memory_space<vmem>>[vector<16xi32>], vector<16xf32>,
      %get3A_1076 = arith.index_cast %add3A_1050 : i32 to index
      %get3A_1077 = arith.constant 80 : index
      %get3A_1078 = tpu.vector_load %arg6[%get3A_1076, %get3A_1077] {strides = array<i32>} : memref<128x512xf32, #tpu.memory_space<vmem>>, vector<16xf32>,
      %add3A_1079 = arith.addi %mul3A_1055, %add3A_20 : vector<16xi32>
      tpu.vector_store_idx %arg8[%add3A_1079], %get3A_1078 {add = true} : memref<10752xf32, #tpu.memory_space<vmem>>[vector<16xi32>], vector<16xf32>,
      %get3A_1080 = arith.index_cast %add3A_1050 : i32 to index
      %get3A_1081 = arith.constant 96 : index
      %get3A_1082 = tpu.vector_load %arg6[%get3A_1080, %get3A_1081] {strides = array<i32>} : memref<128x512xf32, #tpu.memory_space<vmem>>, vector<16xf32>,
      %add3A_1083 = arith.addi %mul3A_1055, %add3A_23 : vector<16xi32>
      tpu.vector_store_idx %arg8[%add3A_1083], %get3A_1082 {add = true} : memref<10752xf32, #tpu.memory_space<vmem>>[vector<16xi32>], vector<16xf32>,
      %get3A_1084 = arith.index_cast %add3A_1050 : i32 to index
      %get3A_1085 = arith.constant 112 : index
      %get3A_1086 = tpu.vector_load %arg6[%get3A_1084, %get3A_1085] {strides = array<i32>} : memref<128x512xf32, #tpu.memory_space<vmem>>, vector<16xf32>,
      %add3A_1087 = arith.addi %mul3A_1055, %add3A_26 : vector<16xi32>
      tpu.vector_store_idx %arg8[%add3A_1087], %get3A_1086 {add = true} : memref<10752xf32, #tpu.memory_space<vmem>>[vector<16xi32>], vector<16xf32>,
      %get3A_1088 = arith.index_cast %add3A_1050 : i32 to index
      %get3A_1089 = arith.constant 128 : index
      %get3A_1090 = tpu.vector_load %arg6[%get3A_1088, %get3A_1089] {strides = array<i32>} : memref<128x512xf32, #tpu.memory_space<vmem>>, vector<16xf32>,
      %add3A_1091 = arith.addi %mul3A_1055, %add3A_29 : vector<16xi32>
      tpu.vector_store_idx %arg8[%add3A_1091], %get3A_1090 {add = true} : memref<10752xf32, #tpu.memory_space<vmem>>[vector<16xi32>], vector<16xf32>,
      %get3A_1092 = arith.index_cast %add3A_1050 : i32 to index
      %get3A_1093 = arith.constant 144 : index
      %get3A_1094 = tpu.vector_load %arg6[%get3A_1092, %get3A_1093] {strides = array<i32>} : memref<128x512xf32, #tpu.memory_space<vmem>>, vector<16xf32>,
      %add3A_1095 = arith.addi %mul3A_1055, %add3A_32 : vector<16xi32>
      tpu.vector_store_idx %arg8[%add3A_1095], %get3A_1094 {add = true} : memref<10752xf32, #tpu.memory_space<vmem>>[vector<16xi32>], vector<16xf32>,
      %get3A_1096 = arith.index_cast %add3A_1050 : i32 to index
      %get3A_1097 = arith.constant 160 : index
      %get3A_1098 = tpu.vector_load %arg6[%get3A_1096, %get3A_1097] {strides = array<i32>} : memref<128x512xf32, #tpu.memory_space<vmem>>, vector<16xf32>,
      %add3A_1099 = arith.addi %mul3A_1055, %add3A_35 : vector<16xi32>
      tpu.vector_store_idx %arg8[%add3A_1099], %get3A_1098 {add = true} : memref<10752xf32, #tpu.memory_space<vmem>>[vector<16xi32>], vector<16xf32>,
      %get3A_1100 = arith.index_cast %add3A_1050 : i32 to index
      %get3A_1101 = arith.constant 176 : index
      %get3A_1102 = tpu.vector_load %arg6[%get3A_1100, %get3A_1101] {strides = array<i32>} : memref<128x512xf32, #tpu.memory_space<vmem>>, vector<16xf32>,
      %add3A_1103 = arith.addi %mul3A_1055, %add3A_38 : vector<16xi32>
      tpu.vector_store_idx %arg8[%add3A_1103], %get3A_1102 {add = true} : memref<10752xf32, #tpu.memory_space<vmem>>[vector<16xi32>], vector<16xf32>,
      %get3A_1104 = arith.index_cast %add3A_1050 : i32 to index
      %get3A_1105 = arith.constant 192 : index
      %get3A_1106 = tpu.vector_load %arg6[%get3A_1104, %get3A_1105] {strides = array<i32>} : memref<128x512xf32, #tpu.memory_space<vmem>>, vector<16xf32>,
      %add3A_1107 = arith.addi %mul3A_1055, %add3A_41 : vector<16xi32>
      tpu.vector_store_idx %arg8[%add3A_1107], %get3A_1106 {add = true} : memref<10752xf32, #tpu.memory_space<vmem>>[vector<16xi32>], vector<16xf32>,
      %get3A_1108 = arith.index_cast %add3A_1050 : i32 to index
      %get3A_1109 = arith.constant 208 : index
      %get3A_1110 = tpu.vector_load %arg6[%get3A_1108, %get3A_1109] {strides = array<i32>} : memref<128x512xf32, #tpu.memory_space<vmem>>, vector<16xf32>,
      %add3A_1111 = arith.addi %mul3A_1055, %add3A_44 : vector<16xi32>
      tpu.vector_store_idx %arg8[%add3A_1111], %get3A_1110 {add = true} : memref<10752xf32, #tpu.memory_space<vmem>>[vector<16xi32>], vector<16xf32>,
      %get3A_1112 = arith.index_cast %add3A_1050 : i32 to index
      %get3A_1113 = arith.constant 224 : index
      %get3A_1114 = tpu.vector_load %arg6[%get3A_1112, %get3A_1113] {strides = array<i32>} : memref<128x512xf32, #tpu.memory_space<vmem>>, vector<16xf32>,
      %add3A_1115 = arith.addi %mul3A_1055, %add3A_47 : vector<16xi32>
      tpu.vector_store_idx %arg8[%add3A_1115], %get3A_1114 {add = true} : memref<10752xf32, #tpu.memory_space<vmem>>[vector<16xi32>], vector<16xf32>,
      %get3A_1116 = arith.index_cast %add3A_1050 : i32 to index
      %get3A_1117 = arith.constant 240 : index
      %get3A_1118 = tpu.vector_load %arg6[%get3A_1116, %get3A_1117] {strides = array<i32>} : memref<128x512xf32, #tpu.memory_space<vmem>>, vector<16xf32>,
      %add3A_1119 = arith.addi %mul3A_1055, %add3A_50 : vector<16xi32>
      tpu.vector_store_idx %arg8[%add3A_1119], %get3A_1118 {add = true} : memref<10752xf32, #tpu.memory_space<vmem>>[vector<16xi32>], vector<16xf32>,
      %get3A_1120 = arith.index_cast %add3A_1050 : i32 to index
      %get3A_1121 = arith.constant 256 : index
      %get3A_1122 = tpu.vector_load %arg6[%get3A_1120, %get3A_1121] {strides = array<i32>} : memref<128x512xf32, #tpu.memory_space<vmem>>, vector<16xf32>,
      %add3A_1123 = arith.addi %mul3A_1055, %add3A_53 : vector<16xi32>
      tpu.vector_store_idx %arg8[%add3A_1123], %get3A_1122 {add = true} : memref<10752xf32, #tpu.memory_space<vmem>>[vector<16xi32>], vector<16xf32>,
      %get3A_1124 = arith.index_cast %add3A_1050 : i32 to index
      %get3A_1125 = arith.constant 272 : index
      %get3A_1126 = tpu.vector_load %arg6[%get3A_1124, %get3A_1125] {strides = array<i32>} : memref<128x512xf32, #tpu.memory_space<vmem>>, vector<16xf32>,
      %add3A_1127 = arith.addi %mul3A_1055, %add3A_56 : vector<16xi32>
      tpu.vector_store_idx %arg8[%add3A_1127], %get3A_1126 {add = true} : memref<10752xf32, #tpu.memory_space<vmem>>[vector<16xi32>], vector<16xf32>,
      %get3A_1128 = arith.index_cast %add3A_1050 : i32 to index
      %get3A_1129 = arith.constant 288 : index
      %get3A_1130 = tpu.vector_load %arg6[%get3A_1128, %get3A_1129] {strides = array<i32>} : memref<128x512xf32, #tpu.memory_space<vmem>>, vector<16xf32>,
      %add3A_1131 = arith.addi %mul3A_1055, %add3A_59 : vector<16xi32>
      tpu.vector_store_idx %arg8[%add3A_1131], %get3A_1130 {add = true} : memref<10752xf32, #tpu.memory_space<vmem>>[vector<16xi32>], vector<16xf32>,
      %get3A_1132 = arith.index_cast %add3A_1050 : i32 to index
      %get3A_1133 = arith.constant 304 : index
      %get3A_1134 = tpu.vector_load %arg6[%get3A_1132, %get3A_1133] {strides = array<i32>} : memref<128x512xf32, #tpu.memory_space<vmem>>, vector<16xf32>,
      %add3A_1135 = arith.addi %mul3A_1055, %add3A_62 : vector<16xi32>
      tpu.vector_store_idx %arg8[%add3A_1135], %get3A_1134 {add = true} : memref<10752xf32, #tpu.memory_space<vmem>>[vector<16xi32>], vector<16xf32>,
      %get3A_1136 = arith.index_cast %add3A_1050 : i32 to index
      %get3A_1137 = arith.constant 320 : index
      %get3A_1138 = tpu.vector_load %arg6[%get3A_1136, %get3A_1137] {strides = array<i32>} : memref<128x512xf32, #tpu.memory_space<vmem>>, vector<16xf32>,
      %add3A_1139 = arith.addi %mul3A_1055, %add3A_65 : vector<16xi32>
      tpu.vector_store_idx %arg8[%add3A_1139], %get3A_1138 {add = true} : memref<10752xf32, #tpu.memory_space<vmem>>[vector<16xi32>], vector<16xf32>,
      %get3A_1140 = arith.index_cast %add3A_1050 : i32 to index
      %get3A_1141 = arith.constant 336 : index
      %get3A_1142 = tpu.vector_load %arg6[%get3A_1140, %get3A_1141] {strides = array<i32>} : memref<128x512xf32, #tpu.memory_space<vmem>>, vector<16xf32>,
      %add3A_1143 = arith.addi %mul3A_1055, %add3A_68 : vector<16xi32>
      tpu.vector_store_idx %arg8[%add3A_1143], %get3A_1142 {add = true} : memref<10752xf32, #tpu.memory_space<vmem>>[vector<16xi32>], vector<16xf32>,
      %get3A_1144 = arith.index_cast %add3A_1050 : i32 to index
      %get3A_1145 = arith.constant 352 : index
      %get3A_1146 = tpu.vector_load %arg6[%get3A_1144, %get3A_1145] {strides = array<i32>} : memref<128x512xf32, #tpu.memory_space<vmem>>, vector<16xf32>,
      %add3A_1147 = arith.addi %mul3A_1055, %add3A_71 : vector<16xi32>
      tpu.vector_store_idx %arg8[%add3A_1147], %get3A_1146 {add = true} : memref<10752xf32, #tpu.memory_space<vmem>>[vector<16xi32>], vector<16xf32>,
      %get3A_1148 = arith.index_cast %add3A_1050 : i32 to index
      %get3A_1149 = arith.constant 368 : index
      %get3A_1150 = tpu.vector_load %arg6[%get3A_1148, %get3A_1149] {strides = array<i32>} : memref<128x512xf32, #tpu.memory_space<vmem>>, vector<16xf32>,
      %add3A_1151 = arith.addi %mul3A_1055, %add3A_74 : vector<16xi32>
      tpu.vector_store_idx %arg8[%add3A_1151], %get3A_1150 {add = true} : memref<10752xf32, #tpu.memory_space<vmem>>[vector<16xi32>], vector<16xf32>,
      %get3A_1152 = arith.index_cast %add3A_1050 : i32 to index
      %get3A_1153 = arith.constant 384 : index
      %get3A_1154 = tpu.vector_load %arg6[%get3A_1152, %get3A_1153] {strides = array<i32>} : memref<128x512xf32, #tpu.memory_space<vmem>>, vector<16xf32>,
      %add3A_1155 = arith.addi %mul3A_1055, %add3A_77 : vector<16xi32>
      tpu.vector_store_idx %arg8[%add3A_1155], %get3A_1154 {add = true} : memref<10752xf32, #tpu.memory_space<vmem>>[vector<16xi32>], vector<16xf32>,
      %get3A_1156 = arith.index_cast %add3A_1050 : i32 to index
      %get3A_1157 = arith.constant 400 : index
      %get3A_1158 = tpu.vector_load %arg6[%get3A_1156, %get3A_1157] {strides = array<i32>} : memref<128x512xf32, #tpu.memory_space<vmem>>, vector<16xf32>,
      %add3A_1159 = arith.addi %mul3A_1055, %add3A_80 : vector<16xi32>
      tpu.vector_store_idx %arg8[%add3A_1159], %get3A_1158 {add = true} : memref<10752xf32, #tpu.memory_space<vmem>>[vector<16xi32>], vector<16xf32>,
      %get3A_1160 = arith.index_cast %add3A_1050 : i32 to index
      %get3A_1161 = arith.constant 416 : index
      %get3A_1162 = tpu.vector_load %arg6[%get3A_1160, %get3A_1161] {strides = array<i32>} : memref<128x512xf32, #tpu.memory_space<vmem>>, vector<16xf32>,
      %add3A_1163 = arith.addi %mul3A_1055, %add3A_83 : vector<16xi32>
      tpu.vector_store_idx %arg8[%add3A_1163], %get3A_1162 {add = true} : memref<10752xf32, #tpu.memory_space<vmem>>[vector<16xi32>], vector<16xf32>,
      %get3A_1164 = arith.index_cast %add3A_1050 : i32 to index
      %get3A_1165 = arith.constant 432 : index
      %get3A_1166 = tpu.vector_load %arg6[%get3A_1164, %get3A_1165] {strides = array<i32>} : memref<128x512xf32, #tpu.memory_space<vmem>>, vector<16xf32>,
      %add3A_1167 = arith.addi %mul3A_1055, %add3A_86 : vector<16xi32>
      tpu.vector_store_idx %arg8[%add3A_1167], %get3A_1166 {add = true} : memref<10752xf32, #tpu.memory_space<vmem>>[vector<16xi32>], vector<16xf32>,
      %get3A_1168 = arith.index_cast %add3A_1050 : i32 to index
      %get3A_1169 = arith.constant 448 : index
      %get3A_1170 = tpu.vector_load %arg6[%get3A_1168, %get3A_1169] {strides = array<i32>} : memref<128x512xf32, #tpu.memory_space<vmem>>, vector<16xf32>,
      %add3A_1171 = arith.addi %mul3A_1055, %add3A_89 : vector<16xi32>
      tpu.vector_store_idx %arg8[%add3A_1171], %get3A_1170 {add = true} : memref<10752xf32, #tpu.memory_space<vmem>>[vector<16xi32>], vector<16xf32>,
      %get3A_1172 = arith.index_cast %add3A_1050 : i32 to index
      %get3A_1173 = arith.constant 464 : index
      %get3A_1174 = tpu.vector_load %arg6[%get3A_1172, %get3A_1173] {strides = array<i32>} : memref<128x512xf32, #tpu.memory_space<vmem>>, vector<16xf32>,
      %add3A_1175 = arith.addi %mul3A_1055, %add3A_92 : vector<16xi32>
      tpu.vector_store_idx %arg8[%add3A_1175], %get3A_1174 {add = true} : memref<10752xf32, #tpu.memory_space<vmem>>[vector<16xi32>], vector<16xf32>,
      %get3A_1176 = arith.index_cast %add3A_1050 : i32 to index
      %get3A_1177 = arith.constant 480 : index
      %get3A_1178 = tpu.vector_load %arg6[%get3A_1176, %get3A_1177] {strides = array<i32>} : memref<128x512xf32, #tpu.memory_space<vmem>>, vector<16xf32>,
      %add3A_1179 = arith.addi %mul3A_1055, %add3A_95 : vector<16xi32>
      tpu.vector_store_idx %arg8[%add3A_1179], %get3A_1178 {add = true} : memref<10752xf32, #tpu.memory_space<vmem>>[vector<16xi32>], vector<16xf32>,
      %get3A_1180 = arith.index_cast %add3A_1050 : i32 to index
      %get3A_1181 = arith.constant 496 : index
      %get3A_1182 = tpu.vector_load %arg6[%get3A_1180, %get3A_1181] {strides = array<i32>} : memref<128x512xf32, #tpu.memory_space<vmem>>, vector<16xf32>,
      %add3A_1183 = arith.addi %mul3A_1055, %add3A_98 : vector<16xi32>
      tpu.vector_store_idx %arg8[%add3A_1183], %get3A_1182 {add = true} : memref<10752xf32, #tpu.memory_space<vmem>>[vector<16xi32>], vector<16xf32>,
      %add3A_1184 = arith.constant 8 : i32
      %add3A_1185 = arith.addi %mul3A_106, %add3A_1184 : i32
      %broadcast_in_dim3A_1186 = vector.broadcast %add3A_1185 : i32 to vector<16xi32>
      %gather3A_1187 = tpu.vector_load_idx %arg7[%broadcast_in_dim3A_1186] : memref<128xi32, #tpu.memory_space<vmem>>[vector<16xi32>], vector<16xi32>,
      %mul3A_1188 = arith.constant 512 : i32
      %mul3A_1189 = vector.broadcast %mul3A_1188 : i32 to vector<16xi32>
      %mul3A_1190 = arith.muli %gather3A_1187, %mul3A_1189 : vector<16xi32>
      %get3A_1191 = arith.index_cast %add3A_1185 : i32 to index
      %get3A_1192 = arith.constant 0 : index
      %get3A_1193 = tpu.vector_load %arg6[%get3A_1191, %get3A_1192] {strides = array<i32>} : memref<128x512xf32, #tpu.memory_space<vmem>>, vector<16xf32>,
      %add3A_1194 = arith.addi %mul3A_1190, %add3A_5 : vector<16xi32>
      tpu.vector_store_idx %arg8[%add3A_1194], %get3A_1193 {add = true} : memref<10752xf32, #tpu.memory_space<vmem>>[vector<16xi32>], vector<16xf32>,
      %get3A_1195 = arith.index_cast %add3A_1185 : i32 to index
      %get3A_1196 = arith.constant 16 : index
      %get3A_1197 = tpu.vector_load %arg6[%get3A_1195, %get3A_1196] {strides = array<i32>} : memref<128x512xf32, #tpu.memory_space<vmem>>, vector<16xf32>,
      %add3A_1198 = arith.addi %mul3A_1190, %add3A_8 : vector<16xi32>
      tpu.vector_store_idx %arg8[%add3A_1198], %get3A_1197 {add = true} : memref<10752xf32, #tpu.memory_space<vmem>>[vector<16xi32>], vector<16xf32>,
      %get3A_1199 = arith.index_cast %add3A_1185 : i32 to index
      %get3A_1200 = arith.constant 32 : index
      %get3A_1201 = tpu.vector_load %arg6[%get3A_1199, %get3A_1200] {strides = array<i32>} : memref<128x512xf32, #tpu.memory_space<vmem>>, vector<16xf32>,
      %add3A_1202 = arith.addi %mul3A_1190, %add3A_11 : vector<16xi32>
      tpu.vector_store_idx %arg8[%add3A_1202], %get3A_1201 {add = true} : memref<10752xf32, #tpu.memory_space<vmem>>[vector<16xi32>], vector<16xf32>,
      %get3A_1203 = arith.index_cast %add3A_1185 : i32 to index
      %get3A_1204 = arith.constant 48 : index
      %get3A_1205 = tpu.vector_load %arg6[%get3A_1203, %get3A_1204] {strides = array<i32>} : memref<128x512xf32, #tpu.memory_space<vmem>>, vector<16xf32>,
      %add3A_1206 = arith.addi %mul3A_1190, %add3A_14 : vector<16xi32>
      tpu.vector_store_idx %arg8[%add3A_1206], %get3A_1205 {add = true} : memref<10752xf32, #tpu.memory_space<vmem>>[vector<16xi32>], vector<16xf32>,
      %get3A_1207 = arith.index_cast %add3A_1185 : i32 to index
      %get3A_1208 = arith.constant 64 : index
      %get3A_1209 = tpu.vector_load %arg6[%get3A_1207, %get3A_1208] {strides = array<i32>} : memref<128x512xf32, #tpu.memory_space<vmem>>, vector<16xf32>,
      %add3A_1210 = arith.addi %mul3A_1190, %add3A_17 : vector<16xi32>
      tpu.vector_store_idx %arg8[%add3A_1210], %get3A_1209 {add = true} : memref<10752xf32, #tpu.memory_space<vmem>>[vector<16xi32>], vector<16xf32>,
      %get3A_1211 = arith.index_cast %add3A_1185 : i32 to index
      %get3A_1212 = arith.constant 80 : index
      %get3A_1213 = tpu.vector_load %arg6[%get3A_1211, %get3A_1212] {strides = array<i32>} : memref<128x512xf32, #tpu.memory_space<vmem>>, vector<16xf32>,
      %add3A_1214 = arith.addi %mul3A_1190, %add3A_20 : vector<16xi32>
      tpu.vector_store_idx %arg8[%add3A_1214], %get3A_1213 {add = true} : memref<10752xf32, #tpu.memory_space<vmem>>[vector<16xi32>], vector<16xf32>,
      %get3A_1215 = arith.index_cast %add3A_1185 : i32 to index
      %get3A_1216 = arith.constant 96 : index
      %get3A_1217 = tpu.vector_load %arg6[%get3A_1215, %get3A_1216] {strides = array<i32>} : memref<128x512xf32, #tpu.memory_space<vmem>>, vector<16xf32>,
      %add3A_1218 = arith.addi %mul3A_1190, %add3A_23 : vector<16xi32>
      tpu.vector_store_idx %arg8[%add3A_1218], %get3A_1217 {add = true} : memref<10752xf32, #tpu.memory_space<vmem>>[vector<16xi32>], vector<16xf32>,
      %get3A_1219 = arith.index_cast %add3A_1185 : i32 to index
      %get3A_1220 = arith.constant 112 : index
      %get3A_1221 = tpu.vector_load %arg6[%get3A_1219, %get3A_1220] {strides = array<i32>} : memref<128x512xf32, #tpu.memory_space<vmem>>, vector<16xf32>,
      %add3A_1222 = arith.addi %mul3A_1190, %add3A_26 : vector<16xi32>
      tpu.vector_store_idx %arg8[%add3A_1222], %get3A_1221 {add = true} : memref<10752xf32, #tpu.memory_space<vmem>>[vector<16xi32>], vector<16xf32>,
      %get3A_1223 = arith.index_cast %add3A_1185 : i32 to index
      %get3A_1224 = arith.constant 128 : index
      %get3A_1225 = tpu.vector_load %arg6[%get3A_1223, %get3A_1224] {strides = array<i32>} : memref<128x512xf32, #tpu.memory_space<vmem>>, vector<16xf32>,
      %add3A_1226 = arith.addi %mul3A_1190, %add3A_29 : vector<16xi32>
      tpu.vector_store_idx %arg8[%add3A_1226], %get3A_1225 {add = true} : memref<10752xf32, #tpu.memory_space<vmem>>[vector<16xi32>], vector<16xf32>,
      %get3A_1227 = arith.index_cast %add3A_1185 : i32 to index
      %get3A_1228 = arith.constant 144 : index
      %get3A_1229 = tpu.vector_load %arg6[%get3A_1227, %get3A_1228] {strides = array<i32>} : memref<128x512xf32, #tpu.memory_space<vmem>>, vector<16xf32>,
      %add3A_1230 = arith.addi %mul3A_1190, %add3A_32 : vector<16xi32>
      tpu.vector_store_idx %arg8[%add3A_1230], %get3A_1229 {add = true} : memref<10752xf32, #tpu.memory_space<vmem>>[vector<16xi32>], vector<16xf32>,
      %get3A_1231 = arith.index_cast %add3A_1185 : i32 to index
      %get3A_1232 = arith.constant 160 : index
      %get3A_1233 = tpu.vector_load %arg6[%get3A_1231, %get3A_1232] {strides = array<i32>} : memref<128x512xf32, #tpu.memory_space<vmem>>, vector<16xf32>,
      %add3A_1234 = arith.addi %mul3A_1190, %add3A_35 : vector<16xi32>
      tpu.vector_store_idx %arg8[%add3A_1234], %get3A_1233 {add = true} : memref<10752xf32, #tpu.memory_space<vmem>>[vector<16xi32>], vector<16xf32>,
      %get3A_1235 = arith.index_cast %add3A_1185 : i32 to index
      %get3A_1236 = arith.constant 176 : index
      %get3A_1237 = tpu.vector_load %arg6[%get3A_1235, %get3A_1236] {strides = array<i32>} : memref<128x512xf32, #tpu.memory_space<vmem>>, vector<16xf32>,
      %add3A_1238 = arith.addi %mul3A_1190, %add3A_38 : vector<16xi32>
      tpu.vector_store_idx %arg8[%add3A_1238], %get3A_1237 {add = true} : memref<10752xf32, #tpu.memory_space<vmem>>[vector<16xi32>], vector<16xf32>,
      %get3A_1239 = arith.index_cast %add3A_1185 : i32 to index
      %get3A_1240 = arith.constant 192 : index
      %get3A_1241 = tpu.vector_load %arg6[%get3A_1239, %get3A_1240] {strides = array<i32>} : memref<128x512xf32, #tpu.memory_space<vmem>>, vector<16xf32>,
      %add3A_1242 = arith.addi %mul3A_1190, %add3A_41 : vector<16xi32>
      tpu.vector_store_idx %arg8[%add3A_1242], %get3A_1241 {add = true} : memref<10752xf32, #tpu.memory_space<vmem>>[vector<16xi32>], vector<16xf32>,
      %get3A_1243 = arith.index_cast %add3A_1185 : i32 to index
      %get3A_1244 = arith.constant 208 : index
      %get3A_1245 = tpu.vector_load %arg6[%get3A_1243, %get3A_1244] {strides = array<i32>} : memref<128x512xf32, #tpu.memory_space<vmem>>, vector<16xf32>,
      %add3A_1246 = arith.addi %mul3A_1190, %add3A_44 : vector<16xi32>
      tpu.vector_store_idx %arg8[%add3A_1246], %get3A_1245 {add = true} : memref<10752xf32, #tpu.memory_space<vmem>>[vector<16xi32>], vector<16xf32>,
      %get3A_1247 = arith.index_cast %add3A_1185 : i32 to index
      %get3A_1248 = arith.constant 224 : index
      %get3A_1249 = tpu.vector_load %arg6[%get3A_1247, %get3A_1248] {strides = array<i32>} : memref<128x512xf32, #tpu.memory_space<vmem>>, vector<16xf32>,
      %add3A_1250 = arith.addi %mul3A_1190, %add3A_47 : vector<16xi32>
      tpu.vector_store_idx %arg8[%add3A_1250], %get3A_1249 {add = true} : memref<10752xf32, #tpu.memory_space<vmem>>[vector<16xi32>], vector<16xf32>,
      %get3A_1251 = arith.index_cast %add3A_1185 : i32 to index
      %get3A_1252 = arith.constant 240 : index
      %get3A_1253 = tpu.vector_load %arg6[%get3A_1251, %get3A_1252] {strides = array<i32>} : memref<128x512xf32, #tpu.memory_space<vmem>>, vector<16xf32>,
      %add3A_1254 = arith.addi %mul3A_1190, %add3A_50 : vector<16xi32>
      tpu.vector_store_idx %arg8[%add3A_1254], %get3A_1253 {add = true} : memref<10752xf32, #tpu.memory_space<vmem>>[vector<16xi32>], vector<16xf32>,
      %get3A_1255 = arith.index_cast %add3A_1185 : i32 to index
      %get3A_1256 = arith.constant 256 : index
      %get3A_1257 = tpu.vector_load %arg6[%get3A_1255, %get3A_1256] {strides = array<i32>} : memref<128x512xf32, #tpu.memory_space<vmem>>, vector<16xf32>,
      %add3A_1258 = arith.addi %mul3A_1190, %add3A_53 : vector<16xi32>
      tpu.vector_store_idx %arg8[%add3A_1258], %get3A_1257 {add = true} : memref<10752xf32, #tpu.memory_space<vmem>>[vector<16xi32>], vector<16xf32>,
      %get3A_1259 = arith.index_cast %add3A_1185 : i32 to index
      %get3A_1260 = arith.constant 272 : index
      %get3A_1261 = tpu.vector_load %arg6[%get3A_1259, %get3A_1260] {strides = array<i32>} : memref<128x512xf32, #tpu.memory_space<vmem>>, vector<16xf32>,
      %add3A_1262 = arith.addi %mul3A_1190, %add3A_56 : vector<16xi32>
      tpu.vector_store_idx %arg8[%add3A_1262], %get3A_1261 {add = true} : memref<10752xf32, #tpu.memory_space<vmem>>[vector<16xi32>], vector<16xf32>,
      %get3A_1263 = arith.index_cast %add3A_1185 : i32 to index
      %get3A_1264 = arith.constant 288 : index
      %get3A_1265 = tpu.vector_load %arg6[%get3A_1263, %get3A_1264] {strides = array<i32>} : memref<128x512xf32, #tpu.memory_space<vmem>>, vector<16xf32>,
      %add3A_1266 = arith.addi %mul3A_1190, %add3A_59 : vector<16xi32>
      tpu.vector_store_idx %arg8[%add3A_1266], %get3A_1265 {add = true} : memref<10752xf32, #tpu.memory_space<vmem>>[vector<16xi32>], vector<16xf32>,
      %get3A_1267 = arith.index_cast %add3A_1185 : i32 to index
      %get3A_1268 = arith.constant 304 : index
      %get3A_1269 = tpu.vector_load %arg6[%get3A_1267, %get3A_1268] {strides = array<i32>} : memref<128x512xf32, #tpu.memory_space<vmem>>, vector<16xf32>,
      %add3A_1270 = arith.addi %mul3A_1190, %add3A_62 : vector<16xi32>
      tpu.vector_store_idx %arg8[%add3A_1270], %get3A_1269 {add = true} : memref<10752xf32, #tpu.memory_space<vmem>>[vector<16xi32>], vector<16xf32>,
      %get3A_1271 = arith.index_cast %add3A_1185 : i32 to index
      %get3A_1272 = arith.constant 320 : index
      %get3A_1273 = tpu.vector_load %arg6[%get3A_1271, %get3A_1272] {strides = array<i32>} : memref<128x512xf32, #tpu.memory_space<vmem>>, vector<16xf32>,
      %add3A_1274 = arith.addi %mul3A_1190, %add3A_65 : vector<16xi32>
      tpu.vector_store_idx %arg8[%add3A_1274], %get3A_1273 {add = true} : memref<10752xf32, #tpu.memory_space<vmem>>[vector<16xi32>], vector<16xf32>,
      %get3A_1275 = arith.index_cast %add3A_1185 : i32 to index
      %get3A_1276 = arith.constant 336 : index
      %get3A_1277 = tpu.vector_load %arg6[%get3A_1275, %get3A_1276] {strides = array<i32>} : memref<128x512xf32, #tpu.memory_space<vmem>>, vector<16xf32>,
      %add3A_1278 = arith.addi %mul3A_1190, %add3A_68 : vector<16xi32>
      tpu.vector_store_idx %arg8[%add3A_1278], %get3A_1277 {add = true} : memref<10752xf32, #tpu.memory_space<vmem>>[vector<16xi32>], vector<16xf32>,
      %get3A_1279 = arith.index_cast %add3A_1185 : i32 to index
      %get3A_1280 = arith.constant 352 : index
      %get3A_1281 = tpu.vector_load %arg6[%get3A_1279, %get3A_1280] {strides = array<i32>} : memref<128x512xf32, #tpu.memory_space<vmem>>, vector<16xf32>,
      %add3A_1282 = arith.addi %mul3A_1190, %add3A_71 : vector<16xi32>
      tpu.vector_store_idx %arg8[%add3A_1282], %get3A_1281 {add = true} : memref<10752xf32, #tpu.memory_space<vmem>>[vector<16xi32>], vector<16xf32>,
      %get3A_1283 = arith.index_cast %add3A_1185 : i32 to index
      %get3A_1284 = arith.constant 368 : index
      %get3A_1285 = tpu.vector_load %arg6[%get3A_1283, %get3A_1284] {strides = array<i32>} : memref<128x512xf32, #tpu.memory_space<vmem>>, vector<16xf32>,
      %add3A_1286 = arith.addi %mul3A_1190, %add3A_74 : vector<16xi32>
      tpu.vector_store_idx %arg8[%add3A_1286], %get3A_1285 {add = true} : memref<10752xf32, #tpu.memory_space<vmem>>[vector<16xi32>], vector<16xf32>,
      %get3A_1287 = arith.index_cast %add3A_1185 : i32 to index
      %get3A_1288 = arith.constant 384 : index
      %get3A_1289 = tpu.vector_load %arg6[%get3A_1287, %get3A_1288] {strides = array<i32>} : memref<128x512xf32, #tpu.memory_space<vmem>>, vector<16xf32>,
      %add3A_1290 = arith.addi %mul3A_1190, %add3A_77 : vector<16xi32>
      tpu.vector_store_idx %arg8[%add3A_1290], %get3A_1289 {add = true} : memref<10752xf32, #tpu.memory_space<vmem>>[vector<16xi32>], vector<16xf32>,
      %get3A_1291 = arith.index_cast %add3A_1185 : i32 to index
      %get3A_1292 = arith.constant 400 : index
      %get3A_1293 = tpu.vector_load %arg6[%get3A_1291, %get3A_1292] {strides = array<i32>} : memref<128x512xf32, #tpu.memory_space<vmem>>, vector<16xf32>,
      %add3A_1294 = arith.addi %mul3A_1190, %add3A_80 : vector<16xi32>
      tpu.vector_store_idx %arg8[%add3A_1294], %get3A_1293 {add = true} : memref<10752xf32, #tpu.memory_space<vmem>>[vector<16xi32>], vector<16xf32>,
      %get3A_1295 = arith.index_cast %add3A_1185 : i32 to index
      %get3A_1296 = arith.constant 416 : index
      %get3A_1297 = tpu.vector_load %arg6[%get3A_1295, %get3A_1296] {strides = array<i32>} : memref<128x512xf32, #tpu.memory_space<vmem>>, vector<16xf32>,
      %add3A_1298 = arith.addi %mul3A_1190, %add3A_83 : vector<16xi32>
      tpu.vector_store_idx %arg8[%add3A_1298], %get3A_1297 {add = true} : memref<10752xf32, #tpu.memory_space<vmem>>[vector<16xi32>], vector<16xf32>,
      %get3A_1299 = arith.index_cast %add3A_1185 : i32 to index
      %get3A_1300 = arith.constant 432 : index
      %get3A_1301 = tpu.vector_load %arg6[%get3A_1299, %get3A_1300] {strides = array<i32>} : memref<128x512xf32, #tpu.memory_space<vmem>>, vector<16xf32>,
      %add3A_1302 = arith.addi %mul3A_1190, %add3A_86 : vector<16xi32>
      tpu.vector_store_idx %arg8[%add3A_1302], %get3A_1301 {add = true} : memref<10752xf32, #tpu.memory_space<vmem>>[vector<16xi32>], vector<16xf32>,
      %get3A_1303 = arith.index_cast %add3A_1185 : i32 to index
      %get3A_1304 = arith.constant 448 : index
      %get3A_1305 = tpu.vector_load %arg6[%get3A_1303, %get3A_1304] {strides = array<i32>} : memref<128x512xf32, #tpu.memory_space<vmem>>, vector<16xf32>,
      %add3A_1306 = arith.addi %mul3A_1190, %add3A_89 : vector<16xi32>
      tpu.vector_store_idx %arg8[%add3A_1306], %get3A_1305 {add = true} : memref<10752xf32, #tpu.memory_space<vmem>>[vector<16xi32>], vector<16xf32>,
      %get3A_1307 = arith.index_cast %add3A_1185 : i32 to index
      %get3A_1308 = arith.constant 464 : index
      %get3A_1309 = tpu.vector_load %arg6[%get3A_1307, %get3A_1308] {strides = array<i32>} : memref<128x512xf32, #tpu.memory_space<vmem>>, vector<16xf32>,
      %add3A_1310 = arith.addi %mul3A_1190, %add3A_92 : vector<16xi32>
      tpu.vector_store_idx %arg8[%add3A_1310], %get3A_1309 {add = true} : memref<10752xf32, #tpu.memory_space<vmem>>[vector<16xi32>], vector<16xf32>,
      %get3A_1311 = arith.index_cast %add3A_1185 : i32 to index
      %get3A_1312 = arith.constant 480 : index
      %get3A_1313 = tpu.vector_load %arg6[%get3A_1311, %get3A_1312] {strides = array<i32>} : memref<128x512xf32, #tpu.memory_space<vmem>>, vector<16xf32>,
      %add3A_1314 = arith.addi %mul3A_1190, %add3A_95 : vector<16xi32>
      tpu.vector_store_idx %arg8[%add3A_1314], %get3A_1313 {add = true} : memref<10752xf32, #tpu.memory_space<vmem>>[vector<16xi32>], vector<16xf32>,
      %get3A_1315 = arith.index_cast %add3A_1185 : i32 to index
      %get3A_1316 = arith.constant 496 : index
      %get3A_1317 = tpu.vector_load %arg6[%get3A_1315, %get3A_1316] {strides = array<i32>} : memref<128x512xf32, #tpu.memory_space<vmem>>, vector<16xf32>,
      %add3A_1318 = arith.addi %mul3A_1190, %add3A_98 : vector<16xi32>
      tpu.vector_store_idx %arg8[%add3A_1318], %get3A_1317 {add = true} : memref<10752xf32, #tpu.memory_space<vmem>>[vector<16xi32>], vector<16xf32>,
      %add3A_1319 = arith.constant 9 : i32
      %add3A_1320 = arith.addi %mul3A_106, %add3A_1319 : i32
      %broadcast_in_dim3A_1321 = vector.broadcast %add3A_1320 : i32 to vector<16xi32>
      %gather3A_1322 = tpu.vector_load_idx %arg7[%broadcast_in_dim3A_1321] : memref<128xi32, #tpu.memory_space<vmem>>[vector<16xi32>], vector<16xi32>,
      %mul3A_1323 = arith.constant 512 : i32
      %mul3A_1324 = vector.broadcast %mul3A_1323 : i32 to vector<16xi32>
      %mul3A_1325 = arith.muli %gather3A_1322, %mul3A_1324 : vector<16xi32>
      %get3A_1326 = arith.index_cast %add3A_1320 : i32 to index
      %get3A_1327 = arith.constant 0 : index
      %get3A_1328 = tpu.vector_load %arg6[%get3A_1326, %get3A_1327] {strides = array<i32>} : memref<128x512xf32, #tpu.memory_space<vmem>>, vector<16xf32>,
      %add3A_1329 = arith.addi %mul3A_1325, %add3A_5 : vector<16xi32>
      tpu.vector_store_idx %arg8[%add3A_1329], %get3A_1328 {add = true} : memref<10752xf32, #tpu.memory_space<vmem>>[vector<16xi32>], vector<16xf32>,
      %get3A_1330 = arith.index_cast %add3A_1320 : i32 to index
      %get3A_1331 = arith.constant 16 : index
      %get3A_1332 = tpu.vector_load %arg6[%get3A_1330, %get3A_1331] {strides = array<i32>} : memref<128x512xf32, #tpu.memory_space<vmem>>, vector<16xf32>,
      %add3A_1333 = arith.addi %mul3A_1325, %add3A_8 : vector<16xi32>
      tpu.vector_store_idx %arg8[%add3A_1333], %get3A_1332 {add = true} : memref<10752xf32, #tpu.memory_space<vmem>>[vector<16xi32>], vector<16xf32>,
      %get3A_1334 = arith.index_cast %add3A_1320 : i32 to index
      %get3A_1335 = arith.constant 32 : index
      %get3A_1336 = tpu.vector_load %arg6[%get3A_1334, %get3A_1335] {strides = array<i32>} : memref<128x512xf32, #tpu.memory_space<vmem>>, vector<16xf32>,
      %add3A_1337 = arith.addi %mul3A_1325, %add3A_11 : vector<16xi32>
      tpu.vector_store_idx %arg8[%add3A_1337], %get3A_1336 {add = true} : memref<10752xf32, #tpu.memory_space<vmem>>[vector<16xi32>], vector<16xf32>,
      %get3A_1338 = arith.index_cast %add3A_1320 : i32 to index
      %get3A_1339 = arith.constant 48 : index
      %get3A_1340 = tpu.vector_load %arg6[%get3A_1338, %get3A_1339] {strides = array<i32>} : memref<128x512xf32, #tpu.memory_space<vmem>>, vector<16xf32>,
      %add3A_1341 = arith.addi %mul3A_1325, %add3A_14 : vector<16xi32>
      tpu.vector_store_idx %arg8[%add3A_1341], %get3A_1340 {add = true} : memref<10752xf32, #tpu.memory_space<vmem>>[vector<16xi32>], vector<16xf32>,
      %get3A_1342 = arith.index_cast %add3A_1320 : i32 to index
      %get3A_1343 = arith.constant 64 : index
      %get3A_1344 = tpu.vector_load %arg6[%get3A_1342, %get3A_1343] {strides = array<i32>} : memref<128x512xf32, #tpu.memory_space<vmem>>, vector<16xf32>,
      %add3A_1345 = arith.addi %mul3A_1325, %add3A_17 : vector<16xi32>
      tpu.vector_store_idx %arg8[%add3A_1345], %get3A_1344 {add = true} : memref<10752xf32, #tpu.memory_space<vmem>>[vector<16xi32>], vector<16xf32>,
      %get3A_1346 = arith.index_cast %add3A_1320 : i32 to index
      %get3A_1347 = arith.constant 80 : index
      %get3A_1348 = tpu.vector_load %arg6[%get3A_1346, %get3A_1347] {strides = array<i32>} : memref<128x512xf32, #tpu.memory_space<vmem>>, vector<16xf32>,
      %add3A_1349 = arith.addi %mul3A_1325, %add3A_20 : vector<16xi32>
      tpu.vector_store_idx %arg8[%add3A_1349], %get3A_1348 {add = true} : memref<10752xf32, #tpu.memory_space<vmem>>[vector<16xi32>], vector<16xf32>,
      %get3A_1350 = arith.index_cast %add3A_1320 : i32 to index
      %get3A_1351 = arith.constant 96 : index
      %get3A_1352 = tpu.vector_load %arg6[%get3A_1350, %get3A_1351] {strides = array<i32>} : memref<128x512xf32, #tpu.memory_space<vmem>>, vector<16xf32>,
      %add3A_1353 = arith.addi %mul3A_1325, %add3A_23 : vector<16xi32>
      tpu.vector_store_idx %arg8[%add3A_1353], %get3A_1352 {add = true} : memref<10752xf32, #tpu.memory_space<vmem>>[vector<16xi32>], vector<16xf32>,
      %get3A_1354 = arith.index_cast %add3A_1320 : i32 to index
      %get3A_1355 = arith.constant 112 : index
      %get3A_1356 = tpu.vector_load %arg6[%get3A_1354, %get3A_1355] {strides = array<i32>} : memref<128x512xf32, #tpu.memory_space<vmem>>, vector<16xf32>,
      %add3A_1357 = arith.addi %mul3A_1325, %add3A_26 : vector<16xi32>
      tpu.vector_store_idx %arg8[%add3A_1357], %get3A_1356 {add = true} : memref<10752xf32, #tpu.memory_space<vmem>>[vector<16xi32>], vector<16xf32>,
      %get3A_1358 = arith.index_cast %add3A_1320 : i32 to index
      %get3A_1359 = arith.constant 128 : index
      %get3A_1360 = tpu.vector_load %arg6[%get3A_1358, %get3A_1359] {strides = array<i32>} : memref<128x512xf32, #tpu.memory_space<vmem>>, vector<16xf32>,
      %add3A_1361 = arith.addi %mul3A_1325, %add3A_29 : vector<16xi32>
      tpu.vector_store_idx %arg8[%add3A_1361], %get3A_1360 {add = true} : memref<10752xf32, #tpu.memory_space<vmem>>[vector<16xi32>], vector<16xf32>,
      %get3A_1362 = arith.index_cast %add3A_1320 : i32 to index
      %get3A_1363 = arith.constant 144 : index
      %get3A_1364 = tpu.vector_load %arg6[%get3A_1362, %get3A_1363] {strides = array<i32>} : memref<128x512xf32, #tpu.memory_space<vmem>>, vector<16xf32>,
      %add3A_1365 = arith.addi %mul3A_1325, %add3A_32 : vector<16xi32>
      tpu.vector_store_idx %arg8[%add3A_1365], %get3A_1364 {add = true} : memref<10752xf32, #tpu.memory_space<vmem>>[vector<16xi32>], vector<16xf32>,
      %get3A_1366 = arith.index_cast %add3A_1320 : i32 to index
      %get3A_1367 = arith.constant 160 : index
      %get3A_1368 = tpu.vector_load %arg6[%get3A_1366, %get3A_1367] {strides = array<i32>} : memref<128x512xf32, #tpu.memory_space<vmem>>, vector<16xf32>,
      %add3A_1369 = arith.addi %mul3A_1325, %add3A_35 : vector<16xi32>
      tpu.vector_store_idx %arg8[%add3A_1369], %get3A_1368 {add = true} : memref<10752xf32, #tpu.memory_space<vmem>>[vector<16xi32>], vector<16xf32>,
      %get3A_1370 = arith.index_cast %add3A_1320 : i32 to index
      %get3A_1371 = arith.constant 176 : index
      %get3A_1372 = tpu.vector_load %arg6[%get3A_1370, %get3A_1371] {strides = array<i32>} : memref<128x512xf32, #tpu.memory_space<vmem>>, vector<16xf32>,
      %add3A_1373 = arith.addi %mul3A_1325, %add3A_38 : vector<16xi32>
      tpu.vector_store_idx %arg8[%add3A_1373], %get3A_1372 {add = true} : memref<10752xf32, #tpu.memory_space<vmem>>[vector<16xi32>], vector<16xf32>,
      %get3A_1374 = arith.index_cast %add3A_1320 : i32 to index
      %get3A_1375 = arith.constant 192 : index
      %get3A_1376 = tpu.vector_load %arg6[%get3A_1374, %get3A_1375] {strides = array<i32>} : memref<128x512xf32, #tpu.memory_space<vmem>>, vector<16xf32>,
      %add3A_1377 = arith.addi %mul3A_1325, %add3A_41 : vector<16xi32>
      tpu.vector_store_idx %arg8[%add3A_1377], %get3A_1376 {add = true} : memref<10752xf32, #tpu.memory_space<vmem>>[vector<16xi32>], vector<16xf32>,
      %get3A_1378 = arith.index_cast %add3A_1320 : i32 to index
      %get3A_1379 = arith.constant 208 : index
      %get3A_1380 = tpu.vector_load %arg6[%get3A_1378, %get3A_1379] {strides = array<i32>} : memref<128x512xf32, #tpu.memory_space<vmem>>, vector<16xf32>,
      %add3A_1381 = arith.addi %mul3A_1325, %add3A_44 : vector<16xi32>
      tpu.vector_store_idx %arg8[%add3A_1381], %get3A_1380 {add = true} : memref<10752xf32, #tpu.memory_space<vmem>>[vector<16xi32>], vector<16xf32>,
      %get3A_1382 = arith.index_cast %add3A_1320 : i32 to index
      %get3A_1383 = arith.constant 224 : index
      %get3A_1384 = tpu.vector_load %arg6[%get3A_1382, %get3A_1383] {strides = array<i32>} : memref<128x512xf32, #tpu.memory_space<vmem>>, vector<16xf32>,
      %add3A_1385 = arith.addi %mul3A_1325, %add3A_47 : vector<16xi32>
      tpu.vector_store_idx %arg8[%add3A_1385], %get3A_1384 {add = true} : memref<10752xf32, #tpu.memory_space<vmem>>[vector<16xi32>], vector<16xf32>,
      %get3A_1386 = arith.index_cast %add3A_1320 : i32 to index
      %get3A_1387 = arith.constant 240 : index
      %get3A_1388 = tpu.vector_load %arg6[%get3A_1386, %get3A_1387] {strides = array<i32>} : memref<128x512xf32, #tpu.memory_space<vmem>>, vector<16xf32>,
      %add3A_1389 = arith.addi %mul3A_1325, %add3A_50 : vector<16xi32>
      tpu.vector_store_idx %arg8[%add3A_1389], %get3A_1388 {add = true} : memref<10752xf32, #tpu.memory_space<vmem>>[vector<16xi32>], vector<16xf32>,
      %get3A_1390 = arith.index_cast %add3A_1320 : i32 to index
      %get3A_1391 = arith.constant 256 : index
      %get3A_1392 = tpu.vector_load %arg6[%get3A_1390, %get3A_1391] {strides = array<i32>} : memref<128x512xf32, #tpu.memory_space<vmem>>, vector<16xf32>,
      %add3A_1393 = arith.addi %mul3A_1325, %add3A_53 : vector<16xi32>
      tpu.vector_store_idx %arg8[%add3A_1393], %get3A_1392 {add = true} : memref<10752xf32, #tpu.memory_space<vmem>>[vector<16xi32>], vector<16xf32>,
      %get3A_1394 = arith.index_cast %add3A_1320 : i32 to index
      %get3A_1395 = arith.constant 272 : index
      %get3A_1396 = tpu.vector_load %arg6[%get3A_1394, %get3A_1395] {strides = array<i32>} : memref<128x512xf32, #tpu.memory_space<vmem>>, vector<16xf32>,
      %add3A_1397 = arith.addi %mul3A_1325, %add3A_56 : vector<16xi32>
      tpu.vector_store_idx %arg8[%add3A_1397], %get3A_1396 {add = true} : memref<10752xf32, #tpu.memory_space<vmem>>[vector<16xi32>], vector<16xf32>,
      %get3A_1398 = arith.index_cast %add3A_1320 : i32 to index
      %get3A_1399 = arith.constant 288 : index
      %get3A_1400 = tpu.vector_load %arg6[%get3A_1398, %get3A_1399] {strides = array<i32>} : memref<128x512xf32, #tpu.memory_space<vmem>>, vector<16xf32>,
      %add3A_1401 = arith.addi %mul3A_1325, %add3A_59 : vector<16xi32>
      tpu.vector_store_idx %arg8[%add3A_1401], %get3A_1400 {add = true} : memref<10752xf32, #tpu.memory_space<vmem>>[vector<16xi32>], vector<16xf32>,
      %get3A_1402 = arith.index_cast %add3A_1320 : i32 to index
      %get3A_1403 = arith.constant 304 : index
      %get3A_1404 = tpu.vector_load %arg6[%get3A_1402, %get3A_1403] {strides = array<i32>} : memref<128x512xf32, #tpu.memory_space<vmem>>, vector<16xf32>,
      %add3A_1405 = arith.addi %mul3A_1325, %add3A_62 : vector<16xi32>
      tpu.vector_store_idx %arg8[%add3A_1405], %get3A_1404 {add = true} : memref<10752xf32, #tpu.memory_space<vmem>>[vector<16xi32>], vector<16xf32>,
      %get3A_1406 = arith.index_cast %add3A_1320 : i32 to index
      %get3A_1407 = arith.constant 320 : index
      %get3A_1408 = tpu.vector_load %arg6[%get3A_1406, %get3A_1407] {strides = array<i32>} : memref<128x512xf32, #tpu.memory_space<vmem>>, vector<16xf32>,
      %add3A_1409 = arith.addi %mul3A_1325, %add3A_65 : vector<16xi32>
      tpu.vector_store_idx %arg8[%add3A_1409], %get3A_1408 {add = true} : memref<10752xf32, #tpu.memory_space<vmem>>[vector<16xi32>], vector<16xf32>,
      %get3A_1410 = arith.index_cast %add3A_1320 : i32 to index
      %get3A_1411 = arith.constant 336 : index
      %get3A_1412 = tpu.vector_load %arg6[%get3A_1410, %get3A_1411] {strides = array<i32>} : memref<128x512xf32, #tpu.memory_space<vmem>>, vector<16xf32>,
      %add3A_1413 = arith.addi %mul3A_1325, %add3A_68 : vector<16xi32>
      tpu.vector_store_idx %arg8[%add3A_1413], %get3A_1412 {add = true} : memref<10752xf32, #tpu.memory_space<vmem>>[vector<16xi32>], vector<16xf32>,
      %get3A_1414 = arith.index_cast %add3A_1320 : i32 to index
      %get3A_1415 = arith.constant 352 : index
      %get3A_1416 = tpu.vector_load %arg6[%get3A_1414, %get3A_1415] {strides = array<i32>} : memref<128x512xf32, #tpu.memory_space<vmem>>, vector<16xf32>,
      %add3A_1417 = arith.addi %mul3A_1325, %add3A_71 : vector<16xi32>
      tpu.vector_store_idx %arg8[%add3A_1417], %get3A_1416 {add = true} : memref<10752xf32, #tpu.memory_space<vmem>>[vector<16xi32>], vector<16xf32>,
      %get3A_1418 = arith.index_cast %add3A_1320 : i32 to index
      %get3A_1419 = arith.constant 368 : index
      %get3A_1420 = tpu.vector_load %arg6[%get3A_1418, %get3A_1419] {strides = array<i32>} : memref<128x512xf32, #tpu.memory_space<vmem>>, vector<16xf32>,
      %add3A_1421 = arith.addi %mul3A_1325, %add3A_74 : vector<16xi32>
      tpu.vector_store_idx %arg8[%add3A_1421], %get3A_1420 {add = true} : memref<10752xf32, #tpu.memory_space<vmem>>[vector<16xi32>], vector<16xf32>,
      %get3A_1422 = arith.index_cast %add3A_1320 : i32 to index
      %get3A_1423 = arith.constant 384 : index
      %get3A_1424 = tpu.vector_load %arg6[%get3A_1422, %get3A_1423] {strides = array<i32>} : memref<128x512xf32, #tpu.memory_space<vmem>>, vector<16xf32>,
      %add3A_1425 = arith.addi %mul3A_1325, %add3A_77 : vector<16xi32>
      tpu.vector_store_idx %arg8[%add3A_1425], %get3A_1424 {add = true} : memref<10752xf32, #tpu.memory_space<vmem>>[vector<16xi32>], vector<16xf32>,
      %get3A_1426 = arith.index_cast %add3A_1320 : i32 to index
      %get3A_1427 = arith.constant 400 : index
      %get3A_1428 = tpu.vector_load %arg6[%get3A_1426, %get3A_1427] {strides = array<i32>} : memref<128x512xf32, #tpu.memory_space<vmem>>, vector<16xf32>,
      %add3A_1429 = arith.addi %mul3A_1325, %add3A_80 : vector<16xi32>
      tpu.vector_store_idx %arg8[%add3A_1429], %get3A_1428 {add = true} : memref<10752xf32, #tpu.memory_space<vmem>>[vector<16xi32>], vector<16xf32>,
      %get3A_1430 = arith.index_cast %add3A_1320 : i32 to index
      %get3A_1431 = arith.constant 416 : index
      %get3A_1432 = tpu.vector_load %arg6[%get3A_1430, %get3A_1431] {strides = array<i32>} : memref<128x512xf32, #tpu.memory_space<vmem>>, vector<16xf32>,
      %add3A_1433 = arith.addi %mul3A_1325, %add3A_83 : vector<16xi32>
      tpu.vector_store_idx %arg8[%add3A_1433], %get3A_1432 {add = true} : memref<10752xf32, #tpu.memory_space<vmem>>[vector<16xi32>], vector<16xf32>,
      %get3A_1434 = arith.index_cast %add3A_1320 : i32 to index
      %get3A_1435 = arith.constant 432 : index
      %get3A_1436 = tpu.vector_load %arg6[%get3A_1434, %get3A_1435] {strides = array<i32>} : memref<128x512xf32, #tpu.memory_space<vmem>>, vector<16xf32>,
      %add3A_1437 = arith.addi %mul3A_1325, %add3A_86 : vector<16xi32>
      tpu.vector_store_idx %arg8[%add3A_1437], %get3A_1436 {add = true} : memref<10752xf32, #tpu.memory_space<vmem>>[vector<16xi32>], vector<16xf32>,
      %get3A_1438 = arith.index_cast %add3A_1320 : i32 to index
      %get3A_1439 = arith.constant 448 : index
      %get3A_1440 = tpu.vector_load %arg6[%get3A_1438, %get3A_1439] {strides = array<i32>} : memref<128x512xf32, #tpu.memory_space<vmem>>, vector<16xf32>,
      %add3A_1441 = arith.addi %mul3A_1325, %add3A_89 : vector<16xi32>
      tpu.vector_store_idx %arg8[%add3A_1441], %get3A_1440 {add = true} : memref<10752xf32, #tpu.memory_space<vmem>>[vector<16xi32>], vector<16xf32>,
      %get3A_1442 = arith.index_cast %add3A_1320 : i32 to index
      %get3A_1443 = arith.constant 464 : index
      %get3A_1444 = tpu.vector_load %arg6[%get3A_1442, %get3A_1443] {strides = array<i32>} : memref<128x512xf32, #tpu.memory_space<vmem>>, vector<16xf32>,
      %add3A_1445 = arith.addi %mul3A_1325, %add3A_92 : vector<16xi32>
      tpu.vector_store_idx %arg8[%add3A_1445], %get3A_1444 {add = true} : memref<10752xf32, #tpu.memory_space<vmem>>[vector<16xi32>], vector<16xf32>,
      %get3A_1446 = arith.index_cast %add3A_1320 : i32 to index
      %get3A_1447 = arith.constant 480 : index
      %get3A_1448 = tpu.vector_load %arg6[%get3A_1446, %get3A_1447] {strides = array<i32>} : memref<128x512xf32, #tpu.memory_space<vmem>>, vector<16xf32>,
      %add3A_1449 = arith.addi %mul3A_1325, %add3A_95 : vector<16xi32>
      tpu.vector_store_idx %arg8[%add3A_1449], %get3A_1448 {add = true} : memref<10752xf32, #tpu.memory_space<vmem>>[vector<16xi32>], vector<16xf32>,
      %get3A_1450 = arith.index_cast %add3A_1320 : i32 to index
      %get3A_1451 = arith.constant 496 : index
      %get3A_1452 = tpu.vector_load %arg6[%get3A_1450, %get3A_1451] {strides = array<i32>} : memref<128x512xf32, #tpu.memory_space<vmem>>, vector<16xf32>,
      %add3A_1453 = arith.addi %mul3A_1325, %add3A_98 : vector<16xi32>
      tpu.vector_store_idx %arg8[%add3A_1453], %get3A_1452 {add = true} : memref<10752xf32, #tpu.memory_space<vmem>>[vector<16xi32>], vector<16xf32>,
      %add3A_1454 = arith.constant 10 : i32
      %add3A_1455 = arith.addi %mul3A_106, %add3A_1454 : i32
      %broadcast_in_dim3A_1456 = vector.broadcast %add3A_1455 : i32 to vector<16xi32>
      %gather3A_1457 = tpu.vector_load_idx %arg7[%broadcast_in_dim3A_1456] : memref<128xi32, #tpu.memory_space<vmem>>[vector<16xi32>], vector<16xi32>,
      %mul3A_1458 = arith.constant 512 : i32
      %mul3A_1459 = vector.broadcast %mul3A_1458 : i32 to vector<16xi32>
      %mul3A_1460 = arith.muli %gather3A_1457, %mul3A_1459 : vector<16xi32>
      %get3A_1461 = arith.index_cast %add3A_1455 : i32 to index
      %get3A_1462 = arith.constant 0 : index
      %get3A_1463 = tpu.vector_load %arg6[%get3A_1461, %get3A_1462] {strides = array<i32>} : memref<128x512xf32, #tpu.memory_space<vmem>>, vector<16xf32>,
      %add3A_1464 = arith.addi %mul3A_1460, %add3A_5 : vector<16xi32>
      tpu.vector_store_idx %arg8[%add3A_1464], %get3A_1463 {add = true} : memref<10752xf32, #tpu.memory_space<vmem>>[vector<16xi32>], vector<16xf32>,
      %get3A_1465 = arith.index_cast %add3A_1455 : i32 to index
      %get3A_1466 = arith.constant 16 : index
      %get3A_1467 = tpu.vector_load %arg6[%get3A_1465, %get3A_1466] {strides = array<i32>} : memref<128x512xf32, #tpu.memory_space<vmem>>, vector<16xf32>,
      %add3A_1468 = arith.addi %mul3A_1460, %add3A_8 : vector<16xi32>
      tpu.vector_store_idx %arg8[%add3A_1468], %get3A_1467 {add = true} : memref<10752xf32, #tpu.memory_space<vmem>>[vector<16xi32>], vector<16xf32>,
      %get3A_1469 = arith.index_cast %add3A_1455 : i32 to index
      %get3A_1470 = arith.constant 32 : index
      %get3A_1471 = tpu.vector_load %arg6[%get3A_1469, %get3A_1470] {strides = array<i32>} : memref<128x512xf32, #tpu.memory_space<vmem>>, vector<16xf32>,
      %add3A_1472 = arith.addi %mul3A_1460, %add3A_11 : vector<16xi32>
      tpu.vector_store_idx %arg8[%add3A_1472], %get3A_1471 {add = true} : memref<10752xf32, #tpu.memory_space<vmem>>[vector<16xi32>], vector<16xf32>,
      %get3A_1473 = arith.index_cast %add3A_1455 : i32 to index
      %get3A_1474 = arith.constant 48 : index
      %get3A_1475 = tpu.vector_load %arg6[%get3A_1473, %get3A_1474] {strides = array<i32>} : memref<128x512xf32, #tpu.memory_space<vmem>>, vector<16xf32>,
      %add3A_1476 = arith.addi %mul3A_1460, %add3A_14 : vector<16xi32>
      tpu.vector_store_idx %arg8[%add3A_1476], %get3A_1475 {add = true} : memref<10752xf32, #tpu.memory_space<vmem>>[vector<16xi32>], vector<16xf32>,
      %get3A_1477 = arith.index_cast %add3A_1455 : i32 to index
      %get3A_1478 = arith.constant 64 : index
      %get3A_1479 = tpu.vector_load %arg6[%get3A_1477, %get3A_1478] {strides = array<i32>} : memref<128x512xf32, #tpu.memory_space<vmem>>, vector<16xf32>,
      %add3A_1480 = arith.addi %mul3A_1460, %add3A_17 : vector<16xi32>
      tpu.vector_store_idx %arg8[%add3A_1480], %get3A_1479 {add = true} : memref<10752xf32, #tpu.memory_space<vmem>>[vector<16xi32>], vector<16xf32>,
      %get3A_1481 = arith.index_cast %add3A_1455 : i32 to index
      %get3A_1482 = arith.constant 80 : index
      %get3A_1483 = tpu.vector_load %arg6[%get3A_1481, %get3A_1482] {strides = array<i32>} : memref<128x512xf32, #tpu.memory_space<vmem>>, vector<16xf32>,
      %add3A_1484 = arith.addi %mul3A_1460, %add3A_20 : vector<16xi32>
      tpu.vector_store_idx %arg8[%add3A_1484], %get3A_1483 {add = true} : memref<10752xf32, #tpu.memory_space<vmem>>[vector<16xi32>], vector<16xf32>,
      %get3A_1485 = arith.index_cast %add3A_1455 : i32 to index
      %get3A_1486 = arith.constant 96 : index
      %get3A_1487 = tpu.vector_load %arg6[%get3A_1485, %get3A_1486] {strides = array<i32>} : memref<128x512xf32, #tpu.memory_space<vmem>>, vector<16xf32>,
      %add3A_1488 = arith.addi %mul3A_1460, %add3A_23 : vector<16xi32>
      tpu.vector_store_idx %arg8[%add3A_1488], %get3A_1487 {add = true} : memref<10752xf32, #tpu.memory_space<vmem>>[vector<16xi32>], vector<16xf32>,
      %get3A_1489 = arith.index_cast %add3A_1455 : i32 to index
      %get3A_1490 = arith.constant 112 : index
      %get3A_1491 = tpu.vector_load %arg6[%get3A_1489, %get3A_1490] {strides = array<i32>} : memref<128x512xf32, #tpu.memory_space<vmem>>, vector<16xf32>,
      %add3A_1492 = arith.addi %mul3A_1460, %add3A_26 : vector<16xi32>
      tpu.vector_store_idx %arg8[%add3A_1492], %get3A_1491 {add = true} : memref<10752xf32, #tpu.memory_space<vmem>>[vector<16xi32>], vector<16xf32>,
      %get3A_1493 = arith.index_cast %add3A_1455 : i32 to index
      %get3A_1494 = arith.constant 128 : index
      %get3A_1495 = tpu.vector_load %arg6[%get3A_1493, %get3A_1494] {strides = array<i32>} : memref<128x512xf32, #tpu.memory_space<vmem>>, vector<16xf32>,
      %add3A_1496 = arith.addi %mul3A_1460, %add3A_29 : vector<16xi32>
      tpu.vector_store_idx %arg8[%add3A_1496], %get3A_1495 {add = true} : memref<10752xf32, #tpu.memory_space<vmem>>[vector<16xi32>], vector<16xf32>,
      %get3A_1497 = arith.index_cast %add3A_1455 : i32 to index
      %get3A_1498 = arith.constant 144 : index
      %get3A_1499 = tpu.vector_load %arg6[%get3A_1497, %get3A_1498] {strides = array<i32>} : memref<128x512xf32, #tpu.memory_space<vmem>>, vector<16xf32>,
      %add3A_1500 = arith.addi %mul3A_1460, %add3A_32 : vector<16xi32>
      tpu.vector_store_idx %arg8[%add3A_1500], %get3A_1499 {add = true} : memref<10752xf32, #tpu.memory_space<vmem>>[vector<16xi32>], vector<16xf32>,
      %get3A_1501 = arith.index_cast %add3A_1455 : i32 to index
      %get3A_1502 = arith.constant 160 : index
      %get3A_1503 = tpu.vector_load %arg6[%get3A_1501, %get3A_1502] {strides = array<i32>} : memref<128x512xf32, #tpu.memory_space<vmem>>, vector<16xf32>,
      %add3A_1504 = arith.addi %mul3A_1460, %add3A_35 : vector<16xi32>
      tpu.vector_store_idx %arg8[%add3A_1504], %get3A_1503 {add = true} : memref<10752xf32, #tpu.memory_space<vmem>>[vector<16xi32>], vector<16xf32>,
      %get3A_1505 = arith.index_cast %add3A_1455 : i32 to index
      %get3A_1506 = arith.constant 176 : index
      %get3A_1507 = tpu.vector_load %arg6[%get3A_1505, %get3A_1506] {strides = array<i32>} : memref<128x512xf32, #tpu.memory_space<vmem>>, vector<16xf32>,
      %add3A_1508 = arith.addi %mul3A_1460, %add3A_38 : vector<16xi32>
      tpu.vector_store_idx %arg8[%add3A_1508], %get3A_1507 {add = true} : memref<10752xf32, #tpu.memory_space<vmem>>[vector<16xi32>], vector<16xf32>,
      %get3A_1509 = arith.index_cast %add3A_1455 : i32 to index
      %get3A_1510 = arith.constant 192 : index
      %get3A_1511 = tpu.vector_load %arg6[%get3A_1509, %get3A_1510] {strides = array<i32>} : memref<128x512xf32, #tpu.memory_space<vmem>>, vector<16xf32>,
      %add3A_1512 = arith.addi %mul3A_1460, %add3A_41 : vector<16xi32>
      tpu.vector_store_idx %arg8[%add3A_1512], %get3A_1511 {add = true} : memref<10752xf32, #tpu.memory_space<vmem>>[vector<16xi32>], vector<16xf32>,
      %get3A_1513 = arith.index_cast %add3A_1455 : i32 to index
      %get3A_1514 = arith.constant 208 : index
      %get3A_1515 = tpu.vector_load %arg6[%get3A_1513, %get3A_1514] {strides = array<i32>} : memref<128x512xf32, #tpu.memory_space<vmem>>, vector<16xf32>,
      %add3A_1516 = arith.addi %mul3A_1460, %add3A_44 : vector<16xi32>
      tpu.vector_store_idx %arg8[%add3A_1516], %get3A_1515 {add = true} : memref<10752xf32, #tpu.memory_space<vmem>>[vector<16xi32>], vector<16xf32>,
      %get3A_1517 = arith.index_cast %add3A_1455 : i32 to index
      %get3A_1518 = arith.constant 224 : index
      %get3A_1519 = tpu.vector_load %arg6[%get3A_1517, %get3A_1518] {strides = array<i32>} : memref<128x512xf32, #tpu.memory_space<vmem>>, vector<16xf32>,
      %add3A_1520 = arith.addi %mul3A_1460, %add3A_47 : vector<16xi32>
      tpu.vector_store_idx %arg8[%add3A_1520], %get3A_1519 {add = true} : memref<10752xf32, #tpu.memory_space<vmem>>[vector<16xi32>], vector<16xf32>,
      %get3A_1521 = arith.index_cast %add3A_1455 : i32 to index
      %get3A_1522 = arith.constant 240 : index
      %get3A_1523 = tpu.vector_load %arg6[%get3A_1521, %get3A_1522] {strides = array<i32>} : memref<128x512xf32, #tpu.memory_space<vmem>>, vector<16xf32>,
      %add3A_1524 = arith.addi %mul3A_1460, %add3A_50 : vector<16xi32>
      tpu.vector_store_idx %arg8[%add3A_1524], %get3A_1523 {add = true} : memref<10752xf32, #tpu.memory_space<vmem>>[vector<16xi32>], vector<16xf32>,
      %get3A_1525 = arith.index_cast %add3A_1455 : i32 to index
      %get3A_1526 = arith.constant 256 : index
      %get3A_1527 = tpu.vector_load %arg6[%get3A_1525, %get3A_1526] {strides = array<i32>} : memref<128x512xf32, #tpu.memory_space<vmem>>, vector<16xf32>,
      %add3A_1528 = arith.addi %mul3A_1460, %add3A_53 : vector<16xi32>
      tpu.vector_store_idx %arg8[%add3A_1528], %get3A_1527 {add = true} : memref<10752xf32, #tpu.memory_space<vmem>>[vector<16xi32>], vector<16xf32>,
      %get3A_1529 = arith.index_cast %add3A_1455 : i32 to index
      %get3A_1530 = arith.constant 272 : index
      %get3A_1531 = tpu.vector_load %arg6[%get3A_1529, %get3A_1530] {strides = array<i32>} : memref<128x512xf32, #tpu.memory_space<vmem>>, vector<16xf32>,
      %add3A_1532 = arith.addi %mul3A_1460, %add3A_56 : vector<16xi32>
      tpu.vector_store_idx %arg8[%add3A_1532], %get3A_1531 {add = true} : memref<10752xf32, #tpu.memory_space<vmem>>[vector<16xi32>], vector<16xf32>,
      %get3A_1533 = arith.index_cast %add3A_1455 : i32 to index
      %get3A_1534 = arith.constant 288 : index
      %get3A_1535 = tpu.vector_load %arg6[%get3A_1533, %get3A_1534] {strides = array<i32>} : memref<128x512xf32, #tpu.memory_space<vmem>>, vector<16xf32>,
      %add3A_1536 = arith.addi %mul3A_1460, %add3A_59 : vector<16xi32>
      tpu.vector_store_idx %arg8[%add3A_1536], %get3A_1535 {add = true} : memref<10752xf32, #tpu.memory_space<vmem>>[vector<16xi32>], vector<16xf32>,
      %get3A_1537 = arith.index_cast %add3A_1455 : i32 to index
      %get3A_1538 = arith.constant 304 : index
      %get3A_1539 = tpu.vector_load %arg6[%get3A_1537, %get3A_1538] {strides = array<i32>} : memref<128x512xf32, #tpu.memory_space<vmem>>, vector<16xf32>,
      %add3A_1540 = arith.addi %mul3A_1460, %add3A_62 : vector<16xi32>
      tpu.vector_store_idx %arg8[%add3A_1540], %get3A_1539 {add = true} : memref<10752xf32, #tpu.memory_space<vmem>>[vector<16xi32>], vector<16xf32>,
      %get3A_1541 = arith.index_cast %add3A_1455 : i32 to index
      %get3A_1542 = arith.constant 320 : index
      %get3A_1543 = tpu.vector_load %arg6[%get3A_1541, %get3A_1542] {strides = array<i32>} : memref<128x512xf32, #tpu.memory_space<vmem>>, vector<16xf32>,
      %add3A_1544 = arith.addi %mul3A_1460, %add3A_65 : vector<16xi32>
      tpu.vector_store_idx %arg8[%add3A_1544], %get3A_1543 {add = true} : memref<10752xf32, #tpu.memory_space<vmem>>[vector<16xi32>], vector<16xf32>,
      %get3A_1545 = arith.index_cast %add3A_1455 : i32 to index
      %get3A_1546 = arith.constant 336 : index
      %get3A_1547 = tpu.vector_load %arg6[%get3A_1545, %get3A_1546] {strides = array<i32>} : memref<128x512xf32, #tpu.memory_space<vmem>>, vector<16xf32>,
      %add3A_1548 = arith.addi %mul3A_1460, %add3A_68 : vector<16xi32>
      tpu.vector_store_idx %arg8[%add3A_1548], %get3A_1547 {add = true} : memref<10752xf32, #tpu.memory_space<vmem>>[vector<16xi32>], vector<16xf32>,
      %get3A_1549 = arith.index_cast %add3A_1455 : i32 to index
      %get3A_1550 = arith.constant 352 : index
      %get3A_1551 = tpu.vector_load %arg6[%get3A_1549, %get3A_1550] {strides = array<i32>} : memref<128x512xf32, #tpu.memory_space<vmem>>, vector<16xf32>,
      %add3A_1552 = arith.addi %mul3A_1460, %add3A_71 : vector<16xi32>
      tpu.vector_store_idx %arg8[%add3A_1552], %get3A_1551 {add = true} : memref<10752xf32, #tpu.memory_space<vmem>>[vector<16xi32>], vector<16xf32>,
      %get3A_1553 = arith.index_cast %add3A_1455 : i32 to index
      %get3A_1554 = arith.constant 368 : index
      %get3A_1555 = tpu.vector_load %arg6[%get3A_1553, %get3A_1554] {strides = array<i32>} : memref<128x512xf32, #tpu.memory_space<vmem>>, vector<16xf32>,
      %add3A_1556 = arith.addi %mul3A_1460, %add3A_74 : vector<16xi32>
      tpu.vector_store_idx %arg8[%add3A_1556], %get3A_1555 {add = true} : memref<10752xf32, #tpu.memory_space<vmem>>[vector<16xi32>], vector<16xf32>,
      %get3A_1557 = arith.index_cast %add3A_1455 : i32 to index
      %get3A_1558 = arith.constant 384 : index
      %get3A_1559 = tpu.vector_load %arg6[%get3A_1557, %get3A_1558] {strides = array<i32>} : memref<128x512xf32, #tpu.memory_space<vmem>>, vector<16xf32>,
      %add3A_1560 = arith.addi %mul3A_1460, %add3A_77 : vector<16xi32>
      tpu.vector_store_idx %arg8[%add3A_1560], %get3A_1559 {add = true} : memref<10752xf32, #tpu.memory_space<vmem>>[vector<16xi32>], vector<16xf32>,
      %get3A_1561 = arith.index_cast %add3A_1455 : i32 to index
      %get3A_1562 = arith.constant 400 : index
      %get3A_1563 = tpu.vector_load %arg6[%get3A_1561, %get3A_1562] {strides = array<i32>} : memref<128x512xf32, #tpu.memory_space<vmem>>, vector<16xf32>,
      %add3A_1564 = arith.addi %mul3A_1460, %add3A_80 : vector<16xi32>
      tpu.vector_store_idx %arg8[%add3A_1564], %get3A_1563 {add = true} : memref<10752xf32, #tpu.memory_space<vmem>>[vector<16xi32>], vector<16xf32>,
      %get3A_1565 = arith.index_cast %add3A_1455 : i32 to index
      %get3A_1566 = arith.constant 416 : index
      %get3A_1567 = tpu.vector_load %arg6[%get3A_1565, %get3A_1566] {strides = array<i32>} : memref<128x512xf32, #tpu.memory_space<vmem>>, vector<16xf32>,
      %add3A_1568 = arith.addi %mul3A_1460, %add3A_83 : vector<16xi32>
      tpu.vector_store_idx %arg8[%add3A_1568], %get3A_1567 {add = true} : memref<10752xf32, #tpu.memory_space<vmem>>[vector<16xi32>], vector<16xf32>,
      %get3A_1569 = arith.index_cast %add3A_1455 : i32 to index
      %get3A_1570 = arith.constant 432 : index
      %get3A_1571 = tpu.vector_load %arg6[%get3A_1569, %get3A_1570] {strides = array<i32>} : memref<128x512xf32, #tpu.memory_space<vmem>>, vector<16xf32>,
      %add3A_1572 = arith.addi %mul3A_1460, %add3A_86 : vector<16xi32>
      tpu.vector_store_idx %arg8[%add3A_1572], %get3A_1571 {add = true} : memref<10752xf32, #tpu.memory_space<vmem>>[vector<16xi32>], vector<16xf32>,
      %get3A_1573 = arith.index_cast %add3A_1455 : i32 to index
      %get3A_1574 = arith.constant 448 : index
      %get3A_1575 = tpu.vector_load %arg6[%get3A_1573, %get3A_1574] {strides = array<i32>} : memref<128x512xf32, #tpu.memory_space<vmem>>, vector<16xf32>,
      %add3A_1576 = arith.addi %mul3A_1460, %add3A_89 : vector<16xi32>
      tpu.vector_store_idx %arg8[%add3A_1576], %get3A_1575 {add = true} : memref<10752xf32, #tpu.memory_space<vmem>>[vector<16xi32>], vector<16xf32>,
      %get3A_1577 = arith.index_cast %add3A_1455 : i32 to index
      %get3A_1578 = arith.constant 464 : index
      %get3A_1579 = tpu.vector_load %arg6[%get3A_1577, %get3A_1578] {strides = array<i32>} : memref<128x512xf32, #tpu.memory_space<vmem>>, vector<16xf32>,
      %add3A_1580 = arith.addi %mul3A_1460, %add3A_92 : vector<16xi32>
      tpu.vector_store_idx %arg8[%add3A_1580], %get3A_1579 {add = true} : memref<10752xf32, #tpu.memory_space<vmem>>[vector<16xi32>], vector<16xf32>,
      %get3A_1581 = arith.index_cast %add3A_1455 : i32 to index
      %get3A_1582 = arith.constant 480 : index
      %get3A_1583 = tpu.vector_load %arg6[%get3A_1581, %get3A_1582] {strides = array<i32>} : memref<128x512xf32, #tpu.memory_space<vmem>>, vector<16xf32>,
      %add3A_1584 = arith.addi %mul3A_1460, %add3A_95 : vector<16xi32>
      tpu.vector_store_idx %arg8[%add3A_1584], %get3A_1583 {add = true} : memref<10752xf32, #tpu.memory_space<vmem>>[vector<16xi32>], vector<16xf32>,
      %get3A_1585 = arith.index_cast %add3A_1455 : i32 to index
      %get3A_1586 = arith.constant 496 : index
      %get3A_1587 = tpu.vector_load %arg6[%get3A_1585, %get3A_1586] {strides = array<i32>} : memref<128x512xf32, #tpu.memory_space<vmem>>, vector<16xf32>,
      %add3A_1588 = arith.addi %mul3A_1460, %add3A_98 : vector<16xi32>
      tpu.vector_store_idx %arg8[%add3A_1588], %get3A_1587 {add = true} : memref<10752xf32, #tpu.memory_space<vmem>>[vector<16xi32>], vector<16xf32>,
      %add3A_1589 = arith.constant 11 : i32
      %add3A_1590 = arith.addi %mul3A_106, %add3A_1589 : i32
      %broadcast_in_dim3A_1591 = vector.broadcast %add3A_1590 : i32 to vector<16xi32>
      %gather3A_1592 = tpu.vector_load_idx %arg7[%broadcast_in_dim3A_1591] : memref<128xi32, #tpu.memory_space<vmem>>[vector<16xi32>], vector<16xi32>,
      %mul3A_1593 = arith.constant 512 : i32
      %mul3A_1594 = vector.broadcast %mul3A_1593 : i32 to vector<16xi32>
      %mul3A_1595 = arith.muli %gather3A_1592, %mul3A_1594 : vector<16xi32>
      %get3A_1596 = arith.index_cast %add3A_1590 : i32 to index
      %get3A_1597 = arith.constant 0 : index
      %get3A_1598 = tpu.vector_load %arg6[%get3A_1596, %get3A_1597] {strides = array<i32>} : memref<128x512xf32, #tpu.memory_space<vmem>>, vector<16xf32>,
      %add3A_1599 = arith.addi %mul3A_1595, %add3A_5 : vector<16xi32>
      tpu.vector_store_idx %arg8[%add3A_1599], %get3A_1598 {add = true} : memref<10752xf32, #tpu.memory_space<vmem>>[vector<16xi32>], vector<16xf32>,
      %get3A_1600 = arith.index_cast %add3A_1590 : i32 to index
      %get3A_1601 = arith.constant 16 : index
      %get3A_1602 = tpu.vector_load %arg6[%get3A_1600, %get3A_1601] {strides = array<i32>} : memref<128x512xf32, #tpu.memory_space<vmem>>, vector<16xf32>,
      %add3A_1603 = arith.addi %mul3A_1595, %add3A_8 : vector<16xi32>
      tpu.vector_store_idx %arg8[%add3A_1603], %get3A_1602 {add = true} : memref<10752xf32, #tpu.memory_space<vmem>>[vector<16xi32>], vector<16xf32>,
      %get3A_1604 = arith.index_cast %add3A_1590 : i32 to index
      %get3A_1605 = arith.constant 32 : index
      %get3A_1606 = tpu.vector_load %arg6[%get3A_1604, %get3A_1605] {strides = array<i32>} : memref<128x512xf32, #tpu.memory_space<vmem>>, vector<16xf32>,
      %add3A_1607 = arith.addi %mul3A_1595, %add3A_11 : vector<16xi32>
      tpu.vector_store_idx %arg8[%add3A_1607], %get3A_1606 {add = true} : memref<10752xf32, #tpu.memory_space<vmem>>[vector<16xi32>], vector<16xf32>,
      %get3A_1608 = arith.index_cast %add3A_1590 : i32 to index
      %get3A_1609 = arith.constant 48 : index
      %get3A_1610 = tpu.vector_load %arg6[%get3A_1608, %get3A_1609] {strides = array<i32>} : memref<128x512xf32, #tpu.memory_space<vmem>>, vector<16xf32>,
      %add3A_1611 = arith.addi %mul3A_1595, %add3A_14 : vector<16xi32>
      tpu.vector_store_idx %arg8[%add3A_1611], %get3A_1610 {add = true} : memref<10752xf32, #tpu.memory_space<vmem>>[vector<16xi32>], vector<16xf32>,
      %get3A_1612 = arith.index_cast %add3A_1590 : i32 to index
      %get3A_1613 = arith.constant 64 : index
      %get3A_1614 = tpu.vector_load %arg6[%get3A_1612, %get3A_1613] {strides = array<i32>} : memref<128x512xf32, #tpu.memory_space<vmem>>, vector<16xf32>,
      %add3A_1615 = arith.addi %mul3A_1595, %add3A_17 : vector<16xi32>
      tpu.vector_store_idx %arg8[%add3A_1615], %get3A_1614 {add = true} : memref<10752xf32, #tpu.memory_space<vmem>>[vector<16xi32>], vector<16xf32>,
      %get3A_1616 = arith.index_cast %add3A_1590 : i32 to index
      %get3A_1617 = arith.constant 80 : index
      %get3A_1618 = tpu.vector_load %arg6[%get3A_1616, %get3A_1617] {strides = array<i32>} : memref<128x512xf32, #tpu.memory_space<vmem>>, vector<16xf32>,
      %add3A_1619 = arith.addi %mul3A_1595, %add3A_20 : vector<16xi32>
      tpu.vector_store_idx %arg8[%add3A_1619], %get3A_1618 {add = true} : memref<10752xf32, #tpu.memory_space<vmem>>[vector<16xi32>], vector<16xf32>,
      %get3A_1620 = arith.index_cast %add3A_1590 : i32 to index
      %get3A_1621 = arith.constant 96 : index
      %get3A_1622 = tpu.vector_load %arg6[%get3A_1620, %get3A_1621] {strides = array<i32>} : memref<128x512xf32, #tpu.memory_space<vmem>>, vector<16xf32>,
      %add3A_1623 = arith.addi %mul3A_1595, %add3A_23 : vector<16xi32>
      tpu.vector_store_idx %arg8[%add3A_1623], %get3A_1622 {add = true} : memref<10752xf32, #tpu.memory_space<vmem>>[vector<16xi32>], vector<16xf32>,
      %get3A_1624 = arith.index_cast %add3A_1590 : i32 to index
      %get3A_1625 = arith.constant 112 : index
      %get3A_1626 = tpu.vector_load %arg6[%get3A_1624, %get3A_1625] {strides = array<i32>} : memref<128x512xf32, #tpu.memory_space<vmem>>, vector<16xf32>,
      %add3A_1627 = arith.addi %mul3A_1595, %add3A_26 : vector<16xi32>
      tpu.vector_store_idx %arg8[%add3A_1627], %get3A_1626 {add = true} : memref<10752xf32, #tpu.memory_space<vmem>>[vector<16xi32>], vector<16xf32>,
      %get3A_1628 = arith.index_cast %add3A_1590 : i32 to index
      %get3A_1629 = arith.constant 128 : index
      %get3A_1630 = tpu.vector_load %arg6[%get3A_1628, %get3A_1629] {strides = array<i32>} : memref<128x512xf32, #tpu.memory_space<vmem>>, vector<16xf32>,
      %add3A_1631 = arith.addi %mul3A_1595, %add3A_29 : vector<16xi32>
      tpu.vector_store_idx %arg8[%add3A_1631], %get3A_1630 {add = true} : memref<10752xf32, #tpu.memory_space<vmem>>[vector<16xi32>], vector<16xf32>,
      %get3A_1632 = arith.index_cast %add3A_1590 : i32 to index
      %get3A_1633 = arith.constant 144 : index
      %get3A_1634 = tpu.vector_load %arg6[%get3A_1632, %get3A_1633] {strides = array<i32>} : memref<128x512xf32, #tpu.memory_space<vmem>>, vector<16xf32>,
      %add3A_1635 = arith.addi %mul3A_1595, %add3A_32 : vector<16xi32>
      tpu.vector_store_idx %arg8[%add3A_1635], %get3A_1634 {add = true} : memref<10752xf32, #tpu.memory_space<vmem>>[vector<16xi32>], vector<16xf32>,
      %get3A_1636 = arith.index_cast %add3A_1590 : i32 to index
      %get3A_1637 = arith.constant 160 : index
      %get3A_1638 = tpu.vector_load %arg6[%get3A_1636, %get3A_1637] {strides = array<i32>} : memref<128x512xf32, #tpu.memory_space<vmem>>, vector<16xf32>,
      %add3A_1639 = arith.addi %mul3A_1595, %add3A_35 : vector<16xi32>
      tpu.vector_store_idx %arg8[%add3A_1639], %get3A_1638 {add = true} : memref<10752xf32, #tpu.memory_space<vmem>>[vector<16xi32>], vector<16xf32>,
      %get3A_1640 = arith.index_cast %add3A_1590 : i32 to index
      %get3A_1641 = arith.constant 176 : index
      %get3A_1642 = tpu.vector_load %arg6[%get3A_1640, %get3A_1641] {strides = array<i32>} : memref<128x512xf32, #tpu.memory_space<vmem>>, vector<16xf32>,
      %add3A_1643 = arith.addi %mul3A_1595, %add3A_38 : vector<16xi32>
      tpu.vector_store_idx %arg8[%add3A_1643], %get3A_1642 {add = true} : memref<10752xf32, #tpu.memory_space<vmem>>[vector<16xi32>], vector<16xf32>,
      %get3A_1644 = arith.index_cast %add3A_1590 : i32 to index
      %get3A_1645 = arith.constant 192 : index
      %get3A_1646 = tpu.vector_load %arg6[%get3A_1644, %get3A_1645] {strides = array<i32>} : memref<128x512xf32, #tpu.memory_space<vmem>>, vector<16xf32>,
      %add3A_1647 = arith.addi %mul3A_1595, %add3A_41 : vector<16xi32>
      tpu.vector_store_idx %arg8[%add3A_1647], %get3A_1646 {add = true} : memref<10752xf32, #tpu.memory_space<vmem>>[vector<16xi32>], vector<16xf32>,
      %get3A_1648 = arith.index_cast %add3A_1590 : i32 to index
      %get3A_1649 = arith.constant 208 : index
      %get3A_1650 = tpu.vector_load %arg6[%get3A_1648, %get3A_1649] {strides = array<i32>} : memref<128x512xf32, #tpu.memory_space<vmem>>, vector<16xf32>,
      %add3A_1651 = arith.addi %mul3A_1595, %add3A_44 : vector<16xi32>
      tpu.vector_store_idx %arg8[%add3A_1651], %get3A_1650 {add = true} : memref<10752xf32, #tpu.memory_space<vmem>>[vector<16xi32>], vector<16xf32>,
      %get3A_1652 = arith.index_cast %add3A_1590 : i32 to index
      %get3A_1653 = arith.constant 224 : index
      %get3A_1654 = tpu.vector_load %arg6[%get3A_1652, %get3A_1653] {strides = array<i32>} : memref<128x512xf32, #tpu.memory_space<vmem>>, vector<16xf32>,
      %add3A_1655 = arith.addi %mul3A_1595, %add3A_47 : vector<16xi32>
      tpu.vector_store_idx %arg8[%add3A_1655], %get3A_1654 {add = true} : memref<10752xf32, #tpu.memory_space<vmem>>[vector<16xi32>], vector<16xf32>,
      %get3A_1656 = arith.index_cast %add3A_1590 : i32 to index
      %get3A_1657 = arith.constant 240 : index
      %get3A_1658 = tpu.vector_load %arg6[%get3A_1656, %get3A_1657] {strides = array<i32>} : memref<128x512xf32, #tpu.memory_space<vmem>>, vector<16xf32>,
      %add3A_1659 = arith.addi %mul3A_1595, %add3A_50 : vector<16xi32>
      tpu.vector_store_idx %arg8[%add3A_1659], %get3A_1658 {add = true} : memref<10752xf32, #tpu.memory_space<vmem>>[vector<16xi32>], vector<16xf32>,
      %get3A_1660 = arith.index_cast %add3A_1590 : i32 to index
      %get3A_1661 = arith.constant 256 : index
      %get3A_1662 = tpu.vector_load %arg6[%get3A_1660, %get3A_1661] {strides = array<i32>} : memref<128x512xf32, #tpu.memory_space<vmem>>, vector<16xf32>,
      %add3A_1663 = arith.addi %mul3A_1595, %add3A_53 : vector<16xi32>
      tpu.vector_store_idx %arg8[%add3A_1663], %get3A_1662 {add = true} : memref<10752xf32, #tpu.memory_space<vmem>>[vector<16xi32>], vector<16xf32>,
      %get3A_1664 = arith.index_cast %add3A_1590 : i32 to index
      %get3A_1665 = arith.constant 272 : index
      %get3A_1666 = tpu.vector_load %arg6[%get3A_1664, %get3A_1665] {strides = array<i32>} : memref<128x512xf32, #tpu.memory_space<vmem>>, vector<16xf32>,
      %add3A_1667 = arith.addi %mul3A_1595, %add3A_56 : vector<16xi32>
      tpu.vector_store_idx %arg8[%add3A_1667], %get3A_1666 {add = true} : memref<10752xf32, #tpu.memory_space<vmem>>[vector<16xi32>], vector<16xf32>,
      %get3A_1668 = arith.index_cast %add3A_1590 : i32 to index
      %get3A_1669 = arith.constant 288 : index
      %get3A_1670 = tpu.vector_load %arg6[%get3A_1668, %get3A_1669] {strides = array<i32>} : memref<128x512xf32, #tpu.memory_space<vmem>>, vector<16xf32>,
      %add3A_1671 = arith.addi %mul3A_1595, %add3A_59 : vector<16xi32>
      tpu.vector_store_idx %arg8[%add3A_1671], %get3A_1670 {add = true} : memref<10752xf32, #tpu.memory_space<vmem>>[vector<16xi32>], vector<16xf32>,
      %get3A_1672 = arith.index_cast %add3A_1590 : i32 to index
      %get3A_1673 = arith.constant 304 : index
      %get3A_1674 = tpu.vector_load %arg6[%get3A_1672, %get3A_1673] {strides = array<i32>} : memref<128x512xf32, #tpu.memory_space<vmem>>, vector<16xf32>,
      %add3A_1675 = arith.addi %mul3A_1595, %add3A_62 : vector<16xi32>
      tpu.vector_store_idx %arg8[%add3A_1675], %get3A_1674 {add = true} : memref<10752xf32, #tpu.memory_space<vmem>>[vector<16xi32>], vector<16xf32>,
      %get3A_1676 = arith.index_cast %add3A_1590 : i32 to index
      %get3A_1677 = arith.constant 320 : index
      %get3A_1678 = tpu.vector_load %arg6[%get3A_1676, %get3A_1677] {strides = array<i32>} : memref<128x512xf32, #tpu.memory_space<vmem>>, vector<16xf32>,
      %add3A_1679 = arith.addi %mul3A_1595, %add3A_65 : vector<16xi32>
      tpu.vector_store_idx %arg8[%add3A_1679], %get3A_1678 {add = true} : memref<10752xf32, #tpu.memory_space<vmem>>[vector<16xi32>], vector<16xf32>,
      %get3A_1680 = arith.index_cast %add3A_1590 : i32 to index
      %get3A_1681 = arith.constant 336 : index
      %get3A_1682 = tpu.vector_load %arg6[%get3A_1680, %get3A_1681] {strides = array<i32>} : memref<128x512xf32, #tpu.memory_space<vmem>>, vector<16xf32>,
      %add3A_1683 = arith.addi %mul3A_1595, %add3A_68 : vector<16xi32>
      tpu.vector_store_idx %arg8[%add3A_1683], %get3A_1682 {add = true} : memref<10752xf32, #tpu.memory_space<vmem>>[vector<16xi32>], vector<16xf32>,
      %get3A_1684 = arith.index_cast %add3A_1590 : i32 to index
      %get3A_1685 = arith.constant 352 : index
      %get3A_1686 = tpu.vector_load %arg6[%get3A_1684, %get3A_1685] {strides = array<i32>} : memref<128x512xf32, #tpu.memory_space<vmem>>, vector<16xf32>,
      %add3A_1687 = arith.addi %mul3A_1595, %add3A_71 : vector<16xi32>
      tpu.vector_store_idx %arg8[%add3A_1687], %get3A_1686 {add = true} : memref<10752xf32, #tpu.memory_space<vmem>>[vector<16xi32>], vector<16xf32>,
      %get3A_1688 = arith.index_cast %add3A_1590 : i32 to index
      %get3A_1689 = arith.constant 368 : index
      %get3A_1690 = tpu.vector_load %arg6[%get3A_1688, %get3A_1689] {strides = array<i32>} : memref<128x512xf32, #tpu.memory_space<vmem>>, vector<16xf32>,
      %add3A_1691 = arith.addi %mul3A_1595, %add3A_74 : vector<16xi32>
      tpu.vector_store_idx %arg8[%add3A_1691], %get3A_1690 {add = true} : memref<10752xf32, #tpu.memory_space<vmem>>[vector<16xi32>], vector<16xf32>,
      %get3A_1692 = arith.index_cast %add3A_1590 : i32 to index
      %get3A_1693 = arith.constant 384 : index
      %get3A_1694 = tpu.vector_load %arg6[%get3A_1692, %get3A_1693] {strides = array<i32>} : memref<128x512xf32, #tpu.memory_space<vmem>>, vector<16xf32>,
      %add3A_1695 = arith.addi %mul3A_1595, %add3A_77 : vector<16xi32>
      tpu.vector_store_idx %arg8[%add3A_1695], %get3A_1694 {add = true} : memref<10752xf32, #tpu.memory_space<vmem>>[vector<16xi32>], vector<16xf32>,
      %get3A_1696 = arith.index_cast %add3A_1590 : i32 to index
      %get3A_1697 = arith.constant 400 : index
      %get3A_1698 = tpu.vector_load %arg6[%get3A_1696, %get3A_1697] {strides = array<i32>} : memref<128x512xf32, #tpu.memory_space<vmem>>, vector<16xf32>,
      %add3A_1699 = arith.addi %mul3A_1595, %add3A_80 : vector<16xi32>
      tpu.vector_store_idx %arg8[%add3A_1699], %get3A_1698 {add = true} : memref<10752xf32, #tpu.memory_space<vmem>>[vector<16xi32>], vector<16xf32>,
      %get3A_1700 = arith.index_cast %add3A_1590 : i32 to index
      %get3A_1701 = arith.constant 416 : index
      %get3A_1702 = tpu.vector_load %arg6[%get3A_1700, %get3A_1701] {strides = array<i32>} : memref<128x512xf32, #tpu.memory_space<vmem>>, vector<16xf32>,
      %add3A_1703 = arith.addi %mul3A_1595, %add3A_83 : vector<16xi32>
      tpu.vector_store_idx %arg8[%add3A_1703], %get3A_1702 {add = true} : memref<10752xf32, #tpu.memory_space<vmem>>[vector<16xi32>], vector<16xf32>,
      %get3A_1704 = arith.index_cast %add3A_1590 : i32 to index
      %get3A_1705 = arith.constant 432 : index
      %get3A_1706 = tpu.vector_load %arg6[%get3A_1704, %get3A_1705] {strides = array<i32>} : memref<128x512xf32, #tpu.memory_space<vmem>>, vector<16xf32>,
      %add3A_1707 = arith.addi %mul3A_1595, %add3A_86 : vector<16xi32>
      tpu.vector_store_idx %arg8[%add3A_1707], %get3A_1706 {add = true} : memref<10752xf32, #tpu.memory_space<vmem>>[vector<16xi32>], vector<16xf32>,
      %get3A_1708 = arith.index_cast %add3A_1590 : i32 to index
      %get3A_1709 = arith.constant 448 : index
      %get3A_1710 = tpu.vector_load %arg6[%get3A_1708, %get3A_1709] {strides = array<i32>} : memref<128x512xf32, #tpu.memory_space<vmem>>, vector<16xf32>,
      %add3A_1711 = arith.addi %mul3A_1595, %add3A_89 : vector<16xi32>
      tpu.vector_store_idx %arg8[%add3A_1711], %get3A_1710 {add = true} : memref<10752xf32, #tpu.memory_space<vmem>>[vector<16xi32>], vector<16xf32>,
      %get3A_1712 = arith.index_cast %add3A_1590 : i32 to index
      %get3A_1713 = arith.constant 464 : index
      %get3A_1714 = tpu.vector_load %arg6[%get3A_1712, %get3A_1713] {strides = array<i32>} : memref<128x512xf32, #tpu.memory_space<vmem>>, vector<16xf32>,
      %add3A_1715 = arith.addi %mul3A_1595, %add3A_92 : vector<16xi32>
      tpu.vector_store_idx %arg8[%add3A_1715], %get3A_1714 {add = true} : memref<10752xf32, #tpu.memory_space<vmem>>[vector<16xi32>], vector<16xf32>,
      %get3A_1716 = arith.index_cast %add3A_1590 : i32 to index
      %get3A_1717 = arith.constant 480 : index
      %get3A_1718 = tpu.vector_load %arg6[%get3A_1716, %get3A_1717] {strides = array<i32>} : memref<128x512xf32, #tpu.memory_space<vmem>>, vector<16xf32>,
      %add3A_1719 = arith.addi %mul3A_1595, %add3A_95 : vector<16xi32>
      tpu.vector_store_idx %arg8[%add3A_1719], %get3A_1718 {add = true} : memref<10752xf32, #tpu.memory_space<vmem>>[vector<16xi32>], vector<16xf32>,
      %get3A_1720 = arith.index_cast %add3A_1590 : i32 to index
      %get3A_1721 = arith.constant 496 : index
      %get3A_1722 = tpu.vector_load %arg6[%get3A_1720, %get3A_1721] {strides = array<i32>} : memref<128x512xf32, #tpu.memory_space<vmem>>, vector<16xf32>,
      %add3A_1723 = arith.addi %mul3A_1595, %add3A_98 : vector<16xi32>
      tpu.vector_store_idx %arg8[%add3A_1723], %get3A_1722 {add = true} : memref<10752xf32, #tpu.memory_space<vmem>>[vector<16xi32>], vector<16xf32>,
      %add3A_1724 = arith.constant 12 : i32
      %add3A_1725 = arith.addi %mul3A_106, %add3A_1724 : i32
      %broadcast_in_dim3A_1726 = vector.broadcast %add3A_1725 : i32 to vector<16xi32>
      %gather3A_1727 = tpu.vector_load_idx %arg7[%broadcast_in_dim3A_1726] : memref<128xi32, #tpu.memory_space<vmem>>[vector<16xi32>], vector<16xi32>,
      %mul3A_1728 = arith.constant 512 : i32
      %mul3A_1729 = vector.broadcast %mul3A_1728 : i32 to vector<16xi32>
      %mul3A_1730 = arith.muli %gather3A_1727, %mul3A_1729 : vector<16xi32>
      %get3A_1731 = arith.index_cast %add3A_1725 : i32 to index
      %get3A_1732 = arith.constant 0 : index
      %get3A_1733 = tpu.vector_load %arg6[%get3A_1731, %get3A_1732] {strides = array<i32>} : memref<128x512xf32, #tpu.memory_space<vmem>>, vector<16xf32>,
      %add3A_1734 = arith.addi %mul3A_1730, %add3A_5 : vector<16xi32>
      tpu.vector_store_idx %arg8[%add3A_1734], %get3A_1733 {add = true} : memref<10752xf32, #tpu.memory_space<vmem>>[vector<16xi32>], vector<16xf32>,
      %get3A_1735 = arith.index_cast %add3A_1725 : i32 to index
      %get3A_1736 = arith.constant 16 : index
      %get3A_1737 = tpu.vector_load %arg6[%get3A_1735, %get3A_1736] {strides = array<i32>} : memref<128x512xf32, #tpu.memory_space<vmem>>, vector<16xf32>,
      %add3A_1738 = arith.addi %mul3A_1730, %add3A_8 : vector<16xi32>
      tpu.vector_store_idx %arg8[%add3A_1738], %get3A_1737 {add = true} : memref<10752xf32, #tpu.memory_space<vmem>>[vector<16xi32>], vector<16xf32>,
      %get3A_1739 = arith.index_cast %add3A_1725 : i32 to index
      %get3A_1740 = arith.constant 32 : index
      %get3A_1741 = tpu.vector_load %arg6[%get3A_1739, %get3A_1740] {strides = array<i32>} : memref<128x512xf32, #tpu.memory_space<vmem>>, vector<16xf32>,
      %add3A_1742 = arith.addi %mul3A_1730, %add3A_11 : vector<16xi32>
      tpu.vector_store_idx %arg8[%add3A_1742], %get3A_1741 {add = true} : memref<10752xf32, #tpu.memory_space<vmem>>[vector<16xi32>], vector<16xf32>,
      %get3A_1743 = arith.index_cast %add3A_1725 : i32 to index
      %get3A_1744 = arith.constant 48 : index
      %get3A_1745 = tpu.vector_load %arg6[%get3A_1743, %get3A_1744] {strides = array<i32>} : memref<128x512xf32, #tpu.memory_space<vmem>>, vector<16xf32>,
      %add3A_1746 = arith.addi %mul3A_1730, %add3A_14 : vector<16xi32>
      tpu.vector_store_idx %arg8[%add3A_1746], %get3A_1745 {add = true} : memref<10752xf32, #tpu.memory_space<vmem>>[vector<16xi32>], vector<16xf32>,
      %get3A_1747 = arith.index_cast %add3A_1725 : i32 to index
      %get3A_1748 = arith.constant 64 : index
      %get3A_1749 = tpu.vector_load %arg6[%get3A_1747, %get3A_1748] {strides = array<i32>} : memref<128x512xf32, #tpu.memory_space<vmem>>, vector<16xf32>,
      %add3A_1750 = arith.addi %mul3A_1730, %add3A_17 : vector<16xi32>
      tpu.vector_store_idx %arg8[%add3A_1750], %get3A_1749 {add = true} : memref<10752xf32, #tpu.memory_space<vmem>>[vector<16xi32>], vector<16xf32>,
      %get3A_1751 = arith.index_cast %add3A_1725 : i32 to index
      %get3A_1752 = arith.constant 80 : index
      %get3A_1753 = tpu.vector_load %arg6[%get3A_1751, %get3A_1752] {strides = array<i32>} : memref<128x512xf32, #tpu.memory_space<vmem>>, vector<16xf32>,
      %add3A_1754 = arith.addi %mul3A_1730, %add3A_20 : vector<16xi32>
      tpu.vector_store_idx %arg8[%add3A_1754], %get3A_1753 {add = true} : memref<10752xf32, #tpu.memory_space<vmem>>[vector<16xi32>], vector<16xf32>,
      %get3A_1755 = arith.index_cast %add3A_1725 : i32 to index
      %get3A_1756 = arith.constant 96 : index
      %get3A_1757 = tpu.vector_load %arg6[%get3A_1755, %get3A_1756] {strides = array<i32>} : memref<128x512xf32, #tpu.memory_space<vmem>>, vector<16xf32>,
      %add3A_1758 = arith.addi %mul3A_1730, %add3A_23 : vector<16xi32>
      tpu.vector_store_idx %arg8[%add3A_1758], %get3A_1757 {add = true} : memref<10752xf32, #tpu.memory_space<vmem>>[vector<16xi32>], vector<16xf32>,
      %get3A_1759 = arith.index_cast %add3A_1725 : i32 to index
      %get3A_1760 = arith.constant 112 : index
      %get3A_1761 = tpu.vector_load %arg6[%get3A_1759, %get3A_1760] {strides = array<i32>} : memref<128x512xf32, #tpu.memory_space<vmem>>, vector<16xf32>,
      %add3A_1762 = arith.addi %mul3A_1730, %add3A_26 : vector<16xi32>
      tpu.vector_store_idx %arg8[%add3A_1762], %get3A_1761 {add = true} : memref<10752xf32, #tpu.memory_space<vmem>>[vector<16xi32>], vector<16xf32>,
      %get3A_1763 = arith.index_cast %add3A_1725 : i32 to index
      %get3A_1764 = arith.constant 128 : index
      %get3A_1765 = tpu.vector_load %arg6[%get3A_1763, %get3A_1764] {strides = array<i32>} : memref<128x512xf32, #tpu.memory_space<vmem>>, vector<16xf32>,
      %add3A_1766 = arith.addi %mul3A_1730, %add3A_29 : vector<16xi32>
      tpu.vector_store_idx %arg8[%add3A_1766], %get3A_1765 {add = true} : memref<10752xf32, #tpu.memory_space<vmem>>[vector<16xi32>], vector<16xf32>,
      %get3A_1767 = arith.index_cast %add3A_1725 : i32 to index
      %get3A_1768 = arith.constant 144 : index
      %get3A_1769 = tpu.vector_load %arg6[%get3A_1767, %get3A_1768] {strides = array<i32>} : memref<128x512xf32, #tpu.memory_space<vmem>>, vector<16xf32>,
      %add3A_1770 = arith.addi %mul3A_1730, %add3A_32 : vector<16xi32>
      tpu.vector_store_idx %arg8[%add3A_1770], %get3A_1769 {add = true} : memref<10752xf32, #tpu.memory_space<vmem>>[vector<16xi32>], vector<16xf32>,
      %get3A_1771 = arith.index_cast %add3A_1725 : i32 to index
      %get3A_1772 = arith.constant 160 : index
      %get3A_1773 = tpu.vector_load %arg6[%get3A_1771, %get3A_1772] {strides = array<i32>} : memref<128x512xf32, #tpu.memory_space<vmem>>, vector<16xf32>,
      %add3A_1774 = arith.addi %mul3A_1730, %add3A_35 : vector<16xi32>
      tpu.vector_store_idx %arg8[%add3A_1774], %get3A_1773 {add = true} : memref<10752xf32, #tpu.memory_space<vmem>>[vector<16xi32>], vector<16xf32>,
      %get3A_1775 = arith.index_cast %add3A_1725 : i32 to index
      %get3A_1776 = arith.constant 176 : index
      %get3A_1777 = tpu.vector_load %arg6[%get3A_1775, %get3A_1776] {strides = array<i32>} : memref<128x512xf32, #tpu.memory_space<vmem>>, vector<16xf32>,
      %add3A_1778 = arith.addi %mul3A_1730, %add3A_38 : vector<16xi32>
      tpu.vector_store_idx %arg8[%add3A_1778], %get3A_1777 {add = true} : memref<10752xf32, #tpu.memory_space<vmem>>[vector<16xi32>], vector<16xf32>,
      %get3A_1779 = arith.index_cast %add3A_1725 : i32 to index
      %get3A_1780 = arith.constant 192 : index
      %get3A_1781 = tpu.vector_load %arg6[%get3A_1779, %get3A_1780] {strides = array<i32>} : memref<128x512xf32, #tpu.memory_space<vmem>>, vector<16xf32>,
      %add3A_1782 = arith.addi %mul3A_1730, %add3A_41 : vector<16xi32>
      tpu.vector_store_idx %arg8[%add3A_1782], %get3A_1781 {add = true} : memref<10752xf32, #tpu.memory_space<vmem>>[vector<16xi32>], vector<16xf32>,
      %get3A_1783 = arith.index_cast %add3A_1725 : i32 to index
      %get3A_1784 = arith.constant 208 : index
      %get3A_1785 = tpu.vector_load %arg6[%get3A_1783, %get3A_1784] {strides = array<i32>} : memref<128x512xf32, #tpu.memory_space<vmem>>, vector<16xf32>,
      %add3A_1786 = arith.addi %mul3A_1730, %add3A_44 : vector<16xi32>
      tpu.vector_store_idx %arg8[%add3A_1786], %get3A_1785 {add = true} : memref<10752xf32, #tpu.memory_space<vmem>>[vector<16xi32>], vector<16xf32>,
      %get3A_1787 = arith.index_cast %add3A_1725 : i32 to index
      %get3A_1788 = arith.constant 224 : index
      %get3A_1789 = tpu.vector_load %arg6[%get3A_1787, %get3A_1788] {strides = array<i32>} : memref<128x512xf32, #tpu.memory_space<vmem>>, vector<16xf32>,
      %add3A_1790 = arith.addi %mul3A_1730, %add3A_47 : vector<16xi32>
      tpu.vector_store_idx %arg8[%add3A_1790], %get3A_1789 {add = true} : memref<10752xf32, #tpu.memory_space<vmem>>[vector<16xi32>], vector<16xf32>,
      %get3A_1791 = arith.index_cast %add3A_1725 : i32 to index
      %get3A_1792 = arith.constant 240 : index
      %get3A_1793 = tpu.vector_load %arg6[%get3A_1791, %get3A_1792] {strides = array<i32>} : memref<128x512xf32, #tpu.memory_space<vmem>>, vector<16xf32>,
      %add3A_1794 = arith.addi %mul3A_1730, %add3A_50 : vector<16xi32>
      tpu.vector_store_idx %arg8[%add3A_1794], %get3A_1793 {add = true} : memref<10752xf32, #tpu.memory_space<vmem>>[vector<16xi32>], vector<16xf32>,
      %get3A_1795 = arith.index_cast %add3A_1725 : i32 to index
      %get3A_1796 = arith.constant 256 : index
      %get3A_1797 = tpu.vector_load %arg6[%get3A_1795, %get3A_1796] {strides = array<i32>} : memref<128x512xf32, #tpu.memory_space<vmem>>, vector<16xf32>,
      %add3A_1798 = arith.addi %mul3A_1730, %add3A_53 : vector<16xi32>
      tpu.vector_store_idx %arg8[%add3A_1798], %get3A_1797 {add = true} : memref<10752xf32, #tpu.memory_space<vmem>>[vector<16xi32>], vector<16xf32>,
      %get3A_1799 = arith.index_cast %add3A_1725 : i32 to index
      %get3A_1800 = arith.constant 272 : index
      %get3A_1801 = tpu.vector_load %arg6[%get3A_1799, %get3A_1800] {strides = array<i32>} : memref<128x512xf32, #tpu.memory_space<vmem>>, vector<16xf32>,
      %add3A_1802 = arith.addi %mul3A_1730, %add3A_56 : vector<16xi32>
      tpu.vector_store_idx %arg8[%add3A_1802], %get3A_1801 {add = true} : memref<10752xf32, #tpu.memory_space<vmem>>[vector<16xi32>], vector<16xf32>,
      %get3A_1803 = arith.index_cast %add3A_1725 : i32 to index
      %get3A_1804 = arith.constant 288 : index
      %get3A_1805 = tpu.vector_load %arg6[%get3A_1803, %get3A_1804] {strides = array<i32>} : memref<128x512xf32, #tpu.memory_space<vmem>>, vector<16xf32>,
      %add3A_1806 = arith.addi %mul3A_1730, %add3A_59 : vector<16xi32>
      tpu.vector_store_idx %arg8[%add3A_1806], %get3A_1805 {add = true} : memref<10752xf32, #tpu.memory_space<vmem>>[vector<16xi32>], vector<16xf32>,
      %get3A_1807 = arith.index_cast %add3A_1725 : i32 to index
      %get3A_1808 = arith.constant 304 : index
      %get3A_1809 = tpu.vector_load %arg6[%get3A_1807, %get3A_1808] {strides = array<i32>} : memref<128x512xf32, #tpu.memory_space<vmem>>, vector<16xf32>,
      %add3A_1810 = arith.addi %mul3A_1730, %add3A_62 : vector<16xi32>
      tpu.vector_store_idx %arg8[%add3A_1810], %get3A_1809 {add = true} : memref<10752xf32, #tpu.memory_space<vmem>>[vector<16xi32>], vector<16xf32>,
      %get3A_1811 = arith.index_cast %add3A_1725 : i32 to index
      %get3A_1812 = arith.constant 320 : index
      %get3A_1813 = tpu.vector_load %arg6[%get3A_1811, %get3A_1812] {strides = array<i32>} : memref<128x512xf32, #tpu.memory_space<vmem>>, vector<16xf32>,
      %add3A_1814 = arith.addi %mul3A_1730, %add3A_65 : vector<16xi32>
      tpu.vector_store_idx %arg8[%add3A_1814], %get3A_1813 {add = true} : memref<10752xf32, #tpu.memory_space<vmem>>[vector<16xi32>], vector<16xf32>,
      %get3A_1815 = arith.index_cast %add3A_1725 : i32 to index
      %get3A_1816 = arith.constant 336 : index
      %get3A_1817 = tpu.vector_load %arg6[%get3A_1815, %get3A_1816] {strides = array<i32>} : memref<128x512xf32, #tpu.memory_space<vmem>>, vector<16xf32>,
      %add3A_1818 = arith.addi %mul3A_1730, %add3A_68 : vector<16xi32>
      tpu.vector_store_idx %arg8[%add3A_1818], %get3A_1817 {add = true} : memref<10752xf32, #tpu.memory_space<vmem>>[vector<16xi32>], vector<16xf32>,
      %get3A_1819 = arith.index_cast %add3A_1725 : i32 to index
      %get3A_1820 = arith.constant 352 : index
      %get3A_1821 = tpu.vector_load %arg6[%get3A_1819, %get3A_1820] {strides = array<i32>} : memref<128x512xf32, #tpu.memory_space<vmem>>, vector<16xf32>,
      %add3A_1822 = arith.addi %mul3A_1730, %add3A_71 : vector<16xi32>
      tpu.vector_store_idx %arg8[%add3A_1822], %get3A_1821 {add = true} : memref<10752xf32, #tpu.memory_space<vmem>>[vector<16xi32>], vector<16xf32>,
      %get3A_1823 = arith.index_cast %add3A_1725 : i32 to index
      %get3A_1824 = arith.constant 368 : index
      %get3A_1825 = tpu.vector_load %arg6[%get3A_1823, %get3A_1824] {strides = array<i32>} : memref<128x512xf32, #tpu.memory_space<vmem>>, vector<16xf32>,
      %add3A_1826 = arith.addi %mul3A_1730, %add3A_74 : vector<16xi32>
      tpu.vector_store_idx %arg8[%add3A_1826], %get3A_1825 {add = true} : memref<10752xf32, #tpu.memory_space<vmem>>[vector<16xi32>], vector<16xf32>,
      %get3A_1827 = arith.index_cast %add3A_1725 : i32 to index
      %get3A_1828 = arith.constant 384 : index
      %get3A_1829 = tpu.vector_load %arg6[%get3A_1827, %get3A_1828] {strides = array<i32>} : memref<128x512xf32, #tpu.memory_space<vmem>>, vector<16xf32>,
      %add3A_1830 = arith.addi %mul3A_1730, %add3A_77 : vector<16xi32>
      tpu.vector_store_idx %arg8[%add3A_1830], %get3A_1829 {add = true} : memref<10752xf32, #tpu.memory_space<vmem>>[vector<16xi32>], vector<16xf32>,
      %get3A_1831 = arith.index_cast %add3A_1725 : i32 to index
      %get3A_1832 = arith.constant 400 : index
      %get3A_1833 = tpu.vector_load %arg6[%get3A_1831, %get3A_1832] {strides = array<i32>} : memref<128x512xf32, #tpu.memory_space<vmem>>, vector<16xf32>,
      %add3A_1834 = arith.addi %mul3A_1730, %add3A_80 : vector<16xi32>
      tpu.vector_store_idx %arg8[%add3A_1834], %get3A_1833 {add = true} : memref<10752xf32, #tpu.memory_space<vmem>>[vector<16xi32>], vector<16xf32>,
      %get3A_1835 = arith.index_cast %add3A_1725 : i32 to index
      %get3A_1836 = arith.constant 416 : index
      %get3A_1837 = tpu.vector_load %arg6[%get3A_1835, %get3A_1836] {strides = array<i32>} : memref<128x512xf32, #tpu.memory_space<vmem>>, vector<16xf32>,
      %add3A_1838 = arith.addi %mul3A_1730, %add3A_83 : vector<16xi32>
      tpu.vector_store_idx %arg8[%add3A_1838], %get3A_1837 {add = true} : memref<10752xf32, #tpu.memory_space<vmem>>[vector<16xi32>], vector<16xf32>,
      %get3A_1839 = arith.index_cast %add3A_1725 : i32 to index
      %get3A_1840 = arith.constant 432 : index
      %get3A_1841 = tpu.vector_load %arg6[%get3A_1839, %get3A_1840] {strides = array<i32>} : memref<128x512xf32, #tpu.memory_space<vmem>>, vector<16xf32>,
      %add3A_1842 = arith.addi %mul3A_1730, %add3A_86 : vector<16xi32>
      tpu.vector_store_idx %arg8[%add3A_1842], %get3A_1841 {add = true} : memref<10752xf32, #tpu.memory_space<vmem>>[vector<16xi32>], vector<16xf32>,
      %get3A_1843 = arith.index_cast %add3A_1725 : i32 to index
      %get3A_1844 = arith.constant 448 : index
      %get3A_1845 = tpu.vector_load %arg6[%get3A_1843, %get3A_1844] {strides = array<i32>} : memref<128x512xf32, #tpu.memory_space<vmem>>, vector<16xf32>,
      %add3A_1846 = arith.addi %mul3A_1730, %add3A_89 : vector<16xi32>
      tpu.vector_store_idx %arg8[%add3A_1846], %get3A_1845 {add = true} : memref<10752xf32, #tpu.memory_space<vmem>>[vector<16xi32>], vector<16xf32>,
      %get3A_1847 = arith.index_cast %add3A_1725 : i32 to index
      %get3A_1848 = arith.constant 464 : index
      %get3A_1849 = tpu.vector_load %arg6[%get3A_1847, %get3A_1848] {strides = array<i32>} : memref<128x512xf32, #tpu.memory_space<vmem>>, vector<16xf32>,
      %add3A_1850 = arith.addi %mul3A_1730, %add3A_92 : vector<16xi32>
      tpu.vector_store_idx %arg8[%add3A_1850], %get3A_1849 {add = true} : memref<10752xf32, #tpu.memory_space<vmem>>[vector<16xi32>], vector<16xf32>,
      %get3A_1851 = arith.index_cast %add3A_1725 : i32 to index
      %get3A_1852 = arith.constant 480 : index
      %get3A_1853 = tpu.vector_load %arg6[%get3A_1851, %get3A_1852] {strides = array<i32>} : memref<128x512xf32, #tpu.memory_space<vmem>>, vector<16xf32>,
      %add3A_1854 = arith.addi %mul3A_1730, %add3A_95 : vector<16xi32>
      tpu.vector_store_idx %arg8[%add3A_1854], %get3A_1853 {add = true} : memref<10752xf32, #tpu.memory_space<vmem>>[vector<16xi32>], vector<16xf32>,
      %get3A_1855 = arith.index_cast %add3A_1725 : i32 to index
      %get3A_1856 = arith.constant 496 : index
      %get3A_1857 = tpu.vector_load %arg6[%get3A_1855, %get3A_1856] {strides = array<i32>} : memref<128x512xf32, #tpu.memory_space<vmem>>, vector<16xf32>,
      %add3A_1858 = arith.addi %mul3A_1730, %add3A_98 : vector<16xi32>
      tpu.vector_store_idx %arg8[%add3A_1858], %get3A_1857 {add = true} : memref<10752xf32, #tpu.memory_space<vmem>>[vector<16xi32>], vector<16xf32>,
      %add3A_1859 = arith.constant 13 : i32
      %add3A_1860 = arith.addi %mul3A_106, %add3A_1859 : i32
      %broadcast_in_dim3A_1861 = vector.broadcast %add3A_1860 : i32 to vector<16xi32>
      %gather3A_1862 = tpu.vector_load_idx %arg7[%broadcast_in_dim3A_1861] : memref<128xi32, #tpu.memory_space<vmem>>[vector<16xi32>], vector<16xi32>,
      %mul3A_1863 = arith.constant 512 : i32
      %mul3A_1864 = vector.broadcast %mul3A_1863 : i32 to vector<16xi32>
      %mul3A_1865 = arith.muli %gather3A_1862, %mul3A_1864 : vector<16xi32>
      %get3A_1866 = arith.index_cast %add3A_1860 : i32 to index
      %get3A_1867 = arith.constant 0 : index
      %get3A_1868 = tpu.vector_load %arg6[%get3A_1866, %get3A_1867] {strides = array<i32>} : memref<128x512xf32, #tpu.memory_space<vmem>>, vector<16xf32>,
      %add3A_1869 = arith.addi %mul3A_1865, %add3A_5 : vector<16xi32>
      tpu.vector_store_idx %arg8[%add3A_1869], %get3A_1868 {add = true} : memref<10752xf32, #tpu.memory_space<vmem>>[vector<16xi32>], vector<16xf32>,
      %get3A_1870 = arith.index_cast %add3A_1860 : i32 to index
      %get3A_1871 = arith.constant 16 : index
      %get3A_1872 = tpu.vector_load %arg6[%get3A_1870, %get3A_1871] {strides = array<i32>} : memref<128x512xf32, #tpu.memory_space<vmem>>, vector<16xf32>,
      %add3A_1873 = arith.addi %mul3A_1865, %add3A_8 : vector<16xi32>
      tpu.vector_store_idx %arg8[%add3A_1873], %get3A_1872 {add = true} : memref<10752xf32, #tpu.memory_space<vmem>>[vector<16xi32>], vector<16xf32>,
      %get3A_1874 = arith.index_cast %add3A_1860 : i32 to index
      %get3A_1875 = arith.constant 32 : index
      %get3A_1876 = tpu.vector_load %arg6[%get3A_1874, %get3A_1875] {strides = array<i32>} : memref<128x512xf32, #tpu.memory_space<vmem>>, vector<16xf32>,
      %add3A_1877 = arith.addi %mul3A_1865, %add3A_11 : vector<16xi32>
      tpu.vector_store_idx %arg8[%add3A_1877], %get3A_1876 {add = true} : memref<10752xf32, #tpu.memory_space<vmem>>[vector<16xi32>], vector<16xf32>,
      %get3A_1878 = arith.index_cast %add3A_1860 : i32 to index
      %get3A_1879 = arith.constant 48 : index
      %get3A_1880 = tpu.vector_load %arg6[%get3A_1878, %get3A_1879] {strides = array<i32>} : memref<128x512xf32, #tpu.memory_space<vmem>>, vector<16xf32>,
      %add3A_1881 = arith.addi %mul3A_1865, %add3A_14 : vector<16xi32>
      tpu.vector_store_idx %arg8[%add3A_1881], %get3A_1880 {add = true} : memref<10752xf32, #tpu.memory_space<vmem>>[vector<16xi32>], vector<16xf32>,
      %get3A_1882 = arith.index_cast %add3A_1860 : i32 to index
      %get3A_1883 = arith.constant 64 : index
      %get3A_1884 = tpu.vector_load %arg6[%get3A_1882, %get3A_1883] {strides = array<i32>} : memref<128x512xf32, #tpu.memory_space<vmem>>, vector<16xf32>,
      %add3A_1885 = arith.addi %mul3A_1865, %add3A_17 : vector<16xi32>
      tpu.vector_store_idx %arg8[%add3A_1885], %get3A_1884 {add = true} : memref<10752xf32, #tpu.memory_space<vmem>>[vector<16xi32>], vector<16xf32>,
      %get3A_1886 = arith.index_cast %add3A_1860 : i32 to index
      %get3A_1887 = arith.constant 80 : index
      %get3A_1888 = tpu.vector_load %arg6[%get3A_1886, %get3A_1887] {strides = array<i32>} : memref<128x512xf32, #tpu.memory_space<vmem>>, vector<16xf32>,
      %add3A_1889 = arith.addi %mul3A_1865, %add3A_20 : vector<16xi32>
      tpu.vector_store_idx %arg8[%add3A_1889], %get3A_1888 {add = true} : memref<10752xf32, #tpu.memory_space<vmem>>[vector<16xi32>], vector<16xf32>,
      %get3A_1890 = arith.index_cast %add3A_1860 : i32 to index
      %get3A_1891 = arith.constant 96 : index
      %get3A_1892 = tpu.vector_load %arg6[%get3A_1890, %get3A_1891] {strides = array<i32>} : memref<128x512xf32, #tpu.memory_space<vmem>>, vector<16xf32>,
      %add3A_1893 = arith.addi %mul3A_1865, %add3A_23 : vector<16xi32>
      tpu.vector_store_idx %arg8[%add3A_1893], %get3A_1892 {add = true} : memref<10752xf32, #tpu.memory_space<vmem>>[vector<16xi32>], vector<16xf32>,
      %get3A_1894 = arith.index_cast %add3A_1860 : i32 to index
      %get3A_1895 = arith.constant 112 : index
      %get3A_1896 = tpu.vector_load %arg6[%get3A_1894, %get3A_1895] {strides = array<i32>} : memref<128x512xf32, #tpu.memory_space<vmem>>, vector<16xf32>,
      %add3A_1897 = arith.addi %mul3A_1865, %add3A_26 : vector<16xi32>
      tpu.vector_store_idx %arg8[%add3A_1897], %get3A_1896 {add = true} : memref<10752xf32, #tpu.memory_space<vmem>>[vector<16xi32>], vector<16xf32>,
      %get3A_1898 = arith.index_cast %add3A_1860 : i32 to index
      %get3A_1899 = arith.constant 128 : index
      %get3A_1900 = tpu.vector_load %arg6[%get3A_1898, %get3A_1899] {strides = array<i32>} : memref<128x512xf32, #tpu.memory_space<vmem>>, vector<16xf32>,
      %add3A_1901 = arith.addi %mul3A_1865, %add3A_29 : vector<16xi32>
      tpu.vector_store_idx %arg8[%add3A_1901], %get3A_1900 {add = true} : memref<10752xf32, #tpu.memory_space<vmem>>[vector<16xi32>], vector<16xf32>,
      %get3A_1902 = arith.index_cast %add3A_1860 : i32 to index
      %get3A_1903 = arith.constant 144 : index
      %get3A_1904 = tpu.vector_load %arg6[%get3A_1902, %get3A_1903] {strides = array<i32>} : memref<128x512xf32, #tpu.memory_space<vmem>>, vector<16xf32>,
      %add3A_1905 = arith.addi %mul3A_1865, %add3A_32 : vector<16xi32>
      tpu.vector_store_idx %arg8[%add3A_1905], %get3A_1904 {add = true} : memref<10752xf32, #tpu.memory_space<vmem>>[vector<16xi32>], vector<16xf32>,
      %get3A_1906 = arith.index_cast %add3A_1860 : i32 to index
      %get3A_1907 = arith.constant 160 : index
      %get3A_1908 = tpu.vector_load %arg6[%get3A_1906, %get3A_1907] {strides = array<i32>} : memref<128x512xf32, #tpu.memory_space<vmem>>, vector<16xf32>,
      %add3A_1909 = arith.addi %mul3A_1865, %add3A_35 : vector<16xi32>
      tpu.vector_store_idx %arg8[%add3A_1909], %get3A_1908 {add = true} : memref<10752xf32, #tpu.memory_space<vmem>>[vector<16xi32>], vector<16xf32>,
      %get3A_1910 = arith.index_cast %add3A_1860 : i32 to index
      %get3A_1911 = arith.constant 176 : index
      %get3A_1912 = tpu.vector_load %arg6[%get3A_1910, %get3A_1911] {strides = array<i32>} : memref<128x512xf32, #tpu.memory_space<vmem>>, vector<16xf32>,
      %add3A_1913 = arith.addi %mul3A_1865, %add3A_38 : vector<16xi32>
      tpu.vector_store_idx %arg8[%add3A_1913], %get3A_1912 {add = true} : memref<10752xf32, #tpu.memory_space<vmem>>[vector<16xi32>], vector<16xf32>,
      %get3A_1914 = arith.index_cast %add3A_1860 : i32 to index
      %get3A_1915 = arith.constant 192 : index
      %get3A_1916 = tpu.vector_load %arg6[%get3A_1914, %get3A_1915] {strides = array<i32>} : memref<128x512xf32, #tpu.memory_space<vmem>>, vector<16xf32>,
      %add3A_1917 = arith.addi %mul3A_1865, %add3A_41 : vector<16xi32>
      tpu.vector_store_idx %arg8[%add3A_1917], %get3A_1916 {add = true} : memref<10752xf32, #tpu.memory_space<vmem>>[vector<16xi32>], vector<16xf32>,
      %get3A_1918 = arith.index_cast %add3A_1860 : i32 to index
      %get3A_1919 = arith.constant 208 : index
      %get3A_1920 = tpu.vector_load %arg6[%get3A_1918, %get3A_1919] {strides = array<i32>} : memref<128x512xf32, #tpu.memory_space<vmem>>, vector<16xf32>,
      %add3A_1921 = arith.addi %mul3A_1865, %add3A_44 : vector<16xi32>
      tpu.vector_store_idx %arg8[%add3A_1921], %get3A_1920 {add = true} : memref<10752xf32, #tpu.memory_space<vmem>>[vector<16xi32>], vector<16xf32>,
      %get3A_1922 = arith.index_cast %add3A_1860 : i32 to index
      %get3A_1923 = arith.constant 224 : index
      %get3A_1924 = tpu.vector_load %arg6[%get3A_1922, %get3A_1923] {strides = array<i32>} : memref<128x512xf32, #tpu.memory_space<vmem>>, vector<16xf32>,
      %add3A_1925 = arith.addi %mul3A_1865, %add3A_47 : vector<16xi32>
      tpu.vector_store_idx %arg8[%add3A_1925], %get3A_1924 {add = true} : memref<10752xf32, #tpu.memory_space<vmem>>[vector<16xi32>], vector<16xf32>,
      %get3A_1926 = arith.index_cast %add3A_1860 : i32 to index
      %get3A_1927 = arith.constant 240 : index
      %get3A_1928 = tpu.vector_load %arg6[%get3A_1926, %get3A_1927] {strides = array<i32>} : memref<128x512xf32, #tpu.memory_space<vmem>>, vector<16xf32>,
      %add3A_1929 = arith.addi %mul3A_1865, %add3A_50 : vector<16xi32>
      tpu.vector_store_idx %arg8[%add3A_1929], %get3A_1928 {add = true} : memref<10752xf32, #tpu.memory_space<vmem>>[vector<16xi32>], vector<16xf32>,
      %get3A_1930 = arith.index_cast %add3A_1860 : i32 to index
      %get3A_1931 = arith.constant 256 : index
      %get3A_1932 = tpu.vector_load %arg6[%get3A_1930, %get3A_1931] {strides = array<i32>} : memref<128x512xf32, #tpu.memory_space<vmem>>, vector<16xf32>,
      %add3A_1933 = arith.addi %mul3A_1865, %add3A_53 : vector<16xi32>
      tpu.vector_store_idx %arg8[%add3A_1933], %get3A_1932 {add = true} : memref<10752xf32, #tpu.memory_space<vmem>>[vector<16xi32>], vector<16xf32>,
      %get3A_1934 = arith.index_cast %add3A_1860 : i32 to index
      %get3A_1935 = arith.constant 272 : index
      %get3A_1936 = tpu.vector_load %arg6[%get3A_1934, %get3A_1935] {strides = array<i32>} : memref<128x512xf32, #tpu.memory_space<vmem>>, vector<16xf32>,
      %add3A_1937 = arith.addi %mul3A_1865, %add3A_56 : vector<16xi32>
      tpu.vector_store_idx %arg8[%add3A_1937], %get3A_1936 {add = true} : memref<10752xf32, #tpu.memory_space<vmem>>[vector<16xi32>], vector<16xf32>,
      %get3A_1938 = arith.index_cast %add3A_1860 : i32 to index
      %get3A_1939 = arith.constant 288 : index
      %get3A_1940 = tpu.vector_load %arg6[%get3A_1938, %get3A_1939] {strides = array<i32>} : memref<128x512xf32, #tpu.memory_space<vmem>>, vector<16xf32>,
      %add3A_1941 = arith.addi %mul3A_1865, %add3A_59 : vector<16xi32>
      tpu.vector_store_idx %arg8[%add3A_1941], %get3A_1940 {add = true} : memref<10752xf32, #tpu.memory_space<vmem>>[vector<16xi32>], vector<16xf32>,
      %get3A_1942 = arith.index_cast %add3A_1860 : i32 to index
      %get3A_1943 = arith.constant 304 : index
      %get3A_1944 = tpu.vector_load %arg6[%get3A_1942, %get3A_1943] {strides = array<i32>} : memref<128x512xf32, #tpu.memory_space<vmem>>, vector<16xf32>,
      %add3A_1945 = arith.addi %mul3A_1865, %add3A_62 : vector<16xi32>
      tpu.vector_store_idx %arg8[%add3A_1945], %get3A_1944 {add = true} : memref<10752xf32, #tpu.memory_space<vmem>>[vector<16xi32>], vector<16xf32>,
      %get3A_1946 = arith.index_cast %add3A_1860 : i32 to index
      %get3A_1947 = arith.constant 320 : index
      %get3A_1948 = tpu.vector_load %arg6[%get3A_1946, %get3A_1947] {strides = array<i32>} : memref<128x512xf32, #tpu.memory_space<vmem>>, vector<16xf32>,
      %add3A_1949 = arith.addi %mul3A_1865, %add3A_65 : vector<16xi32>
      tpu.vector_store_idx %arg8[%add3A_1949], %get3A_1948 {add = true} : memref<10752xf32, #tpu.memory_space<vmem>>[vector<16xi32>], vector<16xf32>,
      %get3A_1950 = arith.index_cast %add3A_1860 : i32 to index
      %get3A_1951 = arith.constant 336 : index
      %get3A_1952 = tpu.vector_load %arg6[%get3A_1950, %get3A_1951] {strides = array<i32>} : memref<128x512xf32, #tpu.memory_space<vmem>>, vector<16xf32>,
      %add3A_1953 = arith.addi %mul3A_1865, %add3A_68 : vector<16xi32>
      tpu.vector_store_idx %arg8[%add3A_1953], %get3A_1952 {add = true} : memref<10752xf32, #tpu.memory_space<vmem>>[vector<16xi32>], vector<16xf32>,
      %get3A_1954 = arith.index_cast %add3A_1860 : i32 to index
      %get3A_1955 = arith.constant 352 : index
      %get3A_1956 = tpu.vector_load %arg6[%get3A_1954, %get3A_1955] {strides = array<i32>} : memref<128x512xf32, #tpu.memory_space<vmem>>, vector<16xf32>,
      %add3A_1957 = arith.addi %mul3A_1865, %add3A_71 : vector<16xi32>
      tpu.vector_store_idx %arg8[%add3A_1957], %get3A_1956 {add = true} : memref<10752xf32, #tpu.memory_space<vmem>>[vector<16xi32>], vector<16xf32>,
      %get3A_1958 = arith.index_cast %add3A_1860 : i32 to index
      %get3A_1959 = arith.constant 368 : index
      %get3A_1960 = tpu.vector_load %arg6[%get3A_1958, %get3A_1959] {strides = array<i32>} : memref<128x512xf32, #tpu.memory_space<vmem>>, vector<16xf32>,
      %add3A_1961 = arith.addi %mul3A_1865, %add3A_74 : vector<16xi32>
      tpu.vector_store_idx %arg8[%add3A_1961], %get3A_1960 {add = true} : memref<10752xf32, #tpu.memory_space<vmem>>[vector<16xi32>], vector<16xf32>,
      %get3A_1962 = arith.index_cast %add3A_1860 : i32 to index
      %get3A_1963 = arith.constant 384 : index
      %get3A_1964 = tpu.vector_load %arg6[%get3A_1962, %get3A_1963] {strides = array<i32>} : memref<128x512xf32, #tpu.memory_space<vmem>>, vector<16xf32>,
      %add3A_1965 = arith.addi %mul3A_1865, %add3A_77 : vector<16xi32>
      tpu.vector_store_idx %arg8[%add3A_1965], %get3A_1964 {add = true} : memref<10752xf32, #tpu.memory_space<vmem>>[vector<16xi32>], vector<16xf32>,
      %get3A_1966 = arith.index_cast %add3A_1860 : i32 to index
      %get3A_1967 = arith.constant 400 : index
      %get3A_1968 = tpu.vector_load %arg6[%get3A_1966, %get3A_1967] {strides = array<i32>} : memref<128x512xf32, #tpu.memory_space<vmem>>, vector<16xf32>,
      %add3A_1969 = arith.addi %mul3A_1865, %add3A_80 : vector<16xi32>
      tpu.vector_store_idx %arg8[%add3A_1969], %get3A_1968 {add = true} : memref<10752xf32, #tpu.memory_space<vmem>>[vector<16xi32>], vector<16xf32>,
      %get3A_1970 = arith.index_cast %add3A_1860 : i32 to index
      %get3A_1971 = arith.constant 416 : index
      %get3A_1972 = tpu.vector_load %arg6[%get3A_1970, %get3A_1971] {strides = array<i32>} : memref<128x512xf32, #tpu.memory_space<vmem>>, vector<16xf32>,
      %add3A_1973 = arith.addi %mul3A_1865, %add3A_83 : vector<16xi32>
      tpu.vector_store_idx %arg8[%add3A_1973], %get3A_1972 {add = true} : memref<10752xf32, #tpu.memory_space<vmem>>[vector<16xi32>], vector<16xf32>,
      %get3A_1974 = arith.index_cast %add3A_1860 : i32 to index
      %get3A_1975 = arith.constant 432 : index
      %get3A_1976 = tpu.vector_load %arg6[%get3A_1974, %get3A_1975] {strides = array<i32>} : memref<128x512xf32, #tpu.memory_space<vmem>>, vector<16xf32>,
      %add3A_1977 = arith.addi %mul3A_1865, %add3A_86 : vector<16xi32>
      tpu.vector_store_idx %arg8[%add3A_1977], %get3A_1976 {add = true} : memref<10752xf32, #tpu.memory_space<vmem>>[vector<16xi32>], vector<16xf32>,
      %get3A_1978 = arith.index_cast %add3A_1860 : i32 to index
      %get3A_1979 = arith.constant 448 : index
      %get3A_1980 = tpu.vector_load %arg6[%get3A_1978, %get3A_1979] {strides = array<i32>} : memref<128x512xf32, #tpu.memory_space<vmem>>, vector<16xf32>,
      %add3A_1981 = arith.addi %mul3A_1865, %add3A_89 : vector<16xi32>
      tpu.vector_store_idx %arg8[%add3A_1981], %get3A_1980 {add = true} : memref<10752xf32, #tpu.memory_space<vmem>>[vector<16xi32>], vector<16xf32>,
      %get3A_1982 = arith.index_cast %add3A_1860 : i32 to index
      %get3A_1983 = arith.constant 464 : index
      %get3A_1984 = tpu.vector_load %arg6[%get3A_1982, %get3A_1983] {strides = array<i32>} : memref<128x512xf32, #tpu.memory_space<vmem>>, vector<16xf32>,
      %add3A_1985 = arith.addi %mul3A_1865, %add3A_92 : vector<16xi32>
      tpu.vector_store_idx %arg8[%add3A_1985], %get3A_1984 {add = true} : memref<10752xf32, #tpu.memory_space<vmem>>[vector<16xi32>], vector<16xf32>,
      %get3A_1986 = arith.index_cast %add3A_1860 : i32 to index
      %get3A_1987 = arith.constant 480 : index
      %get3A_1988 = tpu.vector_load %arg6[%get3A_1986, %get3A_1987] {strides = array<i32>} : memref<128x512xf32, #tpu.memory_space<vmem>>, vector<16xf32>,
      %add3A_1989 = arith.addi %mul3A_1865, %add3A_95 : vector<16xi32>
      tpu.vector_store_idx %arg8[%add3A_1989], %get3A_1988 {add = true} : memref<10752xf32, #tpu.memory_space<vmem>>[vector<16xi32>], vector<16xf32>,
      %get3A_1990 = arith.index_cast %add3A_1860 : i32 to index
      %get3A_1991 = arith.constant 496 : index
      %get3A_1992 = tpu.vector_load %arg6[%get3A_1990, %get3A_1991] {strides = array<i32>} : memref<128x512xf32, #tpu.memory_space<vmem>>, vector<16xf32>,
      %add3A_1993 = arith.addi %mul3A_1865, %add3A_98 : vector<16xi32>
      tpu.vector_store_idx %arg8[%add3A_1993], %get3A_1992 {add = true} : memref<10752xf32, #tpu.memory_space<vmem>>[vector<16xi32>], vector<16xf32>,
      %add3A_1994 = arith.constant 14 : i32
      %add3A_1995 = arith.addi %mul3A_106, %add3A_1994 : i32
      %broadcast_in_dim3A_1996 = vector.broadcast %add3A_1995 : i32 to vector<16xi32>
      %gather3A_1997 = tpu.vector_load_idx %arg7[%broadcast_in_dim3A_1996] : memref<128xi32, #tpu.memory_space<vmem>>[vector<16xi32>], vector<16xi32>,
      %mul3A_1998 = arith.constant 512 : i32
      %mul3A_1999 = vector.broadcast %mul3A_1998 : i32 to vector<16xi32>
      %mul3A_2000 = arith.muli %gather3A_1997, %mul3A_1999 : vector<16xi32>
      %get3A_2001 = arith.index_cast %add3A_1995 : i32 to index
      %get3A_2002 = arith.constant 0 : index
      %get3A_2003 = tpu.vector_load %arg6[%get3A_2001, %get3A_2002] {strides = array<i32>} : memref<128x512xf32, #tpu.memory_space<vmem>>, vector<16xf32>,
      %add3A_2004 = arith.addi %mul3A_2000, %add3A_5 : vector<16xi32>
      tpu.vector_store_idx %arg8[%add3A_2004], %get3A_2003 {add = true} : memref<10752xf32, #tpu.memory_space<vmem>>[vector<16xi32>], vector<16xf32>,
      %get3A_2005 = arith.index_cast %add3A_1995 : i32 to index
      %get3A_2006 = arith.constant 16 : index
      %get3A_2007 = tpu.vector_load %arg6[%get3A_2005, %get3A_2006] {strides = array<i32>} : memref<128x512xf32, #tpu.memory_space<vmem>>, vector<16xf32>,
      %add3A_2008 = arith.addi %mul3A_2000, %add3A_8 : vector<16xi32>
      tpu.vector_store_idx %arg8[%add3A_2008], %get3A_2007 {add = true} : memref<10752xf32, #tpu.memory_space<vmem>>[vector<16xi32>], vector<16xf32>,
      %get3A_2009 = arith.index_cast %add3A_1995 : i32 to index
      %get3A_2010 = arith.constant 32 : index
      %get3A_2011 = tpu.vector_load %arg6[%get3A_2009, %get3A_2010] {strides = array<i32>} : memref<128x512xf32, #tpu.memory_space<vmem>>, vector<16xf32>,
      %add3A_2012 = arith.addi %mul3A_2000, %add3A_11 : vector<16xi32>
      tpu.vector_store_idx %arg8[%add3A_2012], %get3A_2011 {add = true} : memref<10752xf32, #tpu.memory_space<vmem>>[vector<16xi32>], vector<16xf32>,
      %get3A_2013 = arith.index_cast %add3A_1995 : i32 to index
      %get3A_2014 = arith.constant 48 : index
      %get3A_2015 = tpu.vector_load %arg6[%get3A_2013, %get3A_2014] {strides = array<i32>} : memref<128x512xf32, #tpu.memory_space<vmem>>, vector<16xf32>,
      %add3A_2016 = arith.addi %mul3A_2000, %add3A_14 : vector<16xi32>
      tpu.vector_store_idx %arg8[%add3A_2016], %get3A_2015 {add = true} : memref<10752xf32, #tpu.memory_space<vmem>>[vector<16xi32>], vector<16xf32>,
      %get3A_2017 = arith.index_cast %add3A_1995 : i32 to index
      %get3A_2018 = arith.constant 64 : index
      %get3A_2019 = tpu.vector_load %arg6[%get3A_2017, %get3A_2018] {strides = array<i32>} : memref<128x512xf32, #tpu.memory_space<vmem>>, vector<16xf32>,
      %add3A_2020 = arith.addi %mul3A_2000, %add3A_17 : vector<16xi32>
      tpu.vector_store_idx %arg8[%add3A_2020], %get3A_2019 {add = true} : memref<10752xf32, #tpu.memory_space<vmem>>[vector<16xi32>], vector<16xf32>,
      %get3A_2021 = arith.index_cast %add3A_1995 : i32 to index
      %get3A_2022 = arith.constant 80 : index
      %get3A_2023 = tpu.vector_load %arg6[%get3A_2021, %get3A_2022] {strides = array<i32>} : memref<128x512xf32, #tpu.memory_space<vmem>>, vector<16xf32>,
      %add3A_2024 = arith.addi %mul3A_2000, %add3A_20 : vector<16xi32>
      tpu.vector_store_idx %arg8[%add3A_2024], %get3A_2023 {add = true} : memref<10752xf32, #tpu.memory_space<vmem>>[vector<16xi32>], vector<16xf32>,
      %get3A_2025 = arith.index_cast %add3A_1995 : i32 to index
      %get3A_2026 = arith.constant 96 : index
      %get3A_2027 = tpu.vector_load %arg6[%get3A_2025, %get3A_2026] {strides = array<i32>} : memref<128x512xf32, #tpu.memory_space<vmem>>, vector<16xf32>,
      %add3A_2028 = arith.addi %mul3A_2000, %add3A_23 : vector<16xi32>
      tpu.vector_store_idx %arg8[%add3A_2028], %get3A_2027 {add = true} : memref<10752xf32, #tpu.memory_space<vmem>>[vector<16xi32>], vector<16xf32>,
      %get3A_2029 = arith.index_cast %add3A_1995 : i32 to index
      %get3A_2030 = arith.constant 112 : index
      %get3A_2031 = tpu.vector_load %arg6[%get3A_2029, %get3A_2030] {strides = array<i32>} : memref<128x512xf32, #tpu.memory_space<vmem>>, vector<16xf32>,
      %add3A_2032 = arith.addi %mul3A_2000, %add3A_26 : vector<16xi32>
      tpu.vector_store_idx %arg8[%add3A_2032], %get3A_2031 {add = true} : memref<10752xf32, #tpu.memory_space<vmem>>[vector<16xi32>], vector<16xf32>,
      %get3A_2033 = arith.index_cast %add3A_1995 : i32 to index
      %get3A_2034 = arith.constant 128 : index
      %get3A_2035 = tpu.vector_load %arg6[%get3A_2033, %get3A_2034] {strides = array<i32>} : memref<128x512xf32, #tpu.memory_space<vmem>>, vector<16xf32>,
      %add3A_2036 = arith.addi %mul3A_2000, %add3A_29 : vector<16xi32>
      tpu.vector_store_idx %arg8[%add3A_2036], %get3A_2035 {add = true} : memref<10752xf32, #tpu.memory_space<vmem>>[vector<16xi32>], vector<16xf32>,
      %get3A_2037 = arith.index_cast %add3A_1995 : i32 to index
      %get3A_2038 = arith.constant 144 : index
      %get3A_2039 = tpu.vector_load %arg6[%get3A_2037, %get3A_2038] {strides = array<i32>} : memref<128x512xf32, #tpu.memory_space<vmem>>, vector<16xf32>,
      %add3A_2040 = arith.addi %mul3A_2000, %add3A_32 : vector<16xi32>
      tpu.vector_store_idx %arg8[%add3A_2040], %get3A_2039 {add = true} : memref<10752xf32, #tpu.memory_space<vmem>>[vector<16xi32>], vector<16xf32>,
      %get3A_2041 = arith.index_cast %add3A_1995 : i32 to index
      %get3A_2042 = arith.constant 160 : index
      %get3A_2043 = tpu.vector_load %arg6[%get3A_2041, %get3A_2042] {strides = array<i32>} : memref<128x512xf32, #tpu.memory_space<vmem>>, vector<16xf32>,
      %add3A_2044 = arith.addi %mul3A_2000, %add3A_35 : vector<16xi32>
      tpu.vector_store_idx %arg8[%add3A_2044], %get3A_2043 {add = true} : memref<10752xf32, #tpu.memory_space<vmem>>[vector<16xi32>], vector<16xf32>,
      %get3A_2045 = arith.index_cast %add3A_1995 : i32 to index
      %get3A_2046 = arith.constant 176 : index
      %get3A_2047 = tpu.vector_load %arg6[%get3A_2045, %get3A_2046] {strides = array<i32>} : memref<128x512xf32, #tpu.memory_space<vmem>>, vector<16xf32>,
      %add3A_2048 = arith.addi %mul3A_2000, %add3A_38 : vector<16xi32>
      tpu.vector_store_idx %arg8[%add3A_2048], %get3A_2047 {add = true} : memref<10752xf32, #tpu.memory_space<vmem>>[vector<16xi32>], vector<16xf32>,
      %get3A_2049 = arith.index_cast %add3A_1995 : i32 to index
      %get3A_2050 = arith.constant 192 : index
      %get3A_2051 = tpu.vector_load %arg6[%get3A_2049, %get3A_2050] {strides = array<i32>} : memref<128x512xf32, #tpu.memory_space<vmem>>, vector<16xf32>,
      %add3A_2052 = arith.addi %mul3A_2000, %add3A_41 : vector<16xi32>
      tpu.vector_store_idx %arg8[%add3A_2052], %get3A_2051 {add = true} : memref<10752xf32, #tpu.memory_space<vmem>>[vector<16xi32>], vector<16xf32>,
      %get3A_2053 = arith.index_cast %add3A_1995 : i32 to index
      %get3A_2054 = arith.constant 208 : index
      %get3A_2055 = tpu.vector_load %arg6[%get3A_2053, %get3A_2054] {strides = array<i32>} : memref<128x512xf32, #tpu.memory_space<vmem>>, vector<16xf32>,
      %add3A_2056 = arith.addi %mul3A_2000, %add3A_44 : vector<16xi32>
      tpu.vector_store_idx %arg8[%add3A_2056], %get3A_2055 {add = true} : memref<10752xf32, #tpu.memory_space<vmem>>[vector<16xi32>], vector<16xf32>,
      %get3A_2057 = arith.index_cast %add3A_1995 : i32 to index
      %get3A_2058 = arith.constant 224 : index
      %get3A_2059 = tpu.vector_load %arg6[%get3A_2057, %get3A_2058] {strides = array<i32>} : memref<128x512xf32, #tpu.memory_space<vmem>>, vector<16xf32>,
      %add3A_2060 = arith.addi %mul3A_2000, %add3A_47 : vector<16xi32>
      tpu.vector_store_idx %arg8[%add3A_2060], %get3A_2059 {add = true} : memref<10752xf32, #tpu.memory_space<vmem>>[vector<16xi32>], vector<16xf32>,
      %get3A_2061 = arith.index_cast %add3A_1995 : i32 to index
      %get3A_2062 = arith.constant 240 : index
      %get3A_2063 = tpu.vector_load %arg6[%get3A_2061, %get3A_2062] {strides = array<i32>} : memref<128x512xf32, #tpu.memory_space<vmem>>, vector<16xf32>,
      %add3A_2064 = arith.addi %mul3A_2000, %add3A_50 : vector<16xi32>
      tpu.vector_store_idx %arg8[%add3A_2064], %get3A_2063 {add = true} : memref<10752xf32, #tpu.memory_space<vmem>>[vector<16xi32>], vector<16xf32>,
      %get3A_2065 = arith.index_cast %add3A_1995 : i32 to index
      %get3A_2066 = arith.constant 256 : index
      %get3A_2067 = tpu.vector_load %arg6[%get3A_2065, %get3A_2066] {strides = array<i32>} : memref<128x512xf32, #tpu.memory_space<vmem>>, vector<16xf32>,
      %add3A_2068 = arith.addi %mul3A_2000, %add3A_53 : vector<16xi32>
      tpu.vector_store_idx %arg8[%add3A_2068], %get3A_2067 {add = true} : memref<10752xf32, #tpu.memory_space<vmem>>[vector<16xi32>], vector<16xf32>,
      %get3A_2069 = arith.index_cast %add3A_1995 : i32 to index
      %get3A_2070 = arith.constant 272 : index
      %get3A_2071 = tpu.vector_load %arg6[%get3A_2069, %get3A_2070] {strides = array<i32>} : memref<128x512xf32, #tpu.memory_space<vmem>>, vector<16xf32>,
      %add3A_2072 = arith.addi %mul3A_2000, %add3A_56 : vector<16xi32>
      tpu.vector_store_idx %arg8[%add3A_2072], %get3A_2071 {add = true} : memref<10752xf32, #tpu.memory_space<vmem>>[vector<16xi32>], vector<16xf32>,
      %get3A_2073 = arith.index_cast %add3A_1995 : i32 to index
      %get3A_2074 = arith.constant 288 : index
      %get3A_2075 = tpu.vector_load %arg6[%get3A_2073, %get3A_2074] {strides = array<i32>} : memref<128x512xf32, #tpu.memory_space<vmem>>, vector<16xf32>,
      %add3A_2076 = arith.addi %mul3A_2000, %add3A_59 : vector<16xi32>
      tpu.vector_store_idx %arg8[%add3A_2076], %get3A_2075 {add = true} : memref<10752xf32, #tpu.memory_space<vmem>>[vector<16xi32>], vector<16xf32>,
      %get3A_2077 = arith.index_cast %add3A_1995 : i32 to index
      %get3A_2078 = arith.constant 304 : index
      %get3A_2079 = tpu.vector_load %arg6[%get3A_2077, %get3A_2078] {strides = array<i32>} : memref<128x512xf32, #tpu.memory_space<vmem>>, vector<16xf32>,
      %add3A_2080 = arith.addi %mul3A_2000, %add3A_62 : vector<16xi32>
      tpu.vector_store_idx %arg8[%add3A_2080], %get3A_2079 {add = true} : memref<10752xf32, #tpu.memory_space<vmem>>[vector<16xi32>], vector<16xf32>,
      %get3A_2081 = arith.index_cast %add3A_1995 : i32 to index
      %get3A_2082 = arith.constant 320 : index
      %get3A_2083 = tpu.vector_load %arg6[%get3A_2081, %get3A_2082] {strides = array<i32>} : memref<128x512xf32, #tpu.memory_space<vmem>>, vector<16xf32>,
      %add3A_2084 = arith.addi %mul3A_2000, %add3A_65 : vector<16xi32>
      tpu.vector_store_idx %arg8[%add3A_2084], %get3A_2083 {add = true} : memref<10752xf32, #tpu.memory_space<vmem>>[vector<16xi32>], vector<16xf32>,
      %get3A_2085 = arith.index_cast %add3A_1995 : i32 to index
      %get3A_2086 = arith.constant 336 : index
      %get3A_2087 = tpu.vector_load %arg6[%get3A_2085, %get3A_2086] {strides = array<i32>} : memref<128x512xf32, #tpu.memory_space<vmem>>, vector<16xf32>,
      %add3A_2088 = arith.addi %mul3A_2000, %add3A_68 : vector<16xi32>
      tpu.vector_store_idx %arg8[%add3A_2088], %get3A_2087 {add = true} : memref<10752xf32, #tpu.memory_space<vmem>>[vector<16xi32>], vector<16xf32>,
      %get3A_2089 = arith.index_cast %add3A_1995 : i32 to index
      %get3A_2090 = arith.constant 352 : index
      %get3A_2091 = tpu.vector_load %arg6[%get3A_2089, %get3A_2090] {strides = array<i32>} : memref<128x512xf32, #tpu.memory_space<vmem>>, vector<16xf32>,
      %add3A_2092 = arith.addi %mul3A_2000, %add3A_71 : vector<16xi32>
      tpu.vector_store_idx %arg8[%add3A_2092], %get3A_2091 {add = true} : memref<10752xf32, #tpu.memory_space<vmem>>[vector<16xi32>], vector<16xf32>,
      %get3A_2093 = arith.index_cast %add3A_1995 : i32 to index
      %get3A_2094 = arith.constant 368 : index
      %get3A_2095 = tpu.vector_load %arg6[%get3A_2093, %get3A_2094] {strides = array<i32>} : memref<128x512xf32, #tpu.memory_space<vmem>>, vector<16xf32>,
      %add3A_2096 = arith.addi %mul3A_2000, %add3A_74 : vector<16xi32>
      tpu.vector_store_idx %arg8[%add3A_2096], %get3A_2095 {add = true} : memref<10752xf32, #tpu.memory_space<vmem>>[vector<16xi32>], vector<16xf32>,
      %get3A_2097 = arith.index_cast %add3A_1995 : i32 to index
      %get3A_2098 = arith.constant 384 : index
      %get3A_2099 = tpu.vector_load %arg6[%get3A_2097, %get3A_2098] {strides = array<i32>} : memref<128x512xf32, #tpu.memory_space<vmem>>, vector<16xf32>,
      %add3A_2100 = arith.addi %mul3A_2000, %add3A_77 : vector<16xi32>
      tpu.vector_store_idx %arg8[%add3A_2100], %get3A_2099 {add = true} : memref<10752xf32, #tpu.memory_space<vmem>>[vector<16xi32>], vector<16xf32>,
      %get3A_2101 = arith.index_cast %add3A_1995 : i32 to index
      %get3A_2102 = arith.constant 400 : index
      %get3A_2103 = tpu.vector_load %arg6[%get3A_2101, %get3A_2102] {strides = array<i32>} : memref<128x512xf32, #tpu.memory_space<vmem>>, vector<16xf32>,
      %add3A_2104 = arith.addi %mul3A_2000, %add3A_80 : vector<16xi32>
      tpu.vector_store_idx %arg8[%add3A_2104], %get3A_2103 {add = true} : memref<10752xf32, #tpu.memory_space<vmem>>[vector<16xi32>], vector<16xf32>,
      %get3A_2105 = arith.index_cast %add3A_1995 : i32 to index
      %get3A_2106 = arith.constant 416 : index
      %get3A_2107 = tpu.vector_load %arg6[%get3A_2105, %get3A_2106] {strides = array<i32>} : memref<128x512xf32, #tpu.memory_space<vmem>>, vector<16xf32>,
      %add3A_2108 = arith.addi %mul3A_2000, %add3A_83 : vector<16xi32>
      tpu.vector_store_idx %arg8[%add3A_2108], %get3A_2107 {add = true} : memref<10752xf32, #tpu.memory_space<vmem>>[vector<16xi32>], vector<16xf32>,
      %get3A_2109 = arith.index_cast %add3A_1995 : i32 to index
      %get3A_2110 = arith.constant 432 : index
      %get3A_2111 = tpu.vector_load %arg6[%get3A_2109, %get3A_2110] {strides = array<i32>} : memref<128x512xf32, #tpu.memory_space<vmem>>, vector<16xf32>,
      %add3A_2112 = arith.addi %mul3A_2000, %add3A_86 : vector<16xi32>
      tpu.vector_store_idx %arg8[%add3A_2112], %get3A_2111 {add = true} : memref<10752xf32, #tpu.memory_space<vmem>>[vector<16xi32>], vector<16xf32>,
      %get3A_2113 = arith.index_cast %add3A_1995 : i32 to index
      %get3A_2114 = arith.constant 448 : index
      %get3A_2115 = tpu.vector_load %arg6[%get3A_2113, %get3A_2114] {strides = array<i32>} : memref<128x512xf32, #tpu.memory_space<vmem>>, vector<16xf32>,
      %add3A_2116 = arith.addi %mul3A_2000, %add3A_89 : vector<16xi32>
      tpu.vector_store_idx %arg8[%add3A_2116], %get3A_2115 {add = true} : memref<10752xf32, #tpu.memory_space<vmem>>[vector<16xi32>], vector<16xf32>,
      %get3A_2117 = arith.index_cast %add3A_1995 : i32 to index
      %get3A_2118 = arith.constant 464 : index
      %get3A_2119 = tpu.vector_load %arg6[%get3A_2117, %get3A_2118] {strides = array<i32>} : memref<128x512xf32, #tpu.memory_space<vmem>>, vector<16xf32>,
      %add3A_2120 = arith.addi %mul3A_2000, %add3A_92 : vector<16xi32>
      tpu.vector_store_idx %arg8[%add3A_2120], %get3A_2119 {add = true} : memref<10752xf32, #tpu.memory_space<vmem>>[vector<16xi32>], vector<16xf32>,
      %get3A_2121 = arith.index_cast %add3A_1995 : i32 to index
      %get3A_2122 = arith.constant 480 : index
      %get3A_2123 = tpu.vector_load %arg6[%get3A_2121, %get3A_2122] {strides = array<i32>} : memref<128x512xf32, #tpu.memory_space<vmem>>, vector<16xf32>,
      %add3A_2124 = arith.addi %mul3A_2000, %add3A_95 : vector<16xi32>
      tpu.vector_store_idx %arg8[%add3A_2124], %get3A_2123 {add = true} : memref<10752xf32, #tpu.memory_space<vmem>>[vector<16xi32>], vector<16xf32>,
      %get3A_2125 = arith.index_cast %add3A_1995 : i32 to index
      %get3A_2126 = arith.constant 496 : index
      %get3A_2127 = tpu.vector_load %arg6[%get3A_2125, %get3A_2126] {strides = array<i32>} : memref<128x512xf32, #tpu.memory_space<vmem>>, vector<16xf32>,
      %add3A_2128 = arith.addi %mul3A_2000, %add3A_98 : vector<16xi32>
      tpu.vector_store_idx %arg8[%add3A_2128], %get3A_2127 {add = true} : memref<10752xf32, #tpu.memory_space<vmem>>[vector<16xi32>], vector<16xf32>,
      %add3A_2129 = arith.constant 15 : i32
      %add3A_2130 = arith.addi %mul3A_106, %add3A_2129 : i32
      %broadcast_in_dim3A_2131 = vector.broadcast %add3A_2130 : i32 to vector<16xi32>
      %gather3A_2132 = tpu.vector_load_idx %arg7[%broadcast_in_dim3A_2131] : memref<128xi32, #tpu.memory_space<vmem>>[vector<16xi32>], vector<16xi32>,
      %mul3A_2133 = arith.constant 512 : i32
      %mul3A_2134 = vector.broadcast %mul3A_2133 : i32 to vector<16xi32>
      %mul3A_2135 = arith.muli %gather3A_2132, %mul3A_2134 : vector<16xi32>
      %get3A_2136 = arith.index_cast %add3A_2130 : i32 to index
      %get3A_2137 = arith.constant 0 : index
      %get3A_2138 = tpu.vector_load %arg6[%get3A_2136, %get3A_2137] {strides = array<i32>} : memref<128x512xf32, #tpu.memory_space<vmem>>, vector<16xf32>,
      %add3A_2139 = arith.addi %mul3A_2135, %add3A_5 : vector<16xi32>
      tpu.vector_store_idx %arg8[%add3A_2139], %get3A_2138 {add = true} : memref<10752xf32, #tpu.memory_space<vmem>>[vector<16xi32>], vector<16xf32>,
      %get3A_2140 = arith.index_cast %add3A_2130 : i32 to index
      %get3A_2141 = arith.constant 16 : index
      %get3A_2142 = tpu.vector_load %arg6[%get3A_2140, %get3A_2141] {strides = array<i32>} : memref<128x512xf32, #tpu.memory_space<vmem>>, vector<16xf32>,
      %add3A_2143 = arith.addi %mul3A_2135, %add3A_8 : vector<16xi32>
      tpu.vector_store_idx %arg8[%add3A_2143], %get3A_2142 {add = true} : memref<10752xf32, #tpu.memory_space<vmem>>[vector<16xi32>], vector<16xf32>,
      %get3A_2144 = arith.index_cast %add3A_2130 : i32 to index
      %get3A_2145 = arith.constant 32 : index
      %get3A_2146 = tpu.vector_load %arg6[%get3A_2144, %get3A_2145] {strides = array<i32>} : memref<128x512xf32, #tpu.memory_space<vmem>>, vector<16xf32>,
      %add3A_2147 = arith.addi %mul3A_2135, %add3A_11 : vector<16xi32>
      tpu.vector_store_idx %arg8[%add3A_2147], %get3A_2146 {add = true} : memref<10752xf32, #tpu.memory_space<vmem>>[vector<16xi32>], vector<16xf32>,
      %get3A_2148 = arith.index_cast %add3A_2130 : i32 to index
      %get3A_2149 = arith.constant 48 : index
      %get3A_2150 = tpu.vector_load %arg6[%get3A_2148, %get3A_2149] {strides = array<i32>} : memref<128x512xf32, #tpu.memory_space<vmem>>, vector<16xf32>,
      %add3A_2151 = arith.addi %mul3A_2135, %add3A_14 : vector<16xi32>
      tpu.vector_store_idx %arg8[%add3A_2151], %get3A_2150 {add = true} : memref<10752xf32, #tpu.memory_space<vmem>>[vector<16xi32>], vector<16xf32>,
      %get3A_2152 = arith.index_cast %add3A_2130 : i32 to index
      %get3A_2153 = arith.constant 64 : index
      %get3A_2154 = tpu.vector_load %arg6[%get3A_2152, %get3A_2153] {strides = array<i32>} : memref<128x512xf32, #tpu.memory_space<vmem>>, vector<16xf32>,
      %add3A_2155 = arith.addi %mul3A_2135, %add3A_17 : vector<16xi32>
      tpu.vector_store_idx %arg8[%add3A_2155], %get3A_2154 {add = true} : memref<10752xf32, #tpu.memory_space<vmem>>[vector<16xi32>], vector<16xf32>,
      %get3A_2156 = arith.index_cast %add3A_2130 : i32 to index
      %get3A_2157 = arith.constant 80 : index
      %get3A_2158 = tpu.vector_load %arg6[%get3A_2156, %get3A_2157] {strides = array<i32>} : memref<128x512xf32, #tpu.memory_space<vmem>>, vector<16xf32>,
      %add3A_2159 = arith.addi %mul3A_2135, %add3A_20 : vector<16xi32>
      tpu.vector_store_idx %arg8[%add3A_2159], %get3A_2158 {add = true} : memref<10752xf32, #tpu.memory_space<vmem>>[vector<16xi32>], vector<16xf32>,
      %get3A_2160 = arith.index_cast %add3A_2130 : i32 to index
      %get3A_2161 = arith.constant 96 : index
      %get3A_2162 = tpu.vector_load %arg6[%get3A_2160, %get3A_2161] {strides = array<i32>} : memref<128x512xf32, #tpu.memory_space<vmem>>, vector<16xf32>,
      %add3A_2163 = arith.addi %mul3A_2135, %add3A_23 : vector<16xi32>
      tpu.vector_store_idx %arg8[%add3A_2163], %get3A_2162 {add = true} : memref<10752xf32, #tpu.memory_space<vmem>>[vector<16xi32>], vector<16xf32>,
      %get3A_2164 = arith.index_cast %add3A_2130 : i32 to index
      %get3A_2165 = arith.constant 112 : index
      %get3A_2166 = tpu.vector_load %arg6[%get3A_2164, %get3A_2165] {strides = array<i32>} : memref<128x512xf32, #tpu.memory_space<vmem>>, vector<16xf32>,
      %add3A_2167 = arith.addi %mul3A_2135, %add3A_26 : vector<16xi32>
      tpu.vector_store_idx %arg8[%add3A_2167], %get3A_2166 {add = true} : memref<10752xf32, #tpu.memory_space<vmem>>[vector<16xi32>], vector<16xf32>,
      %get3A_2168 = arith.index_cast %add3A_2130 : i32 to index
      %get3A_2169 = arith.constant 128 : index
      %get3A_2170 = tpu.vector_load %arg6[%get3A_2168, %get3A_2169] {strides = array<i32>} : memref<128x512xf32, #tpu.memory_space<vmem>>, vector<16xf32>,
      %add3A_2171 = arith.addi %mul3A_2135, %add3A_29 : vector<16xi32>
      tpu.vector_store_idx %arg8[%add3A_2171], %get3A_2170 {add = true} : memref<10752xf32, #tpu.memory_space<vmem>>[vector<16xi32>], vector<16xf32>,
      %get3A_2172 = arith.index_cast %add3A_2130 : i32 to index
      %get3A_2173 = arith.constant 144 : index
      %get3A_2174 = tpu.vector_load %arg6[%get3A_2172, %get3A_2173] {strides = array<i32>} : memref<128x512xf32, #tpu.memory_space<vmem>>, vector<16xf32>,
      %add3A_2175 = arith.addi %mul3A_2135, %add3A_32 : vector<16xi32>
      tpu.vector_store_idx %arg8[%add3A_2175], %get3A_2174 {add = true} : memref<10752xf32, #tpu.memory_space<vmem>>[vector<16xi32>], vector<16xf32>,
      %get3A_2176 = arith.index_cast %add3A_2130 : i32 to index
      %get3A_2177 = arith.constant 160 : index
      %get3A_2178 = tpu.vector_load %arg6[%get3A_2176, %get3A_2177] {strides = array<i32>} : memref<128x512xf32, #tpu.memory_space<vmem>>, vector<16xf32>,
      %add3A_2179 = arith.addi %mul3A_2135, %add3A_35 : vector<16xi32>
      tpu.vector_store_idx %arg8[%add3A_2179], %get3A_2178 {add = true} : memref<10752xf32, #tpu.memory_space<vmem>>[vector<16xi32>], vector<16xf32>,
      %get3A_2180 = arith.index_cast %add3A_2130 : i32 to index
      %get3A_2181 = arith.constant 176 : index
      %get3A_2182 = tpu.vector_load %arg6[%get3A_2180, %get3A_2181] {strides = array<i32>} : memref<128x512xf32, #tpu.memory_space<vmem>>, vector<16xf32>,
      %add3A_2183 = arith.addi %mul3A_2135, %add3A_38 : vector<16xi32>
      tpu.vector_store_idx %arg8[%add3A_2183], %get3A_2182 {add = true} : memref<10752xf32, #tpu.memory_space<vmem>>[vector<16xi32>], vector<16xf32>,
      %get3A_2184 = arith.index_cast %add3A_2130 : i32 to index
      %get3A_2185 = arith.constant 192 : index
      %get3A_2186 = tpu.vector_load %arg6[%get3A_2184, %get3A_2185] {strides = array<i32>} : memref<128x512xf32, #tpu.memory_space<vmem>>, vector<16xf32>,
      %add3A_2187 = arith.addi %mul3A_2135, %add3A_41 : vector<16xi32>
      tpu.vector_store_idx %arg8[%add3A_2187], %get3A_2186 {add = true} : memref<10752xf32, #tpu.memory_space<vmem>>[vector<16xi32>], vector<16xf32>,
      %get3A_2188 = arith.index_cast %add3A_2130 : i32 to index
      %get3A_2189 = arith.constant 208 : index
      %get3A_2190 = tpu.vector_load %arg6[%get3A_2188, %get3A_2189] {strides = array<i32>} : memref<128x512xf32, #tpu.memory_space<vmem>>, vector<16xf32>,
      %add3A_2191 = arith.addi %mul3A_2135, %add3A_44 : vector<16xi32>
      tpu.vector_store_idx %arg8[%add3A_2191], %get3A_2190 {add = true} : memref<10752xf32, #tpu.memory_space<vmem>>[vector<16xi32>], vector<16xf32>,
      %get3A_2192 = arith.index_cast %add3A_2130 : i32 to index
      %get3A_2193 = arith.constant 224 : index
      %get3A_2194 = tpu.vector_load %arg6[%get3A_2192, %get3A_2193] {strides = array<i32>} : memref<128x512xf32, #tpu.memory_space<vmem>>, vector<16xf32>,
      %add3A_2195 = arith.addi %mul3A_2135, %add3A_47 : vector<16xi32>
      tpu.vector_store_idx %arg8[%add3A_2195], %get3A_2194 {add = true} : memref<10752xf32, #tpu.memory_space<vmem>>[vector<16xi32>], vector<16xf32>,
      %get3A_2196 = arith.index_cast %add3A_2130 : i32 to index
      %get3A_2197 = arith.constant 240 : index
      %get3A_2198 = tpu.vector_load %arg6[%get3A_2196, %get3A_2197] {strides = array<i32>} : memref<128x512xf32, #tpu.memory_space<vmem>>, vector<16xf32>,
      %add3A_2199 = arith.addi %mul3A_2135, %add3A_50 : vector<16xi32>
      tpu.vector_store_idx %arg8[%add3A_2199], %get3A_2198 {add = true} : memref<10752xf32, #tpu.memory_space<vmem>>[vector<16xi32>], vector<16xf32>,
      %get3A_2200 = arith.index_cast %add3A_2130 : i32 to index
      %get3A_2201 = arith.constant 256 : index
      %get3A_2202 = tpu.vector_load %arg6[%get3A_2200, %get3A_2201] {strides = array<i32>} : memref<128x512xf32, #tpu.memory_space<vmem>>, vector<16xf32>,
      %add3A_2203 = arith.addi %mul3A_2135, %add3A_53 : vector<16xi32>
      tpu.vector_store_idx %arg8[%add3A_2203], %get3A_2202 {add = true} : memref<10752xf32, #tpu.memory_space<vmem>>[vector<16xi32>], vector<16xf32>,
      %get3A_2204 = arith.index_cast %add3A_2130 : i32 to index
      %get3A_2205 = arith.constant 272 : index
      %get3A_2206 = tpu.vector_load %arg6[%get3A_2204, %get3A_2205] {strides = array<i32>} : memref<128x512xf32, #tpu.memory_space<vmem>>, vector<16xf32>,
      %add3A_2207 = arith.addi %mul3A_2135, %add3A_56 : vector<16xi32>
      tpu.vector_store_idx %arg8[%add3A_2207], %get3A_2206 {add = true} : memref<10752xf32, #tpu.memory_space<vmem>>[vector<16xi32>], vector<16xf32>,
      %get3A_2208 = arith.index_cast %add3A_2130 : i32 to index
      %get3A_2209 = arith.constant 288 : index
      %get3A_2210 = tpu.vector_load %arg6[%get3A_2208, %get3A_2209] {strides = array<i32>} : memref<128x512xf32, #tpu.memory_space<vmem>>, vector<16xf32>,
      %add3A_2211 = arith.addi %mul3A_2135, %add3A_59 : vector<16xi32>
      tpu.vector_store_idx %arg8[%add3A_2211], %get3A_2210 {add = true} : memref<10752xf32, #tpu.memory_space<vmem>>[vector<16xi32>], vector<16xf32>,
      %get3A_2212 = arith.index_cast %add3A_2130 : i32 to index
      %get3A_2213 = arith.constant 304 : index
      %get3A_2214 = tpu.vector_load %arg6[%get3A_2212, %get3A_2213] {strides = array<i32>} : memref<128x512xf32, #tpu.memory_space<vmem>>, vector<16xf32>,
      %add3A_2215 = arith.addi %mul3A_2135, %add3A_62 : vector<16xi32>
      tpu.vector_store_idx %arg8[%add3A_2215], %get3A_2214 {add = true} : memref<10752xf32, #tpu.memory_space<vmem>>[vector<16xi32>], vector<16xf32>,
      %get3A_2216 = arith.index_cast %add3A_2130 : i32 to index
      %get3A_2217 = arith.constant 320 : index
      %get3A_2218 = tpu.vector_load %arg6[%get3A_2216, %get3A_2217] {strides = array<i32>} : memref<128x512xf32, #tpu.memory_space<vmem>>, vector<16xf32>,
      %add3A_2219 = arith.addi %mul3A_2135, %add3A_65 : vector<16xi32>
      tpu.vector_store_idx %arg8[%add3A_2219], %get3A_2218 {add = true} : memref<10752xf32, #tpu.memory_space<vmem>>[vector<16xi32>], vector<16xf32>,
      %get3A_2220 = arith.index_cast %add3A_2130 : i32 to index
      %get3A_2221 = arith.constant 336 : index
      %get3A_2222 = tpu.vector_load %arg6[%get3A_2220, %get3A_2221] {strides = array<i32>} : memref<128x512xf32, #tpu.memory_space<vmem>>, vector<16xf32>,
      %add3A_2223 = arith.addi %mul3A_2135, %add3A_68 : vector<16xi32>
      tpu.vector_store_idx %arg8[%add3A_2223], %get3A_2222 {add = true} : memref<10752xf32, #tpu.memory_space<vmem>>[vector<16xi32>], vector<16xf32>,
      %get3A_2224 = arith.index_cast %add3A_2130 : i32 to index
      %get3A_2225 = arith.constant 352 : index
      %get3A_2226 = tpu.vector_load %arg6[%get3A_2224, %get3A_2225] {strides = array<i32>} : memref<128x512xf32, #tpu.memory_space<vmem>>, vector<16xf32>,
      %add3A_2227 = arith.addi %mul3A_2135, %add3A_71 : vector<16xi32>
      tpu.vector_store_idx %arg8[%add3A_2227], %get3A_2226 {add = true} : memref<10752xf32, #tpu.memory_space<vmem>>[vector<16xi32>], vector<16xf32>,
      %get3A_2228 = arith.index_cast %add3A_2130 : i32 to index
      %get3A_2229 = arith.constant 368 : index
      %get3A_2230 = tpu.vector_load %arg6[%get3A_2228, %get3A_2229] {strides = array<i32>} : memref<128x512xf32, #tpu.memory_space<vmem>>, vector<16xf32>,
      %add3A_2231 = arith.addi %mul3A_2135, %add3A_74 : vector<16xi32>
      tpu.vector_store_idx %arg8[%add3A_2231], %get3A_2230 {add = true} : memref<10752xf32, #tpu.memory_space<vmem>>[vector<16xi32>], vector<16xf32>,
      %get3A_2232 = arith.index_cast %add3A_2130 : i32 to index
      %get3A_2233 = arith.constant 384 : index
      %get3A_2234 = tpu.vector_load %arg6[%get3A_2232, %get3A_2233] {strides = array<i32>} : memref<128x512xf32, #tpu.memory_space<vmem>>, vector<16xf32>,
      %add3A_2235 = arith.addi %mul3A_2135, %add3A_77 : vector<16xi32>
      tpu.vector_store_idx %arg8[%add3A_2235], %get3A_2234 {add = true} : memref<10752xf32, #tpu.memory_space<vmem>>[vector<16xi32>], vector<16xf32>,
      %get3A_2236 = arith.index_cast %add3A_2130 : i32 to index
      %get3A_2237 = arith.constant 400 : index
      %get3A_2238 = tpu.vector_load %arg6[%get3A_2236, %get3A_2237] {strides = array<i32>} : memref<128x512xf32, #tpu.memory_space<vmem>>, vector<16xf32>,
      %add3A_2239 = arith.addi %mul3A_2135, %add3A_80 : vector<16xi32>
      tpu.vector_store_idx %arg8[%add3A_2239], %get3A_2238 {add = true} : memref<10752xf32, #tpu.memory_space<vmem>>[vector<16xi32>], vector<16xf32>,
      %get3A_2240 = arith.index_cast %add3A_2130 : i32 to index
      %get3A_2241 = arith.constant 416 : index
      %get3A_2242 = tpu.vector_load %arg6[%get3A_2240, %get3A_2241] {strides = array<i32>} : memref<128x512xf32, #tpu.memory_space<vmem>>, vector<16xf32>,
      %add3A_2243 = arith.addi %mul3A_2135, %add3A_83 : vector<16xi32>
      tpu.vector_store_idx %arg8[%add3A_2243], %get3A_2242 {add = true} : memref<10752xf32, #tpu.memory_space<vmem>>[vector<16xi32>], vector<16xf32>,
      %get3A_2244 = arith.index_cast %add3A_2130 : i32 to index
      %get3A_2245 = arith.constant 432 : index
      %get3A_2246 = tpu.vector_load %arg6[%get3A_2244, %get3A_2245] {strides = array<i32>} : memref<128x512xf32, #tpu.memory_space<vmem>>, vector<16xf32>,
      %add3A_2247 = arith.addi %mul3A_2135, %add3A_86 : vector<16xi32>
      tpu.vector_store_idx %arg8[%add3A_2247], %get3A_2246 {add = true} : memref<10752xf32, #tpu.memory_space<vmem>>[vector<16xi32>], vector<16xf32>,
      %get3A_2248 = arith.index_cast %add3A_2130 : i32 to index
      %get3A_2249 = arith.constant 448 : index
      %get3A_2250 = tpu.vector_load %arg6[%get3A_2248, %get3A_2249] {strides = array<i32>} : memref<128x512xf32, #tpu.memory_space<vmem>>, vector<16xf32>,
      %add3A_2251 = arith.addi %mul3A_2135, %add3A_89 : vector<16xi32>
      tpu.vector_store_idx %arg8[%add3A_2251], %get3A_2250 {add = true} : memref<10752xf32, #tpu.memory_space<vmem>>[vector<16xi32>], vector<16xf32>,
      %get3A_2252 = arith.index_cast %add3A_2130 : i32 to index
      %get3A_2253 = arith.constant 464 : index
      %get3A_2254 = tpu.vector_load %arg6[%get3A_2252, %get3A_2253] {strides = array<i32>} : memref<128x512xf32, #tpu.memory_space<vmem>>, vector<16xf32>,
      %add3A_2255 = arith.addi %mul3A_2135, %add3A_92 : vector<16xi32>
      tpu.vector_store_idx %arg8[%add3A_2255], %get3A_2254 {add = true} : memref<10752xf32, #tpu.memory_space<vmem>>[vector<16xi32>], vector<16xf32>,
      %get3A_2256 = arith.index_cast %add3A_2130 : i32 to index
      %get3A_2257 = arith.constant 480 : index
      %get3A_2258 = tpu.vector_load %arg6[%get3A_2256, %get3A_2257] {strides = array<i32>} : memref<128x512xf32, #tpu.memory_space<vmem>>, vector<16xf32>,
      %add3A_2259 = arith.addi %mul3A_2135, %add3A_95 : vector<16xi32>
      tpu.vector_store_idx %arg8[%add3A_2259], %get3A_2258 {add = true} : memref<10752xf32, #tpu.memory_space<vmem>>[vector<16xi32>], vector<16xf32>,
      %get3A_2260 = arith.index_cast %add3A_2130 : i32 to index
      %get3A_2261 = arith.constant 496 : index
      %get3A_2262 = tpu.vector_load %arg6[%get3A_2260, %get3A_2261] {strides = array<i32>} : memref<128x512xf32, #tpu.memory_space<vmem>>, vector<16xf32>,
      %add3A_2263 = arith.addi %mul3A_2135, %add3A_98 : vector<16xi32>
      tpu.vector_store_idx %arg8[%add3A_2263], %get3A_2262 {add = true} : memref<10752xf32, #tpu.memory_space<vmem>>[vector<16xi32>], vector<16xf32>,
    }
    %scan3A_103 = arith.constant 8 : i32
    "tpu.region"() ({
      %run_scoped3A = tpu.sem_alloc : memref<!tpu.dma_semaphore, #tpu.memory_space<semaphore_mem>>
      %dma_start3A = arith.constant 0 : i32
      %dma_start3A_104 = tpu.memref_slice %arg5[%add3A, %dma_start3A] : memref<32x10752xf32, #tpu.memory_space<hbm>> -> memref<1x10752xf32, #tpu.memory_space<hbm>>
      %dma_start3A_105 = tpu.memref_squeeze %dma_start3A_104 : memref<1x10752xf32, #tpu.memory_space<hbm>> -> memref<10752xf32, #tpu.memory_space<hbm>>
      %dma_start3A_106 = arith.constant 0 : i32
      %dma_start3A_107 = tpu.memref_slice %arg5[%add3A, %dma_start3A_106] : memref<32x10752xf32, #tpu.memory_space<hbm>> -> memref<1x10752xf32, #tpu.memory_space<hbm>>
      %dma_start3A_108 = tpu.memref_squeeze %dma_start3A_107 : memref<1x10752xf32, #tpu.memory_space<hbm>> -> memref<10752xf32, #tpu.memory_space<hbm>>
      tpu.enqueue_dma source(%arg8 : memref<10752xf32, #tpu.memory_space<vmem>>) target(%dma_start3A_108 : memref<10752xf32, #tpu.memory_space<hbm>>) target_semaphore(%run_scoped3A : memref<!tpu.dma_semaphore, #tpu.memory_space<semaphore_mem>>)
      %dma_wait3A = arith.constant 0 : i32
      %dma_wait3A_109 = tpu.memref_slice %arg5[%add3A, %dma_wait3A] : memref<32x10752xf32, #tpu.memory_space<hbm>> -> memref<1x10752xf32, #tpu.memory_space<hbm>>
      %dma_wait3A_110 = tpu.memref_squeeze %dma_wait3A_109 : memref<1x10752xf32, #tpu.memory_space<hbm>> -> memref<10752xf32, #tpu.memory_space<hbm>>
      %dma_wait3A_111 = arith.constant 0 : i32
      %dma_wait3A_112 = tpu.memref_slice %arg5[%add3A, %dma_wait3A_111] : memref<32x10752xf32, #tpu.memory_space<hbm>> -> memref<1x10752xf32, #tpu.memory_space<hbm>>
      %dma_wait3A_113 = tpu.memref_squeeze %dma_wait3A_112 : memref<1x10752xf32, #tpu.memory_space<hbm>> -> memref<10752xf32, #tpu.memory_space<hbm>>
      tpu.wait_dma2 semaphore(%run_scoped3A : memref<!tpu.dma_semaphore, #tpu.memory_space<semaphore_mem>>) src(%arg8 : memref<10752xf32, #tpu.memory_space<vmem>>) dst(%dma_wait3A_113 : memref<10752xf32, #tpu.memory_space<hbm>>)
      tpu.yield
    }) : () -> ()
    return
  }
}

module attributes {stable_mosaic.version = 14 : i64} {
  func.func @_cov_body(%arg0: i32, %arg1: memref<512x768xf32, #tpu.memory_space<vmem>>, %arg2: memref<512x768xf32, #tpu.memory_space<vmem>>) attributes {dimension_semantics = [#tpu.dimension_semantics<arbitrary>], iteration_bounds = array<i64: 8>, scalar_prefetch = 0 : i64, scratch_operands = 0 : i64, tpu.core_type = #tpu.core_type<tc>, window_params = [{transform_indices = @transform_0, window_bounds = array<i64: 512, 768>}, {pipeline_mode = #tpu.pipeline_mode<synchronous>, transform_indices = @transform_1, window_bounds = array<i64: 512, 768>}]} {
    %get3A = arith.constant 0 : index
    %get3A_0 = arith.constant 0 : index
    %get3A_1 = vector.load %arg1[%get3A, %get3A_0] : memref<512x768xf32, #tpu.memory_space<vmem>>, vector<512x768xf32>
    %mul3A = arith.mulf %get3A_1, %get3A_1 : vector<512x768xf32>
    %reduce_sum3A = arith.constant dense<0.000000e+00> : vector<512xf32>
    %reduce_sum3A_2 = vector.multi_reduction <add>, %mul3A, %reduce_sum3A [1] : vector<512x768xf32> to vector<512xf32>
    %broadcast_in_dim3A = vector.shape_cast %reduce_sum3A_2 : vector<512xf32> to vector<512x1xf32>
    %sqrt3A = math.sqrt %broadcast_in_dim3A : vector<512x1xf32>
    %max3A = arith.constant 9.99999996E-13 : f32
    %max3A_3 = vector.broadcast %max3A : f32 to vector<512x1xf32>
    %max3A_4 = arith.maximumf %sqrt3A, %max3A_3 : vector<512x1xf32>
    %div3A = vector.broadcast %max3A_4 : vector<512x1xf32> to vector<512x768xf32>
    %div3A_5 = arith.divf %get3A_1, %div3A : vector<512x768xf32>
    %eq3A = arith.constant 0 : i32
    %eq3A_6 = arith.cmpi eq, %arg0, %eq3A : i32
    %convert_element_type3A = arith.extui %eq3A_6 : i1 to i32
    %cond3A = arith.constant 0 : i32
    %cond3A_7 = arith.cmpi ne, %convert_element_type3A, %cond3A : i32
    scf.if %cond3A_7 {
      %broadcast_in_dim3A_14 = arith.constant 0.000000e+00 : f32
      %broadcast_in_dim3A_15 = vector.broadcast %broadcast_in_dim3A_14 : f32 to vector<512x768xf32>
      %swap3A_16 = arith.constant 0 : index
      %swap3A_17 = arith.constant 0 : index
      %swap3A_18 = vector.load %arg2[%swap3A_16, %swap3A_17] : memref<512x768xf32, #tpu.memory_space<vmem>>, vector<512x768xf32>
      tpu.vector_store %arg2[%swap3A_16, %swap3A_17], %broadcast_in_dim3A_15 {strides = array<i32>} : memref<512x768xf32, #tpu.memory_space<vmem>>, vector<512x768xf32>,
    } else {
    }
    %get3A_8 = arith.constant 0 : index
    %get3A_9 = arith.constant 0 : index
    %get3A_10 = vector.load %arg2[%get3A_8, %get3A_9] : memref<512x768xf32, #tpu.memory_space<vmem>>, vector<512x768xf32>
    %slice3A = vector.extract_strided_slice %div3A_5 {offsets = [0, 0], sizes = [512, 512], strides = [1, 1]} : vector<512x768xf32> to vector<512x512xf32>
    %dot_general3A = arith.constant dense<0.000000e+00> : vector<512x768xf32>
    %dot_general3A_11 = tpu.matmul %slice3A, %div3A_5, %dot_general3A {dimension_numbers = #tpu.dot_dimension_numbers<[0], [0], [1], [1], [0, 1, 1, 1], [], []>, transpose_lhs_hint = false} : vector<512x512xf32>, vector<512x768xf32>, vector<512x768xf32> -> vector<512x768xf32>
    %add3A = arith.addf %get3A_10, %dot_general3A_11 : vector<512x768xf32>
    %swap3A = arith.constant 0 : index
    %swap3A_12 = arith.constant 0 : index
    %swap3A_13 = vector.load %arg2[%swap3A, %swap3A_12] : memref<512x768xf32, #tpu.memory_space<vmem>>, vector<512x768xf32>
    tpu.vector_store %arg2[%swap3A, %swap3A_12], %add3A {strides = array<i32>} : memref<512x768xf32, #tpu.memory_space<vmem>>, vector<512x768xf32>,
    return
  }
  func.func @transform_0(%arg0: i32) -> (i32, i32) {
    %c0_i32 = arith.constant 0 : i32
    %c0_i32_0 = arith.constant 0 : i32
    return %arg0, %c0_i32 : i32, i32
  }
  func.func @transform_1(%arg0: i32) -> (i32, i32) {
    %c0_i32 = arith.constant 0 : i32
    %c0_i32_0 = arith.constant 0 : i32
    %c0_i32_1 = arith.constant 0 : i32
    return %c0_i32, %c0_i32_0 : i32, i32
  }
}

module attributes {stable_mosaic.version = 14 : i64} {
  func.func @_stage1_body(%arg0: i32, %arg1: memref<512x768xf32, #tpu.memory_space<vmem>>, %arg2: memref<512x768xf32, #tpu.memory_space<vmem>>, %arg3: memref<20x512xf32, #tpu.memory_space<vmem>>, %arg4: memref<512x512xf32, #tpu.memory_space<vmem>>, %arg5: memref<1x1x512xi32, #tpu.memory_space<vmem>>) attributes {dimension_semantics = [#tpu.dimension_semantics<arbitrary>], iteration_bounds = array<i64: 8>, scalar_prefetch = 0 : i64, scratch_operands = 0 : i64, tpu.core_type = #tpu.core_type<tc>, window_params = [{transform_indices = @transform_0, window_bounds = array<i64: 512, 768>}, {pipeline_mode = #tpu.pipeline_mode<synchronous>, transform_indices = @transform_1, window_bounds = array<i64: 512, 768>}, {pipeline_mode = #tpu.pipeline_mode<synchronous>, transform_indices = @transform_2, window_bounds = array<i64: 20, 512>}, {transform_indices = @transform_3, window_bounds = array<i64: 512, 512>}, {transform_indices = @transform_4, window_bounds = array<i64: 1, 1, 512>}]} {
    %get3A = arith.constant 0 : index
    %get3A_0 = arith.constant 0 : index
    %get3A_1 = vector.load %arg1[%get3A, %get3A_0] : memref<512x768xf32, #tpu.memory_space<vmem>>, vector<512x768xf32>
    %mul3A = arith.mulf %get3A_1, %get3A_1 : vector<512x768xf32>
    %reduce_sum3A = arith.constant dense<0.000000e+00> : vector<512xf32>
    %reduce_sum3A_2 = vector.multi_reduction <add>, %mul3A, %reduce_sum3A [1] : vector<512x768xf32> to vector<512xf32>
    %broadcast_in_dim3A = vector.shape_cast %reduce_sum3A_2 : vector<512xf32> to vector<512x1xf32>
    %sqrt3A = math.sqrt %broadcast_in_dim3A : vector<512x1xf32>
    %max3A = arith.constant 9.99999996E-13 : f32
    %max3A_3 = vector.broadcast %max3A : f32 to vector<512x1xf32>
    %max3A_4 = arith.maximumf %sqrt3A, %max3A_3 : vector<512x1xf32>
    %div3A = vector.broadcast %max3A_4 : vector<512x1xf32> to vector<512x768xf32>
    %div3A_5 = arith.divf %get3A_1, %div3A : vector<512x768xf32>
    %get3A_6 = arith.constant 0 : index
    %get3A_7 = arith.constant 0 : index
    %get3A_8 = vector.load %arg2[%get3A_6, %get3A_7] : memref<512x768xf32, #tpu.memory_space<vmem>>, vector<512x768xf32>
    %dot_general3A = arith.constant dense<0.000000e+00> : vector<512x512xf32>
    %dot_general3A_9 = tpu.matmul %div3A_5, %get3A_8, %dot_general3A {dimension_numbers = #tpu.dot_dimension_numbers<[1], [1], [0], [0], [0, 0, 1, 0], [], []>, transpose_lhs_hint = false} : vector<512x768xf32>, vector<512x768xf32>, vector<512x512xf32> -> vector<512x512xf32>
    %mul3A_10 = arith.mulf %dot_general3A_9, %dot_general3A_9 : vector<512x512xf32>
    %reduce_sum3A_11 = arith.constant dense<0.000000e+00> : vector<512xf32>
    %reduce_sum3A_12 = vector.multi_reduction <add>, %mul3A_10, %reduce_sum3A_11 [1] : vector<512x512xf32> to vector<512xf32>
    %broadcast_in_dim3A_13 = vector.shape_cast %reduce_sum3A_12 : vector<512xf32> to vector<512x1xf32>
    %sqrt3A_14 = math.sqrt %broadcast_in_dim3A_13 : vector<512x1xf32>
    %max3A_15 = arith.constant 9.99999996E-13 : f32
    %max3A_16 = vector.broadcast %max3A_15 : f32 to vector<512x1xf32>
    %max3A_17 = arith.maximumf %sqrt3A_14, %max3A_16 : vector<512x1xf32>
    %div3A_18 = vector.broadcast %max3A_17 : vector<512x1xf32> to vector<512x512xf32>
    %div3A_19 = arith.divf %dot_general3A_9, %div3A_18 : vector<512x512xf32>
    %swap3A = arith.constant 0 : index
    %swap3A_20 = arith.constant 0 : index
    %swap3A_21 = vector.load %arg4[%swap3A, %swap3A_20] : memref<512x512xf32, #tpu.memory_space<vmem>>, vector<512x512xf32>
    tpu.vector_store %arg4[%swap3A, %swap3A_20], %div3A_19 {strides = array<i32>} : memref<512x512xf32, #tpu.memory_space<vmem>>, vector<512x512xf32>,
    %get3A_22 = arith.constant 0 : index
    %get3A_23 = arith.constant 0 : index
    %get3A_24 = vector.load %arg3[%get3A_22, %get3A_23] : memref<20x512xf32, #tpu.memory_space<vmem>>, vector<20x512xf32>
    %dot_general3A_25 = arith.constant dense<0.000000e+00> : vector<512x20xf32>
    %dot_general3A_26 = tpu.matmul %div3A_19, %get3A_24, %dot_general3A_25 {dimension_numbers = #tpu.dot_dimension_numbers<[1], [1], [0], [0], [0, 0, 1, 0], [], []>, transpose_lhs_hint = false} : vector<512x512xf32>, vector<20x512xf32>, vector<512x20xf32> -> vector<512x20xf32>
    %reduce_max3A = arith.constant dense<0xFF800000> : vector<512xf32>
    %reduce_max3A_27 = vector.multi_reduction <maximumf>, %dot_general3A_26, %reduce_max3A [1] : vector<512x20xf32> to vector<512xf32>
    %broadcast_in_dim3A_28 = vector.shape_cast %reduce_max3A_27 : vector<512xf32> to vector<512x1xf32>
    %sub3A = vector.broadcast %broadcast_in_dim3A_28 : vector<512x1xf32> to vector<512x20xf32>
    %sub3A_29 = arith.subf %dot_general3A_26, %sub3A : vector<512x20xf32>
    %div3A_30 = arith.constant 1.000000e-01 : f32
    %div3A_31 = vector.broadcast %div3A_30 : f32 to vector<512x20xf32>
    %div3A_32 = arith.divf %sub3A_29, %div3A_31 : vector<512x20xf32>
    %exp3A = math.exp %div3A_32 : vector<512x20xf32>
    %reduce_sum3A_33 = arith.constant dense<0.000000e+00> : vector<512xf32>
    %reduce_sum3A_34 = vector.multi_reduction <add>, %exp3A, %reduce_sum3A_33 [1] : vector<512x20xf32> to vector<512xf32>
    %broadcast_in_dim3A_35 = vector.shape_cast %reduce_sum3A_34 : vector<512xf32> to vector<512x1xf32>
    %div3A_36 = vector.broadcast %broadcast_in_dim3A_35 : vector<512x1xf32> to vector<512x20xf32>
    %div3A_37 = arith.divf %exp3A, %div3A_36 : vector<512x20xf32>
    %reduce_max3A_38 = arith.constant dense<0xFF800000> : vector<512xf32>
    %reduce_max3A_39 = vector.multi_reduction <maximumf>, %div3A_37, %reduce_max3A_38 [1] : vector<512x20xf32> to vector<512xf32>
    %argmax3A = tpu.reduce_index %div3A_37 {axis = 1 : i32, kind = #tpu.reduction_kind<arg_max>} : vector<512x20xf32> -> vector<512xi32>
    %gt3A = arith.constant 0.699999988 : f32
    %gt3A_40 = vector.broadcast %gt3A : f32 to vector<512xf32>
    %gt3A_41 = arith.cmpf ogt, %reduce_max3A_39, %gt3A_40 : vector<512xf32>
    %jit3A = arith.constant 20 : i32
    %broadcast_in_dim3A_42 = vector.broadcast %jit3A : i32 to vector<512xi32>
    %select_n3A = arith.select %gt3A_41, %argmax3A, %broadcast_in_dim3A_42 : vector<512xi1>, vector<512xi32>
    %reshape3A = vector.shape_cast %select_n3A : vector<512xi32> to vector<1x1x512xi32>
    %swap3A_43 = arith.constant 0 : index
    %swap3A_44 = arith.constant 0 : index
    %swap3A_45 = arith.constant 0 : index
    %swap3A_46 = vector.load %arg5[%swap3A_43, %swap3A_44, %swap3A_45] : memref<1x1x512xi32, #tpu.memory_space<vmem>>, vector<1x1x512xi32>
    tpu.vector_store %arg5[%swap3A_43, %swap3A_44, %swap3A_45], %reshape3A {strides = array<i32>} : memref<1x1x512xi32, #tpu.memory_space<vmem>>, vector<1x1x512xi32>,
    return
  }
  func.func @transform_0(%arg0: i32) -> (i32, i32) {
    %c0_i32 = arith.constant 0 : i32
    %c0_i32_0 = arith.constant 0 : i32
    return %arg0, %c0_i32 : i32, i32
  }
  func.func @transform_1(%arg0: i32) -> (i32, i32) {
    %c0_i32 = arith.constant 0 : i32
    %c0_i32_0 = arith.constant 0 : i32
    %c0_i32_1 = arith.constant 0 : i32
    return %c0_i32, %c0_i32_0 : i32, i32
  }
  func.func @transform_2(%arg0: i32) -> (i32, i32) {
    %c0_i32 = arith.constant 0 : i32
    %c0_i32_0 = arith.constant 0 : i32
    %c0_i32_1 = arith.constant 0 : i32
    return %c0_i32, %c0_i32_0 : i32, i32
  }
  func.func @transform_3(%arg0: i32) -> (i32, i32) {
    %c0_i32 = arith.constant 0 : i32
    %c0_i32_0 = arith.constant 0 : i32
    return %arg0, %c0_i32 : i32, i32
  }
  func.func @transform_4(%arg0: i32) -> (i32, i32, i32) {
    %c0_i32 = arith.constant 0 : i32
    %c0_i32_0 = arith.constant 0 : i32
    %c0_i32_1 = arith.constant 0 : i32
    return %arg0, %c0_i32, %c0_i32_0 : i32, i32, i32
  }
}

module attributes {stable_mosaic.version = 14 : i64} {
  func.func @_stage2_body(%arg0: memref<4096x512xf32, #tpu.memory_space<vmem>>, %arg1: memref<32x21x512xf32, #tpu.memory_space<vmem>>, %arg2: memref<1x4096xi32, #tpu.memory_space<vmem>>, %arg3: memref<20x512xf32, #tpu.memory_space<vmem>>, %arg4: memref<512x768xf32, #tpu.memory_space<vmem>>, %arg5: memref<512x768xf32, #tpu.memory_space<vmem>>, %arg6: memref<1x4096xf32, #tpu.memory_space<vmem>>, %arg7: memref<1x4096xi32, #tpu.memory_space<vmem>>, %arg8: memref<512x768xf32, #tpu.memory_space<vmem>>, %arg9: memref<1x4104xf32, #tpu.memory_space<vmem>>) attributes {dimension_semantics = [], scalar_prefetch = 0 : i64, scratch_operands = 1 : i64, tpu.core_type = #tpu.core_type<tc>} {
    %get3A = arith.constant 0 : index
    %get3A_0 = arith.constant 0 : index
    %get3A_1 = arith.constant 0 : index
    %get3A_2 = vector.load %arg1[%get3A, %get3A_0, %get3A_1] : memref<32x21x512xf32, #tpu.memory_space<vmem>>, vector<1x20x512xf32>
    %get3A_3 = vector.shape_cast %get3A_2 : vector<1x20x512xf32> to vector<20x512xf32>
    %get3A_4 = arith.constant 1 : index
    %get3A_5 = arith.constant 0 : index
    %get3A_6 = arith.constant 0 : index
    %get3A_7 = vector.load %arg1[%get3A_4, %get3A_5, %get3A_6] : memref<32x21x512xf32, #tpu.memory_space<vmem>>, vector<1x20x512xf32>
    %get3A_8 = vector.shape_cast %get3A_7 : vector<1x20x512xf32> to vector<20x512xf32>
    %add3A = arith.addf %get3A_3, %get3A_8 : vector<20x512xf32>
    %get3A_9 = arith.constant 2 : index
    %get3A_10 = arith.constant 0 : index
    %get3A_11 = arith.constant 0 : index
    %get3A_12 = vector.load %arg1[%get3A_9, %get3A_10, %get3A_11] : memref<32x21x512xf32, #tpu.memory_space<vmem>>, vector<1x20x512xf32>
    %get3A_13 = vector.shape_cast %get3A_12 : vector<1x20x512xf32> to vector<20x512xf32>
    %add3A_14 = arith.addf %add3A, %get3A_13 : vector<20x512xf32>
    %get3A_15 = arith.constant 3 : index
    %get3A_16 = arith.constant 0 : index
    %get3A_17 = arith.constant 0 : index
    %get3A_18 = vector.load %arg1[%get3A_15, %get3A_16, %get3A_17] : memref<32x21x512xf32, #tpu.memory_space<vmem>>, vector<1x20x512xf32>
    %get3A_19 = vector.shape_cast %get3A_18 : vector<1x20x512xf32> to vector<20x512xf32>
    %add3A_20 = arith.addf %add3A_14, %get3A_19 : vector<20x512xf32>
    %get3A_21 = arith.constant 4 : index
    %get3A_22 = arith.constant 0 : index
    %get3A_23 = arith.constant 0 : index
    %get3A_24 = vector.load %arg1[%get3A_21, %get3A_22, %get3A_23] : memref<32x21x512xf32, #tpu.memory_space<vmem>>, vector<1x20x512xf32>
    %get3A_25 = vector.shape_cast %get3A_24 : vector<1x20x512xf32> to vector<20x512xf32>
    %add3A_26 = arith.addf %add3A_20, %get3A_25 : vector<20x512xf32>
    %get3A_27 = arith.constant 5 : index
    %get3A_28 = arith.constant 0 : index
    %get3A_29 = arith.constant 0 : index
    %get3A_30 = vector.load %arg1[%get3A_27, %get3A_28, %get3A_29] : memref<32x21x512xf32, #tpu.memory_space<vmem>>, vector<1x20x512xf32>
    %get3A_31 = vector.shape_cast %get3A_30 : vector<1x20x512xf32> to vector<20x512xf32>
    %add3A_32 = arith.addf %add3A_26, %get3A_31 : vector<20x512xf32>
    %get3A_33 = arith.constant 6 : index
    %get3A_34 = arith.constant 0 : index
    %get3A_35 = arith.constant 0 : index
    %get3A_36 = vector.load %arg1[%get3A_33, %get3A_34, %get3A_35] : memref<32x21x512xf32, #tpu.memory_space<vmem>>, vector<1x20x512xf32>
    %get3A_37 = vector.shape_cast %get3A_36 : vector<1x20x512xf32> to vector<20x512xf32>
    %add3A_38 = arith.addf %add3A_32, %get3A_37 : vector<20x512xf32>
    %get3A_39 = arith.constant 7 : index
    %get3A_40 = arith.constant 0 : index
    %get3A_41 = arith.constant 0 : index
    %get3A_42 = vector.load %arg1[%get3A_39, %get3A_40, %get3A_41] : memref<32x21x512xf32, #tpu.memory_space<vmem>>, vector<1x20x512xf32>
    %get3A_43 = vector.shape_cast %get3A_42 : vector<1x20x512xf32> to vector<20x512xf32>
    %add3A_44 = arith.addf %add3A_38, %get3A_43 : vector<20x512xf32>
    %get3A_45 = arith.constant 8 : index
    %get3A_46 = arith.constant 0 : index
    %get3A_47 = arith.constant 0 : index
    %get3A_48 = vector.load %arg1[%get3A_45, %get3A_46, %get3A_47] : memref<32x21x512xf32, #tpu.memory_space<vmem>>, vector<1x20x512xf32>
    %get3A_49 = vector.shape_cast %get3A_48 : vector<1x20x512xf32> to vector<20x512xf32>
    %add3A_50 = arith.addf %add3A_44, %get3A_49 : vector<20x512xf32>
    %get3A_51 = arith.constant 9 : index
    %get3A_52 = arith.constant 0 : index
    %get3A_53 = arith.constant 0 : index
    %get3A_54 = vector.load %arg1[%get3A_51, %get3A_52, %get3A_53] : memref<32x21x512xf32, #tpu.memory_space<vmem>>, vector<1x20x512xf32>
    %get3A_55 = vector.shape_cast %get3A_54 : vector<1x20x512xf32> to vector<20x512xf32>
    %add3A_56 = arith.addf %add3A_50, %get3A_55 : vector<20x512xf32>
    %get3A_57 = arith.constant 10 : index
    %get3A_58 = arith.constant 0 : index
    %get3A_59 = arith.constant 0 : index
    %get3A_60 = vector.load %arg1[%get3A_57, %get3A_58, %get3A_59] : memref<32x21x512xf32, #tpu.memory_space<vmem>>, vector<1x20x512xf32>
    %get3A_61 = vector.shape_cast %get3A_60 : vector<1x20x512xf32> to vector<20x512xf32>
    %add3A_62 = arith.addf %add3A_56, %get3A_61 : vector<20x512xf32>
    %get3A_63 = arith.constant 11 : index
    %get3A_64 = arith.constant 0 : index
    %get3A_65 = arith.constant 0 : index
    %get3A_66 = vector.load %arg1[%get3A_63, %get3A_64, %get3A_65] : memref<32x21x512xf32, #tpu.memory_space<vmem>>, vector<1x20x512xf32>
    %get3A_67 = vector.shape_cast %get3A_66 : vector<1x20x512xf32> to vector<20x512xf32>
    %add3A_68 = arith.addf %add3A_62, %get3A_67 : vector<20x512xf32>
    %get3A_69 = arith.constant 12 : index
    %get3A_70 = arith.constant 0 : index
    %get3A_71 = arith.constant 0 : index
    %get3A_72 = vector.load %arg1[%get3A_69, %get3A_70, %get3A_71] : memref<32x21x512xf32, #tpu.memory_space<vmem>>, vector<1x20x512xf32>
    %get3A_73 = vector.shape_cast %get3A_72 : vector<1x20x512xf32> to vector<20x512xf32>
    %add3A_74 = arith.addf %add3A_68, %get3A_73 : vector<20x512xf32>
    %get3A_75 = arith.constant 13 : index
    %get3A_76 = arith.constant 0 : index
    %get3A_77 = arith.constant 0 : index
    %get3A_78 = vector.load %arg1[%get3A_75, %get3A_76, %get3A_77] : memref<32x21x512xf32, #tpu.memory_space<vmem>>, vector<1x20x512xf32>
    %get3A_79 = vector.shape_cast %get3A_78 : vector<1x20x512xf32> to vector<20x512xf32>
    %add3A_80 = arith.addf %add3A_74, %get3A_79 : vector<20x512xf32>
    %get3A_81 = arith.constant 14 : index
    %get3A_82 = arith.constant 0 : index
    %get3A_83 = arith.constant 0 : index
    %get3A_84 = vector.load %arg1[%get3A_81, %get3A_82, %get3A_83] : memref<32x21x512xf32, #tpu.memory_space<vmem>>, vector<1x20x512xf32>
    %get3A_85 = vector.shape_cast %get3A_84 : vector<1x20x512xf32> to vector<20x512xf32>
    %add3A_86 = arith.addf %add3A_80, %get3A_85 : vector<20x512xf32>
    %get3A_87 = arith.constant 15 : index
    %get3A_88 = arith.constant 0 : index
    %get3A_89 = arith.constant 0 : index
    %get3A_90 = vector.load %arg1[%get3A_87, %get3A_88, %get3A_89] : memref<32x21x512xf32, #tpu.memory_space<vmem>>, vector<1x20x512xf32>
    %get3A_91 = vector.shape_cast %get3A_90 : vector<1x20x512xf32> to vector<20x512xf32>
    %add3A_92 = arith.addf %add3A_86, %get3A_91 : vector<20x512xf32>
    %get3A_93 = arith.constant 16 : index
    %get3A_94 = arith.constant 0 : index
    %get3A_95 = arith.constant 0 : index
    %get3A_96 = vector.load %arg1[%get3A_93, %get3A_94, %get3A_95] : memref<32x21x512xf32, #tpu.memory_space<vmem>>, vector<1x20x512xf32>
    %get3A_97 = vector.shape_cast %get3A_96 : vector<1x20x512xf32> to vector<20x512xf32>
    %add3A_98 = arith.addf %add3A_92, %get3A_97 : vector<20x512xf32>
    %get3A_99 = arith.constant 17 : index
    %get3A_100 = arith.constant 0 : index
    %get3A_101 = arith.constant 0 : index
    %get3A_102 = vector.load %arg1[%get3A_99, %get3A_100, %get3A_101] : memref<32x21x512xf32, #tpu.memory_space<vmem>>, vector<1x20x512xf32>
    %get3A_103 = vector.shape_cast %get3A_102 : vector<1x20x512xf32> to vector<20x512xf32>
    %add3A_104 = arith.addf %add3A_98, %get3A_103 : vector<20x512xf32>
    %get3A_105 = arith.constant 18 : index
    %get3A_106 = arith.constant 0 : index
    %get3A_107 = arith.constant 0 : index
    %get3A_108 = vector.load %arg1[%get3A_105, %get3A_106, %get3A_107] : memref<32x21x512xf32, #tpu.memory_space<vmem>>, vector<1x20x512xf32>
    %get3A_109 = vector.shape_cast %get3A_108 : vector<1x20x512xf32> to vector<20x512xf32>
    %add3A_110 = arith.addf %add3A_104, %get3A_109 : vector<20x512xf32>
    %get3A_111 = arith.constant 19 : index
    %get3A_112 = arith.constant 0 : index
    %get3A_113 = arith.constant 0 : index
    %get3A_114 = vector.load %arg1[%get3A_111, %get3A_112, %get3A_113] : memref<32x21x512xf32, #tpu.memory_space<vmem>>, vector<1x20x512xf32>
    %get3A_115 = vector.shape_cast %get3A_114 : vector<1x20x512xf32> to vector<20x512xf32>
    %add3A_116 = arith.addf %add3A_110, %get3A_115 : vector<20x512xf32>
    %get3A_117 = arith.constant 20 : index
    %get3A_118 = arith.constant 0 : index
    %get3A_119 = arith.constant 0 : index
    %get3A_120 = vector.load %arg1[%get3A_117, %get3A_118, %get3A_119] : memref<32x21x512xf32, #tpu.memory_space<vmem>>, vector<1x20x512xf32>
    %get3A_121 = vector.shape_cast %get3A_120 : vector<1x20x512xf32> to vector<20x512xf32>
    %add3A_122 = arith.addf %add3A_116, %get3A_121 : vector<20x512xf32>
    %get3A_123 = arith.constant 21 : index
    %get3A_124 = arith.constant 0 : index
    %get3A_125 = arith.constant 0 : index
    %get3A_126 = vector.load %arg1[%get3A_123, %get3A_124, %get3A_125] : memref<32x21x512xf32, #tpu.memory_space<vmem>>, vector<1x20x512xf32>
    %get3A_127 = vector.shape_cast %get3A_126 : vector<1x20x512xf32> to vector<20x512xf32>
    %add3A_128 = arith.addf %add3A_122, %get3A_127 : vector<20x512xf32>
    %get3A_129 = arith.constant 22 : index
    %get3A_130 = arith.constant 0 : index
    %get3A_131 = arith.constant 0 : index
    %get3A_132 = vector.load %arg1[%get3A_129, %get3A_130, %get3A_131] : memref<32x21x512xf32, #tpu.memory_space<vmem>>, vector<1x20x512xf32>
    %get3A_133 = vector.shape_cast %get3A_132 : vector<1x20x512xf32> to vector<20x512xf32>
    %add3A_134 = arith.addf %add3A_128, %get3A_133 : vector<20x512xf32>
    %get3A_135 = arith.constant 23 : index
    %get3A_136 = arith.constant 0 : index
    %get3A_137 = arith.constant 0 : index
    %get3A_138 = vector.load %arg1[%get3A_135, %get3A_136, %get3A_137] : memref<32x21x512xf32, #tpu.memory_space<vmem>>, vector<1x20x512xf32>
    %get3A_139 = vector.shape_cast %get3A_138 : vector<1x20x512xf32> to vector<20x512xf32>
    %add3A_140 = arith.addf %add3A_134, %get3A_139 : vector<20x512xf32>
    %get3A_141 = arith.constant 24 : index
    %get3A_142 = arith.constant 0 : index
    %get3A_143 = arith.constant 0 : index
    %get3A_144 = vector.load %arg1[%get3A_141, %get3A_142, %get3A_143] : memref<32x21x512xf32, #tpu.memory_space<vmem>>, vector<1x20x512xf32>
    %get3A_145 = vector.shape_cast %get3A_144 : vector<1x20x512xf32> to vector<20x512xf32>
    %add3A_146 = arith.addf %add3A_140, %get3A_145 : vector<20x512xf32>
    %get3A_147 = arith.constant 25 : index
    %get3A_148 = arith.constant 0 : index
    %get3A_149 = arith.constant 0 : index
    %get3A_150 = vector.load %arg1[%get3A_147, %get3A_148, %get3A_149] : memref<32x21x512xf32, #tpu.memory_space<vmem>>, vector<1x20x512xf32>
    %get3A_151 = vector.shape_cast %get3A_150 : vector<1x20x512xf32> to vector<20x512xf32>
    %add3A_152 = arith.addf %add3A_146, %get3A_151 : vector<20x512xf32>
    %get3A_153 = arith.constant 26 : index
    %get3A_154 = arith.constant 0 : index
    %get3A_155 = arith.constant 0 : index
    %get3A_156 = vector.load %arg1[%get3A_153, %get3A_154, %get3A_155] : memref<32x21x512xf32, #tpu.memory_space<vmem>>, vector<1x20x512xf32>
    %get3A_157 = vector.shape_cast %get3A_156 : vector<1x20x512xf32> to vector<20x512xf32>
    %add3A_158 = arith.addf %add3A_152, %get3A_157 : vector<20x512xf32>
    %get3A_159 = arith.constant 27 : index
    %get3A_160 = arith.constant 0 : index
    %get3A_161 = arith.constant 0 : index
    %get3A_162 = vector.load %arg1[%get3A_159, %get3A_160, %get3A_161] : memref<32x21x512xf32, #tpu.memory_space<vmem>>, vector<1x20x512xf32>
    %get3A_163 = vector.shape_cast %get3A_162 : vector<1x20x512xf32> to vector<20x512xf32>
    %add3A_164 = arith.addf %add3A_158, %get3A_163 : vector<20x512xf32>
    %get3A_165 = arith.constant 28 : index
    %get3A_166 = arith.constant 0 : index
    %get3A_167 = arith.constant 0 : index
    %get3A_168 = vector.load %arg1[%get3A_165, %get3A_166, %get3A_167] : memref<32x21x512xf32, #tpu.memory_space<vmem>>, vector<1x20x512xf32>
    %get3A_169 = vector.shape_cast %get3A_168 : vector<1x20x512xf32> to vector<20x512xf32>
    %add3A_170 = arith.addf %add3A_164, %get3A_169 : vector<20x512xf32>
    %get3A_171 = arith.constant 29 : index
    %get3A_172 = arith.constant 0 : index
    %get3A_173 = arith.constant 0 : index
    %get3A_174 = vector.load %arg1[%get3A_171, %get3A_172, %get3A_173] : memref<32x21x512xf32, #tpu.memory_space<vmem>>, vector<1x20x512xf32>
    %get3A_175 = vector.shape_cast %get3A_174 : vector<1x20x512xf32> to vector<20x512xf32>
    %add3A_176 = arith.addf %add3A_170, %get3A_175 : vector<20x512xf32>
    %get3A_177 = arith.constant 30 : index
    %get3A_178 = arith.constant 0 : index
    %get3A_179 = arith.constant 0 : index
    %get3A_180 = vector.load %arg1[%get3A_177, %get3A_178, %get3A_179] : memref<32x21x512xf32, #tpu.memory_space<vmem>>, vector<1x20x512xf32>
    %get3A_181 = vector.shape_cast %get3A_180 : vector<1x20x512xf32> to vector<20x512xf32>
    %add3A_182 = arith.addf %add3A_176, %get3A_181 : vector<20x512xf32>
    %get3A_183 = arith.constant 31 : index
    %get3A_184 = arith.constant 0 : index
    %get3A_185 = arith.constant 0 : index
    %get3A_186 = vector.load %arg1[%get3A_183, %get3A_184, %get3A_185] : memref<32x21x512xf32, #tpu.memory_space<vmem>>, vector<1x20x512xf32>
    %get3A_187 = vector.shape_cast %get3A_186 : vector<1x20x512xf32> to vector<20x512xf32>
    %add3A_188 = arith.addf %add3A_182, %get3A_187 : vector<20x512xf32>
    %iota3A = tpu.iota {dimensions = array<i32: 0>} : vector<20x1xi32>
    %get3A_189 = arith.constant 0 : index
    %get3A_190 = arith.constant 0 : index
    %get3A_191 = vector.load %arg2[%get3A_189, %get3A_190] : memref<1x4096xi32, #tpu.memory_space<vmem>>, vector<1x4096xi32>
    %eq3A = vector.broadcast %get3A_191 : vector<1x4096xi32> to vector<20x4096xi32>
    %eq3A_192 = vector.broadcast %iota3A : vector<20x1xi32> to vector<20x4096xi32>
    %eq3A_193 = arith.cmpi eq, %eq3A, %eq3A_192 : vector<20x4096xi32>
    %convert_element_type3A = arith.extui %eq3A_193 : vector<20x4096xi1> to vector<20x4096xi32>
    %convert_element_type3A_194 = arith.sitofp %convert_element_type3A : vector<20x4096xi32> to vector<20x4096xf32>
    %reduce_sum3A = arith.constant dense<0.000000e+00> : vector<20xf32>
    %reduce_sum3A_195 = vector.multi_reduction <add>, %convert_element_type3A_194, %reduce_sum3A [1] : vector<20x4096xf32> to vector<20xf32>
    %broadcast_in_dim3A = vector.shape_cast %reduce_sum3A_195 : vector<20xf32> to vector<20x1xf32>
    %get3A_196 = arith.constant 0 : index
    %get3A_197 = arith.constant 0 : index
    %get3A_198 = vector.load %arg3[%get3A_196, %get3A_197] : memref<20x512xf32, #tpu.memory_space<vmem>>, vector<20x512xf32>
    %max3A = arith.constant 1.000000e+00 : f32
    %max3A_199 = vector.broadcast %max3A : f32 to vector<20x1xf32>
    %max3A_200 = arith.maximumf %broadcast_in_dim3A, %max3A_199 : vector<20x1xf32>
    %div3A = vector.broadcast %max3A_200 : vector<20x1xf32> to vector<20x512xf32>
    %div3A_201 = arith.divf %add3A_188, %div3A : vector<20x512xf32>
    %mul3A = arith.constant 0.949999988 : f32
    %mul3A_202 = vector.broadcast %mul3A : f32 to vector<20x512xf32>
    %mul3A_203 = arith.mulf %mul3A_202, %get3A_198 : vector<20x512xf32>
    %mul3A_204 = arith.constant 5.000000e-02 : f32
    %mul3A_205 = vector.broadcast %mul3A_204 : f32 to vector<20x512xf32>
    %mul3A_206 = arith.mulf %mul3A_205, %div3A_201 : vector<20x512xf32>
    %add3A_207 = arith.addf %mul3A_203, %mul3A_206 : vector<20x512xf32>
    %mul3A_208 = arith.mulf %add3A_207, %add3A_207 : vector<20x512xf32>
    %reduce_sum3A_209 = arith.constant dense<0.000000e+00> : vector<20xf32>
    %reduce_sum3A_210 = vector.multi_reduction <add>, %mul3A_208, %reduce_sum3A_209 [1] : vector<20x512xf32> to vector<20xf32>
    %broadcast_in_dim3A_211 = vector.shape_cast %reduce_sum3A_210 : vector<20xf32> to vector<20x1xf32>
    %sqrt3A = math.sqrt %broadcast_in_dim3A_211 : vector<20x1xf32>
    %max3A_212 = arith.constant 9.99999996E-13 : f32
    %max3A_213 = vector.broadcast %max3A_212 : f32 to vector<20x1xf32>
    %max3A_214 = arith.maximumf %sqrt3A, %max3A_213 : vector<20x1xf32>
    %div3A_215 = vector.broadcast %max3A_214 : vector<20x1xf32> to vector<20x512xf32>
    %div3A_216 = arith.divf %add3A_207, %div3A_215 : vector<20x512xf32>
    %gt3A = arith.constant 0.000000e+00 : f32
    %gt3A_217 = vector.broadcast %gt3A : f32 to vector<20x1xf32>
    %gt3A_218 = arith.cmpf ogt, %broadcast_in_dim3A, %gt3A_217 : vector<20x1xf32>
    %broadcast_in_dim3A_219 = vector.shape_cast %gt3A_218 : vector<20x1xi1> to vector<20x1xi1>
    %broadcast_in_dim3A_220 = vector.broadcast %broadcast_in_dim3A_219 : vector<20x1xi1> to vector<20x512xi1>
    %select_n3A = arith.select %broadcast_in_dim3A_220, %div3A_216, %get3A_198 : vector<20x512xi1>, vector<20x512xf32>
    %get3A_221 = arith.constant 0 : index
    %get3A_222 = arith.constant 0 : index
    %get3A_223 = vector.load %arg0[%get3A_221, %get3A_222] : memref<4096x512xf32, #tpu.memory_space<vmem>>, vector<4096x512xf32>
    %dot_general3A = arith.constant dense<0.000000e+00> : vector<4096x20xf32>
    %dot_general3A_224 = tpu.matmul %get3A_223, %select_n3A, %dot_general3A {dimension_numbers = #tpu.dot_dimension_numbers<[1], [1], [0], [0], [0, 0, 1, 0], [], []>, transpose_lhs_hint = false} : vector<4096x512xf32>, vector<20x512xf32>, vector<4096x20xf32> -> vector<4096x20xf32>
    %reduce_max3A = arith.constant dense<0xFF800000> : vector<4096xf32>
    %reduce_max3A_225 = vector.multi_reduction <maximumf>, %dot_general3A_224, %reduce_max3A [1] : vector<4096x20xf32> to vector<4096xf32>
    %argmax3A = tpu.reduce_index %dot_general3A_224 {axis = 1 : i32, kind = #tpu.reduction_kind<arg_max>} : vector<4096x20xf32> -> vector<4096xi32>
    %reshape3A = vector.shape_cast %argmax3A : vector<4096xi32> to vector<1x4096xi32>
    %swap3A = arith.constant 0 : index
    %swap3A_226 = arith.constant 0 : index
    %swap3A_227 = vector.load %arg7[%swap3A, %swap3A_226] : memref<1x4096xi32, #tpu.memory_space<vmem>>, vector<1x4096xi32>
    tpu.vector_store %arg7[%swap3A, %swap3A_226], %reshape3A {strides = array<i32>} : memref<1x4096xi32, #tpu.memory_space<vmem>>, vector<1x4096xi32>,
    %swap3A_228 = arith.constant 0 : index
    %swap3A_229 = arith.constant 4 : index
    %swap3A_230 = vector.load %arg9[%swap3A_228, %swap3A_229] : memref<1x4104xf32, #tpu.memory_space<vmem>>, vector<1x4096xf32>
    %swap3A_231 = vector.shape_cast %swap3A_230 : vector<1x4096xf32> to vector<4096xf32>
    %swap3A_232 = vector.shape_cast %reduce_max3A_225 : vector<4096xf32> to vector<1x4096xf32>
    tpu.vector_store %arg9[%swap3A_228, %swap3A_229], %swap3A_232 {strides = array<i32>} : memref<1x4104xf32, #tpu.memory_space<vmem>>, vector<1x4096xf32>,
    %get3A_233 = arith.constant 0 : index
    %get3A_234 = arith.constant 8 : index
    %get3A_235 = vector.load %arg9[%get3A_233, %get3A_234] : memref<1x4104xf32, #tpu.memory_space<vmem>>, vector<1x1xf32>
    %get3A_236 = vector.shape_cast %get3A_235 : vector<1x1xf32> to vector<1xf32>
    %swap3A_237 = arith.constant 0 : index
    %swap3A_238 = arith.constant 0 : index
    %swap3A_239 = vector.load %arg9[%swap3A_237, %swap3A_238] : memref<1x4104xf32, #tpu.memory_space<vmem>>, vector<1x1xf32>
    %swap3A_240 = vector.shape_cast %swap3A_239 : vector<1x1xf32> to vector<1xf32>
    %swap3A_241 = vector.shape_cast %get3A_236 : vector<1xf32> to vector<1x1xf32>
    tpu.vector_store %arg9[%swap3A_237, %swap3A_238], %swap3A_241 {strides = array<i32>} : memref<1x4104xf32, #tpu.memory_space<vmem>>, vector<1x1xf32>,
    %get3A_242 = arith.constant 0 : index
    %get3A_243 = arith.constant 4098 : index
    %get3A_244 = vector.load %arg9[%get3A_242, %get3A_243] : memref<1x4104xf32, #tpu.memory_space<vmem>>, vector<1x1xf32>
    %get3A_245 = vector.shape_cast %get3A_244 : vector<1x1xf32> to vector<1xf32>
    %swap3A_246 = arith.constant 0 : index
    %swap3A_247 = arith.constant 4100 : index
    %swap3A_248 = vector.load %arg9[%swap3A_246, %swap3A_247] : memref<1x4104xf32, #tpu.memory_space<vmem>>, vector<1x1xf32>
    %swap3A_249 = vector.shape_cast %swap3A_248 : vector<1x1xf32> to vector<1xf32>
    %swap3A_250 = vector.shape_cast %get3A_245 : vector<1xf32> to vector<1x1xf32>
    tpu.vector_store %arg9[%swap3A_246, %swap3A_247], %swap3A_250 {strides = array<i32>} : memref<1x4104xf32, #tpu.memory_space<vmem>>, vector<1x1xf32>,
    %get3A_251 = arith.constant 0 : index
    %get3A_252 = arith.constant 7 : index
    %get3A_253 = vector.load %arg9[%get3A_251, %get3A_252] : memref<1x4104xf32, #tpu.memory_space<vmem>>, vector<1x1xf32>
    %get3A_254 = vector.shape_cast %get3A_253 : vector<1x1xf32> to vector<1xf32>
    %swap3A_255 = arith.constant 0 : index
    %swap3A_256 = arith.constant 1 : index
    %swap3A_257 = vector.load %arg9[%swap3A_255, %swap3A_256] : memref<1x4104xf32, #tpu.memory_space<vmem>>, vector<1x1xf32>
    %swap3A_258 = vector.shape_cast %swap3A_257 : vector<1x1xf32> to vector<1xf32>
    %swap3A_259 = vector.shape_cast %get3A_254 : vector<1xf32> to vector<1x1xf32>
    tpu.vector_store %arg9[%swap3A_255, %swap3A_256], %swap3A_259 {strides = array<i32>} : memref<1x4104xf32, #tpu.memory_space<vmem>>, vector<1x1xf32>,
    %get3A_260 = arith.constant 0 : index
    %get3A_261 = arith.constant 4097 : index
    %get3A_262 = vector.load %arg9[%get3A_260, %get3A_261] : memref<1x4104xf32, #tpu.memory_space<vmem>>, vector<1x1xf32>
    %get3A_263 = vector.shape_cast %get3A_262 : vector<1x1xf32> to vector<1xf32>
    %swap3A_264 = arith.constant 0 : index
    %swap3A_265 = arith.constant 4101 : index
    %swap3A_266 = vector.load %arg9[%swap3A_264, %swap3A_265] : memref<1x4104xf32, #tpu.memory_space<vmem>>, vector<1x1xf32>
    %swap3A_267 = vector.shape_cast %swap3A_266 : vector<1x1xf32> to vector<1xf32>
    %swap3A_268 = vector.shape_cast %get3A_263 : vector<1xf32> to vector<1x1xf32>
    tpu.vector_store %arg9[%swap3A_264, %swap3A_265], %swap3A_268 {strides = array<i32>} : memref<1x4104xf32, #tpu.memory_space<vmem>>, vector<1x1xf32>,
    %get3A_269 = arith.constant 0 : index
    %get3A_270 = arith.constant 6 : index
    %get3A_271 = vector.load %arg9[%get3A_269, %get3A_270] : memref<1x4104xf32, #tpu.memory_space<vmem>>, vector<1x1xf32>
    %get3A_272 = vector.shape_cast %get3A_271 : vector<1x1xf32> to vector<1xf32>
    %swap3A_273 = arith.constant 0 : index
    %swap3A_274 = arith.constant 2 : index
    %swap3A_275 = vector.load %arg9[%swap3A_273, %swap3A_274] : memref<1x4104xf32, #tpu.memory_space<vmem>>, vector<1x1xf32>
    %swap3A_276 = vector.shape_cast %swap3A_275 : vector<1x1xf32> to vector<1xf32>
    %swap3A_277 = vector.shape_cast %get3A_272 : vector<1xf32> to vector<1x1xf32>
    tpu.vector_store %arg9[%swap3A_273, %swap3A_274], %swap3A_277 {strides = array<i32>} : memref<1x4104xf32, #tpu.memory_space<vmem>>, vector<1x1xf32>,
    %get3A_278 = arith.constant 0 : index
    %get3A_279 = arith.constant 4096 : index
    %get3A_280 = vector.load %arg9[%get3A_278, %get3A_279] : memref<1x4104xf32, #tpu.memory_space<vmem>>, vector<1x1xf32>
    %get3A_281 = vector.shape_cast %get3A_280 : vector<1x1xf32> to vector<1xf32>
    %swap3A_282 = arith.constant 0 : index
    %swap3A_283 = arith.constant 4102 : index
    %swap3A_284 = vector.load %arg9[%swap3A_282, %swap3A_283] : memref<1x4104xf32, #tpu.memory_space<vmem>>, vector<1x1xf32>
    %swap3A_285 = vector.shape_cast %swap3A_284 : vector<1x1xf32> to vector<1xf32>
    %swap3A_286 = vector.shape_cast %get3A_281 : vector<1xf32> to vector<1x1xf32>
    tpu.vector_store %arg9[%swap3A_282, %swap3A_283], %swap3A_286 {strides = array<i32>} : memref<1x4104xf32, #tpu.memory_space<vmem>>, vector<1x1xf32>,
    %get3A_287 = arith.constant 0 : index
    %get3A_288 = arith.constant 5 : index
    %get3A_289 = vector.load %arg9[%get3A_287, %get3A_288] : memref<1x4104xf32, #tpu.memory_space<vmem>>, vector<1x1xf32>
    %get3A_290 = vector.shape_cast %get3A_289 : vector<1x1xf32> to vector<1xf32>
    %swap3A_291 = arith.constant 0 : index
    %swap3A_292 = arith.constant 3 : index
    %swap3A_293 = vector.load %arg9[%swap3A_291, %swap3A_292] : memref<1x4104xf32, #tpu.memory_space<vmem>>, vector<1x1xf32>
    %swap3A_294 = vector.shape_cast %swap3A_293 : vector<1x1xf32> to vector<1xf32>
    %swap3A_295 = vector.shape_cast %get3A_290 : vector<1xf32> to vector<1x1xf32>
    tpu.vector_store %arg9[%swap3A_291, %swap3A_292], %swap3A_295 {strides = array<i32>} : memref<1x4104xf32, #tpu.memory_space<vmem>>, vector<1x1xf32>,
    %get3A_296 = arith.constant 0 : index
    %get3A_297 = arith.constant 4095 : index
    %get3A_298 = vector.load %arg9[%get3A_296, %get3A_297] : memref<1x4104xf32, #tpu.memory_space<vmem>>, vector<1x1xf32>
    %get3A_299 = vector.shape_cast %get3A_298 : vector<1x1xf32> to vector<1xf32>
    %swap3A_300 = arith.constant 0 : index
    %swap3A_301 = arith.constant 4103 : index
    %swap3A_302 = vector.load %arg9[%swap3A_300, %swap3A_301] : memref<1x4104xf32, #tpu.memory_space<vmem>>, vector<1x1xf32>
    %swap3A_303 = vector.shape_cast %swap3A_302 : vector<1x1xf32> to vector<1xf32>
    %swap3A_304 = vector.shape_cast %get3A_299 : vector<1xf32> to vector<1x1xf32>
    tpu.vector_store %arg9[%swap3A_300, %swap3A_301], %swap3A_304 {strides = array<i32>} : memref<1x4104xf32, #tpu.memory_space<vmem>>, vector<1x1xf32>,
    %get3A_305 = arith.constant 0 : index
    %get3A_306 = arith.constant 0 : index
    %get3A_307 = vector.load %arg9[%get3A_305, %get3A_306] : memref<1x4104xf32, #tpu.memory_space<vmem>>, vector<1x4096xf32>
    %get3A_308 = vector.shape_cast %get3A_307 : vector<1x4096xf32> to vector<4096xf32>
    %get3A_309 = arith.constant 0 : index
    %get3A_310 = arith.constant 1 : index
    %get3A_311 = vector.load %arg9[%get3A_309, %get3A_310] : memref<1x4104xf32, #tpu.memory_space<vmem>>, vector<1x4096xf32>
    %get3A_312 = vector.shape_cast %get3A_311 : vector<1x4096xf32> to vector<4096xf32>
    %add3A_313 = arith.addf %get3A_308, %get3A_312 : vector<4096xf32>
    %get3A_314 = arith.constant 0 : index
    %get3A_315 = arith.constant 2 : index
    %get3A_316 = vector.load %arg9[%get3A_314, %get3A_315] : memref<1x4104xf32, #tpu.memory_space<vmem>>, vector<1x4096xf32>
    %get3A_317 = vector.shape_cast %get3A_316 : vector<1x4096xf32> to vector<4096xf32>
    %add3A_318 = arith.addf %add3A_313, %get3A_317 : vector<4096xf32>
    %get3A_319 = arith.constant 0 : index
    %get3A_320 = arith.constant 3 : index
    %get3A_321 = vector.load %arg9[%get3A_319, %get3A_320] : memref<1x4104xf32, #tpu.memory_space<vmem>>, vector<1x4096xf32>
    %get3A_322 = vector.shape_cast %get3A_321 : vector<1x4096xf32> to vector<4096xf32>
    %add3A_323 = arith.addf %add3A_318, %get3A_322 : vector<4096xf32>
    %get3A_324 = arith.constant 0 : index
    %get3A_325 = arith.constant 4 : index
    %get3A_326 = vector.load %arg9[%get3A_324, %get3A_325] : memref<1x4104xf32, #tpu.memory_space<vmem>>, vector<1x4096xf32>
    %get3A_327 = vector.shape_cast %get3A_326 : vector<1x4096xf32> to vector<4096xf32>
    %add3A_328 = arith.addf %add3A_323, %get3A_327 : vector<4096xf32>
    %get3A_329 = arith.constant 0 : index
    %get3A_330 = arith.constant 5 : index
    %get3A_331 = vector.load %arg9[%get3A_329, %get3A_330] : memref<1x4104xf32, #tpu.memory_space<vmem>>, vector<1x4096xf32>
    %get3A_332 = vector.shape_cast %get3A_331 : vector<1x4096xf32> to vector<4096xf32>
    %add3A_333 = arith.addf %add3A_328, %get3A_332 : vector<4096xf32>
    %get3A_334 = arith.constant 0 : index
    %get3A_335 = arith.constant 6 : index
    %get3A_336 = vector.load %arg9[%get3A_334, %get3A_335] : memref<1x4104xf32, #tpu.memory_space<vmem>>, vector<1x4096xf32>
    %get3A_337 = vector.shape_cast %get3A_336 : vector<1x4096xf32> to vector<4096xf32>
    %add3A_338 = arith.addf %add3A_333, %get3A_337 : vector<4096xf32>
    %get3A_339 = arith.constant 0 : index
    %get3A_340 = arith.constant 7 : index
    %get3A_341 = vector.load %arg9[%get3A_339, %get3A_340] : memref<1x4104xf32, #tpu.memory_space<vmem>>, vector<1x4096xf32>
    %get3A_342 = vector.shape_cast %get3A_341 : vector<1x4096xf32> to vector<4096xf32>
    %add3A_343 = arith.addf %add3A_338, %get3A_342 : vector<4096xf32>
    %get3A_344 = arith.constant 0 : index
    %get3A_345 = arith.constant 8 : index
    %get3A_346 = vector.load %arg9[%get3A_344, %get3A_345] : memref<1x4104xf32, #tpu.memory_space<vmem>>, vector<1x4096xf32>
    %get3A_347 = vector.shape_cast %get3A_346 : vector<1x4096xf32> to vector<4096xf32>
    %add3A_348 = arith.addf %add3A_343, %get3A_347 : vector<4096xf32>
    %mul3A_349 = arith.constant 0.111111112 : f32
    %mul3A_350 = vector.broadcast %mul3A_349 : f32 to vector<4096xf32>
    %mul3A_351 = arith.mulf %add3A_348, %mul3A_350 : vector<4096xf32>
    %reshape3A_352 = vector.shape_cast %mul3A_351 : vector<4096xf32> to vector<1x4096xf32>
    %swap3A_353 = arith.constant 0 : index
    %swap3A_354 = arith.constant 0 : index
    %swap3A_355 = vector.load %arg6[%swap3A_353, %swap3A_354] : memref<1x4096xf32, #tpu.memory_space<vmem>>, vector<1x4096xf32>
    tpu.vector_store %arg6[%swap3A_353, %swap3A_354], %reshape3A_352 {strides = array<i32>} : memref<1x4096xf32, #tpu.memory_space<vmem>>, vector<1x4096xf32>,
    %reduce_sum3A_356 = vector.shape_cast %broadcast_in_dim3A : vector<20x1xf32> to vector<1x20x1xf32>
    %reduce_sum3A_357 = arith.constant dense<0.000000e+00> : vector<1xf32>
    %reduce_sum3A_358 = vector.multi_reduction <add>, %reduce_sum3A_356, %reduce_sum3A_357 [1, 2] : vector<1x20x1xf32> to vector<1xf32>
    %reduce_sum3A_359 = vector.shape_cast %reduce_sum3A_358 : vector<1xf32> to vector<1x1x1xf32>
    %reduce_sum3A_360 = vector.extract %reduce_sum3A_359[0, 0, 0] : f32 from vector<1x1x1xf32>
    %gt3A_361 = arith.constant 0.000000e+00 : f32
    %gt3A_362 = arith.cmpf ogt, %reduce_sum3A_360, %gt3A_361 : f32
    %get3A_363 = arith.constant 0 : index
    %get3A_364 = arith.constant 0 : index
    %get3A_365 = vector.load %arg4[%get3A_363, %get3A_364] : memref<512x768xf32, #tpu.memory_space<vmem>>, vector<512x768xf32>
    %mul3A_366 = arith.constant 0.949999988 : f32
    %mul3A_367 = vector.broadcast %mul3A_366 : f32 to vector<512x768xf32>
    %mul3A_368 = arith.mulf %mul3A_367, %get3A_365 : vector<512x768xf32>
    %get3A_369 = arith.constant 0 : index
    %get3A_370 = arith.constant 0 : index
    %get3A_371 = vector.load %arg5[%get3A_369, %get3A_370] : memref<512x768xf32, #tpu.memory_space<vmem>>, vector<512x768xf32>
    %mul3A_372 = arith.constant 5.000000e-02 : f32
    %mul3A_373 = vector.broadcast %mul3A_372 : f32 to vector<512x768xf32>
    %mul3A_374 = arith.mulf %mul3A_373, %get3A_371 : vector<512x768xf32>
    %add3A_375 = arith.addf %mul3A_368, %mul3A_374 : vector<512x768xf32>
    %get3A_376 = arith.constant 0 : index
    %get3A_377 = arith.constant 0 : index
    %get3A_378 = vector.load %arg4[%get3A_376, %get3A_377] : memref<512x768xf32, #tpu.memory_space<vmem>>, vector<512x768xf32>
    %select_n3A_379 = arith.select %gt3A_362, %add3A_375, %get3A_378 : vector<512x768xf32>
    %swap3A_380 = arith.constant 0 : index
    %swap3A_381 = arith.constant 0 : index
    %swap3A_382 = vector.load %arg8[%swap3A_380, %swap3A_381] : memref<512x768xf32, #tpu.memory_space<vmem>>, vector<512x768xf32>
    tpu.vector_store %arg8[%swap3A_380, %swap3A_381], %select_n3A_379 {strides = array<i32>} : memref<512x768xf32, #tpu.memory_space<vmem>>, vector<512x768xf32>,
    return
  }
}

</mosaic_0001>

<sc_bundles>
// kernel: kernel.6.cloned.1.call-start
scs
__scs_entry_jumppad:
0x0: {  	(pc) =	sbr.rel $0x88, $3  }
0x1: {  	(tag) =	ssettag $0x0;
	lr =	simm.s32 $0x1  }
0x2: {  	[smem:$0x3F9E] =	sst lr;
	_ =	strace $0xD0000000  }
0x3: {  	_ = 	snop  }
0x4: {  	_ = 	snop  }
0x5: {  	_ = 	snop  }
0x6: {  	_ = 	snop  }
0x7: {  	_ = 	snop  }
__scs_overlays_trampoline_lowered:
0x8: {  	[smem:$0x3FAD] =	sst s0  }
0x9: {  	[smem:$0x3FAE] =	sst s1  }
0xa: {  	[smem:$0x3FAF] =	sst s2  }
0xb: {  	[smem:$0x3FB0] =	sst s3  }
0xc: {  	[smem:$0x3FB1] =	sst s4  }
0xd: {  	[smem:$0x3FB2] =	sst s5  }
0xe: {  	[smem:$0x3FB3] =	sst s6  }
0xf: {  	[smem:$0x3FB4] =	sst s7  }
0x10: {  	[smem:$0x3FB5] =	sst s8  }
0x11: {  	[smem:$0x3FB6] =	sst s9;
	s0 =	simm.s32 @!p0 $0x0  }
0x12: {  	s1 =	sld [smem:$0x3F9C];
	s0 =	simm.s32 @p0 $0x1  }
0x13: {  	[smem:$0x3FB7] =	sst s0;
	s0 =	simm.s32 @!p1 $0x0  }
0x14: {  	s2 =	sld [smem:$0x3F9B];
	s0 =	simm.s32 @p1 $0x1  }
0x15: {  	[smem:$0x3FB8] =	sst s0;
	s0 =	simm.s32 @!p2 $0x0  }
0x16: {  	s3 =	sld [smem:$0x3FDB];
	s0 =	simm.s32 @p2 $0x1  }
0x17: {  	s4 =	simm.s32 $0x1BF5;
	[smem:$0x3FBA] =	sst s0  }
0x18: {  	s0 =	sld [smem:$0x3F9D];
	_ =	swait.ge [sflag:s4], $0x0  }
0x19: {  	s7 =	sld [smem:$0x3F9E]  }
0x1a: {  	s8 =	sadd.s32 $0xFFFFE003, lr  }
0x1b: {  	s9 =	sadd.s32 $0xFFFFFEF7, lr;
	s5 =	simm.s32 $0xFFFFFFFF;
	p2 =	slt.u32 s8, $0xFFFFF086  }
0x1c: {  	p1 =	slt.u32 s9, $0xF7A;
	s5 =	simm.s32 @!p2 $0x0  }
0x1d: {  	s5 =	simm.s32 @p1 $0x1;
	p0 =	seq.s32 s7, s2  }
0x1e: {  	s7 =	smul.u32 @!p0 $0xF7A, s2;
	p2 =	seq.s32 @!p0 s5, $0x0  }
0x1f: {  	s9 =	smul.u32 $0xF7A, s1;
	s8 =	simm.s32 @!p0 $0x1BF5;
	p2 =	por !p2, p0  }
0x20: {  	[sflag:s8] =	ssyncset.s32 @!p0 $0xFFFFF086;
	s6 =	sadd.s32 @!p0 s3, s7;
	s7 =	simm.s32 @!p0 $0x108  }
0x21: {  	s3 =	sadd.s32 s3, s9;
	s6 =	sadd.s32 @!p0 $0x88, s6;
	s7 =	simm.s32 @p2 $0x1082  }
0x22: {  	[simem:s7], [sflag:s8] =	dma.local @!p0 [hbm:s6], $0xF7A  }
0x23: {  	s9 =	sor.u32 $0xD0000000, s2;
	s6 =	simm.s32 $0x108;
	_ =	swait.ge @!p0 [sflag:s8], $0x0  }
0x24: {  	s3 =	sadd.s32 $0x88, s3;
	s6 =	simm.s32 @!p1 $0x1082;
	[sflag:s4] =	ssyncset.s32 $0xFFFFF086  }
0x25: {  	[simem:s6], [sflag:s4] =	dma.local [hbm:s3], $0xF7A  }
0x26: {  	[smem:$0x3F9E] =	sst s1;
	(tag) =	ssettag s2;
	_ =	strace s9  }
0x27: {  	s1 =	sld [smem:$0x3FAE]  }
0x28: {  	s2 =	sld [smem:$0x3FAF]  }
0x29: {  	s4 =	sld [smem:$0x3FB1]  }
0x2a: {  	p0 =	seq.s32 s5, $0x0;
	s5 =	sld [smem:$0x3FB2]  }
0x2b: {  	s6 =	sld [smem:$0x3FB3]  }
0x2c: {  	s7 =	sld [smem:$0x3FB4]  }
0x2d: {  	s3 =	simm.s32 $0x108;
	s8 =	sld [smem:$0x3FB5]  }
0x2e: {  	s3 =	simm.s32 @!p0 $0x1082;
	s9 =	sld [smem:$0x3FB6]  }
0x2f: {  	lr =	sadd.s32 s0, s3;
	s0 =	sld [smem:$0x3FAD]  }
0x30: {  	s3 =	sld [smem:$0x3FB0]  }
0x31: {  	[smem:$0x3FB9] =	sst s10  }
0x32: {  	s10 =	sld [smem:$0x3FB7];
	_ =	sdelay $0x3  }
0x33: {  	p0 =	seq.s32 s10, $0x1;
	s10 =	sld [smem:$0x3FB9];
	_ =	sdelay $0x3  }
0x34: {  	[smem:$0x3FB9] =	sst s10  }
0x35: {  	s10 =	sld [smem:$0x3FB8];
	_ =	sdelay $0x3  }
0x36: {  	p1 =	seq.s32 s10, $0x1;
	s10 =	sld [smem:$0x3FB9];
	_ =	sdelay $0x3  }
0x37: {  	[smem:$0x3FB9] =	sst s10  }
0x38: {  	s10 =	sld [smem:$0x3FBA]  }
0x39: {  	_ = 	snop;
	(pc) =	sbr.ind lr, $3  }
0x3a: {  	_ = 	snop  }
0x3b: {  	_ = 	snop  }
0x3c: {  	p2 =	seq.s32 s10, $0x1;
	s10 =	sld [smem:$0x3FB9]  }
0x3d: {  	_ =	shalt  }
0x3e: {  	_ =	shalt  }
0x3f: {  	_ =	shalt  }
0x40: {  	_ =	shalt  }
0x41: {  	_ =	shalt  }
0x42: {  	_ =	shalt  }
0x43: {  	_ =	shalt  }
0x44: {  	_ =	shalt  }
0x45: {  	_ =	shalt  }
0x46: {  	_ =	shalt  }
0x47: {  	_ =	shalt  }
0x48: {  	_ =	shalt  }
0x49: {  	_ =	shalt  }
0x4a: {  	_ =	shalt  }
0x4b: {  	_ =	shalt  }
0x4c: {  	_ =	shalt  }
0x4d: {  	_ =	shalt  }
0x4e: {  	_ =	shalt  }
0x4f: {  	_ =	shalt  }
0x50: {  	_ =	shalt  }
0x51: {  	_ =	shalt  }
0x52: {  	_ =	shalt  }
0x53: {  	_ =	shalt  }
0x54: {  	_ =	shalt  }
0x55: {  	_ =	shalt  }
0x56: {  	_ =	shalt  }
0x57: {  	_ =	shalt  }
0x58: {  	_ =	shalt  }
0x59: {  	_ =	shalt  }
0x5a: {  	_ =	shalt  }
0x5b: {  	_ =	shalt  }
0x5c: {  	_ =	shalt  }
0x5d: {  	_ =	shalt  }
0x5e: {  	_ =	shalt  }
0x5f: {  	_ =	shalt  }
0x60: {  	_ =	shalt  }
0x61: {  	_ =	shalt  }
0x62: {  	_ =	shalt  }
0x63: {  	_ =	shalt  }
0x64: {  	_ =	shalt  }
0x65: {  	_ =	shalt  }
0x66: {  	_ =	shalt  }
0x67: {  	_ =	shalt  }
0x68: {  	_ =	shalt  }
0x69: {  	_ =	shalt  }
0x6a: {  	_ =	shalt  }
0x6b: {  	_ =	shalt  }
0x6c: {  	_ =	shalt  }
0x6d: {  	_ =	shalt  }
0x6e: {  	_ =	shalt  }
0x6f: {  	_ =	shalt  }
0x70: {  	_ =	shalt  }
0x71: {  	_ =	shalt  }
0x72: {  	_ =	shalt  }
0x73: {  	_ =	shalt  }
0x74: {  	_ =	shalt  }
0x75: {  	_ =	shalt  }
0x76: {  	_ =	shalt  }
0x77: {  	_ =	shalt  }
0x78: {  	_ =	shalt  }
0x79: {  	_ =	shalt  }
0x7a: {  	_ =	shalt  }
0x7b: {  	_ =	shalt  }
0x7c: {  	_ =	shalt  }
0x7d: {  	_ =	shalt  }
0x7e: {  	_ =	shalt  }
0x7f: {  	_ =	shalt  }
0x80: {  	_ =	shalt  }
0x81: {  	_ =	shalt  }
0x82: {  	_ =	shalt  }
0x83: {  	_ =	shalt  }
0x84: {  	_ =	shalt  }
0x85: {  	_ =	shalt  }
0x86: {  	_ =	shalt  }
0x87: {  	_ =	shalt  }
.Lfunc_end0:
.L_simem_size_0:
called_computation_lowered:
.L_overlay_start_0:
0x88: {  	s2 =	sld [smem:$0x3FD9]  }
0x89: {  	s3 =	sld [smem:$0x3FFE];
	_ =	sdelay $0x1  }
0x8a: {  	s1 =	srdreg.scid  }
0x8b: {  	s0 =	sand.u32 $0x1, s1  }
0x8c: {  	s14 =	sshll.u32 s0, $0xA;
	s2 =	sadd.s32 s3, s2  }
0x8d: {  	s2 =	sadd.s32 s2, s14  }
0x8e: {  	[smem:$0x3FC5] =	sst s2  }
0x8f: {  	_ = 	snop  }
0x90: {  	s2 =	sld [smem:$0x3FD0];
	_ =	sdelay $0x2  }
0x91: {  	s15 =	simm.s32 $0xA;
	s4 =	simm.s32 $0x10  }
0x92: {  	[smem:s4], [sflag:s15] =	dma.local [hbm:s2], $0x1  }
0x93: {  	_ =	swait.eq [sflag:s15], $0x1  }
0x94: {  	[sflag:s15] =	ssyncset.done $0x0  }
0x95: {  	s16 =	sld [smem:$0x11];
	[sflag:s15] =	ssyncadd.s32 $0xFFFFFFFF  }
0x96: {  	s17 =	sld [smem:$0x12];
	(tm) =	ssettm $0x1  }
0x97: {  	s18 =	sld [smem:$0x3FFB];
	_ =	sdelay $0x3  }
0x98: {  	_ =	strace s18  }
0x99: {  	s4 =	sld [smem:$0x3FFC];
	_ =	sdelay $0x3  }
0x9a: {  	_ =	strace s4  }
0x9b: {  	s4 =	sld [smem:$0x3FFD];
	_ =	sdelay $0x3  }
0x9c: {  	_ =	strace s4  }
0x9d: {  	_ =	strace $0x8FFFFFFF  }
0x9e: {  	s19 =	sld [smem:$0x3FDB];
	_ =	sdelay $0x1  }
0x9f: {  	s5 =	simm.s32 $_scs_section_size  }
0xa0: {  	s6 =	simm.s32 $_size__tile_overlayer_lowered;
	s7 =	simm.s32 $_tile_overlayer_lowered  }
0xa1: {  	s22 =	simm.s32 $0x1BFF;
	s21 =	sshll.u32 s7, $0x1;
	s4 =	sadd.s32 s5, s19  }
0xa2: {  	s8 =	simm.s32 $0x0;
	s20 =	sshll.u32 s6, $0x1;
	s6 =	sadd.s32 s21, s4  }
0xa3: {  	[timem:s8], [sflag:s22] =	dma.local [hbm:s6], s20  }
0xa4: {  	_ =	swait.ge [sflag:s22], s20  }
0xa5: {  	s5 =	ssub.s32 $0x0, s20;
	[sflag:s22] =	ssyncset.done $0x0  }
0xa6: {  	[sflag:s22] =	ssyncadd.s32 s5;
	_ =	sdelay $0x1  }
0xa7: {  	s23 =	simm.s32 $0x1B8B  }
0xa8: {  	_ =	swait.ge [sflag:s23], $0x1  }
0xa9: {  	[sflag:s23] =	ssyncset.done $0x0  }
0xaa: {  	s25 =	simm.s32 $0x1B8E;
	s24 =	sld [smem:$0x3FFE];
	[sflag:s23] =	ssyncadd.s32 $0xFFFFFFFF  }
0xab: {  	s26 =	simm.s32 $execute0_lowered;
	[smem:$0x3FD2] =	sst s25  }
0xac: {  	s6 =	sshll.u32 s26, $0x1;
	_ =	strace $0x80000046;
	[dreg:$0x1] =	wrdreg $0xFFFFFFFF  }
0xad: {  	s28 =	simm.s32 $_size_execute0_lowered;
	s4 =	sadd.s32 s4, s6;
	[dreg:$0x0] =	wrdreg $0x0  }
0xae: {  	s6 =	sshll.u32 s28, $0x1;
	[dreg:$0x2] =	wrdreg s4  }
0xaf: {  	[dreg:$0x3] =	wrdreg s6  }
0xb0: {  	[dreg:$0x4] =	wrdreg $0xC0  }
0xb1: {  	_ =	task [dreg:s8], $0x5FFFF  }
0xb2: {  	[dreg:$0x1] =	wrdreg $0xFFFFFFFF  }
0xb3: {  	[dreg:$0x0] =	wrdreg $0x60  }
0xb4: {  	[dreg:$0x2] =	wrdreg s24  }
0xb5: {  	[dreg:$0x3] =	wrdreg s16  }
0xb6: {  	[dreg:$0x4] =	wrdreg s17  }
0xb7: {  	[dreg:$0x5] =	wrdreg $0x9  }
0xb8: {  	_ =	task.clear_ibuf [dreg:s8], $0x6FFFF;
	_ =	strace $0x90000046  }
0xb9: {  	s29 =	simm.s32 $0x9;
	_ =	strace $0x80000048  }
0xba: {  	_ =	swait.ge [sflag:s29], $0x1  }
0xbb: {  	[sflag:s29] =	ssyncadd.s32 $0xFFFFFFFF  }
0xbc: {  	_ =	strace $0x90000048  }
0xbd: {  	_ =	sfence  }
0xbe: {  	s30 =	sld [smem:$0x0];
	_ =	sdelay $0x2  }
0xbf: {  	s31 =	sshll.u32 s1, $0xD;
	s1 =	sshrl.u32 s1, $0x2  }
0xc0: {  	s3 =	sand.u32 $0x4000, s31;
	s1 =	sadd.s32 s1, s30  }
0xc1: {  	s0 =	sor.u32 s3, s0;
	s1 =	sshll.u32 s1, $0x11  }
0xc2: {  	s0 =	sor.u32 s1, s0  }
0xc3: {  	s0 =	sadd.s32 $0x8F2B, s0  }
0xc4: {  	[sflag:s0] =	ssyncadd.remote.s32 $0x1  }
0xc5: {  	_ =	sfence.sel $0xFFFF  }
0xc6: {  	[dreg:$0x0] =	wrdreg $0xFFFFFFFF;
	(pc) =	sbr.abs _section_cstart, $3  }
0xc7: {  	[dreg:$0x1] =	wrdreg $0xFFFFFFFF  }
0xc8: {  	_ =	task.clear_ibuf [dreg:s8], $0x2FFFF;
	_ =	strace $0x9FFFFFFF  }
0xc9: {  	(tm) =	ssettm $0x7FFFFFFF  }
tec
execute0_lowered:
.L_overlay_start_1:
0x0: {  	(tag) =	ssettag $0x1  }
0x1: {  	s3 =	rddreg [dreg:$0x0]  }
0x2: {  	s4 =	rddreg [dreg:$0x1]  }
0x3: {  	s6 =	rddreg [dreg:$0x2];
	v0 =	vlaneseq.u32  }
0x4: {  	s1 =	srdreg.scid;
	s0 =	rddreg [dreg:$0x3];
	v1 =	vor.u32 $0x10, v0  }
0x5: {  	s2 =	simm.s32 $0x0;
	s12 =	simm.s32 $0x400;
	s13 =	simm.s32 $0x0;
	v2 =	vor.u32 $0x20, v0;
	v3 =	vor.u32 $0x30, v0;
	v4 =	vor.u32 $0x40, v0  }
0x6: {  	s5 =	sand.u32 $0x1, s1;
	s1 =	stileid.u32;
	[smem:$0x7FF] =	sst s2;
	v5 =	vor.u32 $0x50, v0;
	v6 =	vor.u32 $0x60, v0;
	v7 =	vor.u32 $0x70, v0  }
0x7: {  	v8 =	vor.u32 $0x80, v0;
	v9 =	vor.u32 $0x90, v0;
	v10 =	vor.u32 $0xA0, v0;
	s7 =	sshll.u32 s5, $0x4;
	_ =	strace $0x80000047;
	s10 =	sshll.u32 s1, $0x7  }
0x8: {  	v11 =	vor.u32 $0xB0, v0;
	v12 =	vor.u32 $0xC0, v0;
	v13 =	vor.u32 $0xD0, v0;
	s5 =	ssub.s32 $0x2, s5;
	s7 =	sor.u32 s1, s7;
	s10 =	sand.u32 $0x380, s10  }
0x9: {  	v14 =	vor.u32 $0xE0, v0;
	v15 =	vor.u32 $0xF0, v0;
	v16 =	vor.u32 $0x100, v0;
	s11 =	sshrl.u32 s5, $0x1;
	s8 =	sshll.u32 s7, $0xD;
	s9 =	sshrl.u32 s7, $0x3  }
0xa: {  	v17 =	vor.u32 $0x110, v0;
	v18 =	vor.u32 $0x120, v0;
	v19 =	vor.u32 $0x130, v0;
	s7 =	sshll.u32 s7, $0x4;
	s30 =	ssub.s32 s5, s11;
	s9 =	smul.u32 $0x15000, s9  }
0xb: {  	v20 =	vor.u32 $0x140, v0;
	v21 =	vor.u32 $0x150, v0;
	v22 =	vor.u32 $0x160, v0;
	s11 =	simm.s32 $0x80;
	s8 =	sadd.s32 s8, s3;
	s3 =	sadd.s32 $0x42200, s3  }
0xc: {  	v23 =	vor.u32 $0x170, v0;
	v24 =	vor.u32 $0x180, v0;
	v25 =	vor.u32 $0x190, v0;
	s4 =	sadd.s32 s4, s7;
	s7 =	smax.u32 s30, $0x1;
	s9 =	sor.u32 s10, s9  }
0xd: {  	v26 =	vor.u32 $0x1A0, v0;
	v27 =	vor.u32 $0x1B0, v0;
	v28 =	vor.u32 $0x1C0, v0;
	s5 =	sadd.s32 $0x2200, s8;
	s8 =	simm.s32 $0x10000;
	s31 =	sshrl.u32 s9, $0x3  }
0xe: {  	v29 =	vor.u32 $0x1D0, v0;
	v30 =	vor.u32 $0x1E0, v0;
	v31 =	vor.u32 $0x1F0, v0;
	s10 =	simm.s32 $0x10080;
	s9 =	simm.s32 $0x1;
	s6 =	sadd.s32 s6, s31  }
.LBB2_1:
0xf: {  	[tilespmem:s8], [sflag:$0x1] =	stream.linear.gather [hbm4b:s4+s2], $0x80, $0x38;
	[tilespmem:$0x12A80] =	vst v63  }
0x10: {  	_ =	swait.ge [sflag:s9], $0x80  }
0x11: {  	[sflag:s9] =	ssyncset.done $0x0  }
0x12: {  	[sflag:s9] =	ssyncadd.s32 $0xFFFFFF80  }
0x13: {  	[tilespmem:s2], [sflag:$0x1] =	stream.linear.gather [hbm4b:s5+s2], $0x10000, $0x38;
	[tilespmem:$0x12A80] =	vst v63  }
0x14: {  	_ =	swait.ge [sflag:s9], $0x10000  }
0x15: {  	[sflag:s9] =	ssyncset.done $0x0  }
0x16: {  	[sflag:s9] =	ssyncadd.s32 $0xFFFF0000  }
0x17: {  	[tilespmem:s10], [sflag:$0x1] =	stream.linear.gather [hbm4b:s3+s2], $0x2A00, $0x38;
	[tilespmem:$0x12A80] =	vst v63  }
0x18: {  	_ =	swait.ge [sflag:s9], $0x2A00  }
0x19: {  	[sflag:s9] =	ssyncset.done $0x0  }
0x1a: {  	s14 =	simm.s32 $0x0;
	[sflag:s9] =	ssyncadd.s32 $0xFFFFD600  }
.LBB2_2:
0x1b: {  	s15 =	sshll.u32 s14, $0x4  }
0x1c: {  	v32 =	vmov s15  }
0x1d: {  	v32 =	vbroadcast v32, $0x0;
	_ =	sdelay $0x5  }
0x1e: {  	v32 =	vld.idx.msk [tilespmem:v32+s8+$0x0], $0xffff;
	_ =	sdelay $0x3  }
0x1f: {  	s16 =	sshll.u32 s14, $0xD  }
0x20: {  	s16 =	sand.u32 $0x3FFFE000, s16;
	v32 =	vshll.u32 v32, $0x9  }
0x21: {  	v33 =	vld [tilespmem:s16+$0x0];
	v34 =	vor.u32 v0, v32;
	_ =	sdelay $0x4  }
0x22: {  	[tilespmem:v34+s10+$0x0] =	vst.idx.add.f32.msk $0xffff, v33  }
0x23: {  	v44 =	vor.u32 v1, v32;
	v33 =	vld [tilespmem:s16+$0x10];
	_ =	sdelay $0x4  }
0x24: {  	[tilespmem:v44+s10+$0x0] =	vst.idx.add.f32.msk $0xffff, v33  }
0x25: {  	v45 =	vor.u32 v2, v32;
	v33 =	vld [tilespmem:s16+$0x20];
	_ =	sdelay $0x4  }
0x26: {  	[tilespmem:v45+s10+$0x0] =	vst.idx.add.f32.msk $0xffff, v33  }
0x27: {  	v46 =	vor.u32 v3, v32;
	v33 =	vld [tilespmem:s16+$0x30];
	_ =	sdelay $0x4  }
0x28: {  	[tilespmem:v46+s10+$0x0] =	vst.idx.add.f32.msk $0xffff, v33  }
0x29: {  	v47 =	vor.u32 v4, v32;
	v33 =	vld [tilespmem:s16+$0x40];
	_ =	sdelay $0x4  }
0x2a: {  	[tilespmem:v47+s10+$0x0] =	vst.idx.add.f32.msk $0xffff, v33  }
0x2b: {  	v48 =	vor.u32 v5, v32;
	v33 =	vld [tilespmem:s16+$0x50];
	_ =	sdelay $0x4  }
0x2c: {  	[tilespmem:v48+s10+$0x0] =	vst.idx.add.f32.msk $0xffff, v33  }
0x2d: {  	v49 =	vor.u32 v6, v32;
	v33 =	vld [tilespmem:s16+$0x60];
	_ =	sdelay $0x4  }
0x2e: {  	[tilespmem:v49+s10+$0x0] =	vst.idx.add.f32.msk $0xffff, v33  }
0x2f: {  	v50 =	vor.u32 v7, v32;
	v33 =	vld [tilespmem:s16+$0x70];
	_ =	sdelay $0x4  }
0x30: {  	[tilespmem:v50+s10+$0x0] =	vst.idx.add.f32.msk $0xffff, v33  }
0x31: {  	v51 =	vor.u32 v8, v32;
	v33 =	vld [tilespmem:s16+$0x400];
	_ =	sdelay $0x4  }
0x32: {  	[tilespmem:v51+s10+$0x0] =	vst.idx.add.f32.msk $0xffff, v33  }
0x33: {  	v52 =	vor.u32 v9, v32;
	v33 =	vld [tilespmem:s16+$0x410];
	_ =	sdelay $0x4  }
0x34: {  	[tilespmem:v52+s10+$0x0] =	vst.idx.add.f32.msk $0xffff, v33  }
0x35: {  	v53 =	vor.u32 v10, v32;
	v33 =	vld [tilespmem:s16+$0x420];
	_ =	sdelay $0x4  }
0x36: {  	[tilespmem:v53+s10+$0x0] =	vst.idx.add.f32.msk $0xffff, v33  }
0x37: {  	v54 =	vor.u32 v11, v32;
	v33 =	vld [tilespmem:s16+$0x430];
	_ =	sdelay $0x4  }
0x38: {  	[tilespmem:v54+s10+$0x0] =	vst.idx.add.f32.msk $0xffff, v33  }
0x39: {  	v55 =	vor.u32 v12, v32;
	v33 =	vld [tilespmem:s16+$0x440];
	_ =	sdelay $0x4  }
0x3a: {  	[tilespmem:v55+s10+$0x0] =	vst.idx.add.f32.msk $0xffff, v33  }
0x3b: {  	v56 =	vor.u32 v13, v32;
	v33 =	vld [tilespmem:s16+$0x450];
	_ =	sdelay $0x4  }
0x3c: {  	[tilespmem:v56+s10+$0x0] =	vst.idx.add.f32.msk $0xffff, v33  }
0x3d: {  	v57 =	vor.u32 v14, v32;
	v33 =	vld [tilespmem:s16+$0x460];
	_ =	sdelay $0x4  }
0x3e: {  	[tilespmem:v57+s10+$0x0] =	vst.idx.add.f32.msk $0xffff, v33  }
0x3f: {  	v58 =	vor.u32 v15, v32;
	v33 =	vld [tilespmem:s16+$0x470];
	_ =	sdelay $0x4  }
0x40: {  	[tilespmem:v58+s10+$0x0] =	vst.idx.add.f32.msk $0xffff, v33  }
0x41: {  	v59 =	vor.u32 v16, v32;
	v33 =	vld [tilespmem:s16+$0x800];
	_ =	sdelay $0x4  }
0x42: {  	[tilespmem:v59+s10+$0x0] =	vst.idx.add.f32.msk $0xffff, v33  }
0x43: {  	v60 =	vor.u32 v17, v32;
	v33 =	vld [tilespmem:s16+$0x810];
	_ =	sdelay $0x4  }
0x44: {  	[tilespmem:v60+s10+$0x0] =	vst.idx.add.f32.msk $0xffff, v33  }
0x45: {  	v61 =	vor.u32 v18, v32;
	v33 =	vld [tilespmem:s16+$0x820];
	_ =	sdelay $0x4  }
0x46: {  	[tilespmem:v61+s10+$0x0] =	vst.idx.add.f32.msk $0xffff, v33  }
0x47: {  	v62 =	vor.u32 v19, v32;
	v33 =	vld [tilespmem:s16+$0x830];
	_ =	sdelay $0x4  }
0x48: {  	[tilespmem:v62+s10+$0x0] =	vst.idx.add.f32.msk $0xffff, v33  }
0x49: {  	v63 =	vor.u32 v20, v32;
	v33 =	vld [tilespmem:s16+$0x840];
	_ =	sdelay $0x4  }
0x4a: {  	[tilespmem:v63+s10+$0x0] =	vst.idx.add.f32.msk $0xffff, v33  }
0x4b: {  	v36 =	vor.u32 v21, v32;
	v33 =	vld [tilespmem:s16+$0x850];
	_ =	sdelay $0x4  }
0x4c: {  	[tilespmem:v36+s10+$0x0] =	vst.idx.add.f32.msk $0xffff, v33  }
0x4d: {  	v37 =	vor.u32 v22, v32;
	v33 =	vld [tilespmem:s16+$0x860];
	_ =	sdelay $0x4  }
0x4e: {  	[tilespmem:v37+s10+$0x0] =	vst.idx.add.f32.msk $0xffff, v33  }
0x4f: {  	v38 =	vor.u32 v23, v32;
	v33 =	vld [tilespmem:s16+$0x870];
	_ =	sdelay $0x4  }
0x50: {  	[tilespmem:v38+s10+$0x0] =	vst.idx.add.f32.msk $0xffff, v33  }
0x51: {  	v39 =	vor.u32 v24, v32;
	v33 =	vld [tilespmem:s16+$0xC00];
	_ =	sdelay $0x4  }
0x52: {  	[tilespmem:v39+s10+$0x0] =	vst.idx.add.f32.msk $0xffff, v33  }
0x53: {  	v40 =	vor.u32 v25, v32;
	v33 =	vld [tilespmem:s16+$0xC10];
	_ =	sdelay $0x4  }
0x54: {  	[tilespmem:v40+s10+$0x0] =	vst.idx.add.f32.msk $0xffff, v33  }
0x55: {  	v41 =	vor.u32 v26, v32;
	v33 =	vld [tilespmem:s16+$0xC20];
	_ =	sdelay $0x4  }
0x56: {  	[tilespmem:v41+s10+$0x0] =	vst.idx.add.f32.msk $0xffff, v33  }
0x57: {  	v42 =	vor.u32 v27, v32;
	v33 =	vld [tilespmem:s16+$0xC30];
	_ =	sdelay $0x4  }
0x58: {  	[tilespmem:v42+s10+$0x0] =	vst.idx.add.f32.msk $0xffff, v33  }
0x59: {  	v43 =	vor.u32 v28, v32;
	v33 =	vld [tilespmem:s16+$0xC40];
	_ =	sdelay $0x4  }
0x5a: {  	[tilespmem:v43+s10+$0x0] =	vst.idx.add.f32.msk $0xffff, v33  }
0x5b: {  	v44 =	vor.u32 v29, v32;
	v33 =	vld [tilespmem:s16+$0xC50];
	_ =	sdelay $0x4  }
0x5c: {  	[tilespmem:v44+s10+$0x0] =	vst.idx.add.f32.msk $0xffff, v33  }
0x5d: {  	v45 =	vor.u32 v30, v32;
	v33 =	vld [tilespmem:s16+$0xC60];
	_ =	sdelay $0x3  }
0x5e: {  	s17 =	sor.u32 $0x1, s15  }
0x5f: {  	v46 =	vmov s17;
	[tilespmem:v45+s10+$0x0] =	vst.idx.add.f32.msk $0xffff, v33  }
0x60: {  	v32 =	vor.u32 v31, v32;
	v33 =	vbroadcast v46, $0x0;
	v34 =	vld [tilespmem:s16+$0xC70];
	_ =	sdelay $0x4  }
0x61: {  	[tilespmem:v32+s10+$0x0] =	vst.idx.add.f32.msk $0xffff, v34  }
0x62: {  	v32 =	vld.idx.msk [tilespmem:v33+s8+$0x0], $0xffff;
	_ =	sdelay $0x4  }
0x63: {  	v32 =	vshll.u32 v32, $0x9  }
0x64: {  	v47 =	vld [tilespmem:s16+$0x80];
	v48 =	vor.u32 v0, v32;
	_ =	sdelay $0x4  }
0x65: {  	[tilespmem:v48+s10+$0x0] =	vst.idx.add.f32.msk $0xffff, v47  }
0x66: {  	v49 =	vor.u32 v1, v32;
	v33 =	vld [tilespmem:s16+$0x90];
	_ =	sdelay $0x4  }
0x67: {  	[tilespmem:v49+s10+$0x0] =	vst.idx.add.f32.msk $0xffff, v33  }
0x68: {  	v50 =	vor.u32 v2, v32;
	v33 =	vld [tilespmem:s16+$0xA0];
	_ =	sdelay $0x4  }
0x69: {  	[tilespmem:v50+s10+$0x0] =	vst.idx.add.f32.msk $0xffff, v33  }
0x6a: {  	v51 =	vor.u32 v3, v32;
	v33 =	vld [tilespmem:s16+$0xB0];
	_ =	sdelay $0x4  }
0x6b: {  	[tilespmem:v51+s10+$0x0] =	vst.idx.add.f32.msk $0xffff, v33  }
0x6c: {  	v52 =	vor.u32 v4, v32;
	v33 =	vld [tilespmem:s16+$0xC0];
	_ =	sdelay $0x4  }
0x6d: {  	[tilespmem:v52+s10+$0x0] =	vst.idx.add.f32.msk $0xffff, v33  }
0x6e: {  	v53 =	vor.u32 v5, v32;
	v33 =	vld [tilespmem:s16+$0xD0];
	_ =	sdelay $0x4  }
0x6f: {  	[tilespmem:v53+s10+$0x0] =	vst.idx.add.f32.msk $0xffff, v33  }
0x70: {  	v54 =	vor.u32 v6, v32;
	v33 =	vld [tilespmem:s16+$0xE0];
	_ =	sdelay $0x4  }
0x71: {  	[tilespmem:v54+s10+$0x0] =	vst.idx.add.f32.msk $0xffff, v33  }
0x72: {  	v55 =	vor.u32 v7, v32;
	v33 =	vld [tilespmem:s16+$0xF0];
	_ =	sdelay $0x4  }
0x73: {  	[tilespmem:v55+s10+$0x0] =	vst.idx.add.f32.msk $0xffff, v33  }
0x74: {  	v56 =	vor.u32 v8, v32;
	v33 =	vld [tilespmem:s16+$0x480];
	_ =	sdelay $0x4  }
0x75: {  	[tilespmem:v56+s10+$0x0] =	vst.idx.add.f32.msk $0xffff, v33  }
0x76: {  	v57 =	vor.u32 v9, v32;
	v33 =	vld [tilespmem:s16+$0x490];
	_ =	sdelay $0x4  }
0x77: {  	[tilespmem:v57+s10+$0x0] =	vst.idx.add.f32.msk $0xffff, v33  }
0x78: {  	v58 =	vor.u32 v10, v32;
	v33 =	vld [tilespmem:s16+$0x4A0];
	_ =	sdelay $0x4  }
0x79: {  	[tilespmem:v58+s10+$0x0] =	vst.idx.add.f32.msk $0xffff, v33  }
0x7a: {  	v59 =	vor.u32 v11, v32;
	v33 =	vld [tilespmem:s16+$0x4B0];
	_ =	sdelay $0x4  }
0x7b: {  	[tilespmem:v59+s10+$0x0] =	vst.idx.add.f32.msk $0xffff, v33  }
0x7c: {  	v60 =	vor.u32 v12, v32;
	v33 =	vld [tilespmem:s16+$0x4C0];
	_ =	sdelay $0x4  }
0x7d: {  	[tilespmem:v60+s10+$0x0] =	vst.idx.add.f32.msk $0xffff, v33  }
0x7e: {  	v61 =	vor.u32 v13, v32;
	v33 =	vld [tilespmem:s16+$0x4D0];
	_ =	sdelay $0x4  }
0x7f: {  	[tilespmem:v61+s10+$0x0] =	vst.idx.add.f32.msk $0xffff, v33  }
0x80: {  	v62 =	vor.u32 v14, v32;
	v33 =	vld [tilespmem:s16+$0x4E0];
	_ =	sdelay $0x4  }
0x81: {  	[tilespmem:v62+s10+$0x0] =	vst.idx.add.f32.msk $0xffff, v33  }
0x82: {  	v63 =	vor.u32 v15, v32;
	v33 =	vld [tilespmem:s16+$0x4F0];
	_ =	sdelay $0x4  }
0x83: {  	[tilespmem:v63+s10+$0x0] =	vst.idx.add.f32.msk $0xffff, v33  }
0x84: {  	v36 =	vor.u32 v16, v32;
	v33 =	vld [tilespmem:s16+$0x880];
	_ =	sdelay $0x4  }
0x85: {  	[tilespmem:v36+s10+$0x0] =	vst.idx.add.f32.msk $0xffff, v33  }
0x86: {  	v37 =	vor.u32 v17, v32;
	v33 =	vld [tilespmem:s16+$0x890];
	_ =	sdelay $0x4  }
0x87: {  	[tilespmem:v37+s10+$0x0] =	vst.idx.add.f32.msk $0xffff, v33  }
0x88: {  	v38 =	vor.u32 v18, v32;
	v33 =	vld [tilespmem:s16+$0x8A0];
	_ =	sdelay $0x4  }
0x89: {  	[tilespmem:v38+s10+$0x0] =	vst.idx.add.f32.msk $0xffff, v33  }
0x8a: {  	v39 =	vor.u32 v19, v32;
	v33 =	vld [tilespmem:s16+$0x8B0];
	_ =	sdelay $0x4  }
0x8b: {  	[tilespmem:v39+s10+$0x0] =	vst.idx.add.f32.msk $0xffff, v33  }
0x8c: {  	v40 =	vor.u32 v20, v32;
	v33 =	vld [tilespmem:s16+$0x8C0];
	_ =	sdelay $0x4  }
0x8d: {  	[tilespmem:v40+s10+$0x0] =	vst.idx.add.f32.msk $0xffff, v33  }
0x8e: {  	v41 =	vor.u32 v21, v32;
	v33 =	vld [tilespmem:s16+$0x8D0];
	_ =	sdelay $0x4  }
0x8f: {  	[tilespmem:v41+s10+$0x0] =	vst.idx.add.f32.msk $0xffff, v33  }
0x90: {  	v42 =	vor.u32 v22, v32;
	v33 =	vld [tilespmem:s16+$0x8E0];
	_ =	sdelay $0x4  }
0x91: {  	[tilespmem:v42+s10+$0x0] =	vst.idx.add.f32.msk $0xffff, v33  }
0x92: {  	v43 =	vor.u32 v23, v32;
	v33 =	vld [tilespmem:s16+$0x8F0];
	_ =	sdelay $0x4  }
0x93: {  	[tilespmem:v43+s10+$0x0] =	vst.idx.add.f32.msk $0xffff, v33  }
0x94: {  	v44 =	vor.u32 v24, v32;
	v33 =	vld [tilespmem:s16+$0xC80];
	_ =	sdelay $0x4  }
0x95: {  	[tilespmem:v44+s10+$0x0] =	vst.idx.add.f32.msk $0xffff, v33  }
0x96: {  	v45 =	vor.u32 v25, v32;
	v33 =	vld [tilespmem:s16+$0xC90];
	_ =	sdelay $0x4  }
0x97: {  	[tilespmem:v45+s10+$0x0] =	vst.idx.add.f32.msk $0xffff, v33  }
0x98: {  	v46 =	vor.u32 v26, v32;
	v33 =	vld [tilespmem:s16+$0xCA0];
	_ =	sdelay $0x4  }
0x99: {  	[tilespmem:v46+s10+$0x0] =	vst.idx.add.f32.msk $0xffff, v33  }
0x9a: {  	v47 =	vor.u32 v27, v32;
	v33 =	vld [tilespmem:s16+$0xCB0];
	_ =	sdelay $0x4  }
0x9b: {  	[tilespmem:v47+s10+$0x0] =	vst.idx.add.f32.msk $0xffff, v33  }
0x9c: {  	v48 =	vor.u32 v28, v32;
	v33 =	vld [tilespmem:s16+$0xCC0];
	_ =	sdelay $0x4  }
0x9d: {  	[tilespmem:v48+s10+$0x0] =	vst.idx.add.f32.msk $0xffff, v33  }
0x9e: {  	v49 =	vor.u32 v29, v32;
	v33 =	vld [tilespmem:s16+$0xCD0];
	_ =	sdelay $0x4  }
0x9f: {  	[tilespmem:v49+s10+$0x0] =	vst.idx.add.f32.msk $0xffff, v33  }
0xa0: {  	v50 =	vor.u32 v30, v32;
	v33 =	vld [tilespmem:s16+$0xCE0];
	_ =	sdelay $0x3  }
0xa1: {  	s28 =	sor.u32 $0x2, s15  }
0xa2: {  	v51 =	vmov s28;
	[tilespmem:v50+s10+$0x0] =	vst.idx.add.f32.msk $0xffff, v33  }
0xa3: {  	v32 =	vor.u32 v31, v32;
	v33 =	vbroadcast v51, $0x0;
	v34 =	vld [tilespmem:s16+$0xCF0];
	_ =	sdelay $0x4  }
0xa4: {  	[tilespmem:v32+s10+$0x0] =	vst.idx.add.f32.msk $0xffff, v34  }
0xa5: {  	v32 =	vld.idx.msk [tilespmem:v33+s8+$0x0], $0xffff;
	_ =	sdelay $0x4  }
0xa6: {  	v32 =	vshll.u32 v32, $0x9  }
0xa7: {  	v52 =	vld [tilespmem:s16+$0x100];
	v53 =	vor.u32 v0, v32;
	_ =	sdelay $0x4  }
0xa8: {  	[tilespmem:v53+s10+$0x0] =	vst.idx.add.f32.msk $0xffff, v52  }
0xa9: {  	v54 =	vor.u32 v1, v32;
	v33 =	vld [tilespmem:s16+$0x110];
	_ =	sdelay $0x4  }
0xaa: {  	[tilespmem:v54+s10+$0x0] =	vst.idx.add.f32.msk $0xffff, v33  }
0xab: {  	v55 =	vor.u32 v2, v32;
	v33 =	vld [tilespmem:s16+$0x120];
	_ =	sdelay $0x4  }
0xac: {  	[tilespmem:v55+s10+$0x0] =	vst.idx.add.f32.msk $0xffff, v33  }
0xad: {  	v56 =	vor.u32 v3, v32;
	v33 =	vld [tilespmem:s16+$0x130];
	_ =	sdelay $0x4  }
0xae: {  	[tilespmem:v56+s10+$0x0] =	vst.idx.add.f32.msk $0xffff, v33  }
0xaf: {  	v57 =	vor.u32 v4, v32;
	v33 =	vld [tilespmem:s16+$0x140];
	_ =	sdelay $0x4  }
0xb0: {  	[tilespmem:v57+s10+$0x0] =	vst.idx.add.f32.msk $0xffff, v33  }
0xb1: {  	v58 =	vor.u32 v5, v32;
	v33 =	vld [tilespmem:s16+$0x150];
	_ =	sdelay $0x4  }
0xb2: {  	[tilespmem:v58+s10+$0x0] =	vst.idx.add.f32.msk $0xffff, v33  }
0xb3: {  	v59 =	vor.u32 v6, v32;
	v33 =	vld [tilespmem:s16+$0x160];
	_ =	sdelay $0x4  }
0xb4: {  	[tilespmem:v59+s10+$0x0] =	vst.idx.add.f32.msk $0xffff, v33  }
0xb5: {  	v60 =	vor.u32 v7, v32;
	v33 =	vld [tilespmem:s16+$0x170];
	_ =	sdelay $0x4  }
0xb6: {  	[tilespmem:v60+s10+$0x0] =	vst.idx.add.f32.msk $0xffff, v33  }
0xb7: {  	v61 =	vor.u32 v8, v32;
	v33 =	vld [tilespmem:s16+$0x500];
	_ =	sdelay $0x4  }
0xb8: {  	[tilespmem:v61+s10+$0x0] =	vst.idx.add.f32.msk $0xffff, v33  }
0xb9: {  	v62 =	vor.u32 v9, v32;
	v33 =	vld [tilespmem:s16+$0x510];
	_ =	sdelay $0x4  }
0xba: {  	[tilespmem:v62+s10+$0x0] =	vst.idx.add.f32.msk $0xffff, v33  }
0xbb: {  	v63 =	vor.u32 v10, v32;
	v33 =	vld [tilespmem:s16+$0x520];
	_ =	sdelay $0x4  }
0xbc: {  	[tilespmem:v63+s10+$0x0] =	vst.idx.add.f32.msk $0xffff, v33  }
0xbd: {  	v36 =	vor.u32 v11, v32;
	v33 =	vld [tilespmem:s16+$0x530];
	_ =	sdelay $0x4  }
0xbe: {  	[tilespmem:v36+s10+$0x0] =	vst.idx.add.f32.msk $0xffff, v33  }
0xbf: {  	v37 =	vor.u32 v12, v32;
	v33 =	vld [tilespmem:s16+$0x540];
	_ =	sdelay $0x4  }
0xc0: {  	[tilespmem:v37+s10+$0x0] =	vst.idx.add.f32.msk $0xffff, v33  }
0xc1: {  	v38 =	vor.u32 v13, v32;
	v33 =	vld [tilespmem:s16+$0x550];
	_ =	sdelay $0x4  }
0xc2: {  	[tilespmem:v38+s10+$0x0] =	vst.idx.add.f32.msk $0xffff, v33  }
0xc3: {  	v39 =	vor.u32 v14, v32;
	v33 =	vld [tilespmem:s16+$0x560];
	_ =	sdelay $0x4  }
0xc4: {  	[tilespmem:v39+s10+$0x0] =	vst.idx.add.f32.msk $0xffff, v33  }
0xc5: {  	v40 =	vor.u32 v15, v32;
	v33 =	vld [tilespmem:s16+$0x570];
	_ =	sdelay $0x4  }
0xc6: {  	[tilespmem:v40+s10+$0x0] =	vst.idx.add.f32.msk $0xffff, v33  }
0xc7: {  	v41 =	vor.u32 v16, v32;
	v33 =	vld [tilespmem:s16+$0x900];
	_ =	sdelay $0x4  }
0xc8: {  	[tilespmem:v41+s10+$0x0] =	vst.idx.add.f32.msk $0xffff, v33  }
0xc9: {  	v42 =	vor.u32 v17, v32;
	v33 =	vld [tilespmem:s16+$0x910];
	_ =	sdelay $0x4  }
0xca: {  	[tilespmem:v42+s10+$0x0] =	vst.idx.add.f32.msk $0xffff, v33  }
0xcb: {  	v43 =	vor.u32 v18, v32;
	v33 =	vld [tilespmem:s16+$0x920];
	_ =	sdelay $0x4  }
0xcc: {  	[tilespmem:v43+s10+$0x0] =	vst.idx.add.f32.msk $0xffff, v33  }
0xcd: {  	v44 =	vor.u32 v19, v32;
	v33 =	vld [tilespmem:s16+$0x930];
	_ =	sdelay $0x4  }
0xce: {  	[tilespmem:v44+s10+$0x0] =	vst.idx.add.f32.msk $0xffff, v33  }
0xcf: {  	v45 =	vor.u32 v20, v32;
	v33 =	vld [tilespmem:s16+$0x940];
	_ =	sdelay $0x4  }
0xd0: {  	[tilespmem:v45+s10+$0x0] =	vst.idx.add.f32.msk $0xffff, v33  }
0xd1: {  	v46 =	vor.u32 v21, v32;
	v33 =	vld [tilespmem:s16+$0x950];
	_ =	sdelay $0x4  }
0xd2: {  	[tilespmem:v46+s10+$0x0] =	vst.idx.add.f32.msk $0xffff, v33  }
0xd3: {  	v47 =	vor.u32 v22, v32;
	v33 =	vld [tilespmem:s16+$0x960];
	_ =	sdelay $0x4  }
0xd4: {  	[tilespmem:v47+s10+$0x0] =	vst.idx.add.f32.msk $0xffff, v33  }
0xd5: {  	v48 =	vor.u32 v23, v32;
	v33 =	vld [tilespmem:s16+$0x970];
	_ =	sdelay $0x4  }
0xd6: {  	[tilespmem:v48+s10+$0x0] =	vst.idx.add.f32.msk $0xffff, v33  }
0xd7: {  	v49 =	vor.u32 v24, v32;
	v33 =	vld [tilespmem:s16+$0xD00];
	_ =	sdelay $0x4  }
0xd8: {  	[tilespmem:v49+s10+$0x0] =	vst.idx.add.f32.msk $0xffff, v33  }
0xd9: {  	v50 =	vor.u32 v25, v32;
	v33 =	vld [tilespmem:s16+$0xD10];
	_ =	sdelay $0x4  }
0xda: {  	[tilespmem:v50+s10+$0x0] =	vst.idx.add.f32.msk $0xffff, v33  }
0xdb: {  	v51 =	vor.u32 v26, v32;
	v33 =	vld [tilespmem:s16+$0xD20];
	_ =	sdelay $0x4  }
0xdc: {  	[tilespmem:v51+s10+$0x0] =	vst.idx.add.f32.msk $0xffff, v33  }
0xdd: {  	v52 =	vor.u32 v27, v32;
	v33 =	vld [tilespmem:s16+$0xD30];
	_ =	sdelay $0x4  }
0xde: {  	[tilespmem:v52+s10+$0x0] =	vst.idx.add.f32.msk $0xffff, v33  }
0xdf: {  	v53 =	vor.u32 v28, v32;
	v33 =	vld [tilespmem:s16+$0xD40];
	_ =	sdelay $0x4  }
0xe0: {  	[tilespmem:v53+s10+$0x0] =	vst.idx.add.f32.msk $0xffff, v33  }
0xe1: {  	v54 =	vor.u32 v29, v32;
	v33 =	vld [tilespmem:s16+$0xD50];
	_ =	sdelay $0x4  }
0xe2: {  	[tilespmem:v54+s10+$0x0] =	vst.idx.add.f32.msk $0xffff, v33  }
0xe3: {  	v55 =	vor.u32 v30, v32;
	v33 =	vld [tilespmem:s16+$0xD60];
	_ =	sdelay $0x3  }
0xe4: {  	s29 =	sor.u32 $0x3, s15  }
0xe5: {  	v56 =	vmov s29;
	[tilespmem:v55+s10+$0x0] =	vst.idx.add.f32.msk $0xffff, v33  }
0xe6: {  	v32 =	vor.u32 v31, v32;
	v33 =	vbroadcast v56, $0x0;
	v34 =	vld [tilespmem:s16+$0xD70];
	_ =	sdelay $0x4  }
0xe7: {  	[tilespmem:v32+s10+$0x0] =	vst.idx.add.f32.msk $0xffff, v34  }
0xe8: {  	v32 =	vld.idx.msk [tilespmem:v33+s8+$0x0], $0xffff;
	_ =	sdelay $0x4  }
0xe9: {  	v32 =	vshll.u32 v32, $0x9  }
0xea: {  	v57 =	vld [tilespmem:s16+$0x180];
	v58 =	vor.u32 v0, v32;
	_ =	sdelay $0x4  }
0xeb: {  	[tilespmem:v58+s10+$0x0] =	vst.idx.add.f32.msk $0xffff, v57  }
0xec: {  	v59 =	vor.u32 v1, v32;
	v33 =	vld [tilespmem:s16+$0x190];
	_ =	sdelay $0x4  }
0xed: {  	[tilespmem:v59+s10+$0x0] =	vst.idx.add.f32.msk $0xffff, v33  }
0xee: {  	v60 =	vor.u32 v2, v32;
	v33 =	vld [tilespmem:s16+$0x1A0];
	_ =	sdelay $0x4  }
0xef: {  	[tilespmem:v60+s10+$0x0] =	vst.idx.add.f32.msk $0xffff, v33  }
0xf0: {  	v61 =	vor.u32 v3, v32;
	v33 =	vld [tilespmem:s16+$0x1B0];
	_ =	sdelay $0x4  }
0xf1: {  	[tilespmem:v61+s10+$0x0] =	vst.idx.add.f32.msk $0xffff, v33  }
0xf2: {  	v62 =	vor.u32 v4, v32;
	v33 =	vld [tilespmem:s16+$0x1C0];
	_ =	sdelay $0x4  }
0xf3: {  	[tilespmem:v62+s10+$0x0] =	vst.idx.add.f32.msk $0xffff, v33  }
0xf4: {  	v63 =	vor.u32 v5, v32;
	v33 =	vld [tilespmem:s16+$0x1D0];
	_ =	sdelay $0x4  }
0xf5: {  	[tilespmem:v63+s10+$0x0] =	vst.idx.add.f32.msk $0xffff, v33  }
0xf6: {  	v36 =	vor.u32 v6, v32;
	v33 =	vld [tilespmem:s16+$0x1E0];
	_ =	sdelay $0x4  }
0xf7: {  	[tilespmem:v36+s10+$0x0] =	vst.idx.add.f32.msk $0xffff, v33  }
0xf8: {  	v37 =	vor.u32 v7, v32;
	v33 =	vld [tilespmem:s16+$0x1F0];
	_ =	sdelay $0x4  }
0xf9: {  	[tilespmem:v37+s10+$0x0] =	vst.idx.add.f32.msk $0xffff, v33  }
0xfa: {  	v38 =	vor.u32 v8, v32;
	v33 =	vld [tilespmem:s16+$0x580];
	_ =	sdelay $0x4  }
0xfb: {  	[tilespmem:v38+s10+$0x0] =	vst.idx.add.f32.msk $0xffff, v33  }
0xfc: {  	v39 =	vor.u32 v9, v32;
	v33 =	vld [tilespmem:s16+$0x590];
	_ =	sdelay $0x4  }
0xfd: {  	[tilespmem:v39+s10+$0x0] =	vst.idx.add.f32.msk $0xffff, v33  }
0xfe: {  	v40 =	vor.u32 v10, v32;
	v33 =	vld [tilespmem:s16+$0x5A0];
	_ =	sdelay $0x4  }
0xff: {  	[tilespmem:v40+s10+$0x0] =	vst.idx.add.f32.msk $0xffff, v33  }
0x100: {  	v41 =	vor.u32 v11, v32;
	v33 =	vld [tilespmem:s16+$0x5B0];
	_ =	sdelay $0x4  }
0x101: {  	[tilespmem:v41+s10+$0x0] =	vst.idx.add.f32.msk $0xffff, v33  }
0x102: {  	v42 =	vor.u32 v12, v32;
	v33 =	vld [tilespmem:s16+$0x5C0];
	_ =	sdelay $0x4  }
0x103: {  	[tilespmem:v42+s10+$0x0] =	vst.idx.add.f32.msk $0xffff, v33  }
0x104: {  	v43 =	vor.u32 v13, v32;
	v33 =	vld [tilespmem:s16+$0x5D0];
	_ =	sdelay $0x4  }
0x105: {  	[tilespmem:v43+s10+$0x0] =	vst.idx.add.f32.msk $0xffff, v33  }
0x106: {  	v44 =	vor.u32 v14, v32;
	v33 =	vld [tilespmem:s16+$0x5E0];
	_ =	sdelay $0x4  }
0x107: {  	[tilespmem:v44+s10+$0x0] =	vst.idx.add.f32.msk $0xffff, v33  }
0x108: {  	v45 =	vor.u32 v15, v32;
	v33 =	vld [tilespmem:s16+$0x5F0];
	_ =	sdelay $0x4  }
0x109: {  	[tilespmem:v45+s10+$0x0] =	vst.idx.add.f32.msk $0xffff, v33  }
0x10a: {  	v46 =	vor.u32 v16, v32;
	v33 =	vld [tilespmem:s16+$0x980];
	_ =	sdelay $0x4  }
0x10b: {  	[tilespmem:v46+s10+$0x0] =	vst.idx.add.f32.msk $0xffff, v33  }
0x10c: {  	v47 =	vor.u32 v17, v32;
	v33 =	vld [tilespmem:s16+$0x990];
	_ =	sdelay $0x4  }
0x10d: {  	[tilespmem:v47+s10+$0x0] =	vst.idx.add.f32.msk $0xffff, v33  }
0x10e: {  	v48 =	vor.u32 v18, v32;
	v33 =	vld [tilespmem:s16+$0x9A0];
	_ =	sdelay $0x4  }
0x10f: {  	[tilespmem:v48+s10+$0x0] =	vst.idx.add.f32.msk $0xffff, v33  }
0x110: {  	v49 =	vor.u32 v19, v32;
	v33 =	vld [tilespmem:s16+$0x9B0];
	_ =	sdelay $0x4  }
0x111: {  	[tilespmem:v49+s10+$0x0] =	vst.idx.add.f32.msk $0xffff, v33  }
0x112: {  	v50 =	vor.u32 v20, v32;
	v33 =	vld [tilespmem:s16+$0x9C0];
	_ =	sdelay $0x4  }
0x113: {  	[tilespmem:v50+s10+$0x0] =	vst.idx.add.f32.msk $0xffff, v33  }
0x114: {  	v51 =	vor.u32 v21, v32;
	v33 =	vld [tilespmem:s16+$0x9D0];
	_ =	sdelay $0x4  }
0x115: {  	[tilespmem:v51+s10+$0x0] =	vst.idx.add.f32.msk $0xffff, v33  }
0x116: {  	v52 =	vor.u32 v22, v32;
	v33 =	vld [tilespmem:s16+$0x9E0];
	_ =	sdelay $0x4  }
0x117: {  	[tilespmem:v52+s10+$0x0] =	vst.idx.add.f32.msk $0xffff, v33  }
0x118: {  	v53 =	vor.u32 v23, v32;
	v33 =	vld [tilespmem:s16+$0x9F0];
	_ =	sdelay $0x4  }
0x119: {  	[tilespmem:v53+s10+$0x0] =	vst.idx.add.f32.msk $0xffff, v33  }
0x11a: {  	v54 =	vor.u32 v24, v32;
	v33 =	vld [tilespmem:s16+$0xD80];
	_ =	sdelay $0x4  }
0x11b: {  	[tilespmem:v54+s10+$0x0] =	vst.idx.add.f32.msk $0xffff, v33  }
0x11c: {  	v55 =	vor.u32 v25, v32;
	v33 =	vld [tilespmem:s16+$0xD90];
	_ =	sdelay $0x4  }
0x11d: {  	[tilespmem:v55+s10+$0x0] =	vst.idx.add.f32.msk $0xffff, v33  }
0x11e: {  	v56 =	vor.u32 v26, v32;
	v33 =	vld [tilespmem:s16+$0xDA0];
	_ =	sdelay $0x4  }
0x11f: {  	[tilespmem:v56+s10+$0x0] =	vst.idx.add.f32.msk $0xffff, v33  }
0x120: {  	v57 =	vor.u32 v27, v32;
	v33 =	vld [tilespmem:s16+$0xDB0];
	_ =	sdelay $0x4  }
0x121: {  	[tilespmem:v57+s10+$0x0] =	vst.idx.add.f32.msk $0xffff, v33  }
0x122: {  	v58 =	vor.u32 v28, v32;
	v33 =	vld [tilespmem:s16+$0xDC0];
	_ =	sdelay $0x4  }
0x123: {  	[tilespmem:v58+s10+$0x0] =	vst.idx.add.f32.msk $0xffff, v33  }
0x124: {  	v59 =	vor.u32 v29, v32;
	v33 =	vld [tilespmem:s16+$0xDD0];
	_ =	sdelay $0x4  }
0x125: {  	[tilespmem:v59+s10+$0x0] =	vst.idx.add.f32.msk $0xffff, v33  }
0x126: {  	v60 =	vor.u32 v30, v32;
	v33 =	vld [tilespmem:s16+$0xDE0];
	_ =	sdelay $0x3  }
0x127: {  	s30 =	sor.u32 $0x4, s15  }
0x128: {  	v61 =	vmov s30;
	[tilespmem:v60+s10+$0x0] =	vst.idx.add.f32.msk $0xffff, v33  }
0x129: {  	v32 =	vor.u32 v31, v32;
	v33 =	vbroadcast v61, $0x0;
	v34 =	vld [tilespmem:s16+$0xDF0];
	_ =	sdelay $0x4  }
0x12a: {  	[tilespmem:v32+s10+$0x0] =	vst.idx.add.f32.msk $0xffff, v34  }
0x12b: {  	v32 =	vld.idx.msk [tilespmem:v33+s8+$0x0], $0xffff;
	_ =	sdelay $0x4  }
0x12c: {  	v32 =	vshll.u32 v32, $0x9  }
0x12d: {  	v62 =	vld [tilespmem:s16+$0x200];
	v63 =	vor.u32 v0, v32;
	_ =	sdelay $0x4  }
0x12e: {  	[tilespmem:v63+s10+$0x0] =	vst.idx.add.f32.msk $0xffff, v62  }
0x12f: {  	v36 =	vor.u32 v1, v32;
	v33 =	vld [tilespmem:s16+$0x210];
	_ =	sdelay $0x4  }
0x130: {  	[tilespmem:v36+s10+$0x0] =	vst.idx.add.f32.msk $0xffff, v33  }
0x131: {  	v37 =	vor.u32 v2, v32;
	v33 =	vld [tilespmem:s16+$0x220];
	_ =	sdelay $0x4  }
0x132: {  	[tilespmem:v37+s10+$0x0] =	vst.idx.add.f32.msk $0xffff, v33  }
0x133: {  	v38 =	vor.u32 v3, v32;
	v33 =	vld [tilespmem:s16+$0x230];
	_ =	sdelay $0x4  }
0x134: {  	[tilespmem:v38+s10+$0x0] =	vst.idx.add.f32.msk $0xffff, v33  }
0x135: {  	v39 =	vor.u32 v4, v32;
	v33 =	vld [tilespmem:s16+$0x240];
	_ =	sdelay $0x4  }
0x136: {  	[tilespmem:v39+s10+$0x0] =	vst.idx.add.f32.msk $0xffff, v33  }
0x137: {  	v40 =	vor.u32 v5, v32;
	v33 =	vld [tilespmem:s16+$0x250];
	_ =	sdelay $0x4  }
0x138: {  	[tilespmem:v40+s10+$0x0] =	vst.idx.add.f32.msk $0xffff, v33  }
0x139: {  	v41 =	vor.u32 v6, v32;
	v33 =	vld [tilespmem:s16+$0x260];
	_ =	sdelay $0x4  }
0x13a: {  	[tilespmem:v41+s10+$0x0] =	vst.idx.add.f32.msk $0xffff, v33  }
0x13b: {  	v42 =	vor.u32 v7, v32;
	v33 =	vld [tilespmem:s16+$0x270];
	_ =	sdelay $0x4  }
0x13c: {  	[tilespmem:v42+s10+$0x0] =	vst.idx.add.f32.msk $0xffff, v33  }
0x13d: {  	v43 =	vor.u32 v8, v32;
	v33 =	vld [tilespmem:s16+$0x600];
	_ =	sdelay $0x4  }
0x13e: {  	[tilespmem:v43+s10+$0x0] =	vst.idx.add.f32.msk $0xffff, v33  }
0x13f: {  	v44 =	vor.u32 v9, v32;
	v33 =	vld [tilespmem:s16+$0x610];
	_ =	sdelay $0x4  }
0x140: {  	[tilespmem:v44+s10+$0x0] =	vst.idx.add.f32.msk $0xffff, v33  }
0x141: {  	v45 =	vor.u32 v10, v32;
	v33 =	vld [tilespmem:s16+$0x620];
	_ =	sdelay $0x4  }
0x142: {  	[tilespmem:v45+s10+$0x0] =	vst.idx.add.f32.msk $0xffff, v33  }
0x143: {  	v46 =	vor.u32 v11, v32;
	v33 =	vld [tilespmem:s16+$0x630];
	_ =	sdelay $0x4  }
0x144: {  	[tilespmem:v46+s10+$0x0] =	vst.idx.add.f32.msk $0xffff, v33  }
0x145: {  	v47 =	vor.u32 v12, v32;
	v33 =	vld [tilespmem:s16+$0x640];
	_ =	sdelay $0x4  }
0x146: {  	[tilespmem:v47+s10+$0x0] =	vst.idx.add.f32.msk $0xffff, v33  }
0x147: {  	v48 =	vor.u32 v13, v32;
	v33 =	vld [tilespmem:s16+$0x650];
	_ =	sdelay $0x4  }
0x148: {  	[tilespmem:v48+s10+$0x0] =	vst.idx.add.f32.msk $0xffff, v33  }
0x149: {  	v49 =	vor.u32 v14, v32;
	v33 =	vld [tilespmem:s16+$0x660];
	_ =	sdelay $0x4  }
0x14a: {  	[tilespmem:v49+s10+$0x0] =	vst.idx.add.f32.msk $0xffff, v33  }
0x14b: {  	v50 =	vor.u32 v15, v32;
	v33 =	vld [tilespmem:s16+$0x670];
	_ =	sdelay $0x4  }
0x14c: {  	[tilespmem:v50+s10+$0x0] =	vst.idx.add.f32.msk $0xffff, v33  }
0x14d: {  	v51 =	vor.u32 v16, v32;
	v33 =	vld [tilespmem:s16+$0xA00];
	_ =	sdelay $0x4  }
0x14e: {  	[tilespmem:v51+s10+$0x0] =	vst.idx.add.f32.msk $0xffff, v33  }
0x14f: {  	v52 =	vor.u32 v17, v32;
	v33 =	vld [tilespmem:s16+$0xA10];
	_ =	sdelay $0x4  }
0x150: {  	[tilespmem:v52+s10+$0x0] =	vst.idx.add.f32.msk $0xffff, v33  }
0x151: {  	v53 =	vor.u32 v18, v32;
	v33 =	vld [tilespmem:s16+$0xA20];
	_ =	sdelay $0x4  }
0x152: {  	[tilespmem:v53+s10+$0x0] =	vst.idx.add.f32.msk $0xffff, v33  }
0x153: {  	v54 =	vor.u32 v19, v32;
	v33 =	vld [tilespmem:s16+$0xA30];
	_ =	sdelay $0x4  }
0x154: {  	[tilespmem:v54+s10+$0x0] =	vst.idx.add.f32.msk $0xffff, v33  }
0x155: {  	v55 =	vor.u32 v20, v32;
	v33 =	vld [tilespmem:s16+$0xA40];
	_ =	sdelay $0x4  }
0x156: {  	[tilespmem:v55+s10+$0x0] =	vst.idx.add.f32.msk $0xffff, v33  }
0x157: {  	v56 =	vor.u32 v21, v32;
	v33 =	vld [tilespmem:s16+$0xA50];
	_ =	sdelay $0x4  }
0x158: {  	[tilespmem:v56+s10+$0x0] =	vst.idx.add.f32.msk $0xffff, v33  }
0x159: {  	v57 =	vor.u32 v22, v32;
	v33 =	vld [tilespmem:s16+$0xA60];
	_ =	sdelay $0x4  }
0x15a: {  	[tilespmem:v57+s10+$0x0] =	vst.idx.add.f32.msk $0xffff, v33  }
0x15b: {  	v58 =	vor.u32 v23, v32;
	v33 =	vld [tilespmem:s16+$0xA70];
	_ =	sdelay $0x4  }
0x15c: {  	[tilespmem:v58+s10+$0x0] =	vst.idx.add.f32.msk $0xffff, v33  }
0x15d: {  	v59 =	vor.u32 v24, v32;
	v33 =	vld [tilespmem:s16+$0xE00];
	_ =	sdelay $0x4  }
0x15e: {  	[tilespmem:v59+s10+$0x0] =	vst.idx.add.f32.msk $0xffff, v33  }
0x15f: {  	v60 =	vor.u32 v25, v32;
	v33 =	vld [tilespmem:s16+$0xE10];
	_ =	sdelay $0x4  }
0x160: {  	[tilespmem:v60+s10+$0x0] =	vst.idx.add.f32.msk $0xffff, v33  }
0x161: {  	v61 =	vor.u32 v26, v32;
	v33 =	vld [tilespmem:s16+$0xE20];
	_ =	sdelay $0x4  }
0x162: {  	[tilespmem:v61+s10+$0x0] =	vst.idx.add.f32.msk $0xffff, v33  }
0x163: {  	v62 =	vor.u32 v27, v32;
	v33 =	vld [tilespmem:s16+$0xE30];
	_ =	sdelay $0x4  }
0x164: {  	[tilespmem:v62+s10+$0x0] =	vst.idx.add.f32.msk $0xffff, v33  }
0x165: {  	v63 =	vor.u32 v28, v32;
	v33 =	vld [tilespmem:s16+$0xE40];
	_ =	sdelay $0x4  }
0x166: {  	[tilespmem:v63+s10+$0x0] =	vst.idx.add.f32.msk $0xffff, v33  }
0x167: {  	v36 =	vor.u32 v29, v32;
	v33 =	vld [tilespmem:s16+$0xE50];
	_ =	sdelay $0x4  }
0x168: {  	[tilespmem:v36+s10+$0x0] =	vst.idx.add.f32.msk $0xffff, v33  }
0x169: {  	v37 =	vor.u32 v30, v32;
	v33 =	vld [tilespmem:s16+$0xE60];
	_ =	sdelay $0x3  }
0x16a: {  	s31 =	sor.u32 $0x5, s15  }
0x16b: {  	v38 =	vmov s31;
	[tilespmem:v37+s10+$0x0] =	vst.idx.add.f32.msk $0xffff, v33  }
0x16c: {  	v32 =	vor.u32 v31, v32;
	v33 =	vbroadcast v38, $0x0;
	v34 =	vld [tilespmem:s16+$0xE70];
	_ =	sdelay $0x4  }
0x16d: {  	[tilespmem:v32+s10+$0x0] =	vst.idx.add.f32.msk $0xffff, v34  }
0x16e: {  	v32 =	vld.idx.msk [tilespmem:v33+s8+$0x0], $0xffff;
	_ =	sdelay $0x4  }
0x16f: {  	v32 =	vshll.u32 v32, $0x9  }
0x170: {  	v39 =	vld [tilespmem:s16+$0x280];
	v40 =	vor.u32 v0, v32;
	_ =	sdelay $0x4  }
0x171: {  	[tilespmem:v40+s10+$0x0] =	vst.idx.add.f32.msk $0xffff, v39  }
0x172: {  	v41 =	vor.u32 v1, v32;
	v33 =	vld [tilespmem:s16+$0x290];
	_ =	sdelay $0x4  }
0x173: {  	[tilespmem:v41+s10+$0x0] =	vst.idx.add.f32.msk $0xffff, v33  }
0x174: {  	v42 =	vor.u32 v2, v32;
	v33 =	vld [tilespmem:s16+$0x2A0];
	_ =	sdelay $0x4  }
0x175: {  	[tilespmem:v42+s10+$0x0] =	vst.idx.add.f32.msk $0xffff, v33  }
0x176: {  	v43 =	vor.u32 v3, v32;
	v33 =	vld [tilespmem:s16+$0x2B0];
	_ =	sdelay $0x4  }
0x177: {  	[tilespmem:v43+s10+$0x0] =	vst.idx.add.f32.msk $0xffff, v33  }
0x178: {  	v44 =	vor.u32 v4, v32;
	v33 =	vld [tilespmem:s16+$0x2C0];
	_ =	sdelay $0x4  }
0x179: {  	[tilespmem:v44+s10+$0x0] =	vst.idx.add.f32.msk $0xffff, v33  }
0x17a: {  	v45 =	vor.u32 v5, v32;
	v33 =	vld [tilespmem:s16+$0x2D0];
	_ =	sdelay $0x4  }
0x17b: {  	[tilespmem:v45+s10+$0x0] =	vst.idx.add.f32.msk $0xffff, v33  }
0x17c: {  	v46 =	vor.u32 v6, v32;
	v33 =	vld [tilespmem:s16+$0x2E0];
	_ =	sdelay $0x4  }
0x17d: {  	[tilespmem:v46+s10+$0x0] =	vst.idx.add.f32.msk $0xffff, v33  }
0x17e: {  	v47 =	vor.u32 v7, v32;
	v33 =	vld [tilespmem:s16+$0x2F0];
	_ =	sdelay $0x4  }
0x17f: {  	[tilespmem:v47+s10+$0x0] =	vst.idx.add.f32.msk $0xffff, v33  }
0x180: {  	v48 =	vor.u32 v8, v32;
	v33 =	vld [tilespmem:s16+$0x680];
	_ =	sdelay $0x4  }
0x181: {  	[tilespmem:v48+s10+$0x0] =	vst.idx.add.f32.msk $0xffff, v33  }
0x182: {  	v49 =	vor.u32 v9, v32;
	v33 =	vld [tilespmem:s16+$0x690];
	_ =	sdelay $0x4  }
0x183: {  	[tilespmem:v49+s10+$0x0] =	vst.idx.add.f32.msk $0xffff, v33  }
0x184: {  	v50 =	vor.u32 v10, v32;
	v33 =	vld [tilespmem:s16+$0x6A0];
	_ =	sdelay $0x4  }
0x185: {  	[tilespmem:v50+s10+$0x0] =	vst.idx.add.f32.msk $0xffff, v33  }
0x186: {  	v51 =	vor.u32 v11, v32;
	v33 =	vld [tilespmem:s16+$0x6B0];
	_ =	sdelay $0x4  }
0x187: {  	[tilespmem:v51+s10+$0x0] =	vst.idx.add.f32.msk $0xffff, v33  }
0x188: {  	v52 =	vor.u32 v12, v32;
	v33 =	vld [tilespmem:s16+$0x6C0];
	_ =	sdelay $0x4  }
0x189: {  	[tilespmem:v52+s10+$0x0] =	vst.idx.add.f32.msk $0xffff, v33  }
0x18a: {  	v53 =	vor.u32 v13, v32;
	v33 =	vld [tilespmem:s16+$0x6D0];
	_ =	sdelay $0x4  }
0x18b: {  	[tilespmem:v53+s10+$0x0] =	vst.idx.add.f32.msk $0xffff, v33  }
0x18c: {  	v54 =	vor.u32 v14, v32;
	v33 =	vld [tilespmem:s16+$0x6E0];
	_ =	sdelay $0x4  }
0x18d: {  	[tilespmem:v54+s10+$0x0] =	vst.idx.add.f32.msk $0xffff, v33  }
0x18e: {  	v55 =	vor.u32 v15, v32;
	v33 =	vld [tilespmem:s16+$0x6F0];
	_ =	sdelay $0x4  }
0x18f: {  	[tilespmem:v55+s10+$0x0] =	vst.idx.add.f32.msk $0xffff, v33  }
0x190: {  	v56 =	vor.u32 v16, v32;
	v33 =	vld [tilespmem:s16+$0xA80];
	_ =	sdelay $0x4  }
0x191: {  	[tilespmem:v56+s10+$0x0] =	vst.idx.add.f32.msk $0xffff, v33  }
0x192: {  	v57 =	vor.u32 v17, v32;
	v33 =	vld [tilespmem:s16+$0xA90];
	_ =	sdelay $0x4  }
0x193: {  	[tilespmem:v57+s10+$0x0] =	vst.idx.add.f32.msk $0xffff, v33  }
0x194: {  	v58 =	vor.u32 v18, v32;
	v33 =	vld [tilespmem:s16+$0xAA0];
	_ =	sdelay $0x4  }
0x195: {  	[tilespmem:v58+s10+$0x0] =	vst.idx.add.f32.msk $0xffff, v33  }
0x196: {  	v59 =	vor.u32 v19, v32;
	v33 =	vld [tilespmem:s16+$0xAB0];
	_ =	sdelay $0x4  }
0x197: {  	[tilespmem:v59+s10+$0x0] =	vst.idx.add.f32.msk $0xffff, v33  }
0x198: {  	v60 =	vor.u32 v20, v32;
	v33 =	vld [tilespmem:s16+$0xAC0];
	_ =	sdelay $0x4  }
0x199: {  	[tilespmem:v60+s10+$0x0] =	vst.idx.add.f32.msk $0xffff, v33  }
0x19a: {  	v61 =	vor.u32 v21, v32;
	v33 =	vld [tilespmem:s16+$0xAD0];
	_ =	sdelay $0x4  }
0x19b: {  	[tilespmem:v61+s10+$0x0] =	vst.idx.add.f32.msk $0xffff, v33  }
0x19c: {  	v62 =	vor.u32 v22, v32;
	v33 =	vld [tilespmem:s16+$0xAE0];
	_ =	sdelay $0x4  }
0x19d: {  	[tilespmem:v62+s10+$0x0] =	vst.idx.add.f32.msk $0xffff, v33  }
0x19e: {  	v63 =	vor.u32 v23, v32;
	v33 =	vld [tilespmem:s16+$0xAF0];
	_ =	sdelay $0x4  }
0x19f: {  	[tilespmem:v63+s10+$0x0] =	vst.idx.add.f32.msk $0xffff, v33  }
0x1a0: {  	v36 =	vor.u32 v24, v32;
	v33 =	vld [tilespmem:s16+$0xE80];
	_ =	sdelay $0x4  }
0x1a1: {  	[tilespmem:v36+s10+$0x0] =	vst.idx.add.f32.msk $0xffff, v33  }
0x1a2: {  	v37 =	vor.u32 v25, v32;
	v33 =	vld [tilespmem:s16+$0xE90];
	_ =	sdelay $0x4  }
0x1a3: {  	[tilespmem:v37+s10+$0x0] =	vst.idx.add.f32.msk $0xffff, v33  }
0x1a4: {  	v38 =	vor.u32 v26, v32;
	v33 =	vld [tilespmem:s16+$0xEA0];
	_ =	sdelay $0x4  }
0x1a5: {  	[tilespmem:v38+s10+$0x0] =	vst.idx.add.f32.msk $0xffff, v33  }
0x1a6: {  	v39 =	vor.u32 v27, v32;
	v33 =	vld [tilespmem:s16+$0xEB0];
	_ =	sdelay $0x4  }
0x1a7: {  	[tilespmem:v39+s10+$0x0] =	vst.idx.add.f32.msk $0xffff, v33  }
0x1a8: {  	v40 =	vor.u32 v28, v32;
	v33 =	vld [tilespmem:s16+$0xEC0];
	_ =	sdelay $0x4  }
0x1a9: {  	[tilespmem:v40+s10+$0x0] =	vst.idx.add.f32.msk $0xffff, v33  }
0x1aa: {  	v41 =	vor.u32 v29, v32;
	v33 =	vld [tilespmem:s16+$0xED0];
	_ =	sdelay $0x4  }
0x1ab: {  	[tilespmem:v41+s10+$0x0] =	vst.idx.add.f32.msk $0xffff, v33  }
0x1ac: {  	v42 =	vor.u32 v30, v32;
	v33 =	vld [tilespmem:s16+$0xEE0];
	_ =	sdelay $0x3  }
0x1ad: {  	s18 =	sor.u32 $0x6, s15  }
0x1ae: {  	v43 =	vmov s18;
	[tilespmem:v42+s10+$0x0] =	vst.idx.add.f32.msk $0xffff, v33  }
0x1af: {  	v32 =	vor.u32 v31, v32;
	v33 =	vbroadcast v43, $0x0;
	v34 =	vld [tilespmem:s16+$0xEF0];
	_ =	sdelay $0x4  }
0x1b0: {  	[tilespmem:v32+s10+$0x0] =	vst.idx.add.f32.msk $0xffff, v34  }
0x1b1: {  	v32 =	vld.idx.msk [tilespmem:v33+s8+$0x0], $0xffff;
	_ =	sdelay $0x4  }
0x1b2: {  	v32 =	vshll.u32 v32, $0x9  }
0x1b3: {  	v44 =	vld [tilespmem:s16+$0x300];
	v45 =	vor.u32 v0, v32;
	_ =	sdelay $0x4  }
0x1b4: {  	[tilespmem:v45+s10+$0x0] =	vst.idx.add.f32.msk $0xffff, v44  }
0x1b5: {  	v46 =	vor.u32 v1, v32;
	v33 =	vld [tilespmem:s16+$0x310];
	_ =	sdelay $0x4  }
0x1b6: {  	[tilespmem:v46+s10+$0x0] =	vst.idx.add.f32.msk $0xffff, v33  }
0x1b7: {  	v47 =	vor.u32 v2, v32;
	v33 =	vld [tilespmem:s16+$0x320];
	_ =	sdelay $0x4  }
0x1b8: {  	[tilespmem:v47+s10+$0x0] =	vst.idx.add.f32.msk $0xffff, v33  }
0x1b9: {  	v48 =	vor.u32 v3, v32;
	v33 =	vld [tilespmem:s16+$0x330];
	_ =	sdelay $0x4  }
0x1ba: {  	[tilespmem:v48+s10+$0x0] =	vst.idx.add.f32.msk $0xffff, v33  }
0x1bb: {  	v49 =	vor.u32 v4, v32;
	v33 =	vld [tilespmem:s16+$0x340];
	_ =	sdelay $0x4  }
0x1bc: {  	[tilespmem:v49+s10+$0x0] =	vst.idx.add.f32.msk $0xffff, v33  }
0x1bd: {  	v50 =	vor.u32 v5, v32;
	v33 =	vld [tilespmem:s16+$0x350];
	_ =	sdelay $0x4  }
0x1be: {  	[tilespmem:v50+s10+$0x0] =	vst.idx.add.f32.msk $0xffff, v33  }
0x1bf: {  	v51 =	vor.u32 v6, v32;
	v33 =	vld [tilespmem:s16+$0x360];
	_ =	sdelay $0x4  }
0x1c0: {  	[tilespmem:v51+s10+$0x0] =	vst.idx.add.f32.msk $0xffff, v33  }
0x1c1: {  	v52 =	vor.u32 v7, v32;
	v33 =	vld [tilespmem:s16+$0x370];
	_ =	sdelay $0x4  }
0x1c2: {  	[tilespmem:v52+s10+$0x0] =	vst.idx.add.f32.msk $0xffff, v33  }
0x1c3: {  	v53 =	vor.u32 v8, v32;
	v33 =	vld [tilespmem:s16+$0x700];
	_ =	sdelay $0x4  }
0x1c4: {  	[tilespmem:v53+s10+$0x0] =	vst.idx.add.f32.msk $0xffff, v33  }
0x1c5: {  	v54 =	vor.u32 v9, v32;
	v33 =	vld [tilespmem:s16+$0x710];
	_ =	sdelay $0x4  }
0x1c6: {  	[tilespmem:v54+s10+$0x0] =	vst.idx.add.f32.msk $0xffff, v33  }
0x1c7: {  	v55 =	vor.u32 v10, v32;
	v33 =	vld [tilespmem:s16+$0x720];
	_ =	sdelay $0x4  }
0x1c8: {  	[tilespmem:v55+s10+$0x0] =	vst.idx.add.f32.msk $0xffff, v33  }
0x1c9: {  	v56 =	vor.u32 v11, v32;
	v33 =	vld [tilespmem:s16+$0x730];
	_ =	sdelay $0x4  }
0x1ca: {  	[tilespmem:v56+s10+$0x0] =	vst.idx.add.f32.msk $0xffff, v33  }
0x1cb: {  	v57 =	vor.u32 v12, v32;
	v33 =	vld [tilespmem:s16+$0x740];
	_ =	sdelay $0x4  }
0x1cc: {  	[tilespmem:v57+s10+$0x0] =	vst.idx.add.f32.msk $0xffff, v33  }
0x1cd: {  	v58 =	vor.u32 v13, v32;
	v33 =	vld [tilespmem:s16+$0x750];
	_ =	sdelay $0x4  }
0x1ce: {  	[tilespmem:v58+s10+$0x0] =	vst.idx.add.f32.msk $0xffff, v33  }
0x1cf: {  	v59 =	vor.u32 v14, v32;
	v33 =	vld [tilespmem:s16+$0x760];
	_ =	sdelay $0x4  }
0x1d0: {  	[tilespmem:v59+s10+$0x0] =	vst.idx.add.f32.msk $0xffff, v33  }
0x1d1: {  	v60 =	vor.u32 v15, v32;
	v33 =	vld [tilespmem:s16+$0x770];
	_ =	sdelay $0x4  }
0x1d2: {  	[tilespmem:v60+s10+$0x0] =	vst.idx.add.f32.msk $0xffff, v33  }
0x1d3: {  	v61 =	vor.u32 v16, v32;
	v33 =	vld [tilespmem:s16+$0xB00];
	_ =	sdelay $0x4  }
0x1d4: {  	[tilespmem:v61+s10+$0x0] =	vst.idx.add.f32.msk $0xffff, v33  }
0x1d5: {  	v62 =	vor.u32 v17, v32;
	v33 =	vld [tilespmem:s16+$0xB10];
	_ =	sdelay $0x4  }
0x1d6: {  	[tilespmem:v62+s10+$0x0] =	vst.idx.add.f32.msk $0xffff, v33  }
0x1d7: {  	v63 =	vor.u32 v18, v32;
	v33 =	vld [tilespmem:s16+$0xB20];
	_ =	sdelay $0x4  }
0x1d8: {  	[tilespmem:v63+s10+$0x0] =	vst.idx.add.f32.msk $0xffff, v33  }
0x1d9: {  	v36 =	vor.u32 v19, v32;
	v33 =	vld [tilespmem:s16+$0xB30];
	_ =	sdelay $0x4  }
0x1da: {  	[tilespmem:v36+s10+$0x0] =	vst.idx.add.f32.msk $0xffff, v33  }
0x1db: {  	v37 =	vor.u32 v20, v32;
	v33 =	vld [tilespmem:s16+$0xB40];
	_ =	sdelay $0x4  }
0x1dc: {  	[tilespmem:v37+s10+$0x0] =	vst.idx.add.f32.msk $0xffff, v33  }
0x1dd: {  	v38 =	vor.u32 v21, v32;
	v33 =	vld [tilespmem:s16+$0xB50];
	_ =	sdelay $0x4  }
0x1de: {  	[tilespmem:v38+s10+$0x0] =	vst.idx.add.f32.msk $0xffff, v33  }
0x1df: {  	v39 =	vor.u32 v22, v32;
	v33 =	vld [tilespmem:s16+$0xB60];
	_ =	sdelay $0x4  }
0x1e0: {  	[tilespmem:v39+s10+$0x0] =	vst.idx.add.f32.msk $0xffff, v33  }
0x1e1: {  	v40 =	vor.u32 v23, v32;
	v33 =	vld [tilespmem:s16+$0xB70];
	_ =	sdelay $0x4  }
0x1e2: {  	[tilespmem:v40+s10+$0x0] =	vst.idx.add.f32.msk $0xffff, v33  }
0x1e3: {  	v41 =	vor.u32 v24, v32;
	v33 =	vld [tilespmem:s16+$0xF00];
	_ =	sdelay $0x4  }
0x1e4: {  	[tilespmem:v41+s10+$0x0] =	vst.idx.add.f32.msk $0xffff, v33  }
0x1e5: {  	v42 =	vor.u32 v25, v32;
	v33 =	vld [tilespmem:s16+$0xF10];
	_ =	sdelay $0x4  }
0x1e6: {  	[tilespmem:v42+s10+$0x0] =	vst.idx.add.f32.msk $0xffff, v33  }
0x1e7: {  	v43 =	vor.u32 v26, v32;
	v33 =	vld [tilespmem:s16+$0xF20];
	_ =	sdelay $0x4  }
0x1e8: {  	[tilespmem:v43+s10+$0x0] =	vst.idx.add.f32.msk $0xffff, v33  }
0x1e9: {  	v44 =	vor.u32 v27, v32;
	v33 =	vld [tilespmem:s16+$0xF30];
	_ =	sdelay $0x4  }
0x1ea: {  	[tilespmem:v44+s10+$0x0] =	vst.idx.add.f32.msk $0xffff, v33  }
0x1eb: {  	v45 =	vor.u32 v28, v32;
	v33 =	vld [tilespmem:s16+$0xF40];
	_ =	sdelay $0x4  }
0x1ec: {  	[tilespmem:v45+s10+$0x0] =	vst.idx.add.f32.msk $0xffff, v33  }
0x1ed: {  	v46 =	vor.u32 v29, v32;
	v33 =	vld [tilespmem:s16+$0xF50];
	_ =	sdelay $0x4  }
0x1ee: {  	[tilespmem:v46+s10+$0x0] =	vst.idx.add.f32.msk $0xffff, v33  }
0x1ef: {  	v47 =	vor.u32 v30, v32;
	v33 =	vld [tilespmem:s16+$0xF60];
	_ =	sdelay $0x3  }
0x1f0: {  	s19 =	sor.u32 $0x7, s15  }
0x1f1: {  	v48 =	vmov s19;
	[tilespmem:v47+s10+$0x0] =	vst.idx.add.f32.msk $0xffff, v33  }
0x1f2: {  	v32 =	vor.u32 v31, v32;
	v33 =	vbroadcast v48, $0x0;
	v34 =	vld [tilespmem:s16+$0xF70];
	_ =	sdelay $0x4  }
0x1f3: {  	[tilespmem:v32+s10+$0x0] =	vst.idx.add.f32.msk $0xffff, v34  }
0x1f4: {  	v32 =	vld.idx.msk [tilespmem:v33+s8+$0x0], $0xffff;
	_ =	sdelay $0x4  }
0x1f5: {  	v32 =	vshll.u32 v32, $0x9  }
0x1f6: {  	v49 =	vld [tilespmem:s16+$0x380];
	v50 =	vor.u32 v0, v32;
	_ =	sdelay $0x4  }
0x1f7: {  	[tilespmem:v50+s10+$0x0] =	vst.idx.add.f32.msk $0xffff, v49  }
0x1f8: {  	v51 =	vor.u32 v1, v32;
	v33 =	vld [tilespmem:s16+$0x390];
	_ =	sdelay $0x4  }
0x1f9: {  	[tilespmem:v51+s10+$0x0] =	vst.idx.add.f32.msk $0xffff, v33  }
0x1fa: {  	v52 =	vor.u32 v2, v32;
	v33 =	vld [tilespmem:s16+$0x3A0];
	_ =	sdelay $0x4  }
0x1fb: {  	[tilespmem:v52+s10+$0x0] =	vst.idx.add.f32.msk $0xffff, v33  }
0x1fc: {  	v53 =	vor.u32 v3, v32;
	v33 =	vld [tilespmem:s16+$0x3B0];
	_ =	sdelay $0x4  }
0x1fd: {  	[tilespmem:v53+s10+$0x0] =	vst.idx.add.f32.msk $0xffff, v33  }
0x1fe: {  	v54 =	vor.u32 v4, v32;
	v33 =	vld [tilespmem:s16+$0x3C0];
	_ =	sdelay $0x4  }
0x1ff: {  	[tilespmem:v54+s10+$0x0] =	vst.idx.add.f32.msk $0xffff, v33  }
0x200: {  	v55 =	vor.u32 v5, v32;
	v33 =	vld [tilespmem:s16+$0x3D0];
	_ =	sdelay $0x4  }
0x201: {  	[tilespmem:v55+s10+$0x0] =	vst.idx.add.f32.msk $0xffff, v33  }
0x202: {  	v56 =	vor.u32 v6, v32;
	v33 =	vld [tilespmem:s16+$0x3E0];
	_ =	sdelay $0x4  }
0x203: {  	[tilespmem:v56+s10+$0x0] =	vst.idx.add.f32.msk $0xffff, v33  }
0x204: {  	v57 =	vor.u32 v7, v32;
	v33 =	vld [tilespmem:s16+$0x3F0];
	_ =	sdelay $0x4  }
0x205: {  	[tilespmem:v57+s10+$0x0] =	vst.idx.add.f32.msk $0xffff, v33  }
0x206: {  	v58 =	vor.u32 v8, v32;
	v33 =	vld [tilespmem:s16+$0x780];
	_ =	sdelay $0x4  }
0x207: {  	[tilespmem:v58+s10+$0x0] =	vst.idx.add.f32.msk $0xffff, v33  }
0x208: {  	v59 =	vor.u32 v9, v32;
	v33 =	vld [tilespmem:s16+$0x790];
	_ =	sdelay $0x4  }
0x209: {  	[tilespmem:v59+s10+$0x0] =	vst.idx.add.f32.msk $0xffff, v33  }
0x20a: {  	v60 =	vor.u32 v10, v32;
	v33 =	vld [tilespmem:s16+$0x7A0];
	_ =	sdelay $0x4  }
0x20b: {  	[tilespmem:v60+s10+$0x0] =	vst.idx.add.f32.msk $0xffff, v33  }
0x20c: {  	v61 =	vor.u32 v11, v32;
	v33 =	vld [tilespmem:s16+$0x7B0];
	_ =	sdelay $0x4  }
0x20d: {  	[tilespmem:v61+s10+$0x0] =	vst.idx.add.f32.msk $0xffff, v33  }
0x20e: {  	v62 =	vor.u32 v12, v32;
	v33 =	vld [tilespmem:s16+$0x7C0];
	_ =	sdelay $0x4  }
0x20f: {  	[tilespmem:v62+s10+$0x0] =	vst.idx.add.f32.msk $0xffff, v33  }
0x210: {  	v63 =	vor.u32 v13, v32;
	v33 =	vld [tilespmem:s16+$0x7D0];
	_ =	sdelay $0x4  }
0x211: {  	[tilespmem:v63+s10+$0x0] =	vst.idx.add.f32.msk $0xffff, v33  }
0x212: {  	v36 =	vor.u32 v14, v32;
	v33 =	vld [tilespmem:s16+$0x7E0];
	_ =	sdelay $0x4  }
0x213: {  	[tilespmem:v36+s10+$0x0] =	vst.idx.add.f32.msk $0xffff, v33  }
0x214: {  	v37 =	vor.u32 v15, v32;
	v33 =	vld [tilespmem:s16+$0x7F0];
	_ =	sdelay $0x4  }
0x215: {  	[tilespmem:v37+s10+$0x0] =	vst.idx.add.f32.msk $0xffff, v33  }
0x216: {  	v38 =	vor.u32 v16, v32;
	v33 =	vld [tilespmem:s16+$0xB80];
	_ =	sdelay $0x4  }
0x217: {  	[tilespmem:v38+s10+$0x0] =	vst.idx.add.f32.msk $0xffff, v33  }
0x218: {  	v39 =	vor.u32 v17, v32;
	v33 =	vld [tilespmem:s16+$0xB90];
	_ =	sdelay $0x4  }
0x219: {  	[tilespmem:v39+s10+$0x0] =	vst.idx.add.f32.msk $0xffff, v33  }
0x21a: {  	v40 =	vor.u32 v18, v32;
	v33 =	vld [tilespmem:s16+$0xBA0];
	_ =	sdelay $0x4  }
0x21b: {  	[tilespmem:v40+s10+$0x0] =	vst.idx.add.f32.msk $0xffff, v33  }
0x21c: {  	v41 =	vor.u32 v19, v32;
	v33 =	vld [tilespmem:s16+$0xBB0];
	_ =	sdelay $0x4  }
0x21d: {  	[tilespmem:v41+s10+$0x0] =	vst.idx.add.f32.msk $0xffff, v33  }
0x21e: {  	v42 =	vor.u32 v20, v32;
	v33 =	vld [tilespmem:s16+$0xBC0];
	_ =	sdelay $0x4  }
0x21f: {  	[tilespmem:v42+s10+$0x0] =	vst.idx.add.f32.msk $0xffff, v33  }
0x220: {  	v43 =	vor.u32 v21, v32;
	v33 =	vld [tilespmem:s16+$0xBD0];
	_ =	sdelay $0x4  }
0x221: {  	[tilespmem:v43+s10+$0x0] =	vst.idx.add.f32.msk $0xffff, v33  }
0x222: {  	v44 =	vor.u32 v22, v32;
	v33 =	vld [tilespmem:s16+$0xBE0];
	_ =	sdelay $0x4  }
0x223: {  	[tilespmem:v44+s10+$0x0] =	vst.idx.add.f32.msk $0xffff, v33  }
0x224: {  	v45 =	vor.u32 v23, v32;
	v33 =	vld [tilespmem:s16+$0xBF0];
	_ =	sdelay $0x4  }
0x225: {  	[tilespmem:v45+s10+$0x0] =	vst.idx.add.f32.msk $0xffff, v33  }
0x226: {  	v46 =	vor.u32 v24, v32;
	v33 =	vld [tilespmem:s16+$0xF80];
	_ =	sdelay $0x4  }
0x227: {  	[tilespmem:v46+s10+$0x0] =	vst.idx.add.f32.msk $0xffff, v33  }
0x228: {  	v47 =	vor.u32 v25, v32;
	v33 =	vld [tilespmem:s16+$0xF90];
	_ =	sdelay $0x4  }
0x229: {  	[tilespmem:v47+s10+$0x0] =	vst.idx.add.f32.msk $0xffff, v33  }
0x22a: {  	v48 =	vor.u32 v26, v32;
	v33 =	vld [tilespmem:s16+$0xFA0];
	_ =	sdelay $0x4  }
0x22b: {  	[tilespmem:v48+s10+$0x0] =	vst.idx.add.f32.msk $0xffff, v33  }
0x22c: {  	v49 =	vor.u32 v27, v32;
	v33 =	vld [tilespmem:s16+$0xFB0];
	_ =	sdelay $0x4  }
0x22d: {  	[tilespmem:v49+s10+$0x0] =	vst.idx.add.f32.msk $0xffff, v33  }
0x22e: {  	v50 =	vor.u32 v28, v32;
	v33 =	vld [tilespmem:s16+$0xFC0];
	_ =	sdelay $0x4  }
0x22f: {  	[tilespmem:v50+s10+$0x0] =	vst.idx.add.f32.msk $0xffff, v33  }
0x230: {  	v51 =	vor.u32 v29, v32;
	v33 =	vld [tilespmem:s16+$0xFD0];
	_ =	sdelay $0x4  }
0x231: {  	[tilespmem:v51+s10+$0x0] =	vst.idx.add.f32.msk $0xffff, v33  }
0x232: {  	v52 =	vor.u32 v30, v32;
	v33 =	vld [tilespmem:s16+$0xFE0];
	_ =	sdelay $0x3  }
0x233: {  	s20 =	sor.u32 $0x8, s15  }
0x234: {  	v53 =	vmov s20;
	[tilespmem:v52+s10+$0x0] =	vst.idx.add.f32.msk $0xffff, v33  }
0x235: {  	v32 =	vor.u32 v31, v32;
	v33 =	vbroadcast v53, $0x0;
	v34 =	vld [tilespmem:s16+$0xFF0];
	_ =	sdelay $0x4  }
0x236: {  	[tilespmem:v32+s10+$0x0] =	vst.idx.add.f32.msk $0xffff, v34  }
0x237: {  	v32 =	vld.idx.msk [tilespmem:v33+s8+$0x0], $0xffff;
	_ =	sdelay $0x3  }
0x238: {  	s21 =	sshll.u32 s20, $0x9  }
0x239: {  	s16 =	sand.u32 $0x3FFFF000, s21;
	v32 =	vshll.u32 v32, $0x9  }
0x23a: {  	v54 =	vld [tilespmem:s16+$0x0];
	v55 =	vor.u32 v0, v32;
	_ =	sdelay $0x4  }
0x23b: {  	[tilespmem:v55+s10+$0x0] =	vst.idx.add.f32.msk $0xffff, v54  }
0x23c: {  	v56 =	vor.u32 v1, v32;
	v33 =	vld [tilespmem:s16+$0x10];
	_ =	sdelay $0x4  }
0x23d: {  	[tilespmem:v56+s10+$0x0] =	vst.idx.add.f32.msk $0xffff, v33  }
0x23e: {  	v57 =	vor.u32 v2, v32;
	v33 =	vld [tilespmem:s16+$0x20];
	_ =	sdelay $0x4  }
0x23f: {  	[tilespmem:v57+s10+$0x0] =	vst.idx.add.f32.msk $0xffff, v33  }
0x240: {  	v58 =	vor.u32 v3, v32;
	v33 =	vld [tilespmem:s16+$0x30];
	_ =	sdelay $0x4  }
0x241: {  	[tilespmem:v58+s10+$0x0] =	vst.idx.add.f32.msk $0xffff, v33  }
0x242: {  	v59 =	vor.u32 v4, v32;
	v33 =	vld [tilespmem:s16+$0x40];
	_ =	sdelay $0x4  }
0x243: {  	[tilespmem:v59+s10+$0x0] =	vst.idx.add.f32.msk $0xffff, v33  }
0x244: {  	v60 =	vor.u32 v5, v32;
	v33 =	vld [tilespmem:s16+$0x50];
	_ =	sdelay $0x4  }
0x245: {  	[tilespmem:v60+s10+$0x0] =	vst.idx.add.f32.msk $0xffff, v33  }
0x246: {  	v61 =	vor.u32 v6, v32;
	v33 =	vld [tilespmem:s16+$0x60];
	_ =	sdelay $0x4  }
0x247: {  	[tilespmem:v61+s10+$0x0] =	vst.idx.add.f32.msk $0xffff, v33  }
0x248: {  	v62 =	vor.u32 v7, v32;
	v33 =	vld [tilespmem:s16+$0x70];
	_ =	sdelay $0x4  }
0x249: {  	[tilespmem:v62+s10+$0x0] =	vst.idx.add.f32.msk $0xffff, v33  }
0x24a: {  	v63 =	vor.u32 v8, v32;
	v33 =	vld [tilespmem:s16+$0x400];
	_ =	sdelay $0x4  }
0x24b: {  	[tilespmem:v63+s10+$0x0] =	vst.idx.add.f32.msk $0xffff, v33  }
0x24c: {  	v36 =	vor.u32 v9, v32;
	v33 =	vld [tilespmem:s16+$0x410];
	_ =	sdelay $0x4  }
0x24d: {  	[tilespmem:v36+s10+$0x0] =	vst.idx.add.f32.msk $0xffff, v33  }
0x24e: {  	v37 =	vor.u32 v10, v32;
	v33 =	vld [tilespmem:s16+$0x420];
	_ =	sdelay $0x4  }
0x24f: {  	[tilespmem:v37+s10+$0x0] =	vst.idx.add.f32.msk $0xffff, v33  }
0x250: {  	v38 =	vor.u32 v11, v32;
	v33 =	vld [tilespmem:s16+$0x430];
	_ =	sdelay $0x4  }
0x251: {  	[tilespmem:v38+s10+$0x0] =	vst.idx.add.f32.msk $0xffff, v33  }
0x252: {  	v39 =	vor.u32 v12, v32;
	v33 =	vld [tilespmem:s16+$0x440];
	_ =	sdelay $0x4  }
0x253: {  	[tilespmem:v39+s10+$0x0] =	vst.idx.add.f32.msk $0xffff, v33  }
0x254: {  	v40 =	vor.u32 v13, v32;
	v33 =	vld [tilespmem:s16+$0x450];
	_ =	sdelay $0x4  }
0x255: {  	[tilespmem:v40+s10+$0x0] =	vst.idx.add.f32.msk $0xffff, v33  }
0x256: {  	v41 =	vor.u32 v14, v32;
	v33 =	vld [tilespmem:s16+$0x460];
	_ =	sdelay $0x4  }
0x257: {  	[tilespmem:v41+s10+$0x0] =	vst.idx.add.f32.msk $0xffff, v33  }
0x258: {  	v42 =	vor.u32 v15, v32;
	v33 =	vld [tilespmem:s16+$0x470];
	_ =	sdelay $0x4  }
0x259: {  	[tilespmem:v42+s10+$0x0] =	vst.idx.add.f32.msk $0xffff, v33  }
0x25a: {  	v43 =	vor.u32 v16, v32;
	v33 =	vld [tilespmem:s16+$0x800];
	_ =	sdelay $0x4  }
0x25b: {  	[tilespmem:v43+s10+$0x0] =	vst.idx.add.f32.msk $0xffff, v33  }
0x25c: {  	v44 =	vor.u32 v17, v32;
	v33 =	vld [tilespmem:s16+$0x810];
	_ =	sdelay $0x4  }
0x25d: {  	[tilespmem:v44+s10+$0x0] =	vst.idx.add.f32.msk $0xffff, v33  }
0x25e: {  	v45 =	vor.u32 v18, v32;
	v33 =	vld [tilespmem:s16+$0x820];
	_ =	sdelay $0x4  }
0x25f: {  	[tilespmem:v45+s10+$0x0] =	vst.idx.add.f32.msk $0xffff, v33  }
0x260: {  	v46 =	vor.u32 v19, v32;
	v33 =	vld [tilespmem:s16+$0x830];
	_ =	sdelay $0x4  }
0x261: {  	[tilespmem:v46+s10+$0x0] =	vst.idx.add.f32.msk $0xffff, v33  }
0x262: {  	v47 =	vor.u32 v20, v32;
	v33 =	vld [tilespmem:s16+$0x840];
	_ =	sdelay $0x4  }
0x263: {  	[tilespmem:v47+s10+$0x0] =	vst.idx.add.f32.msk $0xffff, v33  }
0x264: {  	v48 =	vor.u32 v21, v32;
	v33 =	vld [tilespmem:s16+$0x850];
	_ =	sdelay $0x4  }
0x265: {  	[tilespmem:v48+s10+$0x0] =	vst.idx.add.f32.msk $0xffff, v33  }
0x266: {  	v49 =	vor.u32 v22, v32;
	v33 =	vld [tilespmem:s16+$0x860];
	_ =	sdelay $0x4  }
0x267: {  	[tilespmem:v49+s10+$0x0] =	vst.idx.add.f32.msk $0xffff, v33  }
0x268: {  	v50 =	vor.u32 v23, v32;
	v33 =	vld [tilespmem:s16+$0x870];
	_ =	sdelay $0x4  }
0x269: {  	[tilespmem:v50+s10+$0x0] =	vst.idx.add.f32.msk $0xffff, v33  }
0x26a: {  	v51 =	vor.u32 v24, v32;
	v33 =	vld [tilespmem:s16+$0xC00];
	_ =	sdelay $0x4  }
0x26b: {  	[tilespmem:v51+s10+$0x0] =	vst.idx.add.f32.msk $0xffff, v33  }
0x26c: {  	v52 =	vor.u32 v25, v32;
	v33 =	vld [tilespmem:s16+$0xC10];
	_ =	sdelay $0x4  }
0x26d: {  	[tilespmem:v52+s10+$0x0] =	vst.idx.add.f32.msk $0xffff, v33  }
0x26e: {  	v53 =	vor.u32 v26, v32;
	v33 =	vld [tilespmem:s16+$0xC20];
	_ =	sdelay $0x4  }
0x26f: {  	[tilespmem:v53+s10+$0x0] =	vst.idx.add.f32.msk $0xffff, v33  }
0x270: {  	v54 =	vor.u32 v27, v32;
	v33 =	vld [tilespmem:s16+$0xC30];
	_ =	sdelay $0x4  }
0x271: {  	[tilespmem:v54+s10+$0x0] =	vst.idx.add.f32.msk $0xffff, v33  }
0x272: {  	v55 =	vor.u32 v28, v32;
	v33 =	vld [tilespmem:s16+$0xC40];
	_ =	sdelay $0x4  }
0x273: {  	[tilespmem:v55+s10+$0x0] =	vst.idx.add.f32.msk $0xffff, v33  }
0x274: {  	v56 =	vor.u32 v29, v32;
	v33 =	vld [tilespmem:s16+$0xC50];
	_ =	sdelay $0x4  }
0x275: {  	[tilespmem:v56+s10+$0x0] =	vst.idx.add.f32.msk $0xffff, v33  }
0x276: {  	v57 =	vor.u32 v30, v32;
	v33 =	vld [tilespmem:s16+$0xC60];
	_ =	sdelay $0x3  }
0x277: {  	s22 =	sor.u32 $0x9, s15  }
0x278: {  	v58 =	vmov s22;
	[tilespmem:v57+s10+$0x0] =	vst.idx.add.f32.msk $0xffff, v33  }
0x279: {  	v32 =	vor.u32 v31, v32;
	v33 =	vbroadcast v58, $0x0;
	v34 =	vld [tilespmem:s16+$0xC70];
	_ =	sdelay $0x4  }
0x27a: {  	[tilespmem:v32+s10+$0x0] =	vst.idx.add.f32.msk $0xffff, v34  }
0x27b: {  	v32 =	vld.idx.msk [tilespmem:v33+s8+$0x0], $0xffff;
	_ =	sdelay $0x3  }
0x27c: {  	s23 =	sshll.u32 s22, $0x9  }
0x27d: {  	s16 =	sand.u32 $0xF000, s23;
	v32 =	vshll.u32 v32, $0x9  }
0x27e: {  	v59 =	vld [tilespmem:s16+$0x80];
	v60 =	vor.u32 v0, v32;
	_ =	sdelay $0x4  }
0x27f: {  	[tilespmem:v60+s10+$0x0] =	vst.idx.add.f32.msk $0xffff, v59  }
0x280: {  	v61 =	vor.u32 v1, v32;
	v33 =	vld [tilespmem:s16+$0x90];
	_ =	sdelay $0x4  }
0x281: {  	[tilespmem:v61+s10+$0x0] =	vst.idx.add.f32.msk $0xffff, v33  }
0x282: {  	v62 =	vor.u32 v2, v32;
	v33 =	vld [tilespmem:s16+$0xA0];
	_ =	sdelay $0x4  }
0x283: {  	[tilespmem:v62+s10+$0x0] =	vst.idx.add.f32.msk $0xffff, v33  }
0x284: {  	v63 =	vor.u32 v3, v32;
	v33 =	vld [tilespmem:s16+$0xB0];
	_ =	sdelay $0x4  }
0x285: {  	[tilespmem:v63+s10+$0x0] =	vst.idx.add.f32.msk $0xffff, v33  }
0x286: {  	v36 =	vor.u32 v4, v32;
	v33 =	vld [tilespmem:s16+$0xC0];
	_ =	sdelay $0x4  }
0x287: {  	[tilespmem:v36+s10+$0x0] =	vst.idx.add.f32.msk $0xffff, v33  }
0x288: {  	v37 =	vor.u32 v5, v32;
	v33 =	vld [tilespmem:s16+$0xD0];
	_ =	sdelay $0x4  }
0x289: {  	[tilespmem:v37+s10+$0x0] =	vst.idx.add.f32.msk $0xffff, v33  }
0x28a: {  	v38 =	vor.u32 v6, v32;
	v33 =	vld [tilespmem:s16+$0xE0];
	_ =	sdelay $0x4  }
0x28b: {  	[tilespmem:v38+s10+$0x0] =	vst.idx.add.f32.msk $0xffff, v33  }
0x28c: {  	v39 =	vor.u32 v7, v32;
	v33 =	vld [tilespmem:s16+$0xF0];
	_ =	sdelay $0x4  }
0x28d: {  	[tilespmem:v39+s10+$0x0] =	vst.idx.add.f32.msk $0xffff, v33  }
0x28e: {  	v40 =	vor.u32 v8, v32;
	v33 =	vld [tilespmem:s16+$0x480];
	_ =	sdelay $0x4  }
0x28f: {  	[tilespmem:v40+s10+$0x0] =	vst.idx.add.f32.msk $0xffff, v33  }
0x290: {  	v41 =	vor.u32 v9, v32;
	v33 =	vld [tilespmem:s16+$0x490];
	_ =	sdelay $0x4  }
0x291: {  	[tilespmem:v41+s10+$0x0] =	vst.idx.add.f32.msk $0xffff, v33  }
0x292: {  	v42 =	vor.u32 v10, v32;
	v33 =	vld [tilespmem:s16+$0x4A0];
	_ =	sdelay $0x4  }
0x293: {  	[tilespmem:v42+s10+$0x0] =	vst.idx.add.f32.msk $0xffff, v33  }
0x294: {  	v43 =	vor.u32 v11, v32;
	v33 =	vld [tilespmem:s16+$0x4B0];
	_ =	sdelay $0x4  }
0x295: {  	[tilespmem:v43+s10+$0x0] =	vst.idx.add.f32.msk $0xffff, v33  }
0x296: {  	v44 =	vor.u32 v12, v32;
	v33 =	vld [tilespmem:s16+$0x4C0];
	_ =	sdelay $0x4  }
0x297: {  	[tilespmem:v44+s10+$0x0] =	vst.idx.add.f32.msk $0xffff, v33  }
0x298: {  	v45 =	vor.u32 v13, v32;
	v33 =	vld [tilespmem:s16+$0x4D0];
	_ =	sdelay $0x4  }
0x299: {  	[tilespmem:v45+s10+$0x0] =	vst.idx.add.f32.msk $0xffff, v33  }
0x29a: {  	v46 =	vor.u32 v14, v32;
	v33 =	vld [tilespmem:s16+$0x4E0];
	_ =	sdelay $0x4  }
0x29b: {  	[tilespmem:v46+s10+$0x0] =	vst.idx.add.f32.msk $0xffff, v33  }
0x29c: {  	v47 =	vor.u32 v15, v32;
	v33 =	vld [tilespmem:s16+$0x4F0];
	_ =	sdelay $0x4  }
0x29d: {  	[tilespmem:v47+s10+$0x0] =	vst.idx.add.f32.msk $0xffff, v33  }
0x29e: {  	v48 =	vor.u32 v16, v32;
	v33 =	vld [tilespmem:s16+$0x880];
	_ =	sdelay $0x4  }
0x29f: {  	[tilespmem:v48+s10+$0x0] =	vst.idx.add.f32.msk $0xffff, v33  }
0x2a0: {  	v49 =	vor.u32 v17, v32;
	v33 =	vld [tilespmem:s16+$0x890];
	_ =	sdelay $0x4  }
0x2a1: {  	[tilespmem:v49+s10+$0x0] =	vst.idx.add.f32.msk $0xffff, v33  }
0x2a2: {  	v50 =	vor.u32 v18, v32;
	v33 =	vld [tilespmem:s16+$0x8A0];
	_ =	sdelay $0x4  }
0x2a3: {  	[tilespmem:v50+s10+$0x0] =	vst.idx.add.f32.msk $0xffff, v33  }
0x2a4: {  	v51 =	vor.u32 v19, v32;
	v33 =	vld [tilespmem:s16+$0x8B0];
	_ =	sdelay $0x4  }
0x2a5: {  	[tilespmem:v51+s10+$0x0] =	vst.idx.add.f32.msk $0xffff, v33  }
0x2a6: {  	v52 =	vor.u32 v20, v32;
	v33 =	vld [tilespmem:s16+$0x8C0];
	_ =	sdelay $0x4  }
0x2a7: {  	[tilespmem:v52+s10+$0x0] =	vst.idx.add.f32.msk $0xffff, v33  }
0x2a8: {  	v53 =	vor.u32 v21, v32;
	v33 =	vld [tilespmem:s16+$0x8D0];
	_ =	sdelay $0x4  }
0x2a9: {  	[tilespmem:v53+s10+$0x0] =	vst.idx.add.f32.msk $0xffff, v33  }
0x2aa: {  	v54 =	vor.u32 v22, v32;
	v33 =	vld [tilespmem:s16+$0x8E0];
	_ =	sdelay $0x4  }
0x2ab: {  	[tilespmem:v54+s10+$0x0] =	vst.idx.add.f32.msk $0xffff, v33  }
0x2ac: {  	v55 =	vor.u32 v23, v32;
	v33 =	vld [tilespmem:s16+$0x8F0];
	_ =	sdelay $0x4  }
0x2ad: {  	[tilespmem:v55+s10+$0x0] =	vst.idx.add.f32.msk $0xffff, v33  }
0x2ae: {  	v56 =	vor.u32 v24, v32;
	v33 =	vld [tilespmem:s16+$0xC80];
	_ =	sdelay $0x4  }
0x2af: {  	[tilespmem:v56+s10+$0x0] =	vst.idx.add.f32.msk $0xffff, v33  }
0x2b0: {  	v57 =	vor.u32 v25, v32;
	v33 =	vld [tilespmem:s16+$0xC90];
	_ =	sdelay $0x4  }
0x2b1: {  	[tilespmem:v57+s10+$0x0] =	vst.idx.add.f32.msk $0xffff, v33  }
0x2b2: {  	v58 =	vor.u32 v26, v32;
	v33 =	vld [tilespmem:s16+$0xCA0];
	_ =	sdelay $0x4  }
0x2b3: {  	[tilespmem:v58+s10+$0x0] =	vst.idx.add.f32.msk $0xffff, v33  }
0x2b4: {  	v59 =	vor.u32 v27, v32;
	v33 =	vld [tilespmem:s16+$0xCB0];
	_ =	sdelay $0x4  }
0x2b5: {  	[tilespmem:v59+s10+$0x0] =	vst.idx.add.f32.msk $0xffff, v33  }
0x2b6: {  	v60 =	vor.u32 v28, v32;
	v33 =	vld [tilespmem:s16+$0xCC0];
	_ =	sdelay $0x4  }
0x2b7: {  	[tilespmem:v60+s10+$0x0] =	vst.idx.add.f32.msk $0xffff, v33  }
0x2b8: {  	v61 =	vor.u32 v29, v32;
	v33 =	vld [tilespmem:s16+$0xCD0];
	_ =	sdelay $0x4  }
0x2b9: {  	[tilespmem:v61+s10+$0x0] =	vst.idx.add.f32.msk $0xffff, v33  }
0x2ba: {  	v62 =	vor.u32 v30, v32;
	v33 =	vld [tilespmem:s16+$0xCE0];
	_ =	sdelay $0x3  }
0x2bb: {  	s24 =	sor.u32 $0xA, s15  }
0x2bc: {  	v63 =	vmov s24;
	[tilespmem:v62+s10+$0x0] =	vst.idx.add.f32.msk $0xffff, v33  }
0x2bd: {  	v32 =	vor.u32 v31, v32;
	v33 =	vbroadcast v63, $0x0;
	v34 =	vld [tilespmem:s16+$0xCF0];
	_ =	sdelay $0x4  }
0x2be: {  	[tilespmem:v32+s10+$0x0] =	vst.idx.add.f32.msk $0xffff, v34  }
0x2bf: {  	v32 =	vld.idx.msk [tilespmem:v33+s8+$0x0], $0xffff;
	_ =	sdelay $0x3  }
0x2c0: {  	s25 =	sshll.u32 s24, $0x9  }
0x2c1: {  	s17 =	sand.u32 $0xF000, s25;
	v32 =	vshll.u32 v32, $0x9  }
0x2c2: {  	v36 =	vld [tilespmem:s17+$0x100];
	v37 =	vor.u32 v0, v32;
	_ =	sdelay $0x4  }
0x2c3: {  	[tilespmem:v37+s10+$0x0] =	vst.idx.add.f32.msk $0xffff, v36  }
0x2c4: {  	v38 =	vor.u32 v1, v32;
	v33 =	vld [tilespmem:s17+$0x110];
	_ =	sdelay $0x4  }
0x2c5: {  	[tilespmem:v38+s10+$0x0] =	vst.idx.add.f32.msk $0xffff, v33  }
0x2c6: {  	v39 =	vor.u32 v2, v32;
	v33 =	vld [tilespmem:s17+$0x120];
	_ =	sdelay $0x4  }
0x2c7: {  	[tilespmem:v39+s10+$0x0] =	vst.idx.add.f32.msk $0xffff, v33  }
0x2c8: {  	v40 =	vor.u32 v3, v32;
	v33 =	vld [tilespmem:s17+$0x130];
	_ =	sdelay $0x4  }
0x2c9: {  	[tilespmem:v40+s10+$0x0] =	vst.idx.add.f32.msk $0xffff, v33  }
0x2ca: {  	v41 =	vor.u32 v4, v32;
	v33 =	vld [tilespmem:s17+$0x140];
	_ =	sdelay $0x4  }
0x2cb: {  	[tilespmem:v41+s10+$0x0] =	vst.idx.add.f32.msk $0xffff, v33  }
0x2cc: {  	v42 =	vor.u32 v5, v32;
	v33 =	vld [tilespmem:s17+$0x150];
	_ =	sdelay $0x4  }
0x2cd: {  	[tilespmem:v42+s10+$0x0] =	vst.idx.add.f32.msk $0xffff, v33  }
0x2ce: {  	v43 =	vor.u32 v6, v32;
	v33 =	vld [tilespmem:s17+$0x160];
	_ =	sdelay $0x4  }
0x2cf: {  	[tilespmem:v43+s10+$0x0] =	vst.idx.add.f32.msk $0xffff, v33  }
0x2d0: {  	v44 =	vor.u32 v7, v32;
	v33 =	vld [tilespmem:s17+$0x170];
	_ =	sdelay $0x4  }
0x2d1: {  	[tilespmem:v44+s10+$0x0] =	vst.idx.add.f32.msk $0xffff, v33  }
0x2d2: {  	v45 =	vor.u32 v8, v32;
	v33 =	vld [tilespmem:s25+$0x100];
	_ =	sdelay $0x4  }
0x2d3: {  	[tilespmem:v45+s10+$0x0] =	vst.idx.add.f32.msk $0xffff, v33  }
0x2d4: {  	v46 =	vor.u32 v9, v32;
	v33 =	vld [tilespmem:s25+$0x110];
	_ =	sdelay $0x4  }
0x2d5: {  	[tilespmem:v46+s10+$0x0] =	vst.idx.add.f32.msk $0xffff, v33  }
0x2d6: {  	v47 =	vor.u32 v10, v32;
	v33 =	vld [tilespmem:s25+$0x120];
	_ =	sdelay $0x4  }
0x2d7: {  	[tilespmem:v47+s10+$0x0] =	vst.idx.add.f32.msk $0xffff, v33  }
0x2d8: {  	v48 =	vor.u32 v11, v32;
	v33 =	vld [tilespmem:s25+$0x130];
	_ =	sdelay $0x4  }
0x2d9: {  	[tilespmem:v48+s10+$0x0] =	vst.idx.add.f32.msk $0xffff, v33  }
0x2da: {  	v49 =	vor.u32 v12, v32;
	v33 =	vld [tilespmem:s25+$0x140];
	_ =	sdelay $0x4  }
0x2db: {  	[tilespmem:v49+s10+$0x0] =	vst.idx.add.f32.msk $0xffff, v33  }
0x2dc: {  	v50 =	vor.u32 v13, v32;
	v33 =	vld [tilespmem:s25+$0x150];
	_ =	sdelay $0x4  }
0x2dd: {  	[tilespmem:v50+s10+$0x0] =	vst.idx.add.f32.msk $0xffff, v33  }
0x2de: {  	v51 =	vor.u32 v14, v32;
	v33 =	vld [tilespmem:s25+$0x160];
	_ =	sdelay $0x4  }
0x2df: {  	[tilespmem:v51+s10+$0x0] =	vst.idx.add.f32.msk $0xffff, v33  }
0x2e0: {  	v52 =	vor.u32 v15, v32;
	v33 =	vld [tilespmem:s25+$0x170];
	_ =	sdelay $0x4  }
0x2e1: {  	[tilespmem:v52+s10+$0x0] =	vst.idx.add.f32.msk $0xffff, v33  }
0x2e2: {  	v53 =	vor.u32 v16, v32;
	v33 =	vld [tilespmem:s17+$0x900];
	_ =	sdelay $0x4  }
0x2e3: {  	[tilespmem:v53+s10+$0x0] =	vst.idx.add.f32.msk $0xffff, v33  }
0x2e4: {  	v54 =	vor.u32 v17, v32;
	v33 =	vld [tilespmem:s17+$0x910];
	_ =	sdelay $0x4  }
0x2e5: {  	[tilespmem:v54+s10+$0x0] =	vst.idx.add.f32.msk $0xffff, v33  }
0x2e6: {  	v55 =	vor.u32 v18, v32;
	v33 =	vld [tilespmem:s17+$0x920];
	_ =	sdelay $0x4  }
0x2e7: {  	[tilespmem:v55+s10+$0x0] =	vst.idx.add.f32.msk $0xffff, v33  }
0x2e8: {  	v56 =	vor.u32 v19, v32;
	v33 =	vld [tilespmem:s17+$0x930];
	_ =	sdelay $0x4  }
0x2e9: {  	[tilespmem:v56+s10+$0x0] =	vst.idx.add.f32.msk $0xffff, v33  }
0x2ea: {  	v57 =	vor.u32 v20, v32;
	v33 =	vld [tilespmem:s17+$0x940];
	_ =	sdelay $0x4  }
0x2eb: {  	[tilespmem:v57+s10+$0x0] =	vst.idx.add.f32.msk $0xffff, v33  }
0x2ec: {  	v58 =	vor.u32 v21, v32;
	v33 =	vld [tilespmem:s17+$0x950];
	_ =	sdelay $0x4  }
0x2ed: {  	[tilespmem:v58+s10+$0x0] =	vst.idx.add.f32.msk $0xffff, v33  }
0x2ee: {  	v59 =	vor.u32 v22, v32;
	v33 =	vld [tilespmem:s17+$0x960];
	_ =	sdelay $0x4  }
0x2ef: {  	[tilespmem:v59+s10+$0x0] =	vst.idx.add.f32.msk $0xffff, v33  }
0x2f0: {  	v60 =	vor.u32 v23, v32;
	v33 =	vld [tilespmem:s17+$0x970];
	_ =	sdelay $0x4  }
0x2f1: {  	s26 =	sor.u32 $0xD00, s25;
	[tilespmem:v60+s10+$0x0] =	vst.idx.add.f32.msk $0xffff, v33  }
0x2f2: {  	v61 =	vor.u32 v24, v32;
	v33 =	vld [tilespmem:s26+$0x0];
	_ =	sdelay $0x4  }
0x2f3: {  	s28 =	sor.u32 $0xD10, s25;
	[tilespmem:v61+s10+$0x0] =	vst.idx.add.f32.msk $0xffff, v33  }
0x2f4: {  	v62 =	vor.u32 v25, v32;
	v33 =	vld [tilespmem:s28+$0x0];
	_ =	sdelay $0x4  }
0x2f5: {  	s29 =	sor.u32 $0xD20, s25;
	[tilespmem:v62+s10+$0x0] =	vst.idx.add.f32.msk $0xffff, v33  }
0x2f6: {  	v63 =	vor.u32 v26, v32;
	v33 =	vld [tilespmem:s29+$0x0];
	_ =	sdelay $0x4  }
0x2f7: {  	s30 =	sor.u32 $0xD30, s25;
	[tilespmem:v63+s10+$0x0] =	vst.idx.add.f32.msk $0xffff, v33  }
0x2f8: {  	v36 =	vor.u32 v27, v32;
	v33 =	vld [tilespmem:s30+$0x0];
	_ =	sdelay $0x4  }
0x2f9: {  	s31 =	sor.u32 $0xD40, s25;
	[tilespmem:v36+s10+$0x0] =	vst.idx.add.f32.msk $0xffff, v33  }
0x2fa: {  	v37 =	vor.u32 v28, v32;
	v33 =	vld [tilespmem:s31+$0x0];
	_ =	sdelay $0x4  }
0x2fb: {  	s18 =	sor.u32 $0xD50, s25;
	[tilespmem:v37+s10+$0x0] =	vst.idx.add.f32.msk $0xffff, v33  }
0x2fc: {  	v38 =	vor.u32 v29, v32;
	v33 =	vld [tilespmem:s18+$0x0];
	_ =	sdelay $0x4  }
0x2fd: {  	s19 =	sor.u32 $0xD60, s25;
	[tilespmem:v38+s10+$0x0] =	vst.idx.add.f32.msk $0xffff, v33  }
0x2fe: {  	v39 =	vor.u32 v30, v32;
	v33 =	vld [tilespmem:s19+$0x0];
	_ =	sdelay $0x3  }
0x2ff: {  	s20 =	sor.u32 $0xB, s15  }
0x300: {  	s16 =	sor.u32 $0xD70, s25;
	v40 =	vmov s20;
	[tilespmem:v39+s10+$0x0] =	vst.idx.add.f32.msk $0xffff, v33  }
0x301: {  	v32 =	vor.u32 v31, v32;
	v33 =	vbroadcast v40, $0x0;
	v34 =	vld [tilespmem:s16+$0x0];
	_ =	sdelay $0x4  }
0x302: {  	[tilespmem:v32+s10+$0x0] =	vst.idx.add.f32.msk $0xffff, v34  }
0x303: {  	v32 =	vld.idx.msk [tilespmem:v33+s8+$0x0], $0xffff;
	_ =	sdelay $0x3  }
0x304: {  	s21 =	sshll.u32 s20, $0x9  }
0x305: {  	s16 =	sand.u32 $0xF000, s21;
	v32 =	vshll.u32 v32, $0x9  }
0x306: {  	v41 =	vld [tilespmem:s16+$0x180];
	v42 =	vor.u32 v0, v32;
	_ =	sdelay $0x4  }
0x307: {  	[tilespmem:v42+s10+$0x0] =	vst.idx.add.f32.msk $0xffff, v41  }
0x308: {  	v43 =	vor.u32 v1, v32;
	v33 =	vld [tilespmem:s16+$0x190];
	_ =	sdelay $0x4  }
0x309: {  	[tilespmem:v43+s10+$0x0] =	vst.idx.add.f32.msk $0xffff, v33  }
0x30a: {  	v44 =	vor.u32 v2, v32;
	v33 =	vld [tilespmem:s16+$0x1A0];
	_ =	sdelay $0x4  }
0x30b: {  	[tilespmem:v44+s10+$0x0] =	vst.idx.add.f32.msk $0xffff, v33  }
0x30c: {  	v45 =	vor.u32 v3, v32;
	v33 =	vld [tilespmem:s16+$0x1B0];
	_ =	sdelay $0x4  }
0x30d: {  	[tilespmem:v45+s10+$0x0] =	vst.idx.add.f32.msk $0xffff, v33  }
0x30e: {  	v46 =	vor.u32 v4, v32;
	v33 =	vld [tilespmem:s16+$0x1C0];
	_ =	sdelay $0x4  }
0x30f: {  	[tilespmem:v46+s10+$0x0] =	vst.idx.add.f32.msk $0xffff, v33  }
0x310: {  	v47 =	vor.u32 v5, v32;
	v33 =	vld [tilespmem:s16+$0x1D0];
	_ =	sdelay $0x4  }
0x311: {  	[tilespmem:v47+s10+$0x0] =	vst.idx.add.f32.msk $0xffff, v33  }
0x312: {  	v48 =	vor.u32 v6, v32;
	v33 =	vld [tilespmem:s16+$0x1E0];
	_ =	sdelay $0x4  }
0x313: {  	[tilespmem:v48+s10+$0x0] =	vst.idx.add.f32.msk $0xffff, v33  }
0x314: {  	v49 =	vor.u32 v7, v32;
	v33 =	vld [tilespmem:s16+$0x1F0];
	_ =	sdelay $0x4  }
0x315: {  	[tilespmem:v49+s10+$0x0] =	vst.idx.add.f32.msk $0xffff, v33  }
0x316: {  	v50 =	vor.u32 v8, v32;
	v33 =	vld [tilespmem:s16+$0x580];
	_ =	sdelay $0x4  }
0x317: {  	[tilespmem:v50+s10+$0x0] =	vst.idx.add.f32.msk $0xffff, v33  }
0x318: {  	v51 =	vor.u32 v9, v32;
	v33 =	vld [tilespmem:s16+$0x590];
	_ =	sdelay $0x4  }
0x319: {  	[tilespmem:v51+s10+$0x0] =	vst.idx.add.f32.msk $0xffff, v33  }
0x31a: {  	v52 =	vor.u32 v10, v32;
	v33 =	vld [tilespmem:s16+$0x5A0];
	_ =	sdelay $0x4  }
0x31b: {  	[tilespmem:v52+s10+$0x0] =	vst.idx.add.f32.msk $0xffff, v33  }
0x31c: {  	v53 =	vor.u32 v11, v32;
	v33 =	vld [tilespmem:s16+$0x5B0];
	_ =	sdelay $0x4  }
0x31d: {  	[tilespmem:v53+s10+$0x0] =	vst.idx.add.f32.msk $0xffff, v33  }
0x31e: {  	v54 =	vor.u32 v12, v32;
	v33 =	vld [tilespmem:s16+$0x5C0];
	_ =	sdelay $0x4  }
0x31f: {  	[tilespmem:v54+s10+$0x0] =	vst.idx.add.f32.msk $0xffff, v33  }
0x320: {  	v55 =	vor.u32 v13, v32;
	v33 =	vld [tilespmem:s16+$0x5D0];
	_ =	sdelay $0x4  }
0x321: {  	[tilespmem:v55+s10+$0x0] =	vst.idx.add.f32.msk $0xffff, v33  }
0x322: {  	v56 =	vor.u32 v14, v32;
	v33 =	vld [tilespmem:s16+$0x5E0];
	_ =	sdelay $0x4  }
0x323: {  	[tilespmem:v56+s10+$0x0] =	vst.idx.add.f32.msk $0xffff, v33  }
0x324: {  	v57 =	vor.u32 v15, v32;
	v33 =	vld [tilespmem:s16+$0x5F0];
	_ =	sdelay $0x4  }
0x325: {  	[tilespmem:v57+s10+$0x0] =	vst.idx.add.f32.msk $0xffff, v33  }
0x326: {  	v58 =	vor.u32 v16, v32;
	v33 =	vld [tilespmem:s16+$0x980];
	_ =	sdelay $0x4  }
0x327: {  	[tilespmem:v58+s10+$0x0] =	vst.idx.add.f32.msk $0xffff, v33  }
0x328: {  	v59 =	vor.u32 v17, v32;
	v33 =	vld [tilespmem:s16+$0x990];
	_ =	sdelay $0x4  }
0x329: {  	[tilespmem:v59+s10+$0x0] =	vst.idx.add.f32.msk $0xffff, v33  }
0x32a: {  	v60 =	vor.u32 v18, v32;
	v33 =	vld [tilespmem:s16+$0x9A0];
	_ =	sdelay $0x4  }
0x32b: {  	[tilespmem:v60+s10+$0x0] =	vst.idx.add.f32.msk $0xffff, v33  }
0x32c: {  	v61 =	vor.u32 v19, v32;
	v33 =	vld [tilespmem:s16+$0x9B0];
	_ =	sdelay $0x4  }
0x32d: {  	[tilespmem:v61+s10+$0x0] =	vst.idx.add.f32.msk $0xffff, v33  }
0x32e: {  	v62 =	vor.u32 v20, v32;
	v33 =	vld [tilespmem:s16+$0x9C0];
	_ =	sdelay $0x4  }
0x32f: {  	[tilespmem:v62+s10+$0x0] =	vst.idx.add.f32.msk $0xffff, v33  }
0x330: {  	v63 =	vor.u32 v21, v32;
	v33 =	vld [tilespmem:s16+$0x9D0];
	_ =	sdelay $0x4  }
0x331: {  	[tilespmem:v63+s10+$0x0] =	vst.idx.add.f32.msk $0xffff, v33  }
0x332: {  	v36 =	vor.u32 v22, v32;
	v33 =	vld [tilespmem:s16+$0x9E0];
	_ =	sdelay $0x4  }
0x333: {  	[tilespmem:v36+s10+$0x0] =	vst.idx.add.f32.msk $0xffff, v33  }
0x334: {  	v37 =	vor.u32 v23, v32;
	v33 =	vld [tilespmem:s16+$0x9F0];
	_ =	sdelay $0x4  }
0x335: {  	[tilespmem:v37+s10+$0x0] =	vst.idx.add.f32.msk $0xffff, v33  }
0x336: {  	v38 =	vor.u32 v24, v32;
	v33 =	vld [tilespmem:s16+$0xD80];
	_ =	sdelay $0x4  }
0x337: {  	[tilespmem:v38+s10+$0x0] =	vst.idx.add.f32.msk $0xffff, v33  }
0x338: {  	v39 =	vor.u32 v25, v32;
	v33 =	vld [tilespmem:s16+$0xD90];
	_ =	sdelay $0x4  }
0x339: {  	[tilespmem:v39+s10+$0x0] =	vst.idx.add.f32.msk $0xffff, v33  }
0x33a: {  	v40 =	vor.u32 v26, v32;
	v33 =	vld [tilespmem:s16+$0xDA0];
	_ =	sdelay $0x4  }
0x33b: {  	[tilespmem:v40+s10+$0x0] =	vst.idx.add.f32.msk $0xffff, v33  }
0x33c: {  	v41 =	vor.u32 v27, v32;
	v33 =	vld [tilespmem:s16+$0xDB0];
	_ =	sdelay $0x4  }
0x33d: {  	[tilespmem:v41+s10+$0x0] =	vst.idx.add.f32.msk $0xffff, v33  }
0x33e: {  	v42 =	vor.u32 v28, v32;
	v33 =	vld [tilespmem:s16+$0xDC0];
	_ =	sdelay $0x4  }
0x33f: {  	[tilespmem:v42+s10+$0x0] =	vst.idx.add.f32.msk $0xffff, v33  }
0x340: {  	v43 =	vor.u32 v29, v32;
	v33 =	vld [tilespmem:s16+$0xDD0];
	_ =	sdelay $0x4  }
0x341: {  	[tilespmem:v43+s10+$0x0] =	vst.idx.add.f32.msk $0xffff, v33  }
0x342: {  	v44 =	vor.u32 v30, v32;
	v33 =	vld [tilespmem:s16+$0xDE0];
	_ =	sdelay $0x3  }
0x343: {  	s22 =	sor.u32 $0xC, s15  }
0x344: {  	v45 =	vmov s22;
	[tilespmem:v44+s10+$0x0] =	vst.idx.add.f32.msk $0xffff, v33  }
0x345: {  	v32 =	vor.u32 v31, v32;
	v33 =	vbroadcast v45, $0x0;
	v34 =	vld [tilespmem:s16+$0xDF0];
	_ =	sdelay $0x4  }
0x346: {  	[tilespmem:v32+s10+$0x0] =	vst.idx.add.f32.msk $0xffff, v34  }
0x347: {  	v32 =	vld.idx.msk [tilespmem:v33+s8+$0x0], $0xffff;
	_ =	sdelay $0x3  }
0x348: {  	s23 =	sshll.u32 s22, $0x9  }
0x349: {  	s17 =	sand.u32 $0xF000, s23;
	v32 =	vshll.u32 v32, $0x9  }
0x34a: {  	v46 =	vld [tilespmem:s17+$0x200];
	v47 =	vor.u32 v0, v32;
	_ =	sdelay $0x4  }
0x34b: {  	[tilespmem:v47+s10+$0x0] =	vst.idx.add.f32.msk $0xffff, v46  }
0x34c: {  	v48 =	vor.u32 v1, v32;
	v33 =	vld [tilespmem:s17+$0x210];
	_ =	sdelay $0x4  }
0x34d: {  	[tilespmem:v48+s10+$0x0] =	vst.idx.add.f32.msk $0xffff, v33  }
0x34e: {  	v49 =	vor.u32 v2, v32;
	v33 =	vld [tilespmem:s17+$0x220];
	_ =	sdelay $0x4  }
0x34f: {  	[tilespmem:v49+s10+$0x0] =	vst.idx.add.f32.msk $0xffff, v33  }
0x350: {  	v50 =	vor.u32 v3, v32;
	v33 =	vld [tilespmem:s17+$0x230];
	_ =	sdelay $0x4  }
0x351: {  	[tilespmem:v50+s10+$0x0] =	vst.idx.add.f32.msk $0xffff, v33  }
0x352: {  	v51 =	vor.u32 v4, v32;
	v33 =	vld [tilespmem:s17+$0x240];
	_ =	sdelay $0x4  }
0x353: {  	[tilespmem:v51+s10+$0x0] =	vst.idx.add.f32.msk $0xffff, v33  }
0x354: {  	v52 =	vor.u32 v5, v32;
	v33 =	vld [tilespmem:s17+$0x250];
	_ =	sdelay $0x4  }
0x355: {  	[tilespmem:v52+s10+$0x0] =	vst.idx.add.f32.msk $0xffff, v33  }
0x356: {  	v53 =	vor.u32 v6, v32;
	v33 =	vld [tilespmem:s17+$0x260];
	_ =	sdelay $0x4  }
0x357: {  	[tilespmem:v53+s10+$0x0] =	vst.idx.add.f32.msk $0xffff, v33  }
0x358: {  	v54 =	vor.u32 v7, v32;
	v33 =	vld [tilespmem:s17+$0x270];
	_ =	sdelay $0x4  }
0x359: {  	[tilespmem:v54+s10+$0x0] =	vst.idx.add.f32.msk $0xffff, v33  }
0x35a: {  	v55 =	vor.u32 v8, v32;
	v33 =	vld [tilespmem:s17+$0x600];
	_ =	sdelay $0x4  }
0x35b: {  	[tilespmem:v55+s10+$0x0] =	vst.idx.add.f32.msk $0xffff, v33  }
0x35c: {  	v56 =	vor.u32 v9, v32;
	v33 =	vld [tilespmem:s17+$0x610];
	_ =	sdelay $0x4  }
0x35d: {  	[tilespmem:v56+s10+$0x0] =	vst.idx.add.f32.msk $0xffff, v33  }
0x35e: {  	v57 =	vor.u32 v10, v32;
	v33 =	vld [tilespmem:s17+$0x620];
	_ =	sdelay $0x4  }
0x35f: {  	[tilespmem:v57+s10+$0x0] =	vst.idx.add.f32.msk $0xffff, v33  }
0x360: {  	v58 =	vor.u32 v11, v32;
	v33 =	vld [tilespmem:s17+$0x630];
	_ =	sdelay $0x4  }
0x361: {  	[tilespmem:v58+s10+$0x0] =	vst.idx.add.f32.msk $0xffff, v33  }
0x362: {  	v59 =	vor.u32 v12, v32;
	v33 =	vld [tilespmem:s17+$0x640];
	_ =	sdelay $0x4  }
0x363: {  	[tilespmem:v59+s10+$0x0] =	vst.idx.add.f32.msk $0xffff, v33  }
0x364: {  	v60 =	vor.u32 v13, v32;
	v33 =	vld [tilespmem:s17+$0x650];
	_ =	sdelay $0x4  }
0x365: {  	[tilespmem:v60+s10+$0x0] =	vst.idx.add.f32.msk $0xffff, v33  }
0x366: {  	v61 =	vor.u32 v14, v32;
	v33 =	vld [tilespmem:s17+$0x660];
	_ =	sdelay $0x4  }
0x367: {  	[tilespmem:v61+s10+$0x0] =	vst.idx.add.f32.msk $0xffff, v33  }
0x368: {  	v62 =	vor.u32 v15, v32;
	v33 =	vld [tilespmem:s17+$0x670];
	_ =	sdelay $0x4  }
0x369: {  	[tilespmem:v62+s10+$0x0] =	vst.idx.add.f32.msk $0xffff, v33  }
0x36a: {  	v63 =	vor.u32 v16, v32;
	v33 =	vld [tilespmem:s23+$0x200];
	_ =	sdelay $0x4  }
0x36b: {  	[tilespmem:v63+s10+$0x0] =	vst.idx.add.f32.msk $0xffff, v33  }
0x36c: {  	v36 =	vor.u32 v17, v32;
	v33 =	vld [tilespmem:s23+$0x210];
	_ =	sdelay $0x4  }
0x36d: {  	[tilespmem:v36+s10+$0x0] =	vst.idx.add.f32.msk $0xffff, v33  }
0x36e: {  	v37 =	vor.u32 v18, v32;
	v33 =	vld [tilespmem:s23+$0x220];
	_ =	sdelay $0x4  }
0x36f: {  	[tilespmem:v37+s10+$0x0] =	vst.idx.add.f32.msk $0xffff, v33  }
0x370: {  	v38 =	vor.u32 v19, v32;
	v33 =	vld [tilespmem:s23+$0x230];
	_ =	sdelay $0x4  }
0x371: {  	[tilespmem:v38+s10+$0x0] =	vst.idx.add.f32.msk $0xffff, v33  }
0x372: {  	v39 =	vor.u32 v20, v32;
	v33 =	vld [tilespmem:s23+$0x240];
	_ =	sdelay $0x4  }
0x373: {  	[tilespmem:v39+s10+$0x0] =	vst.idx.add.f32.msk $0xffff, v33  }
0x374: {  	v40 =	vor.u32 v21, v32;
	v33 =	vld [tilespmem:s23+$0x250];
	_ =	sdelay $0x4  }
0x375: {  	[tilespmem:v40+s10+$0x0] =	vst.idx.add.f32.msk $0xffff, v33  }
0x376: {  	v41 =	vor.u32 v22, v32;
	v33 =	vld [tilespmem:s23+$0x260];
	_ =	sdelay $0x4  }
0x377: {  	[tilespmem:v41+s10+$0x0] =	vst.idx.add.f32.msk $0xffff, v33  }
0x378: {  	v42 =	vor.u32 v23, v32;
	v33 =	vld [tilespmem:s23+$0x270];
	_ =	sdelay $0x4  }
0x379: {  	s24 =	sor.u32 $0xE00, s23;
	[tilespmem:v42+s10+$0x0] =	vst.idx.add.f32.msk $0xffff, v33  }
0x37a: {  	v43 =	vor.u32 v24, v32;
	v33 =	vld [tilespmem:s24+$0x0];
	_ =	sdelay $0x4  }
0x37b: {  	s25 =	sor.u32 $0xE10, s23;
	[tilespmem:v43+s10+$0x0] =	vst.idx.add.f32.msk $0xffff, v33  }
0x37c: {  	v44 =	vor.u32 v25, v32;
	v33 =	vld [tilespmem:s25+$0x0];
	_ =	sdelay $0x4  }
0x37d: {  	s26 =	sor.u32 $0xE20, s23;
	[tilespmem:v44+s10+$0x0] =	vst.idx.add.f32.msk $0xffff, v33  }
0x37e: {  	v45 =	vor.u32 v26, v32;
	v33 =	vld [tilespmem:s26+$0x0];
	_ =	sdelay $0x4  }
0x37f: {  	s28 =	sor.u32 $0xE30, s23;
	[tilespmem:v45+s10+$0x0] =	vst.idx.add.f32.msk $0xffff, v33  }
0x380: {  	v46 =	vor.u32 v27, v32;
	v33 =	vld [tilespmem:s28+$0x0];
	_ =	sdelay $0x4  }
0x381: {  	s29 =	sor.u32 $0xE40, s23;
	[tilespmem:v46+s10+$0x0] =	vst.idx.add.f32.msk $0xffff, v33  }
0x382: {  	v47 =	vor.u32 v28, v32;
	v33 =	vld [tilespmem:s29+$0x0];
	_ =	sdelay $0x4  }
0x383: {  	s30 =	sor.u32 $0xE50, s23;
	[tilespmem:v47+s10+$0x0] =	vst.idx.add.f32.msk $0xffff, v33  }
0x384: {  	v48 =	vor.u32 v29, v32;
	v33 =	vld [tilespmem:s30+$0x0];
	_ =	sdelay $0x4  }
0x385: {  	s31 =	sor.u32 $0xE60, s23;
	[tilespmem:v48+s10+$0x0] =	vst.idx.add.f32.msk $0xffff, v33  }
0x386: {  	v49 =	vor.u32 v30, v32;
	v33 =	vld [tilespmem:s31+$0x0];
	_ =	sdelay $0x3  }
0x387: {  	s18 =	sor.u32 $0xD, s15  }
0x388: {  	s16 =	sor.u32 $0xE70, s23;
	v50 =	vmov s18;
	[tilespmem:v49+s10+$0x0] =	vst.idx.add.f32.msk $0xffff, v33  }
0x389: {  	v32 =	vor.u32 v31, v32;
	v33 =	vbroadcast v50, $0x0;
	v34 =	vld [tilespmem:s16+$0x0];
	_ =	sdelay $0x4  }
0x38a: {  	[tilespmem:v32+s10+$0x0] =	vst.idx.add.f32.msk $0xffff, v34  }
0x38b: {  	v32 =	vld.idx.msk [tilespmem:v33+s8+$0x0], $0xffff;
	_ =	sdelay $0x3  }
0x38c: {  	s16 =	sshll.u32 s18, $0x9  }
0x38d: {  	s17 =	sand.u32 $0xF000, s16;
	v32 =	vshll.u32 v32, $0x9  }
0x38e: {  	v51 =	vld [tilespmem:s17+$0x280];
	v52 =	vor.u32 v0, v32;
	_ =	sdelay $0x4  }
0x38f: {  	[tilespmem:v52+s10+$0x0] =	vst.idx.add.f32.msk $0xffff, v51  }
0x390: {  	v53 =	vor.u32 v1, v32;
	v33 =	vld [tilespmem:s17+$0x290];
	_ =	sdelay $0x4  }
0x391: {  	[tilespmem:v53+s10+$0x0] =	vst.idx.add.f32.msk $0xffff, v33  }
0x392: {  	v54 =	vor.u32 v2, v32;
	v33 =	vld [tilespmem:s17+$0x2A0];
	_ =	sdelay $0x4  }
0x393: {  	[tilespmem:v54+s10+$0x0] =	vst.idx.add.f32.msk $0xffff, v33  }
0x394: {  	v55 =	vor.u32 v3, v32;
	v33 =	vld [tilespmem:s17+$0x2B0];
	_ =	sdelay $0x4  }
0x395: {  	[tilespmem:v55+s10+$0x0] =	vst.idx.add.f32.msk $0xffff, v33  }
0x396: {  	v56 =	vor.u32 v4, v32;
	v33 =	vld [tilespmem:s17+$0x2C0];
	_ =	sdelay $0x4  }
0x397: {  	[tilespmem:v56+s10+$0x0] =	vst.idx.add.f32.msk $0xffff, v33  }
0x398: {  	v57 =	vor.u32 v5, v32;
	v33 =	vld [tilespmem:s17+$0x2D0];
	_ =	sdelay $0x4  }
0x399: {  	[tilespmem:v57+s10+$0x0] =	vst.idx.add.f32.msk $0xffff, v33  }
0x39a: {  	v58 =	vor.u32 v6, v32;
	v33 =	vld [tilespmem:s17+$0x2E0];
	_ =	sdelay $0x4  }
0x39b: {  	[tilespmem:v58+s10+$0x0] =	vst.idx.add.f32.msk $0xffff, v33  }
0x39c: {  	v59 =	vor.u32 v7, v32;
	v33 =	vld [tilespmem:s17+$0x2F0];
	_ =	sdelay $0x4  }
0x39d: {  	[tilespmem:v59+s10+$0x0] =	vst.idx.add.f32.msk $0xffff, v33  }
0x39e: {  	v60 =	vor.u32 v8, v32;
	v33 =	vld [tilespmem:s17+$0x680];
	_ =	sdelay $0x4  }
0x39f: {  	[tilespmem:v60+s10+$0x0] =	vst.idx.add.f32.msk $0xffff, v33  }
0x3a0: {  	v61 =	vor.u32 v9, v32;
	v33 =	vld [tilespmem:s17+$0x690];
	_ =	sdelay $0x4  }
0x3a1: {  	[tilespmem:v61+s10+$0x0] =	vst.idx.add.f32.msk $0xffff, v33  }
0x3a2: {  	v62 =	vor.u32 v10, v32;
	v33 =	vld [tilespmem:s17+$0x6A0];
	_ =	sdelay $0x4  }
0x3a3: {  	[tilespmem:v62+s10+$0x0] =	vst.idx.add.f32.msk $0xffff, v33  }
0x3a4: {  	v63 =	vor.u32 v11, v32;
	v33 =	vld [tilespmem:s17+$0x6B0];
	_ =	sdelay $0x4  }
0x3a5: {  	[tilespmem:v63+s10+$0x0] =	vst.idx.add.f32.msk $0xffff, v33  }
0x3a6: {  	v36 =	vor.u32 v12, v32;
	v33 =	vld [tilespmem:s17+$0x6C0];
	_ =	sdelay $0x4  }
0x3a7: {  	[tilespmem:v36+s10+$0x0] =	vst.idx.add.f32.msk $0xffff, v33  }
0x3a8: {  	v37 =	vor.u32 v13, v32;
	v33 =	vld [tilespmem:s17+$0x6D0];
	_ =	sdelay $0x4  }
0x3a9: {  	[tilespmem:v37+s10+$0x0] =	vst.idx.add.f32.msk $0xffff, v33  }
0x3aa: {  	v38 =	vor.u32 v14, v32;
	v33 =	vld [tilespmem:s17+$0x6E0];
	_ =	sdelay $0x4  }
0x3ab: {  	[tilespmem:v38+s10+$0x0] =	vst.idx.add.f32.msk $0xffff, v33  }
0x3ac: {  	v39 =	vor.u32 v15, v32;
	v33 =	vld [tilespmem:s17+$0x6F0];
	_ =	sdelay $0x4  }
0x3ad: {  	s19 =	sor.u32 $0xA80, s16;
	[tilespmem:v39+s10+$0x0] =	vst.idx.add.f32.msk $0xffff, v33  }
0x3ae: {  	v40 =	vor.u32 v16, v32;
	v33 =	vld [tilespmem:s19+$0x0];
	_ =	sdelay $0x4  }
0x3af: {  	s20 =	sor.u32 $0xA90, s16;
	[tilespmem:v40+s10+$0x0] =	vst.idx.add.f32.msk $0xffff, v33  }
0x3b0: {  	v41 =	vor.u32 v17, v32;
	v33 =	vld [tilespmem:s20+$0x0];
	_ =	sdelay $0x4  }
0x3b1: {  	s21 =	sor.u32 $0xAA0, s16;
	[tilespmem:v41+s10+$0x0] =	vst.idx.add.f32.msk $0xffff, v33  }
0x3b2: {  	v42 =	vor.u32 v18, v32;
	v33 =	vld [tilespmem:s21+$0x0];
	_ =	sdelay $0x4  }
0x3b3: {  	s22 =	sor.u32 $0xAB0, s16;
	[tilespmem:v42+s10+$0x0] =	vst.idx.add.f32.msk $0xffff, v33  }
0x3b4: {  	v43 =	vor.u32 v19, v32;
	v33 =	vld [tilespmem:s22+$0x0];
	_ =	sdelay $0x4  }
0x3b5: {  	s23 =	sor.u32 $0xAC0, s16;
	[tilespmem:v43+s10+$0x0] =	vst.idx.add.f32.msk $0xffff, v33  }
0x3b6: {  	v44 =	vor.u32 v20, v32;
	v33 =	vld [tilespmem:s23+$0x0];
	_ =	sdelay $0x4  }
0x3b7: {  	s24 =	sor.u32 $0xAD0, s16;
	[tilespmem:v44+s10+$0x0] =	vst.idx.add.f32.msk $0xffff, v33  }
0x3b8: {  	v45 =	vor.u32 v21, v32;
	v33 =	vld [tilespmem:s24+$0x0];
	_ =	sdelay $0x4  }
0x3b9: {  	s25 =	sor.u32 $0xAE0, s16;
	[tilespmem:v45+s10+$0x0] =	vst.idx.add.f32.msk $0xffff, v33  }
0x3ba: {  	v46 =	vor.u32 v22, v32;
	v33 =	vld [tilespmem:s25+$0x0];
	_ =	sdelay $0x4  }
0x3bb: {  	s26 =	sor.u32 $0xAF0, s16;
	[tilespmem:v46+s10+$0x0] =	vst.idx.add.f32.msk $0xffff, v33  }
0x3bc: {  	v47 =	vor.u32 v23, v32;
	v33 =	vld [tilespmem:s26+$0x0];
	_ =	sdelay $0x4  }
0x3bd: {  	s28 =	sor.u32 $0xE80, s16;
	[tilespmem:v47+s10+$0x0] =	vst.idx.add.f32.msk $0xffff, v33  }
0x3be: {  	v48 =	vor.u32 v24, v32;
	v33 =	vld [tilespmem:s28+$0x0];
	_ =	sdelay $0x4  }
0x3bf: {  	s29 =	sor.u32 $0xE90, s16;
	[tilespmem:v48+s10+$0x0] =	vst.idx.add.f32.msk $0xffff, v33  }
0x3c0: {  	v49 =	vor.u32 v25, v32;
	v33 =	vld [tilespmem:s29+$0x0];
	_ =	sdelay $0x4  }
0x3c1: {  	s30 =	sor.u32 $0xEA0, s16;
	[tilespmem:v49+s10+$0x0] =	vst.idx.add.f32.msk $0xffff, v33  }
0x3c2: {  	v50 =	vor.u32 v26, v32;
	v33 =	vld [tilespmem:s30+$0x0];
	_ =	sdelay $0x4  }
0x3c3: {  	s31 =	sor.u32 $0xEB0, s16;
	[tilespmem:v50+s10+$0x0] =	vst.idx.add.f32.msk $0xffff, v33  }
0x3c4: {  	v51 =	vor.u32 v27, v32;
	v33 =	vld [tilespmem:s31+$0x0];
	_ =	sdelay $0x4  }
0x3c5: {  	s18 =	sor.u32 $0xEC0, s16;
	[tilespmem:v51+s10+$0x0] =	vst.idx.add.f32.msk $0xffff, v33  }
0x3c6: {  	v52 =	vor.u32 v28, v32;
	v33 =	vld [tilespmem:s18+$0x0];
	_ =	sdelay $0x4  }
0x3c7: {  	s19 =	sor.u32 $0xED0, s16;
	[tilespmem:v52+s10+$0x0] =	vst.idx.add.f32.msk $0xffff, v33  }
0x3c8: {  	v53 =	vor.u32 v29, v32;
	v33 =	vld [tilespmem:s19+$0x0];
	_ =	sdelay $0x4  }
0x3c9: {  	s20 =	sor.u32 $0xEE0, s16;
	[tilespmem:v53+s10+$0x0] =	vst.idx.add.f32.msk $0xffff, v33  }
0x3ca: {  	v54 =	vor.u32 v30, v32;
	v33 =	vld [tilespmem:s20+$0x0];
	_ =	sdelay $0x3  }
0x3cb: {  	s15 =	sor.u32 $0xE, s15  }
0x3cc: {  	v55 =	vmov s15;
	s16 =	sor.u32 $0xEF0, s16;
	[tilespmem:v54+s10+$0x0] =	vst.idx.add.f32.msk $0xffff, v33  }
0x3cd: {  	v32 =	vor.u32 v31, v32;
	v33 =	vbroadcast v55, $0x0;
	v34 =	vld [tilespmem:s16+$0x0];
	_ =	sdelay $0x4  }
0x3ce: {  	[tilespmem:v32+s10+$0x0] =	vst.idx.add.f32.msk $0xffff, v34  }
0x3cf: {  	v32 =	vld.idx.msk [tilespmem:v33+s8+$0x0], $0xffff;
	_ =	sdelay $0x3  }
0x3d0: {  	s15 =	sshll.u32 s15, $0x9  }
0x3d1: {  	s21 =	sand.u32 $0xF000, s15;
	v32 =	vshll.u32 v32, $0x9  }
0x3d2: {  	v56 =	vld [tilespmem:s21+$0x300];
	v57 =	vor.u32 v0, v32;
	_ =	sdelay $0x4  }
0x3d3: {  	[tilespmem:v57+s10+$0x0] =	vst.idx.add.f32.msk $0xffff, v56  }
0x3d4: {  	v58 =	vor.u32 v1, v32;
	v33 =	vld [tilespmem:s21+$0x310];
	_ =	sdelay $0x4  }
0x3d5: {  	[tilespmem:v58+s10+$0x0] =	vst.idx.add.f32.msk $0xffff, v33  }
0x3d6: {  	v59 =	vor.u32 v2, v32;
	v33 =	vld [tilespmem:s21+$0x320];
	_ =	sdelay $0x4  }
0x3d7: {  	[tilespmem:v59+s10+$0x0] =	vst.idx.add.f32.msk $0xffff, v33  }
0x3d8: {  	v60 =	vor.u32 v3, v32;
	v33 =	vld [tilespmem:s21+$0x330];
	_ =	sdelay $0x4  }
0x3d9: {  	[tilespmem:v60+s10+$0x0] =	vst.idx.add.f32.msk $0xffff, v33  }
0x3da: {  	v61 =	vor.u32 v4, v32;
	v33 =	vld [tilespmem:s21+$0x340];
	_ =	sdelay $0x4  }
0x3db: {  	[tilespmem:v61+s10+$0x0] =	vst.idx.add.f32.msk $0xffff, v33  }
0x3dc: {  	v62 =	vor.u32 v5, v32;
	v33 =	vld [tilespmem:s21+$0x350];
	_ =	sdelay $0x4  }
0x3dd: {  	[tilespmem:v62+s10+$0x0] =	vst.idx.add.f32.msk $0xffff, v33  }
0x3de: {  	v63 =	vor.u32 v6, v32;
	v33 =	vld [tilespmem:s21+$0x360];
	_ =	sdelay $0x4  }
0x3df: {  	[tilespmem:v63+s10+$0x0] =	vst.idx.add.f32.msk $0xffff, v33  }
0x3e0: {  	v36 =	vor.u32 v7, v32;
	v33 =	vld [tilespmem:s21+$0x370];
	_ =	sdelay $0x4  }
0x3e1: {  	[tilespmem:v36+s10+$0x0] =	vst.idx.add.f32.msk $0xffff, v33  }
0x3e2: {  	v37 =	vor.u32 v8, v32;
	v33 =	vld [tilespmem:s21+$0x700];
	_ =	sdelay $0x4  }
0x3e3: {  	[tilespmem:v37+s10+$0x0] =	vst.idx.add.f32.msk $0xffff, v33  }
0x3e4: {  	v38 =	vor.u32 v9, v32;
	v33 =	vld [tilespmem:s21+$0x710];
	_ =	sdelay $0x4  }
0x3e5: {  	[tilespmem:v38+s10+$0x0] =	vst.idx.add.f32.msk $0xffff, v33  }
0x3e6: {  	v39 =	vor.u32 v10, v32;
	v33 =	vld [tilespmem:s21+$0x720];
	_ =	sdelay $0x4  }
0x3e7: {  	[tilespmem:v39+s10+$0x0] =	vst.idx.add.f32.msk $0xffff, v33  }
0x3e8: {  	v40 =	vor.u32 v11, v32;
	v33 =	vld [tilespmem:s21+$0x730];
	_ =	sdelay $0x4  }
0x3e9: {  	[tilespmem:v40+s10+$0x0] =	vst.idx.add.f32.msk $0xffff, v33  }
0x3ea: {  	v41 =	vor.u32 v12, v32;
	v33 =	vld [tilespmem:s21+$0x740];
	_ =	sdelay $0x4  }
0x3eb: {  	[tilespmem:v41+s10+$0x0] =	vst.idx.add.f32.msk $0xffff, v33  }
0x3ec: {  	v42 =	vor.u32 v13, v32;
	v33 =	vld [tilespmem:s21+$0x750];
	_ =	sdelay $0x4  }
0x3ed: {  	[tilespmem:v42+s10+$0x0] =	vst.idx.add.f32.msk $0xffff, v33  }
0x3ee: {  	v43 =	vor.u32 v14, v32;
	v33 =	vld [tilespmem:s21+$0x760];
	_ =	sdelay $0x4  }
0x3ef: {  	[tilespmem:v43+s10+$0x0] =	vst.idx.add.f32.msk $0xffff, v33  }
0x3f0: {  	v44 =	vor.u32 v15, v32;
	v33 =	vld [tilespmem:s21+$0x770];
	_ =	sdelay $0x4  }
0x3f1: {  	[tilespmem:v44+s10+$0x0] =	vst.idx.add.f32.msk $0xffff, v33  }
0x3f2: {  	v45 =	vor.u32 v16, v32;
	v33 =	vld [tilespmem:s21+$0xB00];
	_ =	sdelay $0x4  }
0x3f3: {  	[tilespmem:v45+s10+$0x0] =	vst.idx.add.f32.msk $0xffff, v33  }
0x3f4: {  	v46 =	vor.u32 v17, v32;
	v33 =	vld [tilespmem:s21+$0xB10];
	_ =	sdelay $0x4  }
0x3f5: {  	[tilespmem:v46+s10+$0x0] =	vst.idx.add.f32.msk $0xffff, v33  }
0x3f6: {  	v47 =	vor.u32 v18, v32;
	v33 =	vld [tilespmem:s21+$0xB20];
	_ =	sdelay $0x4  }
0x3f7: {  	[tilespmem:v47+s10+$0x0] =	vst.idx.add.f32.msk $0xffff, v33  }
0x3f8: {  	v48 =	vor.u32 v19, v32;
	v33 =	vld [tilespmem:s21+$0xB30];
	_ =	sdelay $0x4  }
0x3f9: {  	[tilespmem:v48+s10+$0x0] =	vst.idx.add.f32.msk $0xffff, v33  }
0x3fa: {  	v49 =	vor.u32 v20, v32;
	v33 =	vld [tilespmem:s21+$0xB40];
	_ =	sdelay $0x4  }
0x3fb: {  	[tilespmem:v49+s10+$0x0] =	vst.idx.add.f32.msk $0xffff, v33  }
0x3fc: {  	v50 =	vor.u32 v21, v32;
	v33 =	vld [tilespmem:s21+$0xB50];
	_ =	sdelay $0x4  }
0x3fd: {  	[tilespmem:v50+s10+$0x0] =	vst.idx.add.f32.msk $0xffff, v33  }
0x3fe: {  	v51 =	vor.u32 v22, v32;
	v33 =	vld [tilespmem:s21+$0xB60];
	_ =	sdelay $0x4  }
0x3ff: {  	[tilespmem:v51+s10+$0x0] =	vst.idx.add.f32.msk $0xffff, v33  }
0x400: {  	v52 =	vor.u32 v23, v32;
	v33 =	vld [tilespmem:s21+$0xB70];
	_ =	sdelay $0x4  }
0x401: {  	[tilespmem:v52+s10+$0x0] =	vst.idx.add.f32.msk $0xffff, v33  }
0x402: {  	v53 =	vor.u32 v24, v32;
	v33 =	vld [tilespmem:s15+$0x300];
	_ =	sdelay $0x4  }
0x403: {  	[tilespmem:v53+s10+$0x0] =	vst.idx.add.f32.msk $0xffff, v33  }
0x404: {  	v54 =	vor.u32 v25, v32;
	v33 =	vld [tilespmem:s15+$0x310];
	_ =	sdelay $0x4  }
0x405: {  	[tilespmem:v54+s10+$0x0] =	vst.idx.add.f32.msk $0xffff, v33  }
0x406: {  	v55 =	vor.u32 v26, v32;
	v33 =	vld [tilespmem:s15+$0x320];
	_ =	sdelay $0x4  }
0x407: {  	[tilespmem:v55+s10+$0x0] =	vst.idx.add.f32.msk $0xffff, v33  }
0x408: {  	v56 =	vor.u32 v27, v32;
	v33 =	vld [tilespmem:s15+$0x330];
	_ =	sdelay $0x4  }
0x409: {  	[tilespmem:v56+s10+$0x0] =	vst.idx.add.f32.msk $0xffff, v33  }
0x40a: {  	v57 =	vor.u32 v28, v32;
	v33 =	vld [tilespmem:s15+$0x340];
	_ =	sdelay $0x4  }
0x40b: {  	[tilespmem:v57+s10+$0x0] =	vst.idx.add.f32.msk $0xffff, v33  }
0x40c: {  	v58 =	vor.u32 v29, v32;
	v33 =	vld [tilespmem:s15+$0x350];
	_ =	sdelay $0x4  }
0x40d: {  	[tilespmem:v58+s10+$0x0] =	vst.idx.add.f32.msk $0xffff, v33  }
0x40e: {  	v59 =	vor.u32 v30, v32;
	v33 =	vld [tilespmem:s15+$0x360];
	_ =	sdelay $0x4  }
0x40f: {  	[tilespmem:v59+s10+$0x0] =	vst.idx.add.f32.msk $0xffff, v33  }
0x410: {  	s22 =	sshllo.u32 s14, $0x4;
	v32 =	vor.u32 v31, v32;
	v33 =	vld [tilespmem:s15+$0x370]  }
0x411: {  	v60 =	vmov s22;
	_ =	sdelay $0x3  }
0x412: {  	[tilespmem:v32+s10+$0x0] =	vst.idx.add.f32.msk $0xffff, v33  }
0x413: {  	v32 =	vld.idx.msk [tilespmem:v60+s8+$0x0], $0xffff;
	_ =	sdelay $0x3  }
0x414: {  	s15 =	sshll.u32 s22, $0x9  }
0x415: {  	s23 =	sand.u32 $0xF000, s15;
	v32 =	vshll.u32 v32, $0x9  }
0x416: {  	v33 =	vld [tilespmem:s23+$0x380];
	v61 =	vor.u32 v0, v32;
	_ =	sdelay $0x4  }
0x417: {  	[tilespmem:v61+s10+$0x0] =	vst.idx.add.f32.msk $0xffff, v33  }
0x418: {  	v62 =	vor.u32 v1, v32;
	v33 =	vld [tilespmem:s23+$0x390];
	_ =	sdelay $0x4  }
0x419: {  	[tilespmem:v62+s10+$0x0] =	vst.idx.add.f32.msk $0xffff, v33  }
0x41a: {  	v63 =	vor.u32 v2, v32;
	v33 =	vld [tilespmem:s23+$0x3A0];
	_ =	sdelay $0x4  }
0x41b: {  	[tilespmem:v63+s10+$0x0] =	vst.idx.add.f32.msk $0xffff, v33  }
0x41c: {  	v36 =	vor.u32 v3, v32;
	v33 =	vld [tilespmem:s23+$0x3B0];
	_ =	sdelay $0x4  }
0x41d: {  	[tilespmem:v36+s10+$0x0] =	vst.idx.add.f32.msk $0xffff, v33  }
0x41e: {  	v37 =	vor.u32 v4, v32;
	v33 =	vld [tilespmem:s23+$0x3C0];
	_ =	sdelay $0x4  }
0x41f: {  	[tilespmem:v37+s10+$0x0] =	vst.idx.add.f32.msk $0xffff, v33  }
0x420: {  	v38 =	vor.u32 v5, v32;
	v33 =	vld [tilespmem:s23+$0x3D0];
	_ =	sdelay $0x4  }
0x421: {  	[tilespmem:v38+s10+$0x0] =	vst.idx.add.f32.msk $0xffff, v33  }
0x422: {  	v39 =	vor.u32 v6, v32;
	v33 =	vld [tilespmem:s23+$0x3E0];
	_ =	sdelay $0x4  }
0x423: {  	[tilespmem:v39+s10+$0x0] =	vst.idx.add.f32.msk $0xffff, v33  }
0x424: {  	v40 =	vor.u32 v7, v32;
	v33 =	vld [tilespmem:s23+$0x3F0];
	_ =	sdelay $0x4  }
0x425: {  	[tilespmem:v40+s10+$0x0] =	vst.idx.add.f32.msk $0xffff, v33  }
0x426: {  	v41 =	vor.u32 v8, v32;
	v33 =	vld [tilespmem:s23+$0x780];
	_ =	sdelay $0x4  }
0x427: {  	[tilespmem:v41+s10+$0x0] =	vst.idx.add.f32.msk $0xffff, v33  }
0x428: {  	v42 =	vor.u32 v9, v32;
	v33 =	vld [tilespmem:s23+$0x790];
	_ =	sdelay $0x4  }
0x429: {  	[tilespmem:v42+s10+$0x0] =	vst.idx.add.f32.msk $0xffff, v33  }
0x42a: {  	v43 =	vor.u32 v10, v32;
	v33 =	vld [tilespmem:s23+$0x7A0];
	_ =	sdelay $0x4  }
0x42b: {  	[tilespmem:v43+s10+$0x0] =	vst.idx.add.f32.msk $0xffff, v33  }
0x42c: {  	v44 =	vor.u32 v11, v32;
	v33 =	vld [tilespmem:s23+$0x7B0];
	_ =	sdelay $0x4  }
0x42d: {  	[tilespmem:v44+s10+$0x0] =	vst.idx.add.f32.msk $0xffff, v33  }
0x42e: {  	v45 =	vor.u32 v12, v32;
	v33 =	vld [tilespmem:s23+$0x7C0];
	_ =	sdelay $0x4  }
0x42f: {  	[tilespmem:v45+s10+$0x0] =	vst.idx.add.f32.msk $0xffff, v33  }
0x430: {  	v46 =	vor.u32 v13, v32;
	v33 =	vld [tilespmem:s23+$0x7D0];
	_ =	sdelay $0x4  }
0x431: {  	[tilespmem:v46+s10+$0x0] =	vst.idx.add.f32.msk $0xffff, v33  }
0x432: {  	v47 =	vor.u32 v14, v32;
	v33 =	vld [tilespmem:s23+$0x7E0];
	_ =	sdelay $0x4  }
0x433: {  	[tilespmem:v47+s10+$0x0] =	vst.idx.add.f32.msk $0xffff, v33  }
0x434: {  	v48 =	vor.u32 v15, v32;
	v33 =	vld [tilespmem:s23+$0x7F0];
	_ =	sdelay $0x4  }
0x435: {  	[tilespmem:v48+s10+$0x0] =	vst.idx.add.f32.msk $0xffff, v33  }
0x436: {  	v49 =	vor.u32 v16, v32;
	v33 =	vld [tilespmem:s23+$0xB80];
	_ =	sdelay $0x4  }
0x437: {  	[tilespmem:v49+s10+$0x0] =	vst.idx.add.f32.msk $0xffff, v33  }
0x438: {  	v50 =	vor.u32 v17, v32;
	v33 =	vld [tilespmem:s23+$0xB90];
	_ =	sdelay $0x4  }
0x439: {  	[tilespmem:v50+s10+$0x0] =	vst.idx.add.f32.msk $0xffff, v33  }
0x43a: {  	v51 =	vor.u32 v18, v32;
	v33 =	vld [tilespmem:s23+$0xBA0];
	_ =	sdelay $0x4  }
0x43b: {  	[tilespmem:v51+s10+$0x0] =	vst.idx.add.f32.msk $0xffff, v33  }
0x43c: {  	v52 =	vor.u32 v19, v32;
	v33 =	vld [tilespmem:s23+$0xBB0];
	_ =	sdelay $0x4  }
0x43d: {  	[tilespmem:v52+s10+$0x0] =	vst.idx.add.f32.msk $0xffff, v33  }
0x43e: {  	v53 =	vor.u32 v20, v32;
	v33 =	vld [tilespmem:s23+$0xBC0];
	_ =	sdelay $0x4  }
0x43f: {  	[tilespmem:v53+s10+$0x0] =	vst.idx.add.f32.msk $0xffff, v33  }
0x440: {  	v54 =	vor.u32 v21, v32;
	v33 =	vld [tilespmem:s23+$0xBD0];
	_ =	sdelay $0x4  }
0x441: {  	[tilespmem:v54+s10+$0x0] =	vst.idx.add.f32.msk $0xffff, v33  }
0x442: {  	v55 =	vor.u32 v22, v32;
	v33 =	vld [tilespmem:s23+$0xBE0];
	_ =	sdelay $0x4  }
0x443: {  	[tilespmem:v55+s10+$0x0] =	vst.idx.add.f32.msk $0xffff, v33  }
0x444: {  	v56 =	vor.u32 v23, v32;
	v33 =	vld [tilespmem:s23+$0xBF0];
	_ =	sdelay $0x4  }
0x445: {  	s24 =	sor.u32 $0xF80, s15;
	[tilespmem:v56+s10+$0x0] =	vst.idx.add.f32.msk $0xffff, v33  }
0x446: {  	v57 =	vor.u32 v24, v32;
	v33 =	vld [tilespmem:s24+$0x0];
	_ =	sdelay $0x4  }
0x447: {  	s25 =	sor.u32 $0xF90, s15;
	[tilespmem:v57+s10+$0x0] =	vst.idx.add.f32.msk $0xffff, v33  }
0x448: {  	v58 =	vor.u32 v25, v32;
	v33 =	vld [tilespmem:s25+$0x0];
	_ =	sdelay $0x4  }
0x449: {  	s26 =	sor.u32 $0xFA0, s15;
	[tilespmem:v58+s10+$0x0] =	vst.idx.add.f32.msk $0xffff, v33  }
0x44a: {  	v59 =	vor.u32 v26, v32;
	v33 =	vld [tilespmem:s26+$0x0];
	_ =	sdelay $0x4  }
0x44b: {  	s28 =	sor.u32 $0xFB0, s15;
	[tilespmem:v59+s10+$0x0] =	vst.idx.add.f32.msk $0xffff, v33  }
0x44c: {  	v60 =	vor.u32 v27, v32;
	v33 =	vld [tilespmem:s28+$0x0];
	_ =	sdelay $0x4  }
0x44d: {  	s29 =	sor.u32 $0xFC0, s15;
	[tilespmem:v60+s10+$0x0] =	vst.idx.add.f32.msk $0xffff, v33  }
0x44e: {  	v61 =	vor.u32 v28, v32;
	v33 =	vld [tilespmem:s29+$0x0];
	_ =	sdelay $0x4  }
0x44f: {  	s30 =	sor.u32 $0xFD0, s15;
	[tilespmem:v61+s10+$0x0] =	vst.idx.add.f32.msk $0xffff, v33  }
0x450: {  	v62 =	vor.u32 v29, v32;
	v33 =	vld [tilespmem:s30+$0x0];
	_ =	sdelay $0x4  }
0x451: {  	s31 =	sor.u32 $0xFE0, s15;
	[tilespmem:v62+s10+$0x0] =	vst.idx.add.f32.msk $0xffff, v33  }
0x452: {  	v63 =	vor.u32 v30, v32;
	v33 =	vld [tilespmem:s31+$0x0];
	_ =	sdelay $0x4  }
0x453: {  	s15 =	sor.u32 $0xFF0, s15;
	[tilespmem:v63+s10+$0x0] =	vst.idx.add.f32.msk $0xffff, v33  }
0x454: {  	p0 =	sne.s32 s14, $0x7;
	v32 =	vor.u32 v31, v32;
	v33 =	vld [tilespmem:s15+$0x0]  }
.Ltmp0:
0x455: {  	_ = 	snop;
	(pc) =	sbr.rel @p0 .LBB2_2-.Ltmp0, $2  }
0x456: {  	_ =	sdelay $0x2  }
0x457: {  	s14 =	sadd.s32 $0x1, s14;
	[tilespmem:v32+s10+$0x0] =	vst.idx.add.f32.msk $0xffff, v33  }
0x458: {  	s13 =	sadd.s32 $0x1, s13  }
0x459: {  	p0 =	sne.s32 s13, s7  }
.Ltmp1:
0x45a: {  	_ = 	snop;
	(pc) =	sbr.rel @p0 .LBB2_1-.Ltmp1, $4  }
0x45b: {  	[hbm4b:s6+s11] =	stream.strided.scatter [tilespmem:s10], [sflag:$0x1], $0x2A00, s12, s11, $0x38;
	[tilespmem:$0x12A80] =	vst v63  }
0x45c: {  	_ =	swait.ge [sflag:s9], $0x2A00  }
0x45d: {  	[sflag:s9] =	ssyncset.done $0x0  }
0x45e: {  	[sflag:s9] =	ssyncadd.s32 $0xFFFFD600  }
0x45f: {  	_ =	sfence.sel $0x180000  }
0x460: {  	[bflag:$0x0] =	sbarrier.arrive $0xFFFF  }
0x461: {  	p0 =	sne.s32 s1, $0x0;
	_ =	strace $0x90000047  }
0x462: {  	s0 =	sadd.s32 @!p0 $0x100000, s0;
	[bflag:$0x2] =	sbarrier.arrive $0xFFFF  }
0x463: {  	[sflag:s0] =	ssyncadd.tile.s32 @!p0 $0x1;
	_ =	shalt  }
.Lfunc_end2:
_tile_overlayer_lowered:
.L_overlay_start_2:
0x464: {  	(tag) =	ssettag $0x2  }
0x465: {  	s0 =	rddreg [dreg:$0x0];
	s2 =	stileid.u32  }
0x466: {  	s1 =	rddreg [dreg:$0x1];
	p0 =	sne.s32 s2, $0x0  }
0x467: {  	s3 =	rddreg [dreg:$0x2];
	[bflag:$0x3] =	sbarrier.arrive $0xFFFF;
	s2 =	simm.s32 @!p0 $0x1C01  }
0x468: {  	[timem:s3], [sflag:s2] =	dma.local @!p0 [hbm:s0], s1  }
0x469: {  	s0 =	simm.s32 @!p0 $0x1  }
0x46a: {  	_ =	swait.ge @!p0 [sflag:s0], s1  }
0x46b: {  	s1 =	ssub.s32 @!p0 $0x0, s1;
	[sflag:s0] =	ssyncset.done @!p0 $0x0  }
0x46c: {  	[sflag:s0] =	ssyncadd.s32 @!p0 s1  }
0x46d: {  	[bflag:$0x3] =	sbarrier.arrive $0xFFFF  }
0x46e: {  	_ =	shalt  }

</sc_bundles>
